<compile_context>
chip_gen: v7x
topology: tpu7x:2x2x1
jax: 0.10.2.dev20260603
libtpu: 0.0.44.dev20260713+nightly
codegen_flags: <defaults>
</compile_context>

<pallas_src>
import functools

import jax
import jax.numpy as jnp
from jax import lax
from jax.experimental import pallas as pl
from jax.experimental.pallas import tpu as pltpu
from jax.experimental.pallas import tpu_sc as plsc

BATCH = 16384
Z_DIM = 64
LANES = 16
CBLK = 128
SB = 16
GRAN = 4
GW = CBLK * GRAN
COLS_W = 256
SENT = 0x7FFFFFFF


@functools.cache
def _make_lookup(B, D, N):
    info = plsc.get_sparse_core_info()
    n_cols = (N + CBLK - 1) // CBLK
    n_gran = (N + GW - 1) // GW
    mesh = plsc.VectorSubcoreMesh(core_axis_name="c", subcore_axis_name="s")

    @functools.partial(
        pl.kernel,
        mesh=mesh,
        out_type=jax.ShapeDtypeStruct((B, D), jnp.float32),
        compiler_params=pltpu.CompilerParams(needs_layout_passes=False),
        scratch_types=[
            pltpu.VMEM((B + LANES,), jnp.int32),
            pltpu.VMEM((B + LANES,), jnp.int32),
            pltpu.VMEM((B + LANES,), jnp.int32),
            pltpu.VMEM((2, D, GW), jnp.float32),
            pltpu.VMEM((16, D), jnp.float32),
            pltpu.SemaphoreType.DMA,
            pltpu.SemaphoreType.DMA,
        ],
    )
    def lookup(idx_hbm, table_hbm, tail_hbm, out_hbm, pr, gr, mt,
               blk, stage, sem_blk, sem_out):
        idx_v = mt
        wid = lax.axis_index("s") * info.num_cores + lax.axis_index("c")
        lo = jnp.minimum(wid * COLS_W, n_cols)
        hi = jnp.minimum(lo + COLS_W, n_cols)
        iota = lax.iota(jnp.int32, LANES)
        ones = jnp.full((LANES,), 1, jnp.int32)

        pltpu.sync_copy(idx_hbm, idx_v.at[pl.ds(0, B)])

        def bin_body(j, n):
            p = idx_v[pl.ds(j * LANES, LANES)]
            c = lax.shift_right_logical(p, 7)
            mk = (c >= lo) & (c < hi)
            mi = jnp.where(mk, ones, 0)
            incl = plsc.cumsum(mi)
            pos = n + incl - mi
            key = ((c - lo) << 21) | ((p & (CBLK - 1)) << 14) | (iota + j * LANES)
            plsc.store_scatter(pr, [pos], key, mask=mk)
            return n + incl[LANES - 1]

        n = lax.fori_loop(0, B // LANES, bin_body, 0)
        plsc.store_scatter(pr, [n + iota], jnp.full((LANES,), SENT, jnp.int32),
                           mask=iota >= 0)
        np_ = lax.shift_right_logical(n + LANES - 1, 4)

        lo_g = lo // GRAN
        hi_g = (hi + GRAN - 1) // GRAN

        def blk_src(g):
            return table_hbm.at[:, pl.ds(pl.multiple_of(g * GW, CBLK), GW)]

        def start_blk(g, t):
            @pl.when(g < n_gran - 1)
            def _():
                pltpu.async_copy(blk_src(g), blk.at[t & 1], sem_blk)

            @pl.when(g == n_gran - 1)
            def _():
                pltpu.async_copy(tail_hbm, blk.at[t & 1], sem_blk)

        def wait_blk(t):
            pltpu.make_async_copy(blk_src(0), blk.at[t & 1], sem_blk).wait()

        @pl.when(lo_g < hi_g)
        def _():
            start_blk(lo_g, 0)

        def sb_body(s, q_sb):
            crel0 = s * SB

            def l1(j, g):
                key = pr[pl.ds(j * LANES, LANES)]
                cr = lax.shift_right_logical(key, 21)
                mk = (cr >= crel0) & (cr < crel0 + SB)
                mi = jnp.where(mk, ones, 0)
                incl = plsc.cumsum(mi)
                plsc.store_scatter(gr, [g + incl - mi], key, mask=mk)
                return g + incl[LANES - 1]

            gm = lax.fori_loop(0, np_, l1, 0)
            plsc.store_scatter(gr, [gm + iota],
                               jnp.full((LANES,), SENT, jnp.int32),
                               mask=iota >= 0)
            gnp = lax.shift_right_logical(gm + LANES - 1, 4)

            def col_body(u, q_col):
                grel = s * (SB // GRAN) + u
                g = lo_g + grel
                t = grel

                @pl.when(g + 1 < hi_g)
                def _():
                    start_blk(g + 1, t + 1)

                def l2(j, m):
                    key = gr[pl.ds(j * LANES, LANES)]
                    mk = lax.shift_right_logical(key, 23) == grel
                    mi = jnp.where(mk, ones, 0)
                    incl = plsc.cumsum(mi)
                    plsc.store_scatter(mt, [m + incl - mi], key, mask=mk)
                    return m + incl[LANES - 1]

                m = lax.fori_loop(0, gnp, l2, 0)

                @pl.when(g < hi_g)
                def _():
                    wait_blk(t)

                n_grp = lax.shift_right_logical(m + LANES - 1, 4)

                def grp_body(g, q):
                    key = mt[pl.ds(g * LANES, LANES)]
                    for k in range(LANES):
                        valid = g * LANES + k < m
                        kk = key[k]
                        pk = lax.shift_right_logical(kk, 14) & (GW - 1)
                        slot = (q + k) & 15

                        @pl.when(valid & (q + k >= 16))
                        def _():
                            pltpu.make_async_copy(
                                out_hbm.at[pl.ds(0, 1)],
                                stage.at[pl.ds(slot, 1)],
                                sem_out,
                            ).wait()

                        col = jnp.full((LANES,), pk, jnp.int32)
                        for u2 in range(D // LANES):
                            val = plsc.load_gather(
                                blk.at[t & 1], [iota + u2 * LANES, col]
                            )
                            stage[slot, pl.ds(u2 * LANES, LANES)] = val

                        @pl.when(valid)
                        def _():
                            pltpu.async_copy(
                                stage.at[pl.ds(slot, 1)],
                                out_hbm.at[pl.ds(kk & 16383, 1)],
                                sem_out,
                            )
                    return q + jnp.minimum(m - g * LANES, LANES)

                return lax.fori_loop(0, n_grp, grp_body, q_col)

            return lax.fori_loop(0, SB // GRAN, col_body, q_sb)

        q_tot = lax.fori_loop(0, COLS_W // SB, sb_body, 0)

        for k in range(16):
            @pl.when(q_tot >= k + 1)
            def _():
                slot = (q_tot - 1 - k) & 15
                pltpu.make_async_copy(
                    out_hbm.at[pl.ds(0, 1)], stage.at[pl.ds(slot, 1)], sem_out
                ).wait()

    return lookup


def kernel(idx, weight):
    flat_idx = idx.reshape(-1).astype(jnp.int32)
    B = flat_idx.shape[0]
    N, D = weight.shape
    wt = weight.T
    last_gran = (N // GW) * GW
    tail = jnp.pad(wt[:, last_gran:], ((0, 0), (0, GW - (N - last_gran))))
    return _make_lookup(B, D, N)(flat_idx, wt, tail)

# --- scband reference (transcript-rebuilt; emitter-appended) ---
"""Pipeline reference for scband-lookup-encoder-z-50852412785446 (READ-ONLY COPY).

The authoritative reference and input builder live on the scoring server;
editing this copy changes nothing except your own understanding.
"""

import jax, jax.numpy as jnp
import numpy as np

N_PARTICIPANTS = 1000000
Z_DIM = 64
BATCH = 16384

def setup_inputs(seed: int = 0) -> dict:
    key = jax.random.key(seed)
    k_idx, k_w = jax.random.split(key)
    idx = jax.random.randint(k_idx, (BATCH,), 0, N_PARTICIPANTS, dtype=jnp.int64 if jax.config.jax_enable_x64 else jnp.int32)
    # learned embedding table, init normal(0, 1) as in the torch module
    weight = jax.random.normal(k_w, (N_PARTICIPANTS, Z_DIM), dtype=jnp.float32)
    return {"idx": idx, "weight": weight}

def reference(idx, weight):
    # idx = idx.long().view(-1); return self.embed(idx)
    flat_idx = idx.reshape(-1)
    return jnp.take(weight, flat_idx, axis=0)

if __name__ == "__main__":
    import jax
    _d = setup_inputs()
    print(jax.jit(kernel)(*tuple(_d.values())))

</pallas_src>

<mosaic_0001>
#map = affine_map<(d0, d1) -> (0)>
#map1 = affine_map<(d0, d1) -> (0, 0)>
module attributes {stable_mosaic.version = 14 : i64} {
  func.func @lookup(%arg0: i32, %arg1: i32, %arg2: memref<16384xi32, #tpu.memory_space<hbm>>, %arg3: memref<64x1000000xf32, #tpu.memory_space<hbm>>, %arg4: memref<64x512xf32, #tpu.memory_space<hbm>>, %arg5: memref<16384x64xf32, #tpu.memory_space<hbm>>, %arg6: memref<16400xi32, #tpu.memory_space<vmem>>, %arg7: memref<16400xi32, #tpu.memory_space<vmem>>, %arg8: memref<16400xi32, #tpu.memory_space<vmem>>, %arg9: memref<2x64x512xf32, #tpu.memory_space<vmem>>, %arg10: memref<16x64xf32, #tpu.memory_space<vmem>>, %arg11: memref<!tpu.dma_semaphore, #tpu.memory_space<semaphore_mem>>, %arg12: memref<!tpu.dma_semaphore, #tpu.memory_space<semaphore_mem>>) attributes {dimension_semantics = [#tpu.dimension_semantics<core_parallel>, #tpu.dimension_semantics<subcore_parallel>], iteration_bounds = array<i64: 2, 16>, scalar_prefetch = 0 : i64, scratch_operands = 7 : i64, tpu.core_type = #tpu.core_type<sc_vector_subcore>, window_params = [{transform_indices = #map}, {transform_indices = #map1}, {transform_indices = #map1}, {transform_indices = #map1}]} {
    %mul3A = arith.constant 2 : i32
    %mul3A_0 = arith.muli %arg1, %mul3A : i32
    %add3A = arith.addi %mul3A_0, %arg0 : i32
    %mul3A_1 = arith.constant 256 : i32
    %mul3A_2 = arith.muli %add3A, %mul3A_1 : i32
    %min3A = arith.constant 7813 : i32
    %min3A_3 = arith.minsi %mul3A_2, %min3A : i32
    %add3A_4 = arith.constant 256 : i32
    %add3A_5 = arith.addi %min3A_3, %add3A_4 : i32
    %min3A_6 = arith.constant 7813 : i32
    %min3A_7 = arith.minsi %add3A_5, %min3A_6 : i32
    %iota3A = tpu.iota {dimensions = array<i32: 0>} : vector<16xi32>
    %broadcast_in_dim3A = arith.constant 1 : i32
    %broadcast_in_dim3A_8 = vector.broadcast %broadcast_in_dim3A : i32 to vector<16xi32>
    "tpu.region"() ({
      %run_scoped3A = tpu.sem_alloc : memref<!tpu.dma_semaphore, #tpu.memory_space<semaphore_mem>>
      %dma_start3A = arith.constant 0 : i32
      %dma_start3A_158 = tpu.memref_slice %arg8[%dma_start3A] : memref<16400xi32, #tpu.memory_space<vmem>> -> memref<16384xi32, #tpu.memory_space<vmem>>
      %dma_start3A_159 = arith.constant 0 : i32
      %dma_start3A_160 = tpu.memref_slice %arg8[%dma_start3A_159] : memref<16400xi32, #tpu.memory_space<vmem>> -> memref<16384xi32, #tpu.memory_space<vmem>>
      tpu.enqueue_dma source(%arg2 : memref<16384xi32, #tpu.memory_space<hbm>>) target(%dma_start3A_160 : memref<16384xi32, #tpu.memory_space<vmem>>) target_semaphore(%run_scoped3A : memref<!tpu.dma_semaphore, #tpu.memory_space<semaphore_mem>>)
      %dma_wait3A = arith.constant 0 : i32
      %dma_wait3A_161 = tpu.memref_slice %arg8[%dma_wait3A] : memref<16400xi32, #tpu.memory_space<vmem>> -> memref<16384xi32, #tpu.memory_space<vmem>>
      %dma_wait3A_162 = arith.constant 0 : i32
      %dma_wait3A_163 = tpu.memref_slice %arg8[%dma_wait3A_162] : memref<16400xi32, #tpu.memory_space<vmem>> -> memref<16384xi32, #tpu.memory_space<vmem>>
      tpu.wait_dma2 semaphore(%run_scoped3A : memref<!tpu.dma_semaphore, #tpu.memory_space<semaphore_mem>>) src(%arg2 : memref<16384xi32, #tpu.memory_space<hbm>>) dst(%dma_wait3A_163 : memref<16384xi32, #tpu.memory_space<vmem>>)
      tpu.yield
    }) : () -> ()
    %scan3A = arith.constant 0 : i32
    %scan3A_9 = arith.constant 0 : i32
    %scan3A_10 = arith.constant 1024 : i32
    %scan3A_11 = arith.addi %scan3A_9, %scan3A_10 : i32
    %scan3A_12 = arith.constant 1 : i32
    %scan3A_13 = scf.for %scan3A_158 = %scan3A_9 to %scan3A_11 step %scan3A_12 iter_args(%scan3A_159 = %scan3A) -> (i32)  : i32 {
      %mul3A_160 = arith.constant 16 : i32
      %mul3A_161 = arith.muli %scan3A_158, %mul3A_160 : i32
      %get3A = arith.index_cast %mul3A_161 : i32 to index
      %get3A_162 = tpu.vector_load %arg8[%get3A] {strides = array<i32>} : memref<16400xi32, #tpu.memory_space<vmem>>, vector<16xi32>,
      %shift_right_logical3A_163 = arith.constant 7 : i32
      %shift_right_logical3A_164 = vector.broadcast %shift_right_logical3A_163 : i32 to vector<16xi32>
      %shift_right_logical3A_165 = arith.shrui %get3A_162, %shift_right_logical3A_164 : vector<16xi32>
      %ge3A_166 = vector.broadcast %min3A_3 : i32 to vector<16xi32>
      %ge3A_167 = arith.cmpi sge, %shift_right_logical3A_165, %ge3A_166 : vector<16xi32>
      %lt3A_168 = vector.broadcast %min3A_7 : i32 to vector<16xi32>
      %lt3A_169 = arith.cmpi slt, %shift_right_logical3A_165, %lt3A_168 : vector<16xi32>
      %and3A_170 = arith.andi %ge3A_167, %lt3A_169 : vector<16xi1>
      %jit3A_171 = arith.constant 0 : i32
      %broadcast_in_dim3A_172 = vector.broadcast %jit3A_171 : i32 to vector<16xi32>
      %select_n3A_173 = arith.select %and3A_170, %broadcast_in_dim3A_8, %broadcast_in_dim3A_172 : vector<16xi1>, vector<16xi32>
      %broadcast_in_dim3A_174 = arith.constant true
      %broadcast_in_dim3A_175 = vector.broadcast %broadcast_in_dim3A_174 : i1 to vector<16xi1>
      %masked_cumsum3A = tpu.scan <sum>, %select_n3A_173 masked %broadcast_in_dim3A_175 : vector<16xi32>, vector<16xi1> -> vector<16xi32>
      %add3A_176 = vector.broadcast %scan3A_159 : i32 to vector<16xi32>
      %add3A_177 = arith.addi %add3A_176, %masked_cumsum3A : vector<16xi32>
      %sub3A_178 = arith.subi %add3A_177, %select_n3A_173 : vector<16xi32>
      %sub3A_179 = vector.broadcast %min3A_3 : i32 to vector<16xi32>
      %sub3A_180 = arith.subi %shift_right_logical3A_165, %sub3A_179 : vector<16xi32>
      %shift_left3A = arith.constant 21 : i32
      %shift_left3A_181 = vector.broadcast %shift_left3A : i32 to vector<16xi32>
      %shift_left3A_182 = arith.shli %sub3A_180, %shift_left3A_181 : vector<16xi32>
      %and3A_183 = arith.constant 127 : i32
      %and3A_184 = vector.broadcast %and3A_183 : i32 to vector<16xi32>
      %and3A_185 = arith.andi %get3A_162, %and3A_184 : vector<16xi32>
      %shift_left3A_186 = arith.constant 14 : i32
      %shift_left3A_187 = vector.broadcast %shift_left3A_186 : i32 to vector<16xi32>
      %shift_left3A_188 = arith.shli %and3A_185, %shift_left3A_187 : vector<16xi32>
      %or3A = arith.ori %shift_left3A_182, %shift_left3A_188 : vector<16xi32>
      %mul3A_189 = arith.constant 16 : i32
      %mul3A_190 = arith.muli %scan3A_158, %mul3A_189 : i32
      %add3A_191 = vector.broadcast %mul3A_190 : i32 to vector<16xi32>
      %add3A_192 = arith.addi %iota3A, %add3A_191 : vector<16xi32>
      %or3A_193 = arith.ori %or3A, %add3A_192 : vector<16xi32>
      tpu.vector_store_idx %arg6[%sub3A_178], %or3A_193 masked %and3A_170 : memref<16400xi32, #tpu.memory_space<vmem>>[vector<16xi32>], vector<16xi32>, vector<16xi1>
      %slice3A = vector.extract_strided_slice %masked_cumsum3A {offsets = [15], sizes = [1], strides = [1]} : vector<16xi32> to vector<1xi32>
      %squeeze3A = vector.extract %slice3A[0] : i32 from vector<1xi32>
      %add3A_194 = arith.addi %scan3A_159, %squeeze3A : i32
      scf.yield %add3A_194 : i32
    }
    %scan3A_14 = arith.constant 1024 : i32
    %add3A_15 = vector.broadcast %scan3A_13 : i32 to vector<16xi32>
    %add3A_16 = arith.addi %add3A_15, %iota3A : vector<16xi32>
    %broadcast_in_dim3A_17 = arith.constant 2147483647 : i32
    %broadcast_in_dim3A_18 = vector.broadcast %broadcast_in_dim3A_17 : i32 to vector<16xi32>
    %ge3A = arith.constant 0 : i32
    %ge3A_19 = vector.broadcast %ge3A : i32 to vector<16xi32>
    %ge3A_20 = arith.cmpi sge, %iota3A, %ge3A_19 : vector<16xi32>
    tpu.vector_store_idx %arg6[%add3A_16], %broadcast_in_dim3A_18 masked %ge3A_20 : memref<16400xi32, #tpu.memory_space<vmem>>[vector<16xi32>], vector<16xi32>, vector<16xi1>
    %add3A_21 = arith.constant 16 : i32
    %add3A_22 = arith.addi %scan3A_13, %add3A_21 : i32
    %sub3A = arith.constant 1 : i32
    %sub3A_23 = arith.subi %add3A_22, %sub3A : i32
    %shift_right_logical3A = arith.constant 4 : i32
    %shift_right_logical3A_24 = arith.shrui %sub3A_23, %shift_right_logical3A : i32
    %jit3A = arith.constant 4 : i32
    %div3A = arith.divsi %min3A_3, %jit3A : i32
    %sign3A = arith.constant 0 : i32
    %sign3A_25 = arith.cmpi sgt, %min3A_3, %sign3A : i32
    %sign3A_26 = arith.extui %sign3A_25 : i1 to i32
    %sign3A_27 = arith.constant 0 : i32
    %sign3A_28 = arith.cmpi slt, %min3A_3, %sign3A_27 : i32
    %sign3A_29 = arith.extui %sign3A_28 : i1 to i32
    %sign3A_30 = arith.subi %sign3A_26, %sign3A_29 : i32
    %sign3A_31 = arith.constant 0 : i32
    %sign3A_32 = arith.cmpi sgt, %jit3A, %sign3A_31 : i32
    %sign3A_33 = arith.extui %sign3A_32 : i1 to i32
    %sign3A_34 = arith.constant 0 : i32
    %sign3A_35 = arith.cmpi slt, %jit3A, %sign3A_34 : i32
    %sign3A_36 = arith.extui %sign3A_35 : i1 to i32
    %sign3A_37 = arith.subi %sign3A_33, %sign3A_36 : i32
    %ne3A = arith.cmpi ne, %sign3A_30, %sign3A_37 : i32
    %rem3A = arith.remsi %min3A_3, %jit3A : i32
    %ne3A_38 = arith.constant 0 : i32
    %ne3A_39 = arith.cmpi ne, %rem3A, %ne3A_38 : i32
    %and3A = arith.andi %ne3A, %ne3A_39 : i1
    %sub3A_40 = arith.constant 1 : i32
    %sub3A_41 = arith.subi %div3A, %sub3A_40 : i32
    %select_n3A = arith.select %and3A, %sub3A_41, %div3A : i32
    %add3A_42 = arith.constant 4 : i32
    %add3A_43 = arith.addi %min3A_7, %add3A_42 : i32
    %sub3A_44 = arith.constant 1 : i32
    %sub3A_45 = arith.subi %add3A_43, %sub3A_44 : i32
    %jit3A_46 = arith.constant 4 : i32
    %div3A_47 = arith.divsi %sub3A_45, %jit3A_46 : i32
    %sign3A_48 = arith.constant 0 : i32
    %sign3A_49 = arith.cmpi sgt, %sub3A_45, %sign3A_48 : i32
    %sign3A_50 = arith.extui %sign3A_49 : i1 to i32
    %sign3A_51 = arith.constant 0 : i32
    %sign3A_52 = arith.cmpi slt, %sub3A_45, %sign3A_51 : i32
    %sign3A_53 = arith.extui %sign3A_52 : i1 to i32
    %sign3A_54 = arith.subi %sign3A_50, %sign3A_53 : i32
    %sign3A_55 = arith.constant 0 : i32
    %sign3A_56 = arith.cmpi sgt, %jit3A_46, %sign3A_55 : i32
    %sign3A_57 = arith.extui %sign3A_56 : i1 to i32
    %sign3A_58 = arith.constant 0 : i32
    %sign3A_59 = arith.cmpi slt, %jit3A_46, %sign3A_58 : i32
    %sign3A_60 = arith.extui %sign3A_59 : i1 to i32
    %sign3A_61 = arith.subi %sign3A_57, %sign3A_60 : i32
    %ne3A_62 = arith.cmpi ne, %sign3A_54, %sign3A_61 : i32
    %rem3A_63 = arith.remsi %sub3A_45, %jit3A_46 : i32
    %ne3A_64 = arith.constant 0 : i32
    %ne3A_65 = arith.cmpi ne, %rem3A_63, %ne3A_64 : i32
    %and3A_66 = arith.andi %ne3A_62, %ne3A_65 : i1
    %sub3A_67 = arith.constant 1 : i32
    %sub3A_68 = arith.subi %div3A_47, %sub3A_67 : i32
    %select_n3A_69 = arith.select %and3A_66, %sub3A_68, %div3A_47 : i32
    %lt3A = arith.cmpi slt, %select_n3A, %select_n3A_69 : i32
    %convert_element_type3A = arith.extui %lt3A : i1 to i32
    %cond3A = arith.constant 0 : i32
    %cond3A_70 = arith.cmpi ne, %convert_element_type3A, %cond3A : i32
    scf.if %cond3A_70 {
      %lt3A_158 = arith.constant 1953 : i32
      %lt3A_159 = arith.cmpi slt, %select_n3A, %lt3A_158 : i32
      %convert_element_type3A_160 = arith.extui %lt3A_159 : i1 to i32
      %cond3A_161 = arith.constant 0 : i32
      %cond3A_162 = arith.cmpi ne, %convert_element_type3A_160, %cond3A_161 : i32
      scf.if %cond3A_162 {
        %mul3A_167 = arith.constant 512 : i32
        %mul3A_168 = arith.muli %select_n3A, %mul3A_167 : i32
        %multiple_of3A = tpu.assume_multiple %mul3A_168, 128 : i32
        %dma_start3A = arith.constant 0 : i32
        %dma_start3A_169 = arith.constant 0 : i32
        %dma_start3A_170 = arith.constant 0 : i32
        %dma_start3A_171 = tpu.memref_slice %arg9[%dma_start3A, %dma_start3A_169, %dma_start3A_170] : memref<2x64x512xf32, #tpu.memory_space<vmem>> -> memref<1x64x512xf32, #tpu.memory_space<vmem>>
        %dma_start3A_172 = tpu.memref_squeeze %dma_start3A_171 : memref<1x64x512xf32, #tpu.memory_space<vmem>> -> memref<64x512xf32, #tpu.memory_space<vmem>>
        %dma_start3A_173 = arith.constant 0 : i32
        %dma_start3A_174 = tpu.memref_slice %arg3[%dma_start3A_173, %multiple_of3A] : memref<64x1000000xf32, #tpu.memory_space<hbm>> -> memref<64x512xf32, #tpu.memory_space<hbm>>
        %dma_start3A_175 = arith.constant 0 : i32
        %dma_start3A_176 = arith.constant 0 : i32
        %dma_start3A_177 = tpu.memref_slice %arg9[%dma_start3A, %dma_start3A_175, %dma_start3A_176] : memref<2x64x512xf32, #tpu.memory_space<vmem>> -> memref<1x64x512xf32, #tpu.memory_space<vmem>>
        %dma_start3A_178 = tpu.memref_squeeze %dma_start3A_177 : memref<1x64x512xf32, #tpu.memory_space<vmem>> -> memref<64x512xf32, #tpu.memory_space<vmem>>
        %dma_start3A_179 = arith.constant 0 : i32
        %dma_start3A_180 = tpu.memref_slice %arg3[%dma_start3A_179, %multiple_of3A] : memref<64x1000000xf32, #tpu.memory_space<hbm>> -> memref<64x512xf32, #tpu.memory_space<hbm>>
        tpu.enqueue_dma source(%dma_start3A_180 : memref<64x512xf32, #tpu.memory_space<hbm>>) target(%dma_start3A_178 : memref<64x512xf32, #tpu.memory_space<vmem>>) target_semaphore(%arg11 : memref<!tpu.dma_semaphore, #tpu.memory_space<semaphore_mem>>)
      } else {
      }
      %eq3A = arith.constant 1953 : i32
      %eq3A_163 = arith.cmpi eq, %select_n3A, %eq3A : i32
      %convert_element_type3A_164 = arith.extui %eq3A_163 : i1 to i32
      %cond3A_165 = arith.constant 0 : i32
      %cond3A_166 = arith.cmpi ne, %convert_element_type3A_164, %cond3A_165 : i32
      scf.if %cond3A_166 {
        %dma_start3A = arith.constant 0 : i32
        %dma_start3A_167 = arith.constant 0 : i32
        %dma_start3A_168 = arith.constant 0 : i32
        %dma_start3A_169 = tpu.memref_slice %arg9[%dma_start3A, %dma_start3A_167, %dma_start3A_168] : memref<2x64x512xf32, #tpu.memory_space<vmem>> -> memref<1x64x512xf32, #tpu.memory_space<vmem>>
        %dma_start3A_170 = tpu.memref_squeeze %dma_start3A_169 : memref<1x64x512xf32, #tpu.memory_space<vmem>> -> memref<64x512xf32, #tpu.memory_space<vmem>>
        %dma_start3A_171 = arith.constant 0 : i32
        %dma_start3A_172 = arith.constant 0 : i32
        %dma_start3A_173 = tpu.memref_slice %arg9[%dma_start3A, %dma_start3A_171, %dma_start3A_172] : memref<2x64x512xf32, #tpu.memory_space<vmem>> -> memref<1x64x512xf32, #tpu.memory_space<vmem>>
        %dma_start3A_174 = tpu.memref_squeeze %dma_start3A_173 : memref<1x64x512xf32, #tpu.memory_space<vmem>> -> memref<64x512xf32, #tpu.memory_space<vmem>>
        tpu.enqueue_dma source(%arg4 : memref<64x512xf32, #tpu.memory_space<hbm>>) target(%dma_start3A_174 : memref<64x512xf32, #tpu.memory_space<vmem>>) target_semaphore(%arg11 : memref<!tpu.dma_semaphore, #tpu.memory_space<semaphore_mem>>)
      } else {
      }
    } else {
    }
    %scan3A_71 = arith.constant 0 : i32
    %scan3A_72 = arith.constant 0 : i32
    %scan3A_73 = arith.constant 16 : i32
    %scan3A_74 = arith.addi %scan3A_72, %scan3A_73 : i32
    %scan3A_75 = arith.constant 1 : i32
    %scan3A_76 = scf.for %scan3A_158 = %scan3A_72 to %scan3A_74 step %scan3A_75 iter_args(%scan3A_159 = %scan3A_71) -> (i32)  : i32 {
      %mul3A_160 = arith.constant 16 : i32
      %mul3A_161 = arith.muli %scan3A_158, %mul3A_160 : i32
      %while3A = arith.constant 0 : i32
      %while3A_162 = arith.constant 0 : i32
      %while3A_163 = arith.subi %shift_right_logical3A_24, %while3A : i32
      %while3A_164 = arith.addi %while3A, %while3A_163 : i32
      %while3A_165 = arith.constant 1 : i32
      %while3A_166 = arith.divsi %while3A_163, %while3A_165 : i32
      %while3A_167 = arith.muli %while3A_166, %while3A_165 : i32
      %while3A_168 = arith.addi %while3A, %while3A_167 : i32
      %while3A_169 = arith.constant 1 : i32
      %while3A_170 = scf.for %while3A_192 = %while3A to %while3A_168 step %while3A_169 iter_args(%while3A_193 = %while3A_162) -> (i32)  : i32 {
        %mul3A_194 = arith.constant 16 : i32
        %mul3A_195 = arith.muli %while3A_192, %mul3A_194 : i32
        %get3A = arith.index_cast %mul3A_195 : i32 to index
        %get3A_196 = tpu.vector_load %arg6[%get3A] {strides = array<i32>} : memref<16400xi32, #tpu.memory_space<vmem>>, vector<16xi32>,
        %shift_right_logical3A_197 = arith.constant 21 : i32
        %shift_right_logical3A_198 = vector.broadcast %shift_right_logical3A_197 : i32 to vector<16xi32>
        %shift_right_logical3A_199 = arith.shrui %get3A_196, %shift_right_logical3A_198 : vector<16xi32>
        %ge3A_200 = vector.broadcast %mul3A_161 : i32 to vector<16xi32>
        %ge3A_201 = arith.cmpi sge, %shift_right_logical3A_199, %ge3A_200 : vector<16xi32>
        %add3A_202 = arith.constant 16 : i32
        %add3A_203 = arith.addi %mul3A_161, %add3A_202 : i32
        %lt3A_204 = vector.broadcast %add3A_203 : i32 to vector<16xi32>
        %lt3A_205 = arith.cmpi slt, %shift_right_logical3A_199, %lt3A_204 : vector<16xi32>
        %and3A_206 = arith.andi %ge3A_201, %lt3A_205 : vector<16xi1>
        %jit3A_207 = arith.constant 0 : i32
        %broadcast_in_dim3A_208 = vector.broadcast %jit3A_207 : i32 to vector<16xi32>
        %select_n3A_209 = arith.select %and3A_206, %broadcast_in_dim3A_8, %broadcast_in_dim3A_208 : vector<16xi1>, vector<16xi32>
        %broadcast_in_dim3A_210 = arith.constant true
        %broadcast_in_dim3A_211 = vector.broadcast %broadcast_in_dim3A_210 : i1 to vector<16xi1>
        %masked_cumsum3A = tpu.scan <sum>, %select_n3A_209 masked %broadcast_in_dim3A_211 : vector<16xi32>, vector<16xi1> -> vector<16xi32>
        %add3A_212 = vector.broadcast %while3A_193 : i32 to vector<16xi32>
        %add3A_213 = arith.addi %add3A_212, %masked_cumsum3A : vector<16xi32>
        %sub3A_214 = arith.subi %add3A_213, %select_n3A_209 : vector<16xi32>
        tpu.vector_store_idx %arg7[%sub3A_214], %get3A_196 masked %and3A_206 : memref<16400xi32, #tpu.memory_space<vmem>>[vector<16xi32>], vector<16xi32>, vector<16xi1>
        %slice3A = vector.extract_strided_slice %masked_cumsum3A {offsets = [15], sizes = [1], strides = [1]} : vector<16xi32> to vector<1xi32>
        %squeeze3A = vector.extract %slice3A[0] : i32 from vector<1xi32>
        %add3A_215 = arith.addi %while3A_193, %squeeze3A : i32
        scf.yield %add3A_215 : i32
      }
      %while3A_171 = arith.constant 1 : i32
      %while3A_172 = scf.for %while3A_192 = %while3A_168 to %while3A_164 step %while3A_171 iter_args(%while3A_193 = %while3A_170) -> (i32)  : i32 {
        %mul3A_194 = arith.constant 16 : i32
        %mul3A_195 = arith.muli %while3A_192, %mul3A_194 : i32
        %get3A = arith.index_cast %mul3A_195 : i32 to index
        %get3A_196 = tpu.vector_load %arg6[%get3A] {strides = array<i32>} : memref<16400xi32, #tpu.memory_space<vmem>>, vector<16xi32>,
        %shift_right_logical3A_197 = arith.constant 21 : i32
        %shift_right_logical3A_198 = vector.broadcast %shift_right_logical3A_197 : i32 to vector<16xi32>
        %shift_right_logical3A_199 = arith.shrui %get3A_196, %shift_right_logical3A_198 : vector<16xi32>
        %ge3A_200 = vector.broadcast %mul3A_161 : i32 to vector<16xi32>
        %ge3A_201 = arith.cmpi sge, %shift_right_logical3A_199, %ge3A_200 : vector<16xi32>
        %add3A_202 = arith.constant 16 : i32
        %add3A_203 = arith.addi %mul3A_161, %add3A_202 : i32
        %lt3A_204 = vector.broadcast %add3A_203 : i32 to vector<16xi32>
        %lt3A_205 = arith.cmpi slt, %shift_right_logical3A_199, %lt3A_204 : vector<16xi32>
        %and3A_206 = arith.andi %ge3A_201, %lt3A_205 : vector<16xi1>
        %jit3A_207 = arith.constant 0 : i32
        %broadcast_in_dim3A_208 = vector.broadcast %jit3A_207 : i32 to vector<16xi32>
        %select_n3A_209 = arith.select %and3A_206, %broadcast_in_dim3A_8, %broadcast_in_dim3A_208 : vector<16xi1>, vector<16xi32>
        %broadcast_in_dim3A_210 = arith.constant true
        %broadcast_in_dim3A_211 = vector.broadcast %broadcast_in_dim3A_210 : i1 to vector<16xi1>
        %masked_cumsum3A = tpu.scan <sum>, %select_n3A_209 masked %broadcast_in_dim3A_211 : vector<16xi32>, vector<16xi1> -> vector<16xi32>
        %add3A_212 = vector.broadcast %while3A_193 : i32 to vector<16xi32>
        %add3A_213 = arith.addi %add3A_212, %masked_cumsum3A : vector<16xi32>
        %sub3A_214 = arith.subi %add3A_213, %select_n3A_209 : vector<16xi32>
        tpu.vector_store_idx %arg7[%sub3A_214], %get3A_196 masked %and3A_206 : memref<16400xi32, #tpu.memory_space<vmem>>[vector<16xi32>], vector<16xi32>, vector<16xi1>
        %slice3A = vector.extract_strided_slice %masked_cumsum3A {offsets = [15], sizes = [1], strides = [1]} : vector<16xi32> to vector<1xi32>
        %squeeze3A = vector.extract %slice3A[0] : i32 from vector<1xi32>
        %add3A_215 = arith.addi %while3A_193, %squeeze3A : i32
        scf.yield %add3A_215 : i32
      }
      %add3A_173 = vector.broadcast %while3A_172 : i32 to vector<16xi32>
      %add3A_174 = arith.addi %add3A_173, %iota3A : vector<16xi32>
      %broadcast_in_dim3A_175 = arith.constant 2147483647 : i32
      %broadcast_in_dim3A_176 = vector.broadcast %broadcast_in_dim3A_175 : i32 to vector<16xi32>
      %ge3A_177 = arith.constant 0 : i32
      %ge3A_178 = vector.broadcast %ge3A_177 : i32 to vector<16xi32>
      %ge3A_179 = arith.cmpi sge, %iota3A, %ge3A_178 : vector<16xi32>
      tpu.vector_store_idx %arg7[%add3A_174], %broadcast_in_dim3A_176 masked %ge3A_179 : memref<16400xi32, #tpu.memory_space<vmem>>[vector<16xi32>], vector<16xi32>, vector<16xi1>
      %add3A_180 = arith.constant 16 : i32
      %add3A_181 = arith.addi %while3A_172, %add3A_180 : i32
      %sub3A_182 = arith.constant 1 : i32
      %sub3A_183 = arith.subi %add3A_181, %sub3A_182 : i32
      %shift_right_logical3A_184 = arith.constant 4 : i32
      %shift_right_logical3A_185 = arith.shrui %sub3A_183, %shift_right_logical3A_184 : i32
      %scan3A_186 = arith.constant 0 : i32
      %scan3A_187 = arith.constant 4 : i32
      %scan3A_188 = arith.addi %scan3A_186, %scan3A_187 : i32
      %scan3A_189 = arith.constant 1 : i32
      %scan3A_190 = scf.for %scan3A_192 = %scan3A_186 to %scan3A_188 step %scan3A_189 iter_args(%scan3A_193 = %scan3A_159) -> (i32)  : i32 {
        %mul3A_194 = arith.constant 4 : i32
        %mul3A_195 = arith.muli %scan3A_158, %mul3A_194 : i32
        %add3A_196 = arith.addi %mul3A_195, %scan3A_192 : i32
        %add3A_197 = arith.addi %select_n3A, %add3A_196 : i32
        %add3A_198 = arith.constant 1 : i32
        %add3A_199 = arith.addi %add3A_197, %add3A_198 : i32
        %lt3A_200 = arith.cmpi slt, %add3A_199, %select_n3A_69 : i32
        %convert_element_type3A_201 = arith.extui %lt3A_200 : i1 to i32
        %cond3A_202 = arith.constant 0 : i32
        %cond3A_203 = arith.cmpi ne, %convert_element_type3A_201, %cond3A_202 : i32
        scf.if %cond3A_203 {
          %add3A_237 = arith.constant 1 : i32
          %add3A_238 = arith.addi %add3A_197, %add3A_237 : i32
          %add3A_239 = arith.constant 1 : i32
          %add3A_240 = arith.addi %add3A_196, %add3A_239 : i32
          %lt3A_241 = arith.constant 1953 : i32
          %lt3A_242 = arith.cmpi slt, %add3A_238, %lt3A_241 : i32
          %convert_element_type3A_243 = arith.extui %lt3A_242 : i1 to i32
          %cond3A_244 = arith.constant 0 : i32
          %cond3A_245 = arith.cmpi ne, %convert_element_type3A_243, %cond3A_244 : i32
          scf.if %cond3A_245 {
            %mul3A_250 = arith.constant 512 : i32
            %mul3A_251 = arith.muli %add3A_238, %mul3A_250 : i32
            %multiple_of3A = tpu.assume_multiple %mul3A_251, 128 : i32
            %and3A_252 = arith.constant 1 : i32
            %and3A_253 = arith.andi %add3A_240, %and3A_252 : i32
            %dma_start3A = arith.constant 0 : i32
            %dma_start3A_254 = arith.constant 0 : i32
            %dma_start3A_255 = tpu.memref_slice %arg9[%and3A_253, %dma_start3A, %dma_start3A_254] : memref<2x64x512xf32, #tpu.memory_space<vmem>> -> memref<1x64x512xf32, #tpu.memory_space<vmem>>
            %dma_start3A_256 = tpu.memref_squeeze %dma_start3A_255 : memref<1x64x512xf32, #tpu.memory_space<vmem>> -> memref<64x512xf32, #tpu.memory_space<vmem>>
            %dma_start3A_257 = arith.constant 0 : i32
            %dma_start3A_258 = tpu.memref_slice %arg3[%dma_start3A_257, %multiple_of3A] : memref<64x1000000xf32, #tpu.memory_space<hbm>> -> memref<64x512xf32, #tpu.memory_space<hbm>>
            %dma_start3A_259 = arith.constant 0 : i32
            %dma_start3A_260 = arith.constant 0 : i32
            %dma_start3A_261 = tpu.memref_slice %arg9[%and3A_253, %dma_start3A_259, %dma_start3A_260] : memref<2x64x512xf32, #tpu.memory_space<vmem>> -> memref<1x64x512xf32, #tpu.memory_space<vmem>>
            %dma_start3A_262 = tpu.memref_squeeze %dma_start3A_261 : memref<1x64x512xf32, #tpu.memory_space<vmem>> -> memref<64x512xf32, #tpu.memory_space<vmem>>
            %dma_start3A_263 = arith.constant 0 : i32
            %dma_start3A_264 = tpu.memref_slice %arg3[%dma_start3A_263, %multiple_of3A] : memref<64x1000000xf32, #tpu.memory_space<hbm>> -> memref<64x512xf32, #tpu.memory_space<hbm>>
            tpu.enqueue_dma source(%dma_start3A_264 : memref<64x512xf32, #tpu.memory_space<hbm>>) target(%dma_start3A_262 : memref<64x512xf32, #tpu.memory_space<vmem>>) target_semaphore(%arg11 : memref<!tpu.dma_semaphore, #tpu.memory_space<semaphore_mem>>)
          } else {
          }
          %eq3A = arith.constant 1953 : i32
          %eq3A_246 = arith.cmpi eq, %add3A_238, %eq3A : i32
          %convert_element_type3A_247 = arith.extui %eq3A_246 : i1 to i32
          %cond3A_248 = arith.constant 0 : i32
          %cond3A_249 = arith.cmpi ne, %convert_element_type3A_247, %cond3A_248 : i32
          scf.if %cond3A_249 {
            %and3A_250 = arith.constant 1 : i32
            %and3A_251 = arith.andi %add3A_240, %and3A_250 : i32
            %dma_start3A = arith.constant 0 : i32
            %dma_start3A_252 = arith.constant 0 : i32
            %dma_start3A_253 = tpu.memref_slice %arg9[%and3A_251, %dma_start3A, %dma_start3A_252] : memref<2x64x512xf32, #tpu.memory_space<vmem>> -> memref<1x64x512xf32, #tpu.memory_space<vmem>>
            %dma_start3A_254 = tpu.memref_squeeze %dma_start3A_253 : memref<1x64x512xf32, #tpu.memory_space<vmem>> -> memref<64x512xf32, #tpu.memory_space<vmem>>
            %dma_start3A_255 = arith.constant 0 : i32
            %dma_start3A_256 = arith.constant 0 : i32
            %dma_start3A_257 = tpu.memref_slice %arg9[%and3A_251, %dma_start3A_255, %dma_start3A_256] : memref<2x64x512xf32, #tpu.memory_space<vmem>> -> memref<1x64x512xf32, #tpu.memory_space<vmem>>
            %dma_start3A_258 = tpu.memref_squeeze %dma_start3A_257 : memref<1x64x512xf32, #tpu.memory_space<vmem>> -> memref<64x512xf32, #tpu.memory_space<vmem>>
            tpu.enqueue_dma source(%arg4 : memref<64x512xf32, #tpu.memory_space<hbm>>) target(%dma_start3A_258 : memref<64x512xf32, #tpu.memory_space<vmem>>) target_semaphore(%arg11 : memref<!tpu.dma_semaphore, #tpu.memory_space<semaphore_mem>>)
          } else {
          }
        } else {
        }
        %while3A_204 = arith.constant 0 : i32
        %while3A_205 = arith.constant 0 : i32
        %while3A_206 = arith.subi %shift_right_logical3A_185, %while3A_204 : i32
        %while3A_207 = arith.addi %while3A_204, %while3A_206 : i32
        %while3A_208 = arith.constant 1 : i32
        %while3A_209 = arith.divsi %while3A_206, %while3A_208 : i32
        %while3A_210 = arith.muli %while3A_209, %while3A_208 : i32
        %while3A_211 = arith.addi %while3A_204, %while3A_210 : i32
        %while3A_212 = arith.constant 1 : i32
        %while3A_213 = scf.for %while3A_237 = %while3A_204 to %while3A_211 step %while3A_212 iter_args(%while3A_238 = %while3A_205) -> (i32)  : i32 {
          %mul3A_239 = arith.constant 16 : i32
          %mul3A_240 = arith.muli %while3A_237, %mul3A_239 : i32
          %get3A = arith.index_cast %mul3A_240 : i32 to index
          %get3A_241 = tpu.vector_load %arg7[%get3A] {strides = array<i32>} : memref<16400xi32, #tpu.memory_space<vmem>>, vector<16xi32>,
          %shift_right_logical3A_242 = arith.constant 23 : i32
          %shift_right_logical3A_243 = vector.broadcast %shift_right_logical3A_242 : i32 to vector<16xi32>
          %shift_right_logical3A_244 = arith.shrui %get3A_241, %shift_right_logical3A_243 : vector<16xi32>
          %eq3A = vector.broadcast %add3A_196 : i32 to vector<16xi32>
          %eq3A_245 = arith.cmpi eq, %shift_right_logical3A_244, %eq3A : vector<16xi32>
          %jit3A_246 = arith.constant 0 : i32
          %broadcast_in_dim3A_247 = vector.broadcast %jit3A_246 : i32 to vector<16xi32>
          %select_n3A_248 = arith.select %eq3A_245, %broadcast_in_dim3A_8, %broadcast_in_dim3A_247 : vector<16xi1>, vector<16xi32>
          %broadcast_in_dim3A_249 = arith.constant true
          %broadcast_in_dim3A_250 = vector.broadcast %broadcast_in_dim3A_249 : i1 to vector<16xi1>
          %masked_cumsum3A = tpu.scan <sum>, %select_n3A_248 masked %broadcast_in_dim3A_250 : vector<16xi32>, vector<16xi1> -> vector<16xi32>
          %add3A_251 = vector.broadcast %while3A_238 : i32 to vector<16xi32>
          %add3A_252 = arith.addi %add3A_251, %masked_cumsum3A : vector<16xi32>
          %sub3A_253 = arith.subi %add3A_252, %select_n3A_248 : vector<16xi32>
          tpu.vector_store_idx %arg8[%sub3A_253], %get3A_241 masked %eq3A_245 : memref<16400xi32, #tpu.memory_space<vmem>>[vector<16xi32>], vector<16xi32>, vector<16xi1>
          %slice3A = vector.extract_strided_slice %masked_cumsum3A {offsets = [15], sizes = [1], strides = [1]} : vector<16xi32> to vector<1xi32>
          %squeeze3A = vector.extract %slice3A[0] : i32 from vector<1xi32>
          %add3A_254 = arith.addi %while3A_238, %squeeze3A : i32
          scf.yield %add3A_254 : i32
        }
        %while3A_214 = arith.constant 1 : i32
        %while3A_215 = scf.for %while3A_237 = %while3A_211 to %while3A_207 step %while3A_214 iter_args(%while3A_238 = %while3A_213) -> (i32)  : i32 {
          %mul3A_239 = arith.constant 16 : i32
          %mul3A_240 = arith.muli %while3A_237, %mul3A_239 : i32
          %get3A = arith.index_cast %mul3A_240 : i32 to index
          %get3A_241 = tpu.vector_load %arg7[%get3A] {strides = array<i32>} : memref<16400xi32, #tpu.memory_space<vmem>>, vector<16xi32>,
          %shift_right_logical3A_242 = arith.constant 23 : i32
          %shift_right_logical3A_243 = vector.broadcast %shift_right_logical3A_242 : i32 to vector<16xi32>
          %shift_right_logical3A_244 = arith.shrui %get3A_241, %shift_right_logical3A_243 : vector<16xi32>
          %eq3A = vector.broadcast %add3A_196 : i32 to vector<16xi32>
          %eq3A_245 = arith.cmpi eq, %shift_right_logical3A_244, %eq3A : vector<16xi32>
          %jit3A_246 = arith.constant 0 : i32
          %broadcast_in_dim3A_247 = vector.broadcast %jit3A_246 : i32 to vector<16xi32>
          %select_n3A_248 = arith.select %eq3A_245, %broadcast_in_dim3A_8, %broadcast_in_dim3A_247 : vector<16xi1>, vector<16xi32>
          %broadcast_in_dim3A_249 = arith.constant true
          %broadcast_in_dim3A_250 = vector.broadcast %broadcast_in_dim3A_249 : i1 to vector<16xi1>
          %masked_cumsum3A = tpu.scan <sum>, %select_n3A_248 masked %broadcast_in_dim3A_250 : vector<16xi32>, vector<16xi1> -> vector<16xi32>
          %add3A_251 = vector.broadcast %while3A_238 : i32 to vector<16xi32>
          %add3A_252 = arith.addi %add3A_251, %masked_cumsum3A : vector<16xi32>
          %sub3A_253 = arith.subi %add3A_252, %select_n3A_248 : vector<16xi32>
          tpu.vector_store_idx %arg8[%sub3A_253], %get3A_241 masked %eq3A_245 : memref<16400xi32, #tpu.memory_space<vmem>>[vector<16xi32>], vector<16xi32>, vector<16xi1>
          %slice3A = vector.extract_strided_slice %masked_cumsum3A {offsets = [15], sizes = [1], strides = [1]} : vector<16xi32> to vector<1xi32>
          %squeeze3A = vector.extract %slice3A[0] : i32 from vector<1xi32>
          %add3A_254 = arith.addi %while3A_238, %squeeze3A : i32
          scf.yield %add3A_254 : i32
        }
        %lt3A_216 = arith.cmpi slt, %add3A_197, %select_n3A_69 : i32
        %convert_element_type3A_217 = arith.extui %lt3A_216 : i1 to i32
        %cond3A_218 = arith.constant 0 : i32
        %cond3A_219 = arith.cmpi ne, %convert_element_type3A_217, %cond3A_218 : i32
        scf.if %cond3A_219 {
          %multiple_of3A = arith.constant 0 : i32
          %multiple_of3A_237 = tpu.assume_multiple %multiple_of3A, 128 : i32
          %and3A_238 = arith.constant 1 : i32
          %and3A_239 = arith.andi %add3A_196, %and3A_238 : i32
          %dma_wait3A = arith.constant 0 : i32
          %dma_wait3A_240 = arith.constant 0 : i32
          %dma_wait3A_241 = tpu.memref_slice %arg9[%and3A_239, %dma_wait3A, %dma_wait3A_240] : memref<2x64x512xf32, #tpu.memory_space<vmem>> -> memref<1x64x512xf32, #tpu.memory_space<vmem>>
          %dma_wait3A_242 = tpu.memref_squeeze %dma_wait3A_241 : memref<1x64x512xf32, #tpu.memory_space<vmem>> -> memref<64x512xf32, #tpu.memory_space<vmem>>
          %dma_wait3A_243 = arith.constant 0 : i32
          %dma_wait3A_244 = tpu.memref_slice %arg3[%dma_wait3A_243, %multiple_of3A_237] : memref<64x1000000xf32, #tpu.memory_space<hbm>> -> memref<64x512xf32, #tpu.memory_space<hbm>>
          %dma_wait3A_245 = arith.constant 0 : i32
          %dma_wait3A_246 = arith.constant 0 : i32
          %dma_wait3A_247 = tpu.memref_slice %arg9[%and3A_239, %dma_wait3A_245, %dma_wait3A_246] : memref<2x64x512xf32, #tpu.memory_space<vmem>> -> memref<1x64x512xf32, #tpu.memory_space<vmem>>
          %dma_wait3A_248 = tpu.memref_squeeze %dma_wait3A_247 : memref<1x64x512xf32, #tpu.memory_space<vmem>> -> memref<64x512xf32, #tpu.memory_space<vmem>>
          %dma_wait3A_249 = arith.constant 0 : i32
          %dma_wait3A_250 = tpu.memref_slice %arg3[%dma_wait3A_249, %multiple_of3A_237] : memref<64x1000000xf32, #tpu.memory_space<hbm>> -> memref<64x512xf32, #tpu.memory_space<hbm>>
          tpu.wait_dma2 semaphore(%arg11 : memref<!tpu.dma_semaphore, #tpu.memory_space<semaphore_mem>>) src(%dma_wait3A_250 : memref<64x512xf32, #tpu.memory_space<hbm>>) dst(%dma_wait3A_248 : memref<64x512xf32, #tpu.memory_space<vmem>>)
        } else {
        }
        %add3A_220 = arith.constant 16 : i32
        %add3A_221 = arith.addi %while3A_215, %add3A_220 : i32
        %sub3A_222 = arith.constant 1 : i32
        %sub3A_223 = arith.subi %add3A_221, %sub3A_222 : i32
        %shift_right_logical3A_224 = arith.constant 4 : i32
        %shift_right_logical3A_225 = arith.shrui %sub3A_223, %shift_right_logical3A_224 : i32
        %while3A_226 = arith.constant 0 : i32
        %while3A_227 = arith.subi %shift_right_logical3A_225, %while3A_226 : i32
        %while3A_228 = arith.addi %while3A_226, %while3A_227 : i32
        %while3A_229 = arith.constant 1 : i32
        %while3A_230 = arith.divsi %while3A_227, %while3A_229 : i32
        %while3A_231 = arith.muli %while3A_230, %while3A_229 : i32
        %while3A_232 = arith.addi %while3A_226, %while3A_231 : i32
        %while3A_233 = arith.constant 1 : i32
        %while3A_234 = scf.for %while3A_237 = %while3A_226 to %while3A_232 step %while3A_233 iter_args(%while3A_238 = %scan3A_193) -> (i32)  : i32 {
          %mul3A_239 = arith.constant 16 : i32
          %mul3A_240 = arith.muli %while3A_237, %mul3A_239 : i32
          %get3A = arith.index_cast %mul3A_240 : i32 to index
          %get3A_241 = tpu.vector_load %arg8[%get3A] {strides = array<i32>} : memref<16400xi32, #tpu.memory_space<vmem>>, vector<16xi32>,
          %mul3A_242 = arith.constant 16 : i32
          %mul3A_243 = arith.muli %while3A_237, %mul3A_242 : i32
          %add3A_244 = arith.constant 0 : i32
          %add3A_245 = arith.addi %mul3A_243, %add3A_244 : i32
          %lt3A_246 = arith.cmpi slt, %add3A_245, %while3A_215 : i32
          %slice3A = vector.extract_strided_slice %get3A_241 {offsets = [0], sizes = [1], strides = [1]} : vector<16xi32> to vector<1xi32>
          %squeeze3A = vector.extract %slice3A[0] : i32 from vector<1xi32>
          %shift_right_logical3A_247 = arith.constant 14 : i32
          %shift_right_logical3A_248 = arith.shrui %squeeze3A, %shift_right_logical3A_247 : i32
          %and3A_249 = arith.constant 511 : i32
          %and3A_250 = arith.andi %shift_right_logical3A_248, %and3A_249 : i32
          %add3A_251 = arith.constant 0 : i32
          %add3A_252 = arith.addi %while3A_238, %add3A_251 : i32
          %and3A_253 = arith.constant 15 : i32
          %and3A_254 = arith.andi %add3A_252, %and3A_253 : i32
          %add3A_255 = arith.constant 0 : i32
          %add3A_256 = arith.addi %while3A_238, %add3A_255 : i32
          %ge3A_257 = arith.constant 16 : i32
          %ge3A_258 = arith.cmpi sge, %add3A_256, %ge3A_257 : i32
          %and3A_259 = arith.andi %lt3A_246, %ge3A_258 : i1
          %convert_element_type3A_260 = arith.extui %and3A_259 : i1 to i32
          %cond3A_261 = arith.constant 0 : i32
          %cond3A_262 = arith.cmpi ne, %convert_element_type3A_260, %cond3A_261 : i32
          scf.if %cond3A_262 {
            %dma_wait3A = arith.constant 0 : i32
            %dma_wait3A_1508 = tpu.memref_slice %arg10[%and3A_254, %dma_wait3A] : memref<16x64xf32, #tpu.memory_space<vmem>> -> memref<1x64xf32, #tpu.memory_space<vmem>>
            %dma_wait3A_1509 = arith.constant 0 : i32
            %dma_wait3A_1510 = arith.constant 0 : i32
            %dma_wait3A_1511 = tpu.memref_slice %arg5[%dma_wait3A_1509, %dma_wait3A_1510] : memref<16384x64xf32, #tpu.memory_space<hbm>> -> memref<1x64xf32, #tpu.memory_space<hbm>>
            %dma_wait3A_1512 = arith.constant 0 : i32
            %dma_wait3A_1513 = tpu.memref_slice %arg10[%and3A_254, %dma_wait3A_1512] : memref<16x64xf32, #tpu.memory_space<vmem>> -> memref<1x64xf32, #tpu.memory_space<vmem>>
            %dma_wait3A_1514 = arith.constant 0 : i32
            %dma_wait3A_1515 = arith.constant 0 : i32
            %dma_wait3A_1516 = tpu.memref_slice %arg5[%dma_wait3A_1514, %dma_wait3A_1515] : memref<16384x64xf32, #tpu.memory_space<hbm>> -> memref<1x64xf32, #tpu.memory_space<hbm>>
            tpu.wait_dma2 semaphore(%arg12 : memref<!tpu.dma_semaphore, #tpu.memory_space<semaphore_mem>>) src(%dma_wait3A_1516 : memref<1x64xf32, #tpu.memory_space<hbm>>) dst(%dma_wait3A_1513 : memref<1x64xf32, #tpu.memory_space<vmem>>)
          } else {
          }
          %broadcast_in_dim3A_263 = vector.broadcast %and3A_250 : i32 to vector<16xi32>
          %and3A_264 = arith.constant 1 : i32
          %and3A_265 = arith.andi %add3A_196, %and3A_264 : i32
          %add3A_266 = arith.constant 0 : i32
          %add3A_267 = vector.broadcast %add3A_266 : i32 to vector<16xi32>
          %add3A_268 = arith.addi %iota3A, %add3A_267 : vector<16xi32>
          %gather3A = arith.constant 0 : i32
          %gather3A_269 = arith.constant 0 : i32
          %gather3A_270 = tpu.memref_slice %arg9[%and3A_265, %gather3A, %gather3A_269] : memref<2x64x512xf32, #tpu.memory_space<vmem>> -> memref<1x64x512xf32, #tpu.memory_space<vmem>>
          %gather3A_271 = tpu.memref_squeeze %gather3A_270 : memref<1x64x512xf32, #tpu.memory_space<vmem>> -> memref<64x512xf32, #tpu.memory_space<vmem>>
          %gather3A_272 = tpu.vector_load_idx %gather3A_271[%add3A_268, %broadcast_in_dim3A_263] : memref<64x512xf32, #tpu.memory_space<vmem>>[vector<16xi32>, vector<16xi32>], vector<16xf32>,
          %swap3A = arith.index_cast %and3A_254 : i32 to index
          %swap3A_273 = arith.constant 0 : index
          %swap3A_274 = tpu.vector_load %arg10[%swap3A, %swap3A_273] {strides = array<i32>} : memref<16x64xf32, #tpu.memory_space<vmem>>, vector<16xf32>,
          tpu.vector_store %arg10[%swap3A, %swap3A_273], %gather3A_272 {strides = array<i32>} : memref<16x64xf32, #tpu.memory_space<vmem>>, vector<16xf32>,
          %and3A_275 = arith.constant 1 : i32
          %and3A_276 = arith.andi %add3A_196, %and3A_275 : i32
          %add3A_277 = arith.constant 16 : i32
          %add3A_278 = vector.broadcast %add3A_277 : i32 to vector<16xi32>
          %add3A_279 = arith.addi %iota3A, %add3A_278 : vector<16xi32>
          %gather3A_280 = arith.constant 0 : i32
          %gather3A_281 = arith.constant 0 : i32
          %gather3A_282 = tpu.memref_slice %arg9[%and3A_276, %gather3A_280, %gather3A_281] : memref<2x64x512xf32, #tpu.memory_space<vmem>> -> memref<1x64x512xf32, #tpu.memory_space<vmem>>
          %gather3A_283 = tpu.memref_squeeze %gather3A_282 : memref<1x64x512xf32, #tpu.memory_space<vmem>> -> memref<64x512xf32, #tpu.memory_space<vmem>>
          %gather3A_284 = tpu.vector_load_idx %gather3A_283[%add3A_279, %broadcast_in_dim3A_263] : memref<64x512xf32, #tpu.memory_space<vmem>>[vector<16xi32>, vector<16xi32>], vector<16xf32>,
          %swap3A_285 = arith.index_cast %and3A_254 : i32 to index
          %swap3A_286 = arith.constant 16 : index
          %swap3A_287 = tpu.vector_load %arg10[%swap3A_285, %swap3A_286] {strides = array<i32>} : memref<16x64xf32, #tpu.memory_space<vmem>>, vector<16xf32>,
          tpu.vector_store %arg10[%swap3A_285, %swap3A_286], %gather3A_284 {strides = array<i32>} : memref<16x64xf32, #tpu.memory_space<vmem>>, vector<16xf32>,
          %and3A_288 = arith.constant 1 : i32
          %and3A_289 = arith.andi %add3A_196, %and3A_288 : i32
          %add3A_290 = arith.constant 32 : i32
          %add3A_291 = vector.broadcast %add3A_290 : i32 to vector<16xi32>
          %add3A_292 = arith.addi %iota3A, %add3A_291 : vector<16xi32>
          %gather3A_293 = arith.constant 0 : i32
          %gather3A_294 = arith.constant 0 : i32
          %gather3A_295 = tpu.memref_slice %arg9[%and3A_289, %gather3A_293, %gather3A_294] : memref<2x64x512xf32, #tpu.memory_space<vmem>> -> memref<1x64x512xf32, #tpu.memory_space<vmem>>
          %gather3A_296 = tpu.memref_squeeze %gather3A_295 : memref<1x64x512xf32, #tpu.memory_space<vmem>> -> memref<64x512xf32, #tpu.memory_space<vmem>>
          %gather3A_297 = tpu.vector_load_idx %gather3A_296[%add3A_292, %broadcast_in_dim3A_263] : memref<64x512xf32, #tpu.memory_space<vmem>>[vector<16xi32>, vector<16xi32>], vector<16xf32>,
          %swap3A_298 = arith.index_cast %and3A_254 : i32 to index
          %swap3A_299 = arith.constant 32 : index
          %swap3A_300 = tpu.vector_load %arg10[%swap3A_298, %swap3A_299] {strides = array<i32>} : memref<16x64xf32, #tpu.memory_space<vmem>>, vector<16xf32>,
          tpu.vector_store %arg10[%swap3A_298, %swap3A_299], %gather3A_297 {strides = array<i32>} : memref<16x64xf32, #tpu.memory_space<vmem>>, vector<16xf32>,
          %and3A_301 = arith.constant 1 : i32
          %and3A_302 = arith.andi %add3A_196, %and3A_301 : i32
          %add3A_303 = arith.constant 48 : i32
          %add3A_304 = vector.broadcast %add3A_303 : i32 to vector<16xi32>
          %add3A_305 = arith.addi %iota3A, %add3A_304 : vector<16xi32>
          %gather3A_306 = arith.constant 0 : i32
          %gather3A_307 = arith.constant 0 : i32
          %gather3A_308 = tpu.memref_slice %arg9[%and3A_302, %gather3A_306, %gather3A_307] : memref<2x64x512xf32, #tpu.memory_space<vmem>> -> memref<1x64x512xf32, #tpu.memory_space<vmem>>
          %gather3A_309 = tpu.memref_squeeze %gather3A_308 : memref<1x64x512xf32, #tpu.memory_space<vmem>> -> memref<64x512xf32, #tpu.memory_space<vmem>>
          %gather3A_310 = tpu.vector_load_idx %gather3A_309[%add3A_305, %broadcast_in_dim3A_263] : memref<64x512xf32, #tpu.memory_space<vmem>>[vector<16xi32>, vector<16xi32>], vector<16xf32>,
          %swap3A_311 = arith.index_cast %and3A_254 : i32 to index
          %swap3A_312 = arith.constant 48 : index
          %swap3A_313 = tpu.vector_load %arg10[%swap3A_311, %swap3A_312] {strides = array<i32>} : memref<16x64xf32, #tpu.memory_space<vmem>>, vector<16xf32>,
          tpu.vector_store %arg10[%swap3A_311, %swap3A_312], %gather3A_310 {strides = array<i32>} : memref<16x64xf32, #tpu.memory_space<vmem>>, vector<16xf32>,
          %convert_element_type3A_314 = arith.extui %lt3A_246 : i1 to i32
          %cond3A_315 = arith.constant 0 : i32
          %cond3A_316 = arith.cmpi ne, %convert_element_type3A_314, %cond3A_315 : i32
          scf.if %cond3A_316 {
            %and3A_1508 = arith.constant 16383 : i32
            %and3A_1509 = arith.andi %squeeze3A, %and3A_1508 : i32
            %dma_start3A = arith.constant 0 : i32
            %dma_start3A_1510 = tpu.memref_slice %arg10[%and3A_254, %dma_start3A] : memref<16x64xf32, #tpu.memory_space<vmem>> -> memref<1x64xf32, #tpu.memory_space<vmem>>
            %dma_start3A_1511 = arith.constant 0 : i32
            %dma_start3A_1512 = tpu.memref_slice %arg5[%and3A_1509, %dma_start3A_1511] : memref<16384x64xf32, #tpu.memory_space<hbm>> -> memref<1x64xf32, #tpu.memory_space<hbm>>
            %dma_start3A_1513 = arith.constant 0 : i32
            %dma_start3A_1514 = tpu.memref_slice %arg5[%and3A_1509, %dma_start3A_1513] : memref<16384x64xf32, #tpu.memory_space<hbm>> -> memref<1x64xf32, #tpu.memory_space<hbm>>
            %dma_start3A_1515 = arith.constant 0 : i32
            %dma_start3A_1516 = tpu.memref_slice %arg10[%and3A_254, %dma_start3A_1515] : memref<16x64xf32, #tpu.memory_space<vmem>> -> memref<1x64xf32, #tpu.memory_space<vmem>>
            tpu.enqueue_dma source(%dma_start3A_1516 : memref<1x64xf32, #tpu.memory_space<vmem>>) target(%dma_start3A_1514 : memref<1x64xf32, #tpu.memory_space<hbm>>) target_semaphore(%arg12 : memref<!tpu.dma_semaphore, #tpu.memory_space<semaphore_mem>>)
          } else {
          }
          %mul3A_317 = arith.constant 16 : i32
          %mul3A_318 = arith.muli %while3A_237, %mul3A_317 : i32
          %add3A_319 = arith.constant 1 : i32
          %add3A_320 = arith.addi %mul3A_318, %add3A_319 : i32
          %lt3A_321 = arith.cmpi slt, %add3A_320, %while3A_215 : i32
          %slice3A_322 = vector.extract_strided_slice %get3A_241 {offsets = [1], sizes = [1], strides = [1]} : vector<16xi32> to vector<1xi32>
          %squeeze3A_323 = vector.extract %slice3A_322[0] : i32 from vector<1xi32>
          %shift_right_logical3A_324 = arith.constant 14 : i32
          %shift_right_logical3A_325 = arith.shrui %squeeze3A_323, %shift_right_logical3A_324 : i32
          %and3A_326 = arith.constant 511 : i32
          %and3A_327 = arith.andi %shift_right_logical3A_325, %and3A_326 : i32
          %add3A_328 = arith.constant 1 : i32
          %add3A_329 = arith.addi %while3A_238, %add3A_328 : i32
          %and3A_330 = arith.constant 15 : i32
          %and3A_331 = arith.andi %add3A_329, %and3A_330 : i32
          %add3A_332 = arith.constant 1 : i32
          %add3A_333 = arith.addi %while3A_238, %add3A_332 : i32
          %ge3A_334 = arith.constant 16 : i32
          %ge3A_335 = arith.cmpi sge, %add3A_333, %ge3A_334 : i32
          %and3A_336 = arith.andi %lt3A_321, %ge3A_335 : i1
          %convert_element_type3A_337 = arith.extui %and3A_336 : i1 to i32
          %cond3A_338 = arith.constant 0 : i32
          %cond3A_339 = arith.cmpi ne, %convert_element_type3A_337, %cond3A_338 : i32
          scf.if %cond3A_339 {
            %dma_wait3A = arith.constant 0 : i32
            %dma_wait3A_1508 = tpu.memref_slice %arg10[%and3A_331, %dma_wait3A] : memref<16x64xf32, #tpu.memory_space<vmem>> -> memref<1x64xf32, #tpu.memory_space<vmem>>
            %dma_wait3A_1509 = arith.constant 0 : i32
            %dma_wait3A_1510 = arith.constant 0 : i32
            %dma_wait3A_1511 = tpu.memref_slice %arg5[%dma_wait3A_1509, %dma_wait3A_1510] : memref<16384x64xf32, #tpu.memory_space<hbm>> -> memref<1x64xf32, #tpu.memory_space<hbm>>
            %dma_wait3A_1512 = arith.constant 0 : i32
            %dma_wait3A_1513 = tpu.memref_slice %arg10[%and3A_331, %dma_wait3A_1512] : memref<16x64xf32, #tpu.memory_space<vmem>> -> memref<1x64xf32, #tpu.memory_space<vmem>>
            %dma_wait3A_1514 = arith.constant 0 : i32
            %dma_wait3A_1515 = arith.constant 0 : i32
            %dma_wait3A_1516 = tpu.memref_slice %arg5[%dma_wait3A_1514, %dma_wait3A_1515] : memref<16384x64xf32, #tpu.memory_space<hbm>> -> memref<1x64xf32, #tpu.memory_space<hbm>>
            tpu.wait_dma2 semaphore(%arg12 : memref<!tpu.dma_semaphore, #tpu.memory_space<semaphore_mem>>) src(%dma_wait3A_1516 : memref<1x64xf32, #tpu.memory_space<hbm>>) dst(%dma_wait3A_1513 : memref<1x64xf32, #tpu.memory_space<vmem>>)
          } else {
          }
          %broadcast_in_dim3A_340 = vector.broadcast %and3A_327 : i32 to vector<16xi32>
          %and3A_341 = arith.constant 1 : i32
          %and3A_342 = arith.andi %add3A_196, %and3A_341 : i32
          %add3A_343 = arith.constant 0 : i32
          %add3A_344 = vector.broadcast %add3A_343 : i32 to vector<16xi32>
          %add3A_345 = arith.addi %iota3A, %add3A_344 : vector<16xi32>
          %gather3A_346 = arith.constant 0 : i32
          %gather3A_347 = arith.constant 0 : i32
          %gather3A_348 = tpu.memref_slice %arg9[%and3A_342, %gather3A_346, %gather3A_347] : memref<2x64x512xf32, #tpu.memory_space<vmem>> -> memref<1x64x512xf32, #tpu.memory_space<vmem>>
          %gather3A_349 = tpu.memref_squeeze %gather3A_348 : memref<1x64x512xf32, #tpu.memory_space<vmem>> -> memref<64x512xf32, #tpu.memory_space<vmem>>
          %gather3A_350 = tpu.vector_load_idx %gather3A_349[%add3A_345, %broadcast_in_dim3A_340] : memref<64x512xf32, #tpu.memory_space<vmem>>[vector<16xi32>, vector<16xi32>], vector<16xf32>,
          %swap3A_351 = arith.index_cast %and3A_331 : i32 to index
          %swap3A_352 = arith.constant 0 : index
          %swap3A_353 = tpu.vector_load %arg10[%swap3A_351, %swap3A_352] {strides = array<i32>} : memref<16x64xf32, #tpu.memory_space<vmem>>, vector<16xf32>,
          tpu.vector_store %arg10[%swap3A_351, %swap3A_352], %gather3A_350 {strides = array<i32>} : memref<16x64xf32, #tpu.memory_space<vmem>>, vector<16xf32>,
          %and3A_354 = arith.constant 1 : i32
          %and3A_355 = arith.andi %add3A_196, %and3A_354 : i32
          %add3A_356 = arith.constant 16 : i32
          %add3A_357 = vector.broadcast %add3A_356 : i32 to vector<16xi32>
          %add3A_358 = arith.addi %iota3A, %add3A_357 : vector<16xi32>
          %gather3A_359 = arith.constant 0 : i32
          %gather3A_360 = arith.constant 0 : i32
          %gather3A_361 = tpu.memref_slice %arg9[%and3A_355, %gather3A_359, %gather3A_360] : memref<2x64x512xf32, #tpu.memory_space<vmem>> -> memref<1x64x512xf32, #tpu.memory_space<vmem>>
          %gather3A_362 = tpu.memref_squeeze %gather3A_361 : memref<1x64x512xf32, #tpu.memory_space<vmem>> -> memref<64x512xf32, #tpu.memory_space<vmem>>
          %gather3A_363 = tpu.vector_load_idx %gather3A_362[%add3A_358, %broadcast_in_dim3A_340] : memref<64x512xf32, #tpu.memory_space<vmem>>[vector<16xi32>, vector<16xi32>], vector<16xf32>,
          %swap3A_364 = arith.index_cast %and3A_331 : i32 to index
          %swap3A_365 = arith.constant 16 : index
          %swap3A_366 = tpu.vector_load %arg10[%swap3A_364, %swap3A_365] {strides = array<i32>} : memref<16x64xf32, #tpu.memory_space<vmem>>, vector<16xf32>,
          tpu.vector_store %arg10[%swap3A_364, %swap3A_365], %gather3A_363 {strides = array<i32>} : memref<16x64xf32, #tpu.memory_space<vmem>>, vector<16xf32>,
          %and3A_367 = arith.constant 1 : i32
          %and3A_368 = arith.andi %add3A_196, %and3A_367 : i32
          %add3A_369 = arith.constant 32 : i32
          %add3A_370 = vector.broadcast %add3A_369 : i32 to vector<16xi32>
          %add3A_371 = arith.addi %iota3A, %add3A_370 : vector<16xi32>
          %gather3A_372 = arith.constant 0 : i32
          %gather3A_373 = arith.constant 0 : i32
          %gather3A_374 = tpu.memref_slice %arg9[%and3A_368, %gather3A_372, %gather3A_373] : memref<2x64x512xf32, #tpu.memory_space<vmem>> -> memref<1x64x512xf32, #tpu.memory_space<vmem>>
          %gather3A_375 = tpu.memref_squeeze %gather3A_374 : memref<1x64x512xf32, #tpu.memory_space<vmem>> -> memref<64x512xf32, #tpu.memory_space<vmem>>
          %gather3A_376 = tpu.vector_load_idx %gather3A_375[%add3A_371, %broadcast_in_dim3A_340] : memref<64x512xf32, #tpu.memory_space<vmem>>[vector<16xi32>, vector<16xi32>], vector<16xf32>,
          %swap3A_377 = arith.index_cast %and3A_331 : i32 to index
          %swap3A_378 = arith.constant 32 : index
          %swap3A_379 = tpu.vector_load %arg10[%swap3A_377, %swap3A_378] {strides = array<i32>} : memref<16x64xf32, #tpu.memory_space<vmem>>, vector<16xf32>,
          tpu.vector_store %arg10[%swap3A_377, %swap3A_378], %gather3A_376 {strides = array<i32>} : memref<16x64xf32, #tpu.memory_space<vmem>>, vector<16xf32>,
          %and3A_380 = arith.constant 1 : i32
          %and3A_381 = arith.andi %add3A_196, %and3A_380 : i32
          %add3A_382 = arith.constant 48 : i32
          %add3A_383 = vector.broadcast %add3A_382 : i32 to vector<16xi32>
          %add3A_384 = arith.addi %iota3A, %add3A_383 : vector<16xi32>
          %gather3A_385 = arith.constant 0 : i32
          %gather3A_386 = arith.constant 0 : i32
          %gather3A_387 = tpu.memref_slice %arg9[%and3A_381, %gather3A_385, %gather3A_386] : memref<2x64x512xf32, #tpu.memory_space<vmem>> -> memref<1x64x512xf32, #tpu.memory_space<vmem>>
          %gather3A_388 = tpu.memref_squeeze %gather3A_387 : memref<1x64x512xf32, #tpu.memory_space<vmem>> -> memref<64x512xf32, #tpu.memory_space<vmem>>
          %gather3A_389 = tpu.vector_load_idx %gather3A_388[%add3A_384, %broadcast_in_dim3A_340] : memref<64x512xf32, #tpu.memory_space<vmem>>[vector<16xi32>, vector<16xi32>], vector<16xf32>,
          %swap3A_390 = arith.index_cast %and3A_331 : i32 to index
          %swap3A_391 = arith.constant 48 : index
          %swap3A_392 = tpu.vector_load %arg10[%swap3A_390, %swap3A_391] {strides = array<i32>} : memref<16x64xf32, #tpu.memory_space<vmem>>, vector<16xf32>,
          tpu.vector_store %arg10[%swap3A_390, %swap3A_391], %gather3A_389 {strides = array<i32>} : memref<16x64xf32, #tpu.memory_space<vmem>>, vector<16xf32>,
          %convert_element_type3A_393 = arith.extui %lt3A_321 : i1 to i32
          %cond3A_394 = arith.constant 0 : i32
          %cond3A_395 = arith.cmpi ne, %convert_element_type3A_393, %cond3A_394 : i32
          scf.if %cond3A_395 {
            %and3A_1508 = arith.constant 16383 : i32
            %and3A_1509 = arith.andi %squeeze3A_323, %and3A_1508 : i32
            %dma_start3A = arith.constant 0 : i32
            %dma_start3A_1510 = tpu.memref_slice %arg10[%and3A_331, %dma_start3A] : memref<16x64xf32, #tpu.memory_space<vmem>> -> memref<1x64xf32, #tpu.memory_space<vmem>>
            %dma_start3A_1511 = arith.constant 0 : i32
            %dma_start3A_1512 = tpu.memref_slice %arg5[%and3A_1509, %dma_start3A_1511] : memref<16384x64xf32, #tpu.memory_space<hbm>> -> memref<1x64xf32, #tpu.memory_space<hbm>>
            %dma_start3A_1513 = arith.constant 0 : i32
            %dma_start3A_1514 = tpu.memref_slice %arg5[%and3A_1509, %dma_start3A_1513] : memref<16384x64xf32, #tpu.memory_space<hbm>> -> memref<1x64xf32, #tpu.memory_space<hbm>>
            %dma_start3A_1515 = arith.constant 0 : i32
            %dma_start3A_1516 = tpu.memref_slice %arg10[%and3A_331, %dma_start3A_1515] : memref<16x64xf32, #tpu.memory_space<vmem>> -> memref<1x64xf32, #tpu.memory_space<vmem>>
            tpu.enqueue_dma source(%dma_start3A_1516 : memref<1x64xf32, #tpu.memory_space<vmem>>) target(%dma_start3A_1514 : memref<1x64xf32, #tpu.memory_space<hbm>>) target_semaphore(%arg12 : memref<!tpu.dma_semaphore, #tpu.memory_space<semaphore_mem>>)
          } else {
          }
          %mul3A_396 = arith.constant 16 : i32
          %mul3A_397 = arith.muli %while3A_237, %mul3A_396 : i32
          %add3A_398 = arith.constant 2 : i32
          %add3A_399 = arith.addi %mul3A_397, %add3A_398 : i32
          %lt3A_400 = arith.cmpi slt, %add3A_399, %while3A_215 : i32
          %slice3A_401 = vector.extract_strided_slice %get3A_241 {offsets = [2], sizes = [1], strides = [1]} : vector<16xi32> to vector<1xi32>
          %squeeze3A_402 = vector.extract %slice3A_401[0] : i32 from vector<1xi32>
          %shift_right_logical3A_403 = arith.constant 14 : i32
          %shift_right_logical3A_404 = arith.shrui %squeeze3A_402, %shift_right_logical3A_403 : i32
          %and3A_405 = arith.constant 511 : i32
          %and3A_406 = arith.andi %shift_right_logical3A_404, %and3A_405 : i32
          %add3A_407 = arith.constant 2 : i32
          %add3A_408 = arith.addi %while3A_238, %add3A_407 : i32
          %and3A_409 = arith.constant 15 : i32
          %and3A_410 = arith.andi %add3A_408, %and3A_409 : i32
          %add3A_411 = arith.constant 2 : i32
          %add3A_412 = arith.addi %while3A_238, %add3A_411 : i32
          %ge3A_413 = arith.constant 16 : i32
          %ge3A_414 = arith.cmpi sge, %add3A_412, %ge3A_413 : i32
          %and3A_415 = arith.andi %lt3A_400, %ge3A_414 : i1
          %convert_element_type3A_416 = arith.extui %and3A_415 : i1 to i32
          %cond3A_417 = arith.constant 0 : i32
          %cond3A_418 = arith.cmpi ne, %convert_element_type3A_416, %cond3A_417 : i32
          scf.if %cond3A_418 {
            %dma_wait3A = arith.constant 0 : i32
            %dma_wait3A_1508 = tpu.memref_slice %arg10[%and3A_410, %dma_wait3A] : memref<16x64xf32, #tpu.memory_space<vmem>> -> memref<1x64xf32, #tpu.memory_space<vmem>>
            %dma_wait3A_1509 = arith.constant 0 : i32
            %dma_wait3A_1510 = arith.constant 0 : i32
            %dma_wait3A_1511 = tpu.memref_slice %arg5[%dma_wait3A_1509, %dma_wait3A_1510] : memref<16384x64xf32, #tpu.memory_space<hbm>> -> memref<1x64xf32, #tpu.memory_space<hbm>>
            %dma_wait3A_1512 = arith.constant 0 : i32
            %dma_wait3A_1513 = tpu.memref_slice %arg10[%and3A_410, %dma_wait3A_1512] : memref<16x64xf32, #tpu.memory_space<vmem>> -> memref<1x64xf32, #tpu.memory_space<vmem>>
            %dma_wait3A_1514 = arith.constant 0 : i32
            %dma_wait3A_1515 = arith.constant 0 : i32
            %dma_wait3A_1516 = tpu.memref_slice %arg5[%dma_wait3A_1514, %dma_wait3A_1515] : memref<16384x64xf32, #tpu.memory_space<hbm>> -> memref<1x64xf32, #tpu.memory_space<hbm>>
            tpu.wait_dma2 semaphore(%arg12 : memref<!tpu.dma_semaphore, #tpu.memory_space<semaphore_mem>>) src(%dma_wait3A_1516 : memref<1x64xf32, #tpu.memory_space<hbm>>) dst(%dma_wait3A_1513 : memref<1x64xf32, #tpu.memory_space<vmem>>)
          } else {
          }
          %broadcast_in_dim3A_419 = vector.broadcast %and3A_406 : i32 to vector<16xi32>
          %and3A_420 = arith.constant 1 : i32
          %and3A_421 = arith.andi %add3A_196, %and3A_420 : i32
          %add3A_422 = arith.constant 0 : i32
          %add3A_423 = vector.broadcast %add3A_422 : i32 to vector<16xi32>
          %add3A_424 = arith.addi %iota3A, %add3A_423 : vector<16xi32>
          %gather3A_425 = arith.constant 0 : i32
          %gather3A_426 = arith.constant 0 : i32
          %gather3A_427 = tpu.memref_slice %arg9[%and3A_421, %gather3A_425, %gather3A_426] : memref<2x64x512xf32, #tpu.memory_space<vmem>> -> memref<1x64x512xf32, #tpu.memory_space<vmem>>
          %gather3A_428 = tpu.memref_squeeze %gather3A_427 : memref<1x64x512xf32, #tpu.memory_space<vmem>> -> memref<64x512xf32, #tpu.memory_space<vmem>>
          %gather3A_429 = tpu.vector_load_idx %gather3A_428[%add3A_424, %broadcast_in_dim3A_419] : memref<64x512xf32, #tpu.memory_space<vmem>>[vector<16xi32>, vector<16xi32>], vector<16xf32>,
          %swap3A_430 = arith.index_cast %and3A_410 : i32 to index
          %swap3A_431 = arith.constant 0 : index
          %swap3A_432 = tpu.vector_load %arg10[%swap3A_430, %swap3A_431] {strides = array<i32>} : memref<16x64xf32, #tpu.memory_space<vmem>>, vector<16xf32>,
          tpu.vector_store %arg10[%swap3A_430, %swap3A_431], %gather3A_429 {strides = array<i32>} : memref<16x64xf32, #tpu.memory_space<vmem>>, vector<16xf32>,
          %and3A_433 = arith.constant 1 : i32
          %and3A_434 = arith.andi %add3A_196, %and3A_433 : i32
          %add3A_435 = arith.constant 16 : i32
          %add3A_436 = vector.broadcast %add3A_435 : i32 to vector<16xi32>
          %add3A_437 = arith.addi %iota3A, %add3A_436 : vector<16xi32>
          %gather3A_438 = arith.constant 0 : i32
          %gather3A_439 = arith.constant 0 : i32
          %gather3A_440 = tpu.memref_slice %arg9[%and3A_434, %gather3A_438, %gather3A_439] : memref<2x64x512xf32, #tpu.memory_space<vmem>> -> memref<1x64x512xf32, #tpu.memory_space<vmem>>
          %gather3A_441 = tpu.memref_squeeze %gather3A_440 : memref<1x64x512xf32, #tpu.memory_space<vmem>> -> memref<64x512xf32, #tpu.memory_space<vmem>>
          %gather3A_442 = tpu.vector_load_idx %gather3A_441[%add3A_437, %broadcast_in_dim3A_419] : memref<64x512xf32, #tpu.memory_space<vmem>>[vector<16xi32>, vector<16xi32>], vector<16xf32>,
          %swap3A_443 = arith.index_cast %and3A_410 : i32 to index
          %swap3A_444 = arith.constant 16 : index
          %swap3A_445 = tpu.vector_load %arg10[%swap3A_443, %swap3A_444] {strides = array<i32>} : memref<16x64xf32, #tpu.memory_space<vmem>>, vector<16xf32>,
          tpu.vector_store %arg10[%swap3A_443, %swap3A_444], %gather3A_442 {strides = array<i32>} : memref<16x64xf32, #tpu.memory_space<vmem>>, vector<16xf32>,
          %and3A_446 = arith.constant 1 : i32
          %and3A_447 = arith.andi %add3A_196, %and3A_446 : i32
          %add3A_448 = arith.constant 32 : i32
          %add3A_449 = vector.broadcast %add3A_448 : i32 to vector<16xi32>
          %add3A_450 = arith.addi %iota3A, %add3A_449 : vector<16xi32>
          %gather3A_451 = arith.constant 0 : i32
          %gather3A_452 = arith.constant 0 : i32
          %gather3A_453 = tpu.memref_slice %arg9[%and3A_447, %gather3A_451, %gather3A_452] : memref<2x64x512xf32, #tpu.memory_space<vmem>> -> memref<1x64x512xf32, #tpu.memory_space<vmem>>
          %gather3A_454 = tpu.memref_squeeze %gather3A_453 : memref<1x64x512xf32, #tpu.memory_space<vmem>> -> memref<64x512xf32, #tpu.memory_space<vmem>>
          %gather3A_455 = tpu.vector_load_idx %gather3A_454[%add3A_450, %broadcast_in_dim3A_419] : memref<64x512xf32, #tpu.memory_space<vmem>>[vector<16xi32>, vector<16xi32>], vector<16xf32>,
          %swap3A_456 = arith.index_cast %and3A_410 : i32 to index
          %swap3A_457 = arith.constant 32 : index
          %swap3A_458 = tpu.vector_load %arg10[%swap3A_456, %swap3A_457] {strides = array<i32>} : memref<16x64xf32, #tpu.memory_space<vmem>>, vector<16xf32>,
          tpu.vector_store %arg10[%swap3A_456, %swap3A_457], %gather3A_455 {strides = array<i32>} : memref<16x64xf32, #tpu.memory_space<vmem>>, vector<16xf32>,
          %and3A_459 = arith.constant 1 : i32
          %and3A_460 = arith.andi %add3A_196, %and3A_459 : i32
          %add3A_461 = arith.constant 48 : i32
          %add3A_462 = vector.broadcast %add3A_461 : i32 to vector<16xi32>
          %add3A_463 = arith.addi %iota3A, %add3A_462 : vector<16xi32>
          %gather3A_464 = arith.constant 0 : i32
          %gather3A_465 = arith.constant 0 : i32
          %gather3A_466 = tpu.memref_slice %arg9[%and3A_460, %gather3A_464, %gather3A_465] : memref<2x64x512xf32, #tpu.memory_space<vmem>> -> memref<1x64x512xf32, #tpu.memory_space<vmem>>
          %gather3A_467 = tpu.memref_squeeze %gather3A_466 : memref<1x64x512xf32, #tpu.memory_space<vmem>> -> memref<64x512xf32, #tpu.memory_space<vmem>>
          %gather3A_468 = tpu.vector_load_idx %gather3A_467[%add3A_463, %broadcast_in_dim3A_419] : memref<64x512xf32, #tpu.memory_space<vmem>>[vector<16xi32>, vector<16xi32>], vector<16xf32>,
          %swap3A_469 = arith.index_cast %and3A_410 : i32 to index
          %swap3A_470 = arith.constant 48 : index
          %swap3A_471 = tpu.vector_load %arg10[%swap3A_469, %swap3A_470] {strides = array<i32>} : memref<16x64xf32, #tpu.memory_space<vmem>>, vector<16xf32>,
          tpu.vector_store %arg10[%swap3A_469, %swap3A_470], %gather3A_468 {strides = array<i32>} : memref<16x64xf32, #tpu.memory_space<vmem>>, vector<16xf32>,
          %convert_element_type3A_472 = arith.extui %lt3A_400 : i1 to i32
          %cond3A_473 = arith.constant 0 : i32
          %cond3A_474 = arith.cmpi ne, %convert_element_type3A_472, %cond3A_473 : i32
          scf.if %cond3A_474 {
            %and3A_1508 = arith.constant 16383 : i32
            %and3A_1509 = arith.andi %squeeze3A_402, %and3A_1508 : i32
            %dma_start3A = arith.constant 0 : i32
            %dma_start3A_1510 = tpu.memref_slice %arg10[%and3A_410, %dma_start3A] : memref<16x64xf32, #tpu.memory_space<vmem>> -> memref<1x64xf32, #tpu.memory_space<vmem>>
            %dma_start3A_1511 = arith.constant 0 : i32
            %dma_start3A_1512 = tpu.memref_slice %arg5[%and3A_1509, %dma_start3A_1511] : memref<16384x64xf32, #tpu.memory_space<hbm>> -> memref<1x64xf32, #tpu.memory_space<hbm>>
            %dma_start3A_1513 = arith.constant 0 : i32
            %dma_start3A_1514 = tpu.memref_slice %arg5[%and3A_1509, %dma_start3A_1513] : memref<16384x64xf32, #tpu.memory_space<hbm>> -> memref<1x64xf32, #tpu.memory_space<hbm>>
            %dma_start3A_1515 = arith.constant 0 : i32
            %dma_start3A_1516 = tpu.memref_slice %arg10[%and3A_410, %dma_start3A_1515] : memref<16x64xf32, #tpu.memory_space<vmem>> -> memref<1x64xf32, #tpu.memory_space<vmem>>
            tpu.enqueue_dma source(%dma_start3A_1516 : memref<1x64xf32, #tpu.memory_space<vmem>>) target(%dma_start3A_1514 : memref<1x64xf32, #tpu.memory_space<hbm>>) target_semaphore(%arg12 : memref<!tpu.dma_semaphore, #tpu.memory_space<semaphore_mem>>)
          } else {
          }
          %mul3A_475 = arith.constant 16 : i32
          %mul3A_476 = arith.muli %while3A_237, %mul3A_475 : i32
          %add3A_477 = arith.constant 3 : i32
          %add3A_478 = arith.addi %mul3A_476, %add3A_477 : i32
          %lt3A_479 = arith.cmpi slt, %add3A_478, %while3A_215 : i32
          %slice3A_480 = vector.extract_strided_slice %get3A_241 {offsets = [3], sizes = [1], strides = [1]} : vector<16xi32> to vector<1xi32>
          %squeeze3A_481 = vector.extract %slice3A_480[0] : i32 from vector<1xi32>
          %shift_right_logical3A_482 = arith.constant 14 : i32
          %shift_right_logical3A_483 = arith.shrui %squeeze3A_481, %shift_right_logical3A_482 : i32
          %and3A_484 = arith.constant 511 : i32
          %and3A_485 = arith.andi %shift_right_logical3A_483, %and3A_484 : i32
          %add3A_486 = arith.constant 3 : i32
          %add3A_487 = arith.addi %while3A_238, %add3A_486 : i32
          %and3A_488 = arith.constant 15 : i32
          %and3A_489 = arith.andi %add3A_487, %and3A_488 : i32
          %add3A_490 = arith.constant 3 : i32
          %add3A_491 = arith.addi %while3A_238, %add3A_490 : i32
          %ge3A_492 = arith.constant 16 : i32
          %ge3A_493 = arith.cmpi sge, %add3A_491, %ge3A_492 : i32
          %and3A_494 = arith.andi %lt3A_479, %ge3A_493 : i1
          %convert_element_type3A_495 = arith.extui %and3A_494 : i1 to i32
          %cond3A_496 = arith.constant 0 : i32
          %cond3A_497 = arith.cmpi ne, %convert_element_type3A_495, %cond3A_496 : i32
          scf.if %cond3A_497 {
            %dma_wait3A = arith.constant 0 : i32
            %dma_wait3A_1508 = tpu.memref_slice %arg10[%and3A_489, %dma_wait3A] : memref<16x64xf32, #tpu.memory_space<vmem>> -> memref<1x64xf32, #tpu.memory_space<vmem>>
            %dma_wait3A_1509 = arith.constant 0 : i32
            %dma_wait3A_1510 = arith.constant 0 : i32
            %dma_wait3A_1511 = tpu.memref_slice %arg5[%dma_wait3A_1509, %dma_wait3A_1510] : memref<16384x64xf32, #tpu.memory_space<hbm>> -> memref<1x64xf32, #tpu.memory_space<hbm>>
            %dma_wait3A_1512 = arith.constant 0 : i32
            %dma_wait3A_1513 = tpu.memref_slice %arg10[%and3A_489, %dma_wait3A_1512] : memref<16x64xf32, #tpu.memory_space<vmem>> -> memref<1x64xf32, #tpu.memory_space<vmem>>
            %dma_wait3A_1514 = arith.constant 0 : i32
            %dma_wait3A_1515 = arith.constant 0 : i32
            %dma_wait3A_1516 = tpu.memref_slice %arg5[%dma_wait3A_1514, %dma_wait3A_1515] : memref<16384x64xf32, #tpu.memory_space<hbm>> -> memref<1x64xf32, #tpu.memory_space<hbm>>
            tpu.wait_dma2 semaphore(%arg12 : memref<!tpu.dma_semaphore, #tpu.memory_space<semaphore_mem>>) src(%dma_wait3A_1516 : memref<1x64xf32, #tpu.memory_space<hbm>>) dst(%dma_wait3A_1513 : memref<1x64xf32, #tpu.memory_space<vmem>>)
          } else {
          }
          %broadcast_in_dim3A_498 = vector.broadcast %and3A_485 : i32 to vector<16xi32>
          %and3A_499 = arith.constant 1 : i32
          %and3A_500 = arith.andi %add3A_196, %and3A_499 : i32
          %add3A_501 = arith.constant 0 : i32
          %add3A_502 = vector.broadcast %add3A_501 : i32 to vector<16xi32>
          %add3A_503 = arith.addi %iota3A, %add3A_502 : vector<16xi32>
          %gather3A_504 = arith.constant 0 : i32
          %gather3A_505 = arith.constant 0 : i32
          %gather3A_506 = tpu.memref_slice %arg9[%and3A_500, %gather3A_504, %gather3A_505] : memref<2x64x512xf32, #tpu.memory_space<vmem>> -> memref<1x64x512xf32, #tpu.memory_space<vmem>>
          %gather3A_507 = tpu.memref_squeeze %gather3A_506 : memref<1x64x512xf32, #tpu.memory_space<vmem>> -> memref<64x512xf32, #tpu.memory_space<vmem>>
          %gather3A_508 = tpu.vector_load_idx %gather3A_507[%add3A_503, %broadcast_in_dim3A_498] : memref<64x512xf32, #tpu.memory_space<vmem>>[vector<16xi32>, vector<16xi32>], vector<16xf32>,
          %swap3A_509 = arith.index_cast %and3A_489 : i32 to index
          %swap3A_510 = arith.constant 0 : index
          %swap3A_511 = tpu.vector_load %arg10[%swap3A_509, %swap3A_510] {strides = array<i32>} : memref<16x64xf32, #tpu.memory_space<vmem>>, vector<16xf32>,
          tpu.vector_store %arg10[%swap3A_509, %swap3A_510], %gather3A_508 {strides = array<i32>} : memref<16x64xf32, #tpu.memory_space<vmem>>, vector<16xf32>,
          %and3A_512 = arith.constant 1 : i32
          %and3A_513 = arith.andi %add3A_196, %and3A_512 : i32
          %add3A_514 = arith.constant 16 : i32
          %add3A_515 = vector.broadcast %add3A_514 : i32 to vector<16xi32>
          %add3A_516 = arith.addi %iota3A, %add3A_515 : vector<16xi32>
          %gather3A_517 = arith.constant 0 : i32
          %gather3A_518 = arith.constant 0 : i32
          %gather3A_519 = tpu.memref_slice %arg9[%and3A_513, %gather3A_517, %gather3A_518] : memref<2x64x512xf32, #tpu.memory_space<vmem>> -> memref<1x64x512xf32, #tpu.memory_space<vmem>>
          %gather3A_520 = tpu.memref_squeeze %gather3A_519 : memref<1x64x512xf32, #tpu.memory_space<vmem>> -> memref<64x512xf32, #tpu.memory_space<vmem>>
          %gather3A_521 = tpu.vector_load_idx %gather3A_520[%add3A_516, %broadcast_in_dim3A_498] : memref<64x512xf32, #tpu.memory_space<vmem>>[vector<16xi32>, vector<16xi32>], vector<16xf32>,
          %swap3A_522 = arith.index_cast %and3A_489 : i32 to index
          %swap3A_523 = arith.constant 16 : index
          %swap3A_524 = tpu.vector_load %arg10[%swap3A_522, %swap3A_523] {strides = array<i32>} : memref<16x64xf32, #tpu.memory_space<vmem>>, vector<16xf32>,
          tpu.vector_store %arg10[%swap3A_522, %swap3A_523], %gather3A_521 {strides = array<i32>} : memref<16x64xf32, #tpu.memory_space<vmem>>, vector<16xf32>,
          %and3A_525 = arith.constant 1 : i32
          %and3A_526 = arith.andi %add3A_196, %and3A_525 : i32
          %add3A_527 = arith.constant 32 : i32
          %add3A_528 = vector.broadcast %add3A_527 : i32 to vector<16xi32>
          %add3A_529 = arith.addi %iota3A, %add3A_528 : vector<16xi32>
          %gather3A_530 = arith.constant 0 : i32
          %gather3A_531 = arith.constant 0 : i32
          %gather3A_532 = tpu.memref_slice %arg9[%and3A_526, %gather3A_530, %gather3A_531] : memref<2x64x512xf32, #tpu.memory_space<vmem>> -> memref<1x64x512xf32, #tpu.memory_space<vmem>>
          %gather3A_533 = tpu.memref_squeeze %gather3A_532 : memref<1x64x512xf32, #tpu.memory_space<vmem>> -> memref<64x512xf32, #tpu.memory_space<vmem>>
          %gather3A_534 = tpu.vector_load_idx %gather3A_533[%add3A_529, %broadcast_in_dim3A_498] : memref<64x512xf32, #tpu.memory_space<vmem>>[vector<16xi32>, vector<16xi32>], vector<16xf32>,
          %swap3A_535 = arith.index_cast %and3A_489 : i32 to index
          %swap3A_536 = arith.constant 32 : index
          %swap3A_537 = tpu.vector_load %arg10[%swap3A_535, %swap3A_536] {strides = array<i32>} : memref<16x64xf32, #tpu.memory_space<vmem>>, vector<16xf32>,
          tpu.vector_store %arg10[%swap3A_535, %swap3A_536], %gather3A_534 {strides = array<i32>} : memref<16x64xf32, #tpu.memory_space<vmem>>, vector<16xf32>,
          %and3A_538 = arith.constant 1 : i32
          %and3A_539 = arith.andi %add3A_196, %and3A_538 : i32
          %add3A_540 = arith.constant 48 : i32
          %add3A_541 = vector.broadcast %add3A_540 : i32 to vector<16xi32>
          %add3A_542 = arith.addi %iota3A, %add3A_541 : vector<16xi32>
          %gather3A_543 = arith.constant 0 : i32
          %gather3A_544 = arith.constant 0 : i32
          %gather3A_545 = tpu.memref_slice %arg9[%and3A_539, %gather3A_543, %gather3A_544] : memref<2x64x512xf32, #tpu.memory_space<vmem>> -> memref<1x64x512xf32, #tpu.memory_space<vmem>>
          %gather3A_546 = tpu.memref_squeeze %gather3A_545 : memref<1x64x512xf32, #tpu.memory_space<vmem>> -> memref<64x512xf32, #tpu.memory_space<vmem>>
          %gather3A_547 = tpu.vector_load_idx %gather3A_546[%add3A_542, %broadcast_in_dim3A_498] : memref<64x512xf32, #tpu.memory_space<vmem>>[vector<16xi32>, vector<16xi32>], vector<16xf32>,
          %swap3A_548 = arith.index_cast %and3A_489 : i32 to index
          %swap3A_549 = arith.constant 48 : index
          %swap3A_550 = tpu.vector_load %arg10[%swap3A_548, %swap3A_549] {strides = array<i32>} : memref<16x64xf32, #tpu.memory_space<vmem>>, vector<16xf32>,
          tpu.vector_store %arg10[%swap3A_548, %swap3A_549], %gather3A_547 {strides = array<i32>} : memref<16x64xf32, #tpu.memory_space<vmem>>, vector<16xf32>,
          %convert_element_type3A_551 = arith.extui %lt3A_479 : i1 to i32
          %cond3A_552 = arith.constant 0 : i32
          %cond3A_553 = arith.cmpi ne, %convert_element_type3A_551, %cond3A_552 : i32
          scf.if %cond3A_553 {
            %and3A_1508 = arith.constant 16383 : i32
            %and3A_1509 = arith.andi %squeeze3A_481, %and3A_1508 : i32
            %dma_start3A = arith.constant 0 : i32
            %dma_start3A_1510 = tpu.memref_slice %arg10[%and3A_489, %dma_start3A] : memref<16x64xf32, #tpu.memory_space<vmem>> -> memref<1x64xf32, #tpu.memory_space<vmem>>
            %dma_start3A_1511 = arith.constant 0 : i32
            %dma_start3A_1512 = tpu.memref_slice %arg5[%and3A_1509, %dma_start3A_1511] : memref<16384x64xf32, #tpu.memory_space<hbm>> -> memref<1x64xf32, #tpu.memory_space<hbm>>
            %dma_start3A_1513 = arith.constant 0 : i32
            %dma_start3A_1514 = tpu.memref_slice %arg5[%and3A_1509, %dma_start3A_1513] : memref<16384x64xf32, #tpu.memory_space<hbm>> -> memref<1x64xf32, #tpu.memory_space<hbm>>
            %dma_start3A_1515 = arith.constant 0 : i32
            %dma_start3A_1516 = tpu.memref_slice %arg10[%and3A_489, %dma_start3A_1515] : memref<16x64xf32, #tpu.memory_space<vmem>> -> memref<1x64xf32, #tpu.memory_space<vmem>>
            tpu.enqueue_dma source(%dma_start3A_1516 : memref<1x64xf32, #tpu.memory_space<vmem>>) target(%dma_start3A_1514 : memref<1x64xf32, #tpu.memory_space<hbm>>) target_semaphore(%arg12 : memref<!tpu.dma_semaphore, #tpu.memory_space<semaphore_mem>>)
          } else {
          }
          %mul3A_554 = arith.constant 16 : i32
          %mul3A_555 = arith.muli %while3A_237, %mul3A_554 : i32
          %add3A_556 = arith.constant 4 : i32
          %add3A_557 = arith.addi %mul3A_555, %add3A_556 : i32
          %lt3A_558 = arith.cmpi slt, %add3A_557, %while3A_215 : i32
          %slice3A_559 = vector.extract_strided_slice %get3A_241 {offsets = [4], sizes = [1], strides = [1]} : vector<16xi32> to vector<1xi32>
          %squeeze3A_560 = vector.extract %slice3A_559[0] : i32 from vector<1xi32>
          %shift_right_logical3A_561 = arith.constant 14 : i32
          %shift_right_logical3A_562 = arith.shrui %squeeze3A_560, %shift_right_logical3A_561 : i32
          %and3A_563 = arith.constant 511 : i32
          %and3A_564 = arith.andi %shift_right_logical3A_562, %and3A_563 : i32
          %add3A_565 = arith.constant 4 : i32
          %add3A_566 = arith.addi %while3A_238, %add3A_565 : i32
          %and3A_567 = arith.constant 15 : i32
          %and3A_568 = arith.andi %add3A_566, %and3A_567 : i32
          %add3A_569 = arith.constant 4 : i32
          %add3A_570 = arith.addi %while3A_238, %add3A_569 : i32
          %ge3A_571 = arith.constant 16 : i32
          %ge3A_572 = arith.cmpi sge, %add3A_570, %ge3A_571 : i32
          %and3A_573 = arith.andi %lt3A_558, %ge3A_572 : i1
          %convert_element_type3A_574 = arith.extui %and3A_573 : i1 to i32
          %cond3A_575 = arith.constant 0 : i32
          %cond3A_576 = arith.cmpi ne, %convert_element_type3A_574, %cond3A_575 : i32
          scf.if %cond3A_576 {
            %dma_wait3A = arith.constant 0 : i32
            %dma_wait3A_1508 = tpu.memref_slice %arg10[%and3A_568, %dma_wait3A] : memref<16x64xf32, #tpu.memory_space<vmem>> -> memref<1x64xf32, #tpu.memory_space<vmem>>
            %dma_wait3A_1509 = arith.constant 0 : i32
            %dma_wait3A_1510 = arith.constant 0 : i32
            %dma_wait3A_1511 = tpu.memref_slice %arg5[%dma_wait3A_1509, %dma_wait3A_1510] : memref<16384x64xf32, #tpu.memory_space<hbm>> -> memref<1x64xf32, #tpu.memory_space<hbm>>
            %dma_wait3A_1512 = arith.constant 0 : i32
            %dma_wait3A_1513 = tpu.memref_slice %arg10[%and3A_568, %dma_wait3A_1512] : memref<16x64xf32, #tpu.memory_space<vmem>> -> memref<1x64xf32, #tpu.memory_space<vmem>>
            %dma_wait3A_1514 = arith.constant 0 : i32
            %dma_wait3A_1515 = arith.constant 0 : i32
            %dma_wait3A_1516 = tpu.memref_slice %arg5[%dma_wait3A_1514, %dma_wait3A_1515] : memref<16384x64xf32, #tpu.memory_space<hbm>> -> memref<1x64xf32, #tpu.memory_space<hbm>>
            tpu.wait_dma2 semaphore(%arg12 : memref<!tpu.dma_semaphore, #tpu.memory_space<semaphore_mem>>) src(%dma_wait3A_1516 : memref<1x64xf32, #tpu.memory_space<hbm>>) dst(%dma_wait3A_1513 : memref<1x64xf32, #tpu.memory_space<vmem>>)
          } else {
          }
          %broadcast_in_dim3A_577 = vector.broadcast %and3A_564 : i32 to vector<16xi32>
          %and3A_578 = arith.constant 1 : i32
          %and3A_579 = arith.andi %add3A_196, %and3A_578 : i32
          %add3A_580 = arith.constant 0 : i32
          %add3A_581 = vector.broadcast %add3A_580 : i32 to vector<16xi32>
          %add3A_582 = arith.addi %iota3A, %add3A_581 : vector<16xi32>
          %gather3A_583 = arith.constant 0 : i32
          %gather3A_584 = arith.constant 0 : i32
          %gather3A_585 = tpu.memref_slice %arg9[%and3A_579, %gather3A_583, %gather3A_584] : memref<2x64x512xf32, #tpu.memory_space<vmem>> -> memref<1x64x512xf32, #tpu.memory_space<vmem>>
          %gather3A_586 = tpu.memref_squeeze %gather3A_585 : memref<1x64x512xf32, #tpu.memory_space<vmem>> -> memref<64x512xf32, #tpu.memory_space<vmem>>
          %gather3A_587 = tpu.vector_load_idx %gather3A_586[%add3A_582, %broadcast_in_dim3A_577] : memref<64x512xf32, #tpu.memory_space<vmem>>[vector<16xi32>, vector<16xi32>], vector<16xf32>,
          %swap3A_588 = arith.index_cast %and3A_568 : i32 to index
          %swap3A_589 = arith.constant 0 : index
          %swap3A_590 = tpu.vector_load %arg10[%swap3A_588, %swap3A_589] {strides = array<i32>} : memref<16x64xf32, #tpu.memory_space<vmem>>, vector<16xf32>,
          tpu.vector_store %arg10[%swap3A_588, %swap3A_589], %gather3A_587 {strides = array<i32>} : memref<16x64xf32, #tpu.memory_space<vmem>>, vector<16xf32>,
          %and3A_591 = arith.constant 1 : i32
          %and3A_592 = arith.andi %add3A_196, %and3A_591 : i32
          %add3A_593 = arith.constant 16 : i32
          %add3A_594 = vector.broadcast %add3A_593 : i32 to vector<16xi32>
          %add3A_595 = arith.addi %iota3A, %add3A_594 : vector<16xi32>
          %gather3A_596 = arith.constant 0 : i32
          %gather3A_597 = arith.constant 0 : i32
          %gather3A_598 = tpu.memref_slice %arg9[%and3A_592, %gather3A_596, %gather3A_597] : memref<2x64x512xf32, #tpu.memory_space<vmem>> -> memref<1x64x512xf32, #tpu.memory_space<vmem>>
          %gather3A_599 = tpu.memref_squeeze %gather3A_598 : memref<1x64x512xf32, #tpu.memory_space<vmem>> -> memref<64x512xf32, #tpu.memory_space<vmem>>
          %gather3A_600 = tpu.vector_load_idx %gather3A_599[%add3A_595, %broadcast_in_dim3A_577] : memref<64x512xf32, #tpu.memory_space<vmem>>[vector<16xi32>, vector<16xi32>], vector<16xf32>,
          %swap3A_601 = arith.index_cast %and3A_568 : i32 to index
          %swap3A_602 = arith.constant 16 : index
          %swap3A_603 = tpu.vector_load %arg10[%swap3A_601, %swap3A_602] {strides = array<i32>} : memref<16x64xf32, #tpu.memory_space<vmem>>, vector<16xf32>,
          tpu.vector_store %arg10[%swap3A_601, %swap3A_602], %gather3A_600 {strides = array<i32>} : memref<16x64xf32, #tpu.memory_space<vmem>>, vector<16xf32>,
          %and3A_604 = arith.constant 1 : i32
          %and3A_605 = arith.andi %add3A_196, %and3A_604 : i32
          %add3A_606 = arith.constant 32 : i32
          %add3A_607 = vector.broadcast %add3A_606 : i32 to vector<16xi32>
          %add3A_608 = arith.addi %iota3A, %add3A_607 : vector<16xi32>
          %gather3A_609 = arith.constant 0 : i32
          %gather3A_610 = arith.constant 0 : i32
          %gather3A_611 = tpu.memref_slice %arg9[%and3A_605, %gather3A_609, %gather3A_610] : memref<2x64x512xf32, #tpu.memory_space<vmem>> -> memref<1x64x512xf32, #tpu.memory_space<vmem>>
          %gather3A_612 = tpu.memref_squeeze %gather3A_611 : memref<1x64x512xf32, #tpu.memory_space<vmem>> -> memref<64x512xf32, #tpu.memory_space<vmem>>
          %gather3A_613 = tpu.vector_load_idx %gather3A_612[%add3A_608, %broadcast_in_dim3A_577] : memref<64x512xf32, #tpu.memory_space<vmem>>[vector<16xi32>, vector<16xi32>], vector<16xf32>,
          %swap3A_614 = arith.index_cast %and3A_568 : i32 to index
          %swap3A_615 = arith.constant 32 : index
          %swap3A_616 = tpu.vector_load %arg10[%swap3A_614, %swap3A_615] {strides = array<i32>} : memref<16x64xf32, #tpu.memory_space<vmem>>, vector<16xf32>,
          tpu.vector_store %arg10[%swap3A_614, %swap3A_615], %gather3A_613 {strides = array<i32>} : memref<16x64xf32, #tpu.memory_space<vmem>>, vector<16xf32>,
          %and3A_617 = arith.constant 1 : i32
          %and3A_618 = arith.andi %add3A_196, %and3A_617 : i32
          %add3A_619 = arith.constant 48 : i32
          %add3A_620 = vector.broadcast %add3A_619 : i32 to vector<16xi32>
          %add3A_621 = arith.addi %iota3A, %add3A_620 : vector<16xi32>
          %gather3A_622 = arith.constant 0 : i32
          %gather3A_623 = arith.constant 0 : i32
          %gather3A_624 = tpu.memref_slice %arg9[%and3A_618, %gather3A_622, %gather3A_623] : memref<2x64x512xf32, #tpu.memory_space<vmem>> -> memref<1x64x512xf32, #tpu.memory_space<vmem>>
          %gather3A_625 = tpu.memref_squeeze %gather3A_624 : memref<1x64x512xf32, #tpu.memory_space<vmem>> -> memref<64x512xf32, #tpu.memory_space<vmem>>
          %gather3A_626 = tpu.vector_load_idx %gather3A_625[%add3A_621, %broadcast_in_dim3A_577] : memref<64x512xf32, #tpu.memory_space<vmem>>[vector<16xi32>, vector<16xi32>], vector<16xf32>,
          %swap3A_627 = arith.index_cast %and3A_568 : i32 to index
          %swap3A_628 = arith.constant 48 : index
          %swap3A_629 = tpu.vector_load %arg10[%swap3A_627, %swap3A_628] {strides = array<i32>} : memref<16x64xf32, #tpu.memory_space<vmem>>, vector<16xf32>,
          tpu.vector_store %arg10[%swap3A_627, %swap3A_628], %gather3A_626 {strides = array<i32>} : memref<16x64xf32, #tpu.memory_space<vmem>>, vector<16xf32>,
          %convert_element_type3A_630 = arith.extui %lt3A_558 : i1 to i32
          %cond3A_631 = arith.constant 0 : i32
          %cond3A_632 = arith.cmpi ne, %convert_element_type3A_630, %cond3A_631 : i32
          scf.if %cond3A_632 {
            %and3A_1508 = arith.constant 16383 : i32
            %and3A_1509 = arith.andi %squeeze3A_560, %and3A_1508 : i32
            %dma_start3A = arith.constant 0 : i32
            %dma_start3A_1510 = tpu.memref_slice %arg10[%and3A_568, %dma_start3A] : memref<16x64xf32, #tpu.memory_space<vmem>> -> memref<1x64xf32, #tpu.memory_space<vmem>>
            %dma_start3A_1511 = arith.constant 0 : i32
            %dma_start3A_1512 = tpu.memref_slice %arg5[%and3A_1509, %dma_start3A_1511] : memref<16384x64xf32, #tpu.memory_space<hbm>> -> memref<1x64xf32, #tpu.memory_space<hbm>>
            %dma_start3A_1513 = arith.constant 0 : i32
            %dma_start3A_1514 = tpu.memref_slice %arg5[%and3A_1509, %dma_start3A_1513] : memref<16384x64xf32, #tpu.memory_space<hbm>> -> memref<1x64xf32, #tpu.memory_space<hbm>>
            %dma_start3A_1515 = arith.constant 0 : i32
            %dma_start3A_1516 = tpu.memref_slice %arg10[%and3A_568, %dma_start3A_1515] : memref<16x64xf32, #tpu.memory_space<vmem>> -> memref<1x64xf32, #tpu.memory_space<vmem>>
            tpu.enqueue_dma source(%dma_start3A_1516 : memref<1x64xf32, #tpu.memory_space<vmem>>) target(%dma_start3A_1514 : memref<1x64xf32, #tpu.memory_space<hbm>>) target_semaphore(%arg12 : memref<!tpu.dma_semaphore, #tpu.memory_space<semaphore_mem>>)
          } else {
          }
          %mul3A_633 = arith.constant 16 : i32
          %mul3A_634 = arith.muli %while3A_237, %mul3A_633 : i32
          %add3A_635 = arith.constant 5 : i32
          %add3A_636 = arith.addi %mul3A_634, %add3A_635 : i32
          %lt3A_637 = arith.cmpi slt, %add3A_636, %while3A_215 : i32
          %slice3A_638 = vector.extract_strided_slice %get3A_241 {offsets = [5], sizes = [1], strides = [1]} : vector<16xi32> to vector<1xi32>
          %squeeze3A_639 = vector.extract %slice3A_638[0] : i32 from vector<1xi32>
          %shift_right_logical3A_640 = arith.constant 14 : i32
          %shift_right_logical3A_641 = arith.shrui %squeeze3A_639, %shift_right_logical3A_640 : i32
          %and3A_642 = arith.constant 511 : i32
          %and3A_643 = arith.andi %shift_right_logical3A_641, %and3A_642 : i32
          %add3A_644 = arith.constant 5 : i32
          %add3A_645 = arith.addi %while3A_238, %add3A_644 : i32
          %and3A_646 = arith.constant 15 : i32
          %and3A_647 = arith.andi %add3A_645, %and3A_646 : i32
          %add3A_648 = arith.constant 5 : i32
          %add3A_649 = arith.addi %while3A_238, %add3A_648 : i32
          %ge3A_650 = arith.constant 16 : i32
          %ge3A_651 = arith.cmpi sge, %add3A_649, %ge3A_650 : i32
          %and3A_652 = arith.andi %lt3A_637, %ge3A_651 : i1
          %convert_element_type3A_653 = arith.extui %and3A_652 : i1 to i32
          %cond3A_654 = arith.constant 0 : i32
          %cond3A_655 = arith.cmpi ne, %convert_element_type3A_653, %cond3A_654 : i32
          scf.if %cond3A_655 {
            %dma_wait3A = arith.constant 0 : i32
            %dma_wait3A_1508 = tpu.memref_slice %arg10[%and3A_647, %dma_wait3A] : memref<16x64xf32, #tpu.memory_space<vmem>> -> memref<1x64xf32, #tpu.memory_space<vmem>>
            %dma_wait3A_1509 = arith.constant 0 : i32
            %dma_wait3A_1510 = arith.constant 0 : i32
            %dma_wait3A_1511 = tpu.memref_slice %arg5[%dma_wait3A_1509, %dma_wait3A_1510] : memref<16384x64xf32, #tpu.memory_space<hbm>> -> memref<1x64xf32, #tpu.memory_space<hbm>>
            %dma_wait3A_1512 = arith.constant 0 : i32
            %dma_wait3A_1513 = tpu.memref_slice %arg10[%and3A_647, %dma_wait3A_1512] : memref<16x64xf32, #tpu.memory_space<vmem>> -> memref<1x64xf32, #tpu.memory_space<vmem>>
            %dma_wait3A_1514 = arith.constant 0 : i32
            %dma_wait3A_1515 = arith.constant 0 : i32
            %dma_wait3A_1516 = tpu.memref_slice %arg5[%dma_wait3A_1514, %dma_wait3A_1515] : memref<16384x64xf32, #tpu.memory_space<hbm>> -> memref<1x64xf32, #tpu.memory_space<hbm>>
            tpu.wait_dma2 semaphore(%arg12 : memref<!tpu.dma_semaphore, #tpu.memory_space<semaphore_mem>>) src(%dma_wait3A_1516 : memref<1x64xf32, #tpu.memory_space<hbm>>) dst(%dma_wait3A_1513 : memref<1x64xf32, #tpu.memory_space<vmem>>)
          } else {
          }
          %broadcast_in_dim3A_656 = vector.broadcast %and3A_643 : i32 to vector<16xi32>
          %and3A_657 = arith.constant 1 : i32
          %and3A_658 = arith.andi %add3A_196, %and3A_657 : i32
          %add3A_659 = arith.constant 0 : i32
          %add3A_660 = vector.broadcast %add3A_659 : i32 to vector<16xi32>
          %add3A_661 = arith.addi %iota3A, %add3A_660 : vector<16xi32>
          %gather3A_662 = arith.constant 0 : i32
          %gather3A_663 = arith.constant 0 : i32
          %gather3A_664 = tpu.memref_slice %arg9[%and3A_658, %gather3A_662, %gather3A_663] : memref<2x64x512xf32, #tpu.memory_space<vmem>> -> memref<1x64x512xf32, #tpu.memory_space<vmem>>
          %gather3A_665 = tpu.memref_squeeze %gather3A_664 : memref<1x64x512xf32, #tpu.memory_space<vmem>> -> memref<64x512xf32, #tpu.memory_space<vmem>>
          %gather3A_666 = tpu.vector_load_idx %gather3A_665[%add3A_661, %broadcast_in_dim3A_656] : memref<64x512xf32, #tpu.memory_space<vmem>>[vector<16xi32>, vector<16xi32>], vector<16xf32>,
          %swap3A_667 = arith.index_cast %and3A_647 : i32 to index
          %swap3A_668 = arith.constant 0 : index
          %swap3A_669 = tpu.vector_load %arg10[%swap3A_667, %swap3A_668] {strides = array<i32>} : memref<16x64xf32, #tpu.memory_space<vmem>>, vector<16xf32>,
          tpu.vector_store %arg10[%swap3A_667, %swap3A_668], %gather3A_666 {strides = array<i32>} : memref<16x64xf32, #tpu.memory_space<vmem>>, vector<16xf32>,
          %and3A_670 = arith.constant 1 : i32
          %and3A_671 = arith.andi %add3A_196, %and3A_670 : i32
          %add3A_672 = arith.constant 16 : i32
          %add3A_673 = vector.broadcast %add3A_672 : i32 to vector<16xi32>
          %add3A_674 = arith.addi %iota3A, %add3A_673 : vector<16xi32>
          %gather3A_675 = arith.constant 0 : i32
          %gather3A_676 = arith.constant 0 : i32
          %gather3A_677 = tpu.memref_slice %arg9[%and3A_671, %gather3A_675, %gather3A_676] : memref<2x64x512xf32, #tpu.memory_space<vmem>> -> memref<1x64x512xf32, #tpu.memory_space<vmem>>
          %gather3A_678 = tpu.memref_squeeze %gather3A_677 : memref<1x64x512xf32, #tpu.memory_space<vmem>> -> memref<64x512xf32, #tpu.memory_space<vmem>>
          %gather3A_679 = tpu.vector_load_idx %gather3A_678[%add3A_674, %broadcast_in_dim3A_656] : memref<64x512xf32, #tpu.memory_space<vmem>>[vector<16xi32>, vector<16xi32>], vector<16xf32>,
          %swap3A_680 = arith.index_cast %and3A_647 : i32 to index
          %swap3A_681 = arith.constant 16 : index
          %swap3A_682 = tpu.vector_load %arg10[%swap3A_680, %swap3A_681] {strides = array<i32>} : memref<16x64xf32, #tpu.memory_space<vmem>>, vector<16xf32>,
          tpu.vector_store %arg10[%swap3A_680, %swap3A_681], %gather3A_679 {strides = array<i32>} : memref<16x64xf32, #tpu.memory_space<vmem>>, vector<16xf32>,
          %and3A_683 = arith.constant 1 : i32
          %and3A_684 = arith.andi %add3A_196, %and3A_683 : i32
          %add3A_685 = arith.constant 32 : i32
          %add3A_686 = vector.broadcast %add3A_685 : i32 to vector<16xi32>
          %add3A_687 = arith.addi %iota3A, %add3A_686 : vector<16xi32>
          %gather3A_688 = arith.constant 0 : i32
          %gather3A_689 = arith.constant 0 : i32
          %gather3A_690 = tpu.memref_slice %arg9[%and3A_684, %gather3A_688, %gather3A_689] : memref<2x64x512xf32, #tpu.memory_space<vmem>> -> memref<1x64x512xf32, #tpu.memory_space<vmem>>
          %gather3A_691 = tpu.memref_squeeze %gather3A_690 : memref<1x64x512xf32, #tpu.memory_space<vmem>> -> memref<64x512xf32, #tpu.memory_space<vmem>>
          %gather3A_692 = tpu.vector_load_idx %gather3A_691[%add3A_687, %broadcast_in_dim3A_656] : memref<64x512xf32, #tpu.memory_space<vmem>>[vector<16xi32>, vector<16xi32>], vector<16xf32>,
          %swap3A_693 = arith.index_cast %and3A_647 : i32 to index
          %swap3A_694 = arith.constant 32 : index
          %swap3A_695 = tpu.vector_load %arg10[%swap3A_693, %swap3A_694] {strides = array<i32>} : memref<16x64xf32, #tpu.memory_space<vmem>>, vector<16xf32>,
          tpu.vector_store %arg10[%swap3A_693, %swap3A_694], %gather3A_692 {strides = array<i32>} : memref<16x64xf32, #tpu.memory_space<vmem>>, vector<16xf32>,
          %and3A_696 = arith.constant 1 : i32
          %and3A_697 = arith.andi %add3A_196, %and3A_696 : i32
          %add3A_698 = arith.constant 48 : i32
          %add3A_699 = vector.broadcast %add3A_698 : i32 to vector<16xi32>
          %add3A_700 = arith.addi %iota3A, %add3A_699 : vector<16xi32>
          %gather3A_701 = arith.constant 0 : i32
          %gather3A_702 = arith.constant 0 : i32
          %gather3A_703 = tpu.memref_slice %arg9[%and3A_697, %gather3A_701, %gather3A_702] : memref<2x64x512xf32, #tpu.memory_space<vmem>> -> memref<1x64x512xf32, #tpu.memory_space<vmem>>
          %gather3A_704 = tpu.memref_squeeze %gather3A_703 : memref<1x64x512xf32, #tpu.memory_space<vmem>> -> memref<64x512xf32, #tpu.memory_space<vmem>>
          %gather3A_705 = tpu.vector_load_idx %gather3A_704[%add3A_700, %broadcast_in_dim3A_656] : memref<64x512xf32, #tpu.memory_space<vmem>>[vector<16xi32>, vector<16xi32>], vector<16xf32>,
          %swap3A_706 = arith.index_cast %and3A_647 : i32 to index
          %swap3A_707 = arith.constant 48 : index
          %swap3A_708 = tpu.vector_load %arg10[%swap3A_706, %swap3A_707] {strides = array<i32>} : memref<16x64xf32, #tpu.memory_space<vmem>>, vector<16xf32>,
          tpu.vector_store %arg10[%swap3A_706, %swap3A_707], %gather3A_705 {strides = array<i32>} : memref<16x64xf32, #tpu.memory_space<vmem>>, vector<16xf32>,
          %convert_element_type3A_709 = arith.extui %lt3A_637 : i1 to i32
          %cond3A_710 = arith.constant 0 : i32
          %cond3A_711 = arith.cmpi ne, %convert_element_type3A_709, %cond3A_710 : i32
          scf.if %cond3A_711 {
            %and3A_1508 = arith.constant 16383 : i32
            %and3A_1509 = arith.andi %squeeze3A_639, %and3A_1508 : i32
            %dma_start3A = arith.constant 0 : i32
            %dma_start3A_1510 = tpu.memref_slice %arg10[%and3A_647, %dma_start3A] : memref<16x64xf32, #tpu.memory_space<vmem>> -> memref<1x64xf32, #tpu.memory_space<vmem>>
            %dma_start3A_1511 = arith.constant 0 : i32
            %dma_start3A_1512 = tpu.memref_slice %arg5[%and3A_1509, %dma_start3A_1511] : memref<16384x64xf32, #tpu.memory_space<hbm>> -> memref<1x64xf32, #tpu.memory_space<hbm>>
            %dma_start3A_1513 = arith.constant 0 : i32
            %dma_start3A_1514 = tpu.memref_slice %arg5[%and3A_1509, %dma_start3A_1513] : memref<16384x64xf32, #tpu.memory_space<hbm>> -> memref<1x64xf32, #tpu.memory_space<hbm>>
            %dma_start3A_1515 = arith.constant 0 : i32
            %dma_start3A_1516 = tpu.memref_slice %arg10[%and3A_647, %dma_start3A_1515] : memref<16x64xf32, #tpu.memory_space<vmem>> -> memref<1x64xf32, #tpu.memory_space<vmem>>
            tpu.enqueue_dma source(%dma_start3A_1516 : memref<1x64xf32, #tpu.memory_space<vmem>>) target(%dma_start3A_1514 : memref<1x64xf32, #tpu.memory_space<hbm>>) target_semaphore(%arg12 : memref<!tpu.dma_semaphore, #tpu.memory_space<semaphore_mem>>)
          } else {
          }
          %mul3A_712 = arith.constant 16 : i32
          %mul3A_713 = arith.muli %while3A_237, %mul3A_712 : i32
          %add3A_714 = arith.constant 6 : i32
          %add3A_715 = arith.addi %mul3A_713, %add3A_714 : i32
          %lt3A_716 = arith.cmpi slt, %add3A_715, %while3A_215 : i32
          %slice3A_717 = vector.extract_strided_slice %get3A_241 {offsets = [6], sizes = [1], strides = [1]} : vector<16xi32> to vector<1xi32>
          %squeeze3A_718 = vector.extract %slice3A_717[0] : i32 from vector<1xi32>
          %shift_right_logical3A_719 = arith.constant 14 : i32
          %shift_right_logical3A_720 = arith.shrui %squeeze3A_718, %shift_right_logical3A_719 : i32
          %and3A_721 = arith.constant 511 : i32
          %and3A_722 = arith.andi %shift_right_logical3A_720, %and3A_721 : i32
          %add3A_723 = arith.constant 6 : i32
          %add3A_724 = arith.addi %while3A_238, %add3A_723 : i32
          %and3A_725 = arith.constant 15 : i32
          %and3A_726 = arith.andi %add3A_724, %and3A_725 : i32
          %add3A_727 = arith.constant 6 : i32
          %add3A_728 = arith.addi %while3A_238, %add3A_727 : i32
          %ge3A_729 = arith.constant 16 : i32
          %ge3A_730 = arith.cmpi sge, %add3A_728, %ge3A_729 : i32
          %and3A_731 = arith.andi %lt3A_716, %ge3A_730 : i1
          %convert_element_type3A_732 = arith.extui %and3A_731 : i1 to i32
          %cond3A_733 = arith.constant 0 : i32
          %cond3A_734 = arith.cmpi ne, %convert_element_type3A_732, %cond3A_733 : i32
          scf.if %cond3A_734 {
            %dma_wait3A = arith.constant 0 : i32
            %dma_wait3A_1508 = tpu.memref_slice %arg10[%and3A_726, %dma_wait3A] : memref<16x64xf32, #tpu.memory_space<vmem>> -> memref<1x64xf32, #tpu.memory_space<vmem>>
            %dma_wait3A_1509 = arith.constant 0 : i32
            %dma_wait3A_1510 = arith.constant 0 : i32
            %dma_wait3A_1511 = tpu.memref_slice %arg5[%dma_wait3A_1509, %dma_wait3A_1510] : memref<16384x64xf32, #tpu.memory_space<hbm>> -> memref<1x64xf32, #tpu.memory_space<hbm>>
            %dma_wait3A_1512 = arith.constant 0 : i32
            %dma_wait3A_1513 = tpu.memref_slice %arg10[%and3A_726, %dma_wait3A_1512] : memref<16x64xf32, #tpu.memory_space<vmem>> -> memref<1x64xf32, #tpu.memory_space<vmem>>
            %dma_wait3A_1514 = arith.constant 0 : i32
            %dma_wait3A_1515 = arith.constant 0 : i32
            %dma_wait3A_1516 = tpu.memref_slice %arg5[%dma_wait3A_1514, %dma_wait3A_1515] : memref<16384x64xf32, #tpu.memory_space<hbm>> -> memref<1x64xf32, #tpu.memory_space<hbm>>
            tpu.wait_dma2 semaphore(%arg12 : memref<!tpu.dma_semaphore, #tpu.memory_space<semaphore_mem>>) src(%dma_wait3A_1516 : memref<1x64xf32, #tpu.memory_space<hbm>>) dst(%dma_wait3A_1513 : memref<1x64xf32, #tpu.memory_space<vmem>>)
          } else {
          }
          %broadcast_in_dim3A_735 = vector.broadcast %and3A_722 : i32 to vector<16xi32>
          %and3A_736 = arith.constant 1 : i32
          %and3A_737 = arith.andi %add3A_196, %and3A_736 : i32
          %add3A_738 = arith.constant 0 : i32
          %add3A_739 = vector.broadcast %add3A_738 : i32 to vector<16xi32>
          %add3A_740 = arith.addi %iota3A, %add3A_739 : vector<16xi32>
          %gather3A_741 = arith.constant 0 : i32
          %gather3A_742 = arith.constant 0 : i32
          %gather3A_743 = tpu.memref_slice %arg9[%and3A_737, %gather3A_741, %gather3A_742] : memref<2x64x512xf32, #tpu.memory_space<vmem>> -> memref<1x64x512xf32, #tpu.memory_space<vmem>>
          %gather3A_744 = tpu.memref_squeeze %gather3A_743 : memref<1x64x512xf32, #tpu.memory_space<vmem>> -> memref<64x512xf32, #tpu.memory_space<vmem>>
          %gather3A_745 = tpu.vector_load_idx %gather3A_744[%add3A_740, %broadcast_in_dim3A_735] : memref<64x512xf32, #tpu.memory_space<vmem>>[vector<16xi32>, vector<16xi32>], vector<16xf32>,
          %swap3A_746 = arith.index_cast %and3A_726 : i32 to index
          %swap3A_747 = arith.constant 0 : index
          %swap3A_748 = tpu.vector_load %arg10[%swap3A_746, %swap3A_747] {strides = array<i32>} : memref<16x64xf32, #tpu.memory_space<vmem>>, vector<16xf32>,
          tpu.vector_store %arg10[%swap3A_746, %swap3A_747], %gather3A_745 {strides = array<i32>} : memref<16x64xf32, #tpu.memory_space<vmem>>, vector<16xf32>,
          %and3A_749 = arith.constant 1 : i32
          %and3A_750 = arith.andi %add3A_196, %and3A_749 : i32
          %add3A_751 = arith.constant 16 : i32
          %add3A_752 = vector.broadcast %add3A_751 : i32 to vector<16xi32>
          %add3A_753 = arith.addi %iota3A, %add3A_752 : vector<16xi32>
          %gather3A_754 = arith.constant 0 : i32
          %gather3A_755 = arith.constant 0 : i32
          %gather3A_756 = tpu.memref_slice %arg9[%and3A_750, %gather3A_754, %gather3A_755] : memref<2x64x512xf32, #tpu.memory_space<vmem>> -> memref<1x64x512xf32, #tpu.memory_space<vmem>>
          %gather3A_757 = tpu.memref_squeeze %gather3A_756 : memref<1x64x512xf32, #tpu.memory_space<vmem>> -> memref<64x512xf32, #tpu.memory_space<vmem>>
          %gather3A_758 = tpu.vector_load_idx %gather3A_757[%add3A_753, %broadcast_in_dim3A_735] : memref<64x512xf32, #tpu.memory_space<vmem>>[vector<16xi32>, vector<16xi32>], vector<16xf32>,
          %swap3A_759 = arith.index_cast %and3A_726 : i32 to index
          %swap3A_760 = arith.constant 16 : index
          %swap3A_761 = tpu.vector_load %arg10[%swap3A_759, %swap3A_760] {strides = array<i32>} : memref<16x64xf32, #tpu.memory_space<vmem>>, vector<16xf32>,
          tpu.vector_store %arg10[%swap3A_759, %swap3A_760], %gather3A_758 {strides = array<i32>} : memref<16x64xf32, #tpu.memory_space<vmem>>, vector<16xf32>,
          %and3A_762 = arith.constant 1 : i32
          %and3A_763 = arith.andi %add3A_196, %and3A_762 : i32
          %add3A_764 = arith.constant 32 : i32
          %add3A_765 = vector.broadcast %add3A_764 : i32 to vector<16xi32>
          %add3A_766 = arith.addi %iota3A, %add3A_765 : vector<16xi32>
          %gather3A_767 = arith.constant 0 : i32
          %gather3A_768 = arith.constant 0 : i32
          %gather3A_769 = tpu.memref_slice %arg9[%and3A_763, %gather3A_767, %gather3A_768] : memref<2x64x512xf32, #tpu.memory_space<vmem>> -> memref<1x64x512xf32, #tpu.memory_space<vmem>>
          %gather3A_770 = tpu.memref_squeeze %gather3A_769 : memref<1x64x512xf32, #tpu.memory_space<vmem>> -> memref<64x512xf32, #tpu.memory_space<vmem>>
          %gather3A_771 = tpu.vector_load_idx %gather3A_770[%add3A_766, %broadcast_in_dim3A_735] : memref<64x512xf32, #tpu.memory_space<vmem>>[vector<16xi32>, vector<16xi32>], vector<16xf32>,
          %swap3A_772 = arith.index_cast %and3A_726 : i32 to index
          %swap3A_773 = arith.constant 32 : index
          %swap3A_774 = tpu.vector_load %arg10[%swap3A_772, %swap3A_773] {strides = array<i32>} : memref<16x64xf32, #tpu.memory_space<vmem>>, vector<16xf32>,
          tpu.vector_store %arg10[%swap3A_772, %swap3A_773], %gather3A_771 {strides = array<i32>} : memref<16x64xf32, #tpu.memory_space<vmem>>, vector<16xf32>,
          %and3A_775 = arith.constant 1 : i32
          %and3A_776 = arith.andi %add3A_196, %and3A_775 : i32
          %add3A_777 = arith.constant 48 : i32
          %add3A_778 = vector.broadcast %add3A_777 : i32 to vector<16xi32>
          %add3A_779 = arith.addi %iota3A, %add3A_778 : vector<16xi32>
          %gather3A_780 = arith.constant 0 : i32
          %gather3A_781 = arith.constant 0 : i32
          %gather3A_782 = tpu.memref_slice %arg9[%and3A_776, %gather3A_780, %gather3A_781] : memref<2x64x512xf32, #tpu.memory_space<vmem>> -> memref<1x64x512xf32, #tpu.memory_space<vmem>>
          %gather3A_783 = tpu.memref_squeeze %gather3A_782 : memref<1x64x512xf32, #tpu.memory_space<vmem>> -> memref<64x512xf32, #tpu.memory_space<vmem>>
          %gather3A_784 = tpu.vector_load_idx %gather3A_783[%add3A_779, %broadcast_in_dim3A_735] : memref<64x512xf32, #tpu.memory_space<vmem>>[vector<16xi32>, vector<16xi32>], vector<16xf32>,
          %swap3A_785 = arith.index_cast %and3A_726 : i32 to index
          %swap3A_786 = arith.constant 48 : index
          %swap3A_787 = tpu.vector_load %arg10[%swap3A_785, %swap3A_786] {strides = array<i32>} : memref<16x64xf32, #tpu.memory_space<vmem>>, vector<16xf32>,
          tpu.vector_store %arg10[%swap3A_785, %swap3A_786], %gather3A_784 {strides = array<i32>} : memref<16x64xf32, #tpu.memory_space<vmem>>, vector<16xf32>,
          %convert_element_type3A_788 = arith.extui %lt3A_716 : i1 to i32
          %cond3A_789 = arith.constant 0 : i32
          %cond3A_790 = arith.cmpi ne, %convert_element_type3A_788, %cond3A_789 : i32
          scf.if %cond3A_790 {
            %and3A_1508 = arith.constant 16383 : i32
            %and3A_1509 = arith.andi %squeeze3A_718, %and3A_1508 : i32
            %dma_start3A = arith.constant 0 : i32
            %dma_start3A_1510 = tpu.memref_slice %arg10[%and3A_726, %dma_start3A] : memref<16x64xf32, #tpu.memory_space<vmem>> -> memref<1x64xf32, #tpu.memory_space<vmem>>
            %dma_start3A_1511 = arith.constant 0 : i32
            %dma_start3A_1512 = tpu.memref_slice %arg5[%and3A_1509, %dma_start3A_1511] : memref<16384x64xf32, #tpu.memory_space<hbm>> -> memref<1x64xf32, #tpu.memory_space<hbm>>
            %dma_start3A_1513 = arith.constant 0 : i32
            %dma_start3A_1514 = tpu.memref_slice %arg5[%and3A_1509, %dma_start3A_1513] : memref<16384x64xf32, #tpu.memory_space<hbm>> -> memref<1x64xf32, #tpu.memory_space<hbm>>
            %dma_start3A_1515 = arith.constant 0 : i32
            %dma_start3A_1516 = tpu.memref_slice %arg10[%and3A_726, %dma_start3A_1515] : memref<16x64xf32, #tpu.memory_space<vmem>> -> memref<1x64xf32, #tpu.memory_space<vmem>>
            tpu.enqueue_dma source(%dma_start3A_1516 : memref<1x64xf32, #tpu.memory_space<vmem>>) target(%dma_start3A_1514 : memref<1x64xf32, #tpu.memory_space<hbm>>) target_semaphore(%arg12 : memref<!tpu.dma_semaphore, #tpu.memory_space<semaphore_mem>>)
          } else {
          }
          %mul3A_791 = arith.constant 16 : i32
          %mul3A_792 = arith.muli %while3A_237, %mul3A_791 : i32
          %add3A_793 = arith.constant 7 : i32
          %add3A_794 = arith.addi %mul3A_792, %add3A_793 : i32
          %lt3A_795 = arith.cmpi slt, %add3A_794, %while3A_215 : i32
          %slice3A_796 = vector.extract_strided_slice %get3A_241 {offsets = [7], sizes = [1], strides = [1]} : vector<16xi32> to vector<1xi32>
          %squeeze3A_797 = vector.extract %slice3A_796[0] : i32 from vector<1xi32>
          %shift_right_logical3A_798 = arith.constant 14 : i32
          %shift_right_logical3A_799 = arith.shrui %squeeze3A_797, %shift_right_logical3A_798 : i32
          %and3A_800 = arith.constant 511 : i32
          %and3A_801 = arith.andi %shift_right_logical3A_799, %and3A_800 : i32
          %add3A_802 = arith.constant 7 : i32
          %add3A_803 = arith.addi %while3A_238, %add3A_802 : i32
          %and3A_804 = arith.constant 15 : i32
          %and3A_805 = arith.andi %add3A_803, %and3A_804 : i32
          %add3A_806 = arith.constant 7 : i32
          %add3A_807 = arith.addi %while3A_238, %add3A_806 : i32
          %ge3A_808 = arith.constant 16 : i32
          %ge3A_809 = arith.cmpi sge, %add3A_807, %ge3A_808 : i32
          %and3A_810 = arith.andi %lt3A_795, %ge3A_809 : i1
          %convert_element_type3A_811 = arith.extui %and3A_810 : i1 to i32
          %cond3A_812 = arith.constant 0 : i32
          %cond3A_813 = arith.cmpi ne, %convert_element_type3A_811, %cond3A_812 : i32
          scf.if %cond3A_813 {
            %dma_wait3A = arith.constant 0 : i32
            %dma_wait3A_1508 = tpu.memref_slice %arg10[%and3A_805, %dma_wait3A] : memref<16x64xf32, #tpu.memory_space<vmem>> -> memref<1x64xf32, #tpu.memory_space<vmem>>
            %dma_wait3A_1509 = arith.constant 0 : i32
            %dma_wait3A_1510 = arith.constant 0 : i32
            %dma_wait3A_1511 = tpu.memref_slice %arg5[%dma_wait3A_1509, %dma_wait3A_1510] : memref<16384x64xf32, #tpu.memory_space<hbm>> -> memref<1x64xf32, #tpu.memory_space<hbm>>
            %dma_wait3A_1512 = arith.constant 0 : i32
            %dma_wait3A_1513 = tpu.memref_slice %arg10[%and3A_805, %dma_wait3A_1512] : memref<16x64xf32, #tpu.memory_space<vmem>> -> memref<1x64xf32, #tpu.memory_space<vmem>>
            %dma_wait3A_1514 = arith.constant 0 : i32
            %dma_wait3A_1515 = arith.constant 0 : i32
            %dma_wait3A_1516 = tpu.memref_slice %arg5[%dma_wait3A_1514, %dma_wait3A_1515] : memref<16384x64xf32, #tpu.memory_space<hbm>> -> memref<1x64xf32, #tpu.memory_space<hbm>>
            tpu.wait_dma2 semaphore(%arg12 : memref<!tpu.dma_semaphore, #tpu.memory_space<semaphore_mem>>) src(%dma_wait3A_1516 : memref<1x64xf32, #tpu.memory_space<hbm>>) dst(%dma_wait3A_1513 : memref<1x64xf32, #tpu.memory_space<vmem>>)
          } else {
          }
          %broadcast_in_dim3A_814 = vector.broadcast %and3A_801 : i32 to vector<16xi32>
          %and3A_815 = arith.constant 1 : i32
          %and3A_816 = arith.andi %add3A_196, %and3A_815 : i32
          %add3A_817 = arith.constant 0 : i32
          %add3A_818 = vector.broadcast %add3A_817 : i32 to vector<16xi32>
          %add3A_819 = arith.addi %iota3A, %add3A_818 : vector<16xi32>
          %gather3A_820 = arith.constant 0 : i32
          %gather3A_821 = arith.constant 0 : i32
          %gather3A_822 = tpu.memref_slice %arg9[%and3A_816, %gather3A_820, %gather3A_821] : memref<2x64x512xf32, #tpu.memory_space<vmem>> -> memref<1x64x512xf32, #tpu.memory_space<vmem>>
          %gather3A_823 = tpu.memref_squeeze %gather3A_822 : memref<1x64x512xf32, #tpu.memory_space<vmem>> -> memref<64x512xf32, #tpu.memory_space<vmem>>
          %gather3A_824 = tpu.vector_load_idx %gather3A_823[%add3A_819, %broadcast_in_dim3A_814] : memref<64x512xf32, #tpu.memory_space<vmem>>[vector<16xi32>, vector<16xi32>], vector<16xf32>,
          %swap3A_825 = arith.index_cast %and3A_805 : i32 to index
          %swap3A_826 = arith.constant 0 : index
          %swap3A_827 = tpu.vector_load %arg10[%swap3A_825, %swap3A_826] {strides = array<i32>} : memref<16x64xf32, #tpu.memory_space<vmem>>, vector<16xf32>,
          tpu.vector_store %arg10[%swap3A_825, %swap3A_826], %gather3A_824 {strides = array<i32>} : memref<16x64xf32, #tpu.memory_space<vmem>>, vector<16xf32>,
          %and3A_828 = arith.constant 1 : i32
          %and3A_829 = arith.andi %add3A_196, %and3A_828 : i32
          %add3A_830 = arith.constant 16 : i32
          %add3A_831 = vector.broadcast %add3A_830 : i32 to vector<16xi32>
          %add3A_832 = arith.addi %iota3A, %add3A_831 : vector<16xi32>
          %gather3A_833 = arith.constant 0 : i32
          %gather3A_834 = arith.constant 0 : i32
          %gather3A_835 = tpu.memref_slice %arg9[%and3A_829, %gather3A_833, %gather3A_834] : memref<2x64x512xf32, #tpu.memory_space<vmem>> -> memref<1x64x512xf32, #tpu.memory_space<vmem>>
          %gather3A_836 = tpu.memref_squeeze %gather3A_835 : memref<1x64x512xf32, #tpu.memory_space<vmem>> -> memref<64x512xf32, #tpu.memory_space<vmem>>
          %gather3A_837 = tpu.vector_load_idx %gather3A_836[%add3A_832, %broadcast_in_dim3A_814] : memref<64x512xf32, #tpu.memory_space<vmem>>[vector<16xi32>, vector<16xi32>], vector<16xf32>,
          %swap3A_838 = arith.index_cast %and3A_805 : i32 to index
          %swap3A_839 = arith.constant 16 : index
          %swap3A_840 = tpu.vector_load %arg10[%swap3A_838, %swap3A_839] {strides = array<i32>} : memref<16x64xf32, #tpu.memory_space<vmem>>, vector<16xf32>,
          tpu.vector_store %arg10[%swap3A_838, %swap3A_839], %gather3A_837 {strides = array<i32>} : memref<16x64xf32, #tpu.memory_space<vmem>>, vector<16xf32>,
          %and3A_841 = arith.constant 1 : i32
          %and3A_842 = arith.andi %add3A_196, %and3A_841 : i32
          %add3A_843 = arith.constant 32 : i32
          %add3A_844 = vector.broadcast %add3A_843 : i32 to vector<16xi32>
          %add3A_845 = arith.addi %iota3A, %add3A_844 : vector<16xi32>
          %gather3A_846 = arith.constant 0 : i32
          %gather3A_847 = arith.constant 0 : i32
          %gather3A_848 = tpu.memref_slice %arg9[%and3A_842, %gather3A_846, %gather3A_847] : memref<2x64x512xf32, #tpu.memory_space<vmem>> -> memref<1x64x512xf32, #tpu.memory_space<vmem>>
          %gather3A_849 = tpu.memref_squeeze %gather3A_848 : memref<1x64x512xf32, #tpu.memory_space<vmem>> -> memref<64x512xf32, #tpu.memory_space<vmem>>
          %gather3A_850 = tpu.vector_load_idx %gather3A_849[%add3A_845, %broadcast_in_dim3A_814] : memref<64x512xf32, #tpu.memory_space<vmem>>[vector<16xi32>, vector<16xi32>], vector<16xf32>,
          %swap3A_851 = arith.index_cast %and3A_805 : i32 to index
          %swap3A_852 = arith.constant 32 : index
          %swap3A_853 = tpu.vector_load %arg10[%swap3A_851, %swap3A_852] {strides = array<i32>} : memref<16x64xf32, #tpu.memory_space<vmem>>, vector<16xf32>,
          tpu.vector_store %arg10[%swap3A_851, %swap3A_852], %gather3A_850 {strides = array<i32>} : memref<16x64xf32, #tpu.memory_space<vmem>>, vector<16xf32>,
          %and3A_854 = arith.constant 1 : i32
          %and3A_855 = arith.andi %add3A_196, %and3A_854 : i32
          %add3A_856 = arith.constant 48 : i32
          %add3A_857 = vector.broadcast %add3A_856 : i32 to vector<16xi32>
          %add3A_858 = arith.addi %iota3A, %add3A_857 : vector<16xi32>
          %gather3A_859 = arith.constant 0 : i32
          %gather3A_860 = arith.constant 0 : i32
          %gather3A_861 = tpu.memref_slice %arg9[%and3A_855, %gather3A_859, %gather3A_860] : memref<2x64x512xf32, #tpu.memory_space<vmem>> -> memref<1x64x512xf32, #tpu.memory_space<vmem>>
          %gather3A_862 = tpu.memref_squeeze %gather3A_861 : memref<1x64x512xf32, #tpu.memory_space<vmem>> -> memref<64x512xf32, #tpu.memory_space<vmem>>
          %gather3A_863 = tpu.vector_load_idx %gather3A_862[%add3A_858, %broadcast_in_dim3A_814] : memref<64x512xf32, #tpu.memory_space<vmem>>[vector<16xi32>, vector<16xi32>], vector<16xf32>,
          %swap3A_864 = arith.index_cast %and3A_805 : i32 to index
          %swap3A_865 = arith.constant 48 : index
          %swap3A_866 = tpu.vector_load %arg10[%swap3A_864, %swap3A_865] {strides = array<i32>} : memref<16x64xf32, #tpu.memory_space<vmem>>, vector<16xf32>,
          tpu.vector_store %arg10[%swap3A_864, %swap3A_865], %gather3A_863 {strides = array<i32>} : memref<16x64xf32, #tpu.memory_space<vmem>>, vector<16xf32>,
          %convert_element_type3A_867 = arith.extui %lt3A_795 : i1 to i32
          %cond3A_868 = arith.constant 0 : i32
          %cond3A_869 = arith.cmpi ne, %convert_element_type3A_867, %cond3A_868 : i32
          scf.if %cond3A_869 {
            %and3A_1508 = arith.constant 16383 : i32
            %and3A_1509 = arith.andi %squeeze3A_797, %and3A_1508 : i32
            %dma_start3A = arith.constant 0 : i32
            %dma_start3A_1510 = tpu.memref_slice %arg10[%and3A_805, %dma_start3A] : memref<16x64xf32, #tpu.memory_space<vmem>> -> memref<1x64xf32, #tpu.memory_space<vmem>>
            %dma_start3A_1511 = arith.constant 0 : i32
            %dma_start3A_1512 = tpu.memref_slice %arg5[%and3A_1509, %dma_start3A_1511] : memref<16384x64xf32, #tpu.memory_space<hbm>> -> memref<1x64xf32, #tpu.memory_space<hbm>>
            %dma_start3A_1513 = arith.constant 0 : i32
            %dma_start3A_1514 = tpu.memref_slice %arg5[%and3A_1509, %dma_start3A_1513] : memref<16384x64xf32, #tpu.memory_space<hbm>> -> memref<1x64xf32, #tpu.memory_space<hbm>>
            %dma_start3A_1515 = arith.constant 0 : i32
            %dma_start3A_1516 = tpu.memref_slice %arg10[%and3A_805, %dma_start3A_1515] : memref<16x64xf32, #tpu.memory_space<vmem>> -> memref<1x64xf32, #tpu.memory_space<vmem>>
            tpu.enqueue_dma source(%dma_start3A_1516 : memref<1x64xf32, #tpu.memory_space<vmem>>) target(%dma_start3A_1514 : memref<1x64xf32, #tpu.memory_space<hbm>>) target_semaphore(%arg12 : memref<!tpu.dma_semaphore, #tpu.memory_space<semaphore_mem>>)
          } else {
          }
          %mul3A_870 = arith.constant 16 : i32
          %mul3A_871 = arith.muli %while3A_237, %mul3A_870 : i32
          %add3A_872 = arith.constant 8 : i32
          %add3A_873 = arith.addi %mul3A_871, %add3A_872 : i32
          %lt3A_874 = arith.cmpi slt, %add3A_873, %while3A_215 : i32
          %slice3A_875 = vector.extract_strided_slice %get3A_241 {offsets = [8], sizes = [1], strides = [1]} : vector<16xi32> to vector<1xi32>
          %squeeze3A_876 = vector.extract %slice3A_875[0] : i32 from vector<1xi32>
          %shift_right_logical3A_877 = arith.constant 14 : i32
          %shift_right_logical3A_878 = arith.shrui %squeeze3A_876, %shift_right_logical3A_877 : i32
          %and3A_879 = arith.constant 511 : i32
          %and3A_880 = arith.andi %shift_right_logical3A_878, %and3A_879 : i32
          %add3A_881 = arith.constant 8 : i32
          %add3A_882 = arith.addi %while3A_238, %add3A_881 : i32
          %and3A_883 = arith.constant 15 : i32
          %and3A_884 = arith.andi %add3A_882, %and3A_883 : i32
          %add3A_885 = arith.constant 8 : i32
          %add3A_886 = arith.addi %while3A_238, %add3A_885 : i32
          %ge3A_887 = arith.constant 16 : i32
          %ge3A_888 = arith.cmpi sge, %add3A_886, %ge3A_887 : i32
          %and3A_889 = arith.andi %lt3A_874, %ge3A_888 : i1
          %convert_element_type3A_890 = arith.extui %and3A_889 : i1 to i32
          %cond3A_891 = arith.constant 0 : i32
          %cond3A_892 = arith.cmpi ne, %convert_element_type3A_890, %cond3A_891 : i32
          scf.if %cond3A_892 {
            %dma_wait3A = arith.constant 0 : i32
            %dma_wait3A_1508 = tpu.memref_slice %arg10[%and3A_884, %dma_wait3A] : memref<16x64xf32, #tpu.memory_space<vmem>> -> memref<1x64xf32, #tpu.memory_space<vmem>>
            %dma_wait3A_1509 = arith.constant 0 : i32
            %dma_wait3A_1510 = arith.constant 0 : i32
            %dma_wait3A_1511 = tpu.memref_slice %arg5[%dma_wait3A_1509, %dma_wait3A_1510] : memref<16384x64xf32, #tpu.memory_space<hbm>> -> memref<1x64xf32, #tpu.memory_space<hbm>>
            %dma_wait3A_1512 = arith.constant 0 : i32
            %dma_wait3A_1513 = tpu.memref_slice %arg10[%and3A_884, %dma_wait3A_1512] : memref<16x64xf32, #tpu.memory_space<vmem>> -> memref<1x64xf32, #tpu.memory_space<vmem>>
            %dma_wait3A_1514 = arith.constant 0 : i32
            %dma_wait3A_1515 = arith.constant 0 : i32
            %dma_wait3A_1516 = tpu.memref_slice %arg5[%dma_wait3A_1514, %dma_wait3A_1515] : memref<16384x64xf32, #tpu.memory_space<hbm>> -> memref<1x64xf32, #tpu.memory_space<hbm>>
            tpu.wait_dma2 semaphore(%arg12 : memref<!tpu.dma_semaphore, #tpu.memory_space<semaphore_mem>>) src(%dma_wait3A_1516 : memref<1x64xf32, #tpu.memory_space<hbm>>) dst(%dma_wait3A_1513 : memref<1x64xf32, #tpu.memory_space<vmem>>)
          } else {
          }
          %broadcast_in_dim3A_893 = vector.broadcast %and3A_880 : i32 to vector<16xi32>
          %and3A_894 = arith.constant 1 : i32
          %and3A_895 = arith.andi %add3A_196, %and3A_894 : i32
          %add3A_896 = arith.constant 0 : i32
          %add3A_897 = vector.broadcast %add3A_896 : i32 to vector<16xi32>
          %add3A_898 = arith.addi %iota3A, %add3A_897 : vector<16xi32>
          %gather3A_899 = arith.constant 0 : i32
          %gather3A_900 = arith.constant 0 : i32
          %gather3A_901 = tpu.memref_slice %arg9[%and3A_895, %gather3A_899, %gather3A_900] : memref<2x64x512xf32, #tpu.memory_space<vmem>> -> memref<1x64x512xf32, #tpu.memory_space<vmem>>
          %gather3A_902 = tpu.memref_squeeze %gather3A_901 : memref<1x64x512xf32, #tpu.memory_space<vmem>> -> memref<64x512xf32, #tpu.memory_space<vmem>>
          %gather3A_903 = tpu.vector_load_idx %gather3A_902[%add3A_898, %broadcast_in_dim3A_893] : memref<64x512xf32, #tpu.memory_space<vmem>>[vector<16xi32>, vector<16xi32>], vector<16xf32>,
          %swap3A_904 = arith.index_cast %and3A_884 : i32 to index
          %swap3A_905 = arith.constant 0 : index
          %swap3A_906 = tpu.vector_load %arg10[%swap3A_904, %swap3A_905] {strides = array<i32>} : memref<16x64xf32, #tpu.memory_space<vmem>>, vector<16xf32>,
          tpu.vector_store %arg10[%swap3A_904, %swap3A_905], %gather3A_903 {strides = array<i32>} : memref<16x64xf32, #tpu.memory_space<vmem>>, vector<16xf32>,
          %and3A_907 = arith.constant 1 : i32
          %and3A_908 = arith.andi %add3A_196, %and3A_907 : i32
          %add3A_909 = arith.constant 16 : i32
          %add3A_910 = vector.broadcast %add3A_909 : i32 to vector<16xi32>
          %add3A_911 = arith.addi %iota3A, %add3A_910 : vector<16xi32>
          %gather3A_912 = arith.constant 0 : i32
          %gather3A_913 = arith.constant 0 : i32
          %gather3A_914 = tpu.memref_slice %arg9[%and3A_908, %gather3A_912, %gather3A_913] : memref<2x64x512xf32, #tpu.memory_space<vmem>> -> memref<1x64x512xf32, #tpu.memory_space<vmem>>
          %gather3A_915 = tpu.memref_squeeze %gather3A_914 : memref<1x64x512xf32, #tpu.memory_space<vmem>> -> memref<64x512xf32, #tpu.memory_space<vmem>>
          %gather3A_916 = tpu.vector_load_idx %gather3A_915[%add3A_911, %broadcast_in_dim3A_893] : memref<64x512xf32, #tpu.memory_space<vmem>>[vector<16xi32>, vector<16xi32>], vector<16xf32>,
          %swap3A_917 = arith.index_cast %and3A_884 : i32 to index
          %swap3A_918 = arith.constant 16 : index
          %swap3A_919 = tpu.vector_load %arg10[%swap3A_917, %swap3A_918] {strides = array<i32>} : memref<16x64xf32, #tpu.memory_space<vmem>>, vector<16xf32>,
          tpu.vector_store %arg10[%swap3A_917, %swap3A_918], %gather3A_916 {strides = array<i32>} : memref<16x64xf32, #tpu.memory_space<vmem>>, vector<16xf32>,
          %and3A_920 = arith.constant 1 : i32
          %and3A_921 = arith.andi %add3A_196, %and3A_920 : i32
          %add3A_922 = arith.constant 32 : i32
          %add3A_923 = vector.broadcast %add3A_922 : i32 to vector<16xi32>
          %add3A_924 = arith.addi %iota3A, %add3A_923 : vector<16xi32>
          %gather3A_925 = arith.constant 0 : i32
          %gather3A_926 = arith.constant 0 : i32
          %gather3A_927 = tpu.memref_slice %arg9[%and3A_921, %gather3A_925, %gather3A_926] : memref<2x64x512xf32, #tpu.memory_space<vmem>> -> memref<1x64x512xf32, #tpu.memory_space<vmem>>
          %gather3A_928 = tpu.memref_squeeze %gather3A_927 : memref<1x64x512xf32, #tpu.memory_space<vmem>> -> memref<64x512xf32, #tpu.memory_space<vmem>>
          %gather3A_929 = tpu.vector_load_idx %gather3A_928[%add3A_924, %broadcast_in_dim3A_893] : memref<64x512xf32, #tpu.memory_space<vmem>>[vector<16xi32>, vector<16xi32>], vector<16xf32>,
          %swap3A_930 = arith.index_cast %and3A_884 : i32 to index
          %swap3A_931 = arith.constant 32 : index
          %swap3A_932 = tpu.vector_load %arg10[%swap3A_930, %swap3A_931] {strides = array<i32>} : memref<16x64xf32, #tpu.memory_space<vmem>>, vector<16xf32>,
          tpu.vector_store %arg10[%swap3A_930, %swap3A_931], %gather3A_929 {strides = array<i32>} : memref<16x64xf32, #tpu.memory_space<vmem>>, vector<16xf32>,
          %and3A_933 = arith.constant 1 : i32
          %and3A_934 = arith.andi %add3A_196, %and3A_933 : i32
          %add3A_935 = arith.constant 48 : i32
          %add3A_936 = vector.broadcast %add3A_935 : i32 to vector<16xi32>
          %add3A_937 = arith.addi %iota3A, %add3A_936 : vector<16xi32>
          %gather3A_938 = arith.constant 0 : i32
          %gather3A_939 = arith.constant 0 : i32
          %gather3A_940 = tpu.memref_slice %arg9[%and3A_934, %gather3A_938, %gather3A_939] : memref<2x64x512xf32, #tpu.memory_space<vmem>> -> memref<1x64x512xf32, #tpu.memory_space<vmem>>
          %gather3A_941 = tpu.memref_squeeze %gather3A_940 : memref<1x64x512xf32, #tpu.memory_space<vmem>> -> memref<64x512xf32, #tpu.memory_space<vmem>>
          %gather3A_942 = tpu.vector_load_idx %gather3A_941[%add3A_937, %broadcast_in_dim3A_893] : memref<64x512xf32, #tpu.memory_space<vmem>>[vector<16xi32>, vector<16xi32>], vector<16xf32>,
          %swap3A_943 = arith.index_cast %and3A_884 : i32 to index
          %swap3A_944 = arith.constant 48 : index
          %swap3A_945 = tpu.vector_load %arg10[%swap3A_943, %swap3A_944] {strides = array<i32>} : memref<16x64xf32, #tpu.memory_space<vmem>>, vector<16xf32>,
          tpu.vector_store %arg10[%swap3A_943, %swap3A_944], %gather3A_942 {strides = array<i32>} : memref<16x64xf32, #tpu.memory_space<vmem>>, vector<16xf32>,
          %convert_element_type3A_946 = arith.extui %lt3A_874 : i1 to i32
          %cond3A_947 = arith.constant 0 : i32
          %cond3A_948 = arith.cmpi ne, %convert_element_type3A_946, %cond3A_947 : i32
          scf.if %cond3A_948 {
            %and3A_1508 = arith.constant 16383 : i32
            %and3A_1509 = arith.andi %squeeze3A_876, %and3A_1508 : i32
            %dma_start3A = arith.constant 0 : i32
            %dma_start3A_1510 = tpu.memref_slice %arg10[%and3A_884, %dma_start3A] : memref<16x64xf32, #tpu.memory_space<vmem>> -> memref<1x64xf32, #tpu.memory_space<vmem>>
            %dma_start3A_1511 = arith.constant 0 : i32
            %dma_start3A_1512 = tpu.memref_slice %arg5[%and3A_1509, %dma_start3A_1511] : memref<16384x64xf32, #tpu.memory_space<hbm>> -> memref<1x64xf32, #tpu.memory_space<hbm>>
            %dma_start3A_1513 = arith.constant 0 : i32
            %dma_start3A_1514 = tpu.memref_slice %arg5[%and3A_1509, %dma_start3A_1513] : memref<16384x64xf32, #tpu.memory_space<hbm>> -> memref<1x64xf32, #tpu.memory_space<hbm>>
            %dma_start3A_1515 = arith.constant 0 : i32
            %dma_start3A_1516 = tpu.memref_slice %arg10[%and3A_884, %dma_start3A_1515] : memref<16x64xf32, #tpu.memory_space<vmem>> -> memref<1x64xf32, #tpu.memory_space<vmem>>
            tpu.enqueue_dma source(%dma_start3A_1516 : memref<1x64xf32, #tpu.memory_space<vmem>>) target(%dma_start3A_1514 : memref<1x64xf32, #tpu.memory_space<hbm>>) target_semaphore(%arg12 : memref<!tpu.dma_semaphore, #tpu.memory_space<semaphore_mem>>)
          } else {
          }
          %mul3A_949 = arith.constant 16 : i32
          %mul3A_950 = arith.muli %while3A_237, %mul3A_949 : i32
          %add3A_951 = arith.constant 9 : i32
          %add3A_952 = arith.addi %mul3A_950, %add3A_951 : i32
          %lt3A_953 = arith.cmpi slt, %add3A_952, %while3A_215 : i32
          %slice3A_954 = vector.extract_strided_slice %get3A_241 {offsets = [9], sizes = [1], strides = [1]} : vector<16xi32> to vector<1xi32>
          %squeeze3A_955 = vector.extract %slice3A_954[0] : i32 from vector<1xi32>
          %shift_right_logical3A_956 = arith.constant 14 : i32
          %shift_right_logical3A_957 = arith.shrui %squeeze3A_955, %shift_right_logical3A_956 : i32
          %and3A_958 = arith.constant 511 : i32
          %and3A_959 = arith.andi %shift_right_logical3A_957, %and3A_958 : i32
          %add3A_960 = arith.constant 9 : i32
          %add3A_961 = arith.addi %while3A_238, %add3A_960 : i32
          %and3A_962 = arith.constant 15 : i32
          %and3A_963 = arith.andi %add3A_961, %and3A_962 : i32
          %add3A_964 = arith.constant 9 : i32
          %add3A_965 = arith.addi %while3A_238, %add3A_964 : i32
          %ge3A_966 = arith.constant 16 : i32
          %ge3A_967 = arith.cmpi sge, %add3A_965, %ge3A_966 : i32
          %and3A_968 = arith.andi %lt3A_953, %ge3A_967 : i1
          %convert_element_type3A_969 = arith.extui %and3A_968 : i1 to i32
          %cond3A_970 = arith.constant 0 : i32
          %cond3A_971 = arith.cmpi ne, %convert_element_type3A_969, %cond3A_970 : i32
          scf.if %cond3A_971 {
            %dma_wait3A = arith.constant 0 : i32
            %dma_wait3A_1508 = tpu.memref_slice %arg10[%and3A_963, %dma_wait3A] : memref<16x64xf32, #tpu.memory_space<vmem>> -> memref<1x64xf32, #tpu.memory_space<vmem>>
            %dma_wait3A_1509 = arith.constant 0 : i32
            %dma_wait3A_1510 = arith.constant 0 : i32
            %dma_wait3A_1511 = tpu.memref_slice %arg5[%dma_wait3A_1509, %dma_wait3A_1510] : memref<16384x64xf32, #tpu.memory_space<hbm>> -> memref<1x64xf32, #tpu.memory_space<hbm>>
            %dma_wait3A_1512 = arith.constant 0 : i32
            %dma_wait3A_1513 = tpu.memref_slice %arg10[%and3A_963, %dma_wait3A_1512] : memref<16x64xf32, #tpu.memory_space<vmem>> -> memref<1x64xf32, #tpu.memory_space<vmem>>
            %dma_wait3A_1514 = arith.constant 0 : i32
            %dma_wait3A_1515 = arith.constant 0 : i32
            %dma_wait3A_1516 = tpu.memref_slice %arg5[%dma_wait3A_1514, %dma_wait3A_1515] : memref<16384x64xf32, #tpu.memory_space<hbm>> -> memref<1x64xf32, #tpu.memory_space<hbm>>
            tpu.wait_dma2 semaphore(%arg12 : memref<!tpu.dma_semaphore, #tpu.memory_space<semaphore_mem>>) src(%dma_wait3A_1516 : memref<1x64xf32, #tpu.memory_space<hbm>>) dst(%dma_wait3A_1513 : memref<1x64xf32, #tpu.memory_space<vmem>>)
          } else {
          }
          %broadcast_in_dim3A_972 = vector.broadcast %and3A_959 : i32 to vector<16xi32>
          %and3A_973 = arith.constant 1 : i32
          %and3A_974 = arith.andi %add3A_196, %and3A_973 : i32
          %add3A_975 = arith.constant 0 : i32
          %add3A_976 = vector.broadcast %add3A_975 : i32 to vector<16xi32>
          %add3A_977 = arith.addi %iota3A, %add3A_976 : vector<16xi32>
          %gather3A_978 = arith.constant 0 : i32
          %gather3A_979 = arith.constant 0 : i32
          %gather3A_980 = tpu.memref_slice %arg9[%and3A_974, %gather3A_978, %gather3A_979] : memref<2x64x512xf32, #tpu.memory_space<vmem>> -> memref<1x64x512xf32, #tpu.memory_space<vmem>>
          %gather3A_981 = tpu.memref_squeeze %gather3A_980 : memref<1x64x512xf32, #tpu.memory_space<vmem>> -> memref<64x512xf32, #tpu.memory_space<vmem>>
          %gather3A_982 = tpu.vector_load_idx %gather3A_981[%add3A_977, %broadcast_in_dim3A_972] : memref<64x512xf32, #tpu.memory_space<vmem>>[vector<16xi32>, vector<16xi32>], vector<16xf32>,
          %swap3A_983 = arith.index_cast %and3A_963 : i32 to index
          %swap3A_984 = arith.constant 0 : index
          %swap3A_985 = tpu.vector_load %arg10[%swap3A_983, %swap3A_984] {strides = array<i32>} : memref<16x64xf32, #tpu.memory_space<vmem>>, vector<16xf32>,
          tpu.vector_store %arg10[%swap3A_983, %swap3A_984], %gather3A_982 {strides = array<i32>} : memref<16x64xf32, #tpu.memory_space<vmem>>, vector<16xf32>,
          %and3A_986 = arith.constant 1 : i32
          %and3A_987 = arith.andi %add3A_196, %and3A_986 : i32
          %add3A_988 = arith.constant 16 : i32
          %add3A_989 = vector.broadcast %add3A_988 : i32 to vector<16xi32>
          %add3A_990 = arith.addi %iota3A, %add3A_989 : vector<16xi32>
          %gather3A_991 = arith.constant 0 : i32
          %gather3A_992 = arith.constant 0 : i32
          %gather3A_993 = tpu.memref_slice %arg9[%and3A_987, %gather3A_991, %gather3A_992] : memref<2x64x512xf32, #tpu.memory_space<vmem>> -> memref<1x64x512xf32, #tpu.memory_space<vmem>>
          %gather3A_994 = tpu.memref_squeeze %gather3A_993 : memref<1x64x512xf32, #tpu.memory_space<vmem>> -> memref<64x512xf32, #tpu.memory_space<vmem>>
          %gather3A_995 = tpu.vector_load_idx %gather3A_994[%add3A_990, %broadcast_in_dim3A_972] : memref<64x512xf32, #tpu.memory_space<vmem>>[vector<16xi32>, vector<16xi32>], vector<16xf32>,
          %swap3A_996 = arith.index_cast %and3A_963 : i32 to index
          %swap3A_997 = arith.constant 16 : index
          %swap3A_998 = tpu.vector_load %arg10[%swap3A_996, %swap3A_997] {strides = array<i32>} : memref<16x64xf32, #tpu.memory_space<vmem>>, vector<16xf32>,
          tpu.vector_store %arg10[%swap3A_996, %swap3A_997], %gather3A_995 {strides = array<i32>} : memref<16x64xf32, #tpu.memory_space<vmem>>, vector<16xf32>,
          %and3A_999 = arith.constant 1 : i32
          %and3A_1000 = arith.andi %add3A_196, %and3A_999 : i32
          %add3A_1001 = arith.constant 32 : i32
          %add3A_1002 = vector.broadcast %add3A_1001 : i32 to vector<16xi32>
          %add3A_1003 = arith.addi %iota3A, %add3A_1002 : vector<16xi32>
          %gather3A_1004 = arith.constant 0 : i32
          %gather3A_1005 = arith.constant 0 : i32
          %gather3A_1006 = tpu.memref_slice %arg9[%and3A_1000, %gather3A_1004, %gather3A_1005] : memref<2x64x512xf32, #tpu.memory_space<vmem>> -> memref<1x64x512xf32, #tpu.memory_space<vmem>>
          %gather3A_1007 = tpu.memref_squeeze %gather3A_1006 : memref<1x64x512xf32, #tpu.memory_space<vmem>> -> memref<64x512xf32, #tpu.memory_space<vmem>>
          %gather3A_1008 = tpu.vector_load_idx %gather3A_1007[%add3A_1003, %broadcast_in_dim3A_972] : memref<64x512xf32, #tpu.memory_space<vmem>>[vector<16xi32>, vector<16xi32>], vector<16xf32>,
          %swap3A_1009 = arith.index_cast %and3A_963 : i32 to index
          %swap3A_1010 = arith.constant 32 : index
          %swap3A_1011 = tpu.vector_load %arg10[%swap3A_1009, %swap3A_1010] {strides = array<i32>} : memref<16x64xf32, #tpu.memory_space<vmem>>, vector<16xf32>,
          tpu.vector_store %arg10[%swap3A_1009, %swap3A_1010], %gather3A_1008 {strides = array<i32>} : memref<16x64xf32, #tpu.memory_space<vmem>>, vector<16xf32>,
          %and3A_1012 = arith.constant 1 : i32
          %and3A_1013 = arith.andi %add3A_196, %and3A_1012 : i32
          %add3A_1014 = arith.constant 48 : i32
          %add3A_1015 = vector.broadcast %add3A_1014 : i32 to vector<16xi32>
          %add3A_1016 = arith.addi %iota3A, %add3A_1015 : vector<16xi32>
          %gather3A_1017 = arith.constant 0 : i32
          %gather3A_1018 = arith.constant 0 : i32
          %gather3A_1019 = tpu.memref_slice %arg9[%and3A_1013, %gather3A_1017, %gather3A_1018] : memref<2x64x512xf32, #tpu.memory_space<vmem>> -> memref<1x64x512xf32, #tpu.memory_space<vmem>>
          %gather3A_1020 = tpu.memref_squeeze %gather3A_1019 : memref<1x64x512xf32, #tpu.memory_space<vmem>> -> memref<64x512xf32, #tpu.memory_space<vmem>>
          %gather3A_1021 = tpu.vector_load_idx %gather3A_1020[%add3A_1016, %broadcast_in_dim3A_972] : memref<64x512xf32, #tpu.memory_space<vmem>>[vector<16xi32>, vector<16xi32>], vector<16xf32>,
          %swap3A_1022 = arith.index_cast %and3A_963 : i32 to index
          %swap3A_1023 = arith.constant 48 : index
          %swap3A_1024 = tpu.vector_load %arg10[%swap3A_1022, %swap3A_1023] {strides = array<i32>} : memref<16x64xf32, #tpu.memory_space<vmem>>, vector<16xf32>,
          tpu.vector_store %arg10[%swap3A_1022, %swap3A_1023], %gather3A_1021 {strides = array<i32>} : memref<16x64xf32, #tpu.memory_space<vmem>>, vector<16xf32>,
          %convert_element_type3A_1025 = arith.extui %lt3A_953 : i1 to i32
          %cond3A_1026 = arith.constant 0 : i32
          %cond3A_1027 = arith.cmpi ne, %convert_element_type3A_1025, %cond3A_1026 : i32
          scf.if %cond3A_1027 {
            %and3A_1508 = arith.constant 16383 : i32
            %and3A_1509 = arith.andi %squeeze3A_955, %and3A_1508 : i32
            %dma_start3A = arith.constant 0 : i32
            %dma_start3A_1510 = tpu.memref_slice %arg10[%and3A_963, %dma_start3A] : memref<16x64xf32, #tpu.memory_space<vmem>> -> memref<1x64xf32, #tpu.memory_space<vmem>>
            %dma_start3A_1511 = arith.constant 0 : i32
            %dma_start3A_1512 = tpu.memref_slice %arg5[%and3A_1509, %dma_start3A_1511] : memref<16384x64xf32, #tpu.memory_space<hbm>> -> memref<1x64xf32, #tpu.memory_space<hbm>>
            %dma_start3A_1513 = arith.constant 0 : i32
            %dma_start3A_1514 = tpu.memref_slice %arg5[%and3A_1509, %dma_start3A_1513] : memref<16384x64xf32, #tpu.memory_space<hbm>> -> memref<1x64xf32, #tpu.memory_space<hbm>>
            %dma_start3A_1515 = arith.constant 0 : i32
            %dma_start3A_1516 = tpu.memref_slice %arg10[%and3A_963, %dma_start3A_1515] : memref<16x64xf32, #tpu.memory_space<vmem>> -> memref<1x64xf32, #tpu.memory_space<vmem>>
            tpu.enqueue_dma source(%dma_start3A_1516 : memref<1x64xf32, #tpu.memory_space<vmem>>) target(%dma_start3A_1514 : memref<1x64xf32, #tpu.memory_space<hbm>>) target_semaphore(%arg12 : memref<!tpu.dma_semaphore, #tpu.memory_space<semaphore_mem>>)
          } else {
          }
          %mul3A_1028 = arith.constant 16 : i32
          %mul3A_1029 = arith.muli %while3A_237, %mul3A_1028 : i32
          %add3A_1030 = arith.constant 10 : i32
          %add3A_1031 = arith.addi %mul3A_1029, %add3A_1030 : i32
          %lt3A_1032 = arith.cmpi slt, %add3A_1031, %while3A_215 : i32
          %slice3A_1033 = vector.extract_strided_slice %get3A_241 {offsets = [10], sizes = [1], strides = [1]} : vector<16xi32> to vector<1xi32>
          %squeeze3A_1034 = vector.extract %slice3A_1033[0] : i32 from vector<1xi32>
          %shift_right_logical3A_1035 = arith.constant 14 : i32
          %shift_right_logical3A_1036 = arith.shrui %squeeze3A_1034, %shift_right_logical3A_1035 : i32
          %and3A_1037 = arith.constant 511 : i32
          %and3A_1038 = arith.andi %shift_right_logical3A_1036, %and3A_1037 : i32
          %add3A_1039 = arith.constant 10 : i32
          %add3A_1040 = arith.addi %while3A_238, %add3A_1039 : i32
          %and3A_1041 = arith.constant 15 : i32
          %and3A_1042 = arith.andi %add3A_1040, %and3A_1041 : i32
          %add3A_1043 = arith.constant 10 : i32
          %add3A_1044 = arith.addi %while3A_238, %add3A_1043 : i32
          %ge3A_1045 = arith.constant 16 : i32
          %ge3A_1046 = arith.cmpi sge, %add3A_1044, %ge3A_1045 : i32
          %and3A_1047 = arith.andi %lt3A_1032, %ge3A_1046 : i1
          %convert_element_type3A_1048 = arith.extui %and3A_1047 : i1 to i32
          %cond3A_1049 = arith.constant 0 : i32
          %cond3A_1050 = arith.cmpi ne, %convert_element_type3A_1048, %cond3A_1049 : i32
          scf.if %cond3A_1050 {
            %dma_wait3A = arith.constant 0 : i32
            %dma_wait3A_1508 = tpu.memref_slice %arg10[%and3A_1042, %dma_wait3A] : memref<16x64xf32, #tpu.memory_space<vmem>> -> memref<1x64xf32, #tpu.memory_space<vmem>>
            %dma_wait3A_1509 = arith.constant 0 : i32
            %dma_wait3A_1510 = arith.constant 0 : i32
            %dma_wait3A_1511 = tpu.memref_slice %arg5[%dma_wait3A_1509, %dma_wait3A_1510] : memref<16384x64xf32, #tpu.memory_space<hbm>> -> memref<1x64xf32, #tpu.memory_space<hbm>>
            %dma_wait3A_1512 = arith.constant 0 : i32
            %dma_wait3A_1513 = tpu.memref_slice %arg10[%and3A_1042, %dma_wait3A_1512] : memref<16x64xf32, #tpu.memory_space<vmem>> -> memref<1x64xf32, #tpu.memory_space<vmem>>
            %dma_wait3A_1514 = arith.constant 0 : i32
            %dma_wait3A_1515 = arith.constant 0 : i32
            %dma_wait3A_1516 = tpu.memref_slice %arg5[%dma_wait3A_1514, %dma_wait3A_1515] : memref<16384x64xf32, #tpu.memory_space<hbm>> -> memref<1x64xf32, #tpu.memory_space<hbm>>
            tpu.wait_dma2 semaphore(%arg12 : memref<!tpu.dma_semaphore, #tpu.memory_space<semaphore_mem>>) src(%dma_wait3A_1516 : memref<1x64xf32, #tpu.memory_space<hbm>>) dst(%dma_wait3A_1513 : memref<1x64xf32, #tpu.memory_space<vmem>>)
          } else {
          }
          %broadcast_in_dim3A_1051 = vector.broadcast %and3A_1038 : i32 to vector<16xi32>
          %and3A_1052 = arith.constant 1 : i32
          %and3A_1053 = arith.andi %add3A_196, %and3A_1052 : i32
          %add3A_1054 = arith.constant 0 : i32
          %add3A_1055 = vector.broadcast %add3A_1054 : i32 to vector<16xi32>
          %add3A_1056 = arith.addi %iota3A, %add3A_1055 : vector<16xi32>
          %gather3A_1057 = arith.constant 0 : i32
          %gather3A_1058 = arith.constant 0 : i32
          %gather3A_1059 = tpu.memref_slice %arg9[%and3A_1053, %gather3A_1057, %gather3A_1058] : memref<2x64x512xf32, #tpu.memory_space<vmem>> -> memref<1x64x512xf32, #tpu.memory_space<vmem>>
          %gather3A_1060 = tpu.memref_squeeze %gather3A_1059 : memref<1x64x512xf32, #tpu.memory_space<vmem>> -> memref<64x512xf32, #tpu.memory_space<vmem>>
          %gather3A_1061 = tpu.vector_load_idx %gather3A_1060[%add3A_1056, %broadcast_in_dim3A_1051] : memref<64x512xf32, #tpu.memory_space<vmem>>[vector<16xi32>, vector<16xi32>], vector<16xf32>,
          %swap3A_1062 = arith.index_cast %and3A_1042 : i32 to index
          %swap3A_1063 = arith.constant 0 : index
          %swap3A_1064 = tpu.vector_load %arg10[%swap3A_1062, %swap3A_1063] {strides = array<i32>} : memref<16x64xf32, #tpu.memory_space<vmem>>, vector<16xf32>,
          tpu.vector_store %arg10[%swap3A_1062, %swap3A_1063], %gather3A_1061 {strides = array<i32>} : memref<16x64xf32, #tpu.memory_space<vmem>>, vector<16xf32>,
          %and3A_1065 = arith.constant 1 : i32
          %and3A_1066 = arith.andi %add3A_196, %and3A_1065 : i32
          %add3A_1067 = arith.constant 16 : i32
          %add3A_1068 = vector.broadcast %add3A_1067 : i32 to vector<16xi32>
          %add3A_1069 = arith.addi %iota3A, %add3A_1068 : vector<16xi32>
          %gather3A_1070 = arith.constant 0 : i32
          %gather3A_1071 = arith.constant 0 : i32
          %gather3A_1072 = tpu.memref_slice %arg9[%and3A_1066, %gather3A_1070, %gather3A_1071] : memref<2x64x512xf32, #tpu.memory_space<vmem>> -> memref<1x64x512xf32, #tpu.memory_space<vmem>>
          %gather3A_1073 = tpu.memref_squeeze %gather3A_1072 : memref<1x64x512xf32, #tpu.memory_space<vmem>> -> memref<64x512xf32, #tpu.memory_space<vmem>>
          %gather3A_1074 = tpu.vector_load_idx %gather3A_1073[%add3A_1069, %broadcast_in_dim3A_1051] : memref<64x512xf32, #tpu.memory_space<vmem>>[vector<16xi32>, vector<16xi32>], vector<16xf32>,
          %swap3A_1075 = arith.index_cast %and3A_1042 : i32 to index
          %swap3A_1076 = arith.constant 16 : index
          %swap3A_1077 = tpu.vector_load %arg10[%swap3A_1075, %swap3A_1076] {strides = array<i32>} : memref<16x64xf32, #tpu.memory_space<vmem>>, vector<16xf32>,
          tpu.vector_store %arg10[%swap3A_1075, %swap3A_1076], %gather3A_1074 {strides = array<i32>} : memref<16x64xf32, #tpu.memory_space<vmem>>, vector<16xf32>,
          %and3A_1078 = arith.constant 1 : i32
          %and3A_1079 = arith.andi %add3A_196, %and3A_1078 : i32
          %add3A_1080 = arith.constant 32 : i32
          %add3A_1081 = vector.broadcast %add3A_1080 : i32 to vector<16xi32>
          %add3A_1082 = arith.addi %iota3A, %add3A_1081 : vector<16xi32>
          %gather3A_1083 = arith.constant 0 : i32
          %gather3A_1084 = arith.constant 0 : i32
          %gather3A_1085 = tpu.memref_slice %arg9[%and3A_1079, %gather3A_1083, %gather3A_1084] : memref<2x64x512xf32, #tpu.memory_space<vmem>> -> memref<1x64x512xf32, #tpu.memory_space<vmem>>
          %gather3A_1086 = tpu.memref_squeeze %gather3A_1085 : memref<1x64x512xf32, #tpu.memory_space<vmem>> -> memref<64x512xf32, #tpu.memory_space<vmem>>
          %gather3A_1087 = tpu.vector_load_idx %gather3A_1086[%add3A_1082, %broadcast_in_dim3A_1051] : memref<64x512xf32, #tpu.memory_space<vmem>>[vector<16xi32>, vector<16xi32>], vector<16xf32>,
          %swap3A_1088 = arith.index_cast %and3A_1042 : i32 to index
          %swap3A_1089 = arith.constant 32 : index
          %swap3A_1090 = tpu.vector_load %arg10[%swap3A_1088, %swap3A_1089] {strides = array<i32>} : memref<16x64xf32, #tpu.memory_space<vmem>>, vector<16xf32>,
          tpu.vector_store %arg10[%swap3A_1088, %swap3A_1089], %gather3A_1087 {strides = array<i32>} : memref<16x64xf32, #tpu.memory_space<vmem>>, vector<16xf32>,
          %and3A_1091 = arith.constant 1 : i32
          %and3A_1092 = arith.andi %add3A_196, %and3A_1091 : i32
          %add3A_1093 = arith.constant 48 : i32
          %add3A_1094 = vector.broadcast %add3A_1093 : i32 to vector<16xi32>
          %add3A_1095 = arith.addi %iota3A, %add3A_1094 : vector<16xi32>
          %gather3A_1096 = arith.constant 0 : i32
          %gather3A_1097 = arith.constant 0 : i32
          %gather3A_1098 = tpu.memref_slice %arg9[%and3A_1092, %gather3A_1096, %gather3A_1097] : memref<2x64x512xf32, #tpu.memory_space<vmem>> -> memref<1x64x512xf32, #tpu.memory_space<vmem>>
          %gather3A_1099 = tpu.memref_squeeze %gather3A_1098 : memref<1x64x512xf32, #tpu.memory_space<vmem>> -> memref<64x512xf32, #tpu.memory_space<vmem>>
          %gather3A_1100 = tpu.vector_load_idx %gather3A_1099[%add3A_1095, %broadcast_in_dim3A_1051] : memref<64x512xf32, #tpu.memory_space<vmem>>[vector<16xi32>, vector<16xi32>], vector<16xf32>,
          %swap3A_1101 = arith.index_cast %and3A_1042 : i32 to index
          %swap3A_1102 = arith.constant 48 : index
          %swap3A_1103 = tpu.vector_load %arg10[%swap3A_1101, %swap3A_1102] {strides = array<i32>} : memref<16x64xf32, #tpu.memory_space<vmem>>, vector<16xf32>,
          tpu.vector_store %arg10[%swap3A_1101, %swap3A_1102], %gather3A_1100 {strides = array<i32>} : memref<16x64xf32, #tpu.memory_space<vmem>>, vector<16xf32>,
          %convert_element_type3A_1104 = arith.extui %lt3A_1032 : i1 to i32
          %cond3A_1105 = arith.constant 0 : i32
          %cond3A_1106 = arith.cmpi ne, %convert_element_type3A_1104, %cond3A_1105 : i32
          scf.if %cond3A_1106 {
            %and3A_1508 = arith.constant 16383 : i32
            %and3A_1509 = arith.andi %squeeze3A_1034, %and3A_1508 : i32
            %dma_start3A = arith.constant 0 : i32
            %dma_start3A_1510 = tpu.memref_slice %arg10[%and3A_1042, %dma_start3A] : memref<16x64xf32, #tpu.memory_space<vmem>> -> memref<1x64xf32, #tpu.memory_space<vmem>>
            %dma_start3A_1511 = arith.constant 0 : i32
            %dma_start3A_1512 = tpu.memref_slice %arg5[%and3A_1509, %dma_start3A_1511] : memref<16384x64xf32, #tpu.memory_space<hbm>> -> memref<1x64xf32, #tpu.memory_space<hbm>>
            %dma_start3A_1513 = arith.constant 0 : i32
            %dma_start3A_1514 = tpu.memref_slice %arg5[%and3A_1509, %dma_start3A_1513] : memref<16384x64xf32, #tpu.memory_space<hbm>> -> memref<1x64xf32, #tpu.memory_space<hbm>>
            %dma_start3A_1515 = arith.constant 0 : i32
            %dma_start3A_1516 = tpu.memref_slice %arg10[%and3A_1042, %dma_start3A_1515] : memref<16x64xf32, #tpu.memory_space<vmem>> -> memref<1x64xf32, #tpu.memory_space<vmem>>
            tpu.enqueue_dma source(%dma_start3A_1516 : memref<1x64xf32, #tpu.memory_space<vmem>>) target(%dma_start3A_1514 : memref<1x64xf32, #tpu.memory_space<hbm>>) target_semaphore(%arg12 : memref<!tpu.dma_semaphore, #tpu.memory_space<semaphore_mem>>)
          } else {
          }
          %mul3A_1107 = arith.constant 16 : i32
          %mul3A_1108 = arith.muli %while3A_237, %mul3A_1107 : i32
          %add3A_1109 = arith.constant 11 : i32
          %add3A_1110 = arith.addi %mul3A_1108, %add3A_1109 : i32
          %lt3A_1111 = arith.cmpi slt, %add3A_1110, %while3A_215 : i32
          %slice3A_1112 = vector.extract_strided_slice %get3A_241 {offsets = [11], sizes = [1], strides = [1]} : vector<16xi32> to vector<1xi32>
          %squeeze3A_1113 = vector.extract %slice3A_1112[0] : i32 from vector<1xi32>
          %shift_right_logical3A_1114 = arith.constant 14 : i32
          %shift_right_logical3A_1115 = arith.shrui %squeeze3A_1113, %shift_right_logical3A_1114 : i32
          %and3A_1116 = arith.constant 511 : i32
          %and3A_1117 = arith.andi %shift_right_logical3A_1115, %and3A_1116 : i32
          %add3A_1118 = arith.constant 11 : i32
          %add3A_1119 = arith.addi %while3A_238, %add3A_1118 : i32
          %and3A_1120 = arith.constant 15 : i32
          %and3A_1121 = arith.andi %add3A_1119, %and3A_1120 : i32
          %add3A_1122 = arith.constant 11 : i32
          %add3A_1123 = arith.addi %while3A_238, %add3A_1122 : i32
          %ge3A_1124 = arith.constant 16 : i32
          %ge3A_1125 = arith.cmpi sge, %add3A_1123, %ge3A_1124 : i32
          %and3A_1126 = arith.andi %lt3A_1111, %ge3A_1125 : i1
          %convert_element_type3A_1127 = arith.extui %and3A_1126 : i1 to i32
          %cond3A_1128 = arith.constant 0 : i32
          %cond3A_1129 = arith.cmpi ne, %convert_element_type3A_1127, %cond3A_1128 : i32
          scf.if %cond3A_1129 {
            %dma_wait3A = arith.constant 0 : i32
            %dma_wait3A_1508 = tpu.memref_slice %arg10[%and3A_1121, %dma_wait3A] : memref<16x64xf32, #tpu.memory_space<vmem>> -> memref<1x64xf32, #tpu.memory_space<vmem>>
            %dma_wait3A_1509 = arith.constant 0 : i32
            %dma_wait3A_1510 = arith.constant 0 : i32
            %dma_wait3A_1511 = tpu.memref_slice %arg5[%dma_wait3A_1509, %dma_wait3A_1510] : memref<16384x64xf32, #tpu.memory_space<hbm>> -> memref<1x64xf32, #tpu.memory_space<hbm>>
            %dma_wait3A_1512 = arith.constant 0 : i32
            %dma_wait3A_1513 = tpu.memref_slice %arg10[%and3A_1121, %dma_wait3A_1512] : memref<16x64xf32, #tpu.memory_space<vmem>> -> memref<1x64xf32, #tpu.memory_space<vmem>>
            %dma_wait3A_1514 = arith.constant 0 : i32
            %dma_wait3A_1515 = arith.constant 0 : i32
            %dma_wait3A_1516 = tpu.memref_slice %arg5[%dma_wait3A_1514, %dma_wait3A_1515] : memref<16384x64xf32, #tpu.memory_space<hbm>> -> memref<1x64xf32, #tpu.memory_space<hbm>>
            tpu.wait_dma2 semaphore(%arg12 : memref<!tpu.dma_semaphore, #tpu.memory_space<semaphore_mem>>) src(%dma_wait3A_1516 : memref<1x64xf32, #tpu.memory_space<hbm>>) dst(%dma_wait3A_1513 : memref<1x64xf32, #tpu.memory_space<vmem>>)
          } else {
          }
          %broadcast_in_dim3A_1130 = vector.broadcast %and3A_1117 : i32 to vector<16xi32>
          %and3A_1131 = arith.constant 1 : i32
          %and3A_1132 = arith.andi %add3A_196, %and3A_1131 : i32
          %add3A_1133 = arith.constant 0 : i32
          %add3A_1134 = vector.broadcast %add3A_1133 : i32 to vector<16xi32>
          %add3A_1135 = arith.addi %iota3A, %add3A_1134 : vector<16xi32>
          %gather3A_1136 = arith.constant 0 : i32
          %gather3A_1137 = arith.constant 0 : i32
          %gather3A_1138 = tpu.memref_slice %arg9[%and3A_1132, %gather3A_1136, %gather3A_1137] : memref<2x64x512xf32, #tpu.memory_space<vmem>> -> memref<1x64x512xf32, #tpu.memory_space<vmem>>
          %gather3A_1139 = tpu.memref_squeeze %gather3A_1138 : memref<1x64x512xf32, #tpu.memory_space<vmem>> -> memref<64x512xf32, #tpu.memory_space<vmem>>
          %gather3A_1140 = tpu.vector_load_idx %gather3A_1139[%add3A_1135, %broadcast_in_dim3A_1130] : memref<64x512xf32, #tpu.memory_space<vmem>>[vector<16xi32>, vector<16xi32>], vector<16xf32>,
          %swap3A_1141 = arith.index_cast %and3A_1121 : i32 to index
          %swap3A_1142 = arith.constant 0 : index
          %swap3A_1143 = tpu.vector_load %arg10[%swap3A_1141, %swap3A_1142] {strides = array<i32>} : memref<16x64xf32, #tpu.memory_space<vmem>>, vector<16xf32>,
          tpu.vector_store %arg10[%swap3A_1141, %swap3A_1142], %gather3A_1140 {strides = array<i32>} : memref<16x64xf32, #tpu.memory_space<vmem>>, vector<16xf32>,
          %and3A_1144 = arith.constant 1 : i32
          %and3A_1145 = arith.andi %add3A_196, %and3A_1144 : i32
          %add3A_1146 = arith.constant 16 : i32
          %add3A_1147 = vector.broadcast %add3A_1146 : i32 to vector<16xi32>
          %add3A_1148 = arith.addi %iota3A, %add3A_1147 : vector<16xi32>
          %gather3A_1149 = arith.constant 0 : i32
          %gather3A_1150 = arith.constant 0 : i32
          %gather3A_1151 = tpu.memref_slice %arg9[%and3A_1145, %gather3A_1149, %gather3A_1150] : memref<2x64x512xf32, #tpu.memory_space<vmem>> -> memref<1x64x512xf32, #tpu.memory_space<vmem>>
          %gather3A_1152 = tpu.memref_squeeze %gather3A_1151 : memref<1x64x512xf32, #tpu.memory_space<vmem>> -> memref<64x512xf32, #tpu.memory_space<vmem>>
          %gather3A_1153 = tpu.vector_load_idx %gather3A_1152[%add3A_1148, %broadcast_in_dim3A_1130] : memref<64x512xf32, #tpu.memory_space<vmem>>[vector<16xi32>, vector<16xi32>], vector<16xf32>,
          %swap3A_1154 = arith.index_cast %and3A_1121 : i32 to index
          %swap3A_1155 = arith.constant 16 : index
          %swap3A_1156 = tpu.vector_load %arg10[%swap3A_1154, %swap3A_1155] {strides = array<i32>} : memref<16x64xf32, #tpu.memory_space<vmem>>, vector<16xf32>,
          tpu.vector_store %arg10[%swap3A_1154, %swap3A_1155], %gather3A_1153 {strides = array<i32>} : memref<16x64xf32, #tpu.memory_space<vmem>>, vector<16xf32>,
          %and3A_1157 = arith.constant 1 : i32
          %and3A_1158 = arith.andi %add3A_196, %and3A_1157 : i32
          %add3A_1159 = arith.constant 32 : i32
          %add3A_1160 = vector.broadcast %add3A_1159 : i32 to vector<16xi32>
          %add3A_1161 = arith.addi %iota3A, %add3A_1160 : vector<16xi32>
          %gather3A_1162 = arith.constant 0 : i32
          %gather3A_1163 = arith.constant 0 : i32
          %gather3A_1164 = tpu.memref_slice %arg9[%and3A_1158, %gather3A_1162, %gather3A_1163] : memref<2x64x512xf32, #tpu.memory_space<vmem>> -> memref<1x64x512xf32, #tpu.memory_space<vmem>>
          %gather3A_1165 = tpu.memref_squeeze %gather3A_1164 : memref<1x64x512xf32, #tpu.memory_space<vmem>> -> memref<64x512xf32, #tpu.memory_space<vmem>>
          %gather3A_1166 = tpu.vector_load_idx %gather3A_1165[%add3A_1161, %broadcast_in_dim3A_1130] : memref<64x512xf32, #tpu.memory_space<vmem>>[vector<16xi32>, vector<16xi32>], vector<16xf32>,
          %swap3A_1167 = arith.index_cast %and3A_1121 : i32 to index
          %swap3A_1168 = arith.constant 32 : index
          %swap3A_1169 = tpu.vector_load %arg10[%swap3A_1167, %swap3A_1168] {strides = array<i32>} : memref<16x64xf32, #tpu.memory_space<vmem>>, vector<16xf32>,
          tpu.vector_store %arg10[%swap3A_1167, %swap3A_1168], %gather3A_1166 {strides = array<i32>} : memref<16x64xf32, #tpu.memory_space<vmem>>, vector<16xf32>,
          %and3A_1170 = arith.constant 1 : i32
          %and3A_1171 = arith.andi %add3A_196, %and3A_1170 : i32
          %add3A_1172 = arith.constant 48 : i32
          %add3A_1173 = vector.broadcast %add3A_1172 : i32 to vector<16xi32>
          %add3A_1174 = arith.addi %iota3A, %add3A_1173 : vector<16xi32>
          %gather3A_1175 = arith.constant 0 : i32
          %gather3A_1176 = arith.constant 0 : i32
          %gather3A_1177 = tpu.memref_slice %arg9[%and3A_1171, %gather3A_1175, %gather3A_1176] : memref<2x64x512xf32, #tpu.memory_space<vmem>> -> memref<1x64x512xf32, #tpu.memory_space<vmem>>
          %gather3A_1178 = tpu.memref_squeeze %gather3A_1177 : memref<1x64x512xf32, #tpu.memory_space<vmem>> -> memref<64x512xf32, #tpu.memory_space<vmem>>
          %gather3A_1179 = tpu.vector_load_idx %gather3A_1178[%add3A_1174, %broadcast_in_dim3A_1130] : memref<64x512xf32, #tpu.memory_space<vmem>>[vector<16xi32>, vector<16xi32>], vector<16xf32>,
          %swap3A_1180 = arith.index_cast %and3A_1121 : i32 to index
          %swap3A_1181 = arith.constant 48 : index
          %swap3A_1182 = tpu.vector_load %arg10[%swap3A_1180, %swap3A_1181] {strides = array<i32>} : memref<16x64xf32, #tpu.memory_space<vmem>>, vector<16xf32>,
          tpu.vector_store %arg10[%swap3A_1180, %swap3A_1181], %gather3A_1179 {strides = array<i32>} : memref<16x64xf32, #tpu.memory_space<vmem>>, vector<16xf32>,
          %convert_element_type3A_1183 = arith.extui %lt3A_1111 : i1 to i32
          %cond3A_1184 = arith.constant 0 : i32
          %cond3A_1185 = arith.cmpi ne, %convert_element_type3A_1183, %cond3A_1184 : i32
          scf.if %cond3A_1185 {
            %and3A_1508 = arith.constant 16383 : i32
            %and3A_1509 = arith.andi %squeeze3A_1113, %and3A_1508 : i32
            %dma_start3A = arith.constant 0 : i32
            %dma_start3A_1510 = tpu.memref_slice %arg10[%and3A_1121, %dma_start3A] : memref<16x64xf32, #tpu.memory_space<vmem>> -> memref<1x64xf32, #tpu.memory_space<vmem>>
            %dma_start3A_1511 = arith.constant 0 : i32
            %dma_start3A_1512 = tpu.memref_slice %arg5[%and3A_1509, %dma_start3A_1511] : memref<16384x64xf32, #tpu.memory_space<hbm>> -> memref<1x64xf32, #tpu.memory_space<hbm>>
            %dma_start3A_1513 = arith.constant 0 : i32
            %dma_start3A_1514 = tpu.memref_slice %arg5[%and3A_1509, %dma_start3A_1513] : memref<16384x64xf32, #tpu.memory_space<hbm>> -> memref<1x64xf32, #tpu.memory_space<hbm>>
            %dma_start3A_1515 = arith.constant 0 : i32
            %dma_start3A_1516 = tpu.memref_slice %arg10[%and3A_1121, %dma_start3A_1515] : memref<16x64xf32, #tpu.memory_space<vmem>> -> memref<1x64xf32, #tpu.memory_space<vmem>>
            tpu.enqueue_dma source(%dma_start3A_1516 : memref<1x64xf32, #tpu.memory_space<vmem>>) target(%dma_start3A_1514 : memref<1x64xf32, #tpu.memory_space<hbm>>) target_semaphore(%arg12 : memref<!tpu.dma_semaphore, #tpu.memory_space<semaphore_mem>>)
          } else {
          }
          %mul3A_1186 = arith.constant 16 : i32
          %mul3A_1187 = arith.muli %while3A_237, %mul3A_1186 : i32
          %add3A_1188 = arith.constant 12 : i32
          %add3A_1189 = arith.addi %mul3A_1187, %add3A_1188 : i32
          %lt3A_1190 = arith.cmpi slt, %add3A_1189, %while3A_215 : i32
          %slice3A_1191 = vector.extract_strided_slice %get3A_241 {offsets = [12], sizes = [1], strides = [1]} : vector<16xi32> to vector<1xi32>
          %squeeze3A_1192 = vector.extract %slice3A_1191[0] : i32 from vector<1xi32>
          %shift_right_logical3A_1193 = arith.constant 14 : i32
          %shift_right_logical3A_1194 = arith.shrui %squeeze3A_1192, %shift_right_logical3A_1193 : i32
          %and3A_1195 = arith.constant 511 : i32
          %and3A_1196 = arith.andi %shift_right_logical3A_1194, %and3A_1195 : i32
          %add3A_1197 = arith.constant 12 : i32
          %add3A_1198 = arith.addi %while3A_238, %add3A_1197 : i32
          %and3A_1199 = arith.constant 15 : i32
          %and3A_1200 = arith.andi %add3A_1198, %and3A_1199 : i32
          %add3A_1201 = arith.constant 12 : i32
          %add3A_1202 = arith.addi %while3A_238, %add3A_1201 : i32
          %ge3A_1203 = arith.constant 16 : i32
          %ge3A_1204 = arith.cmpi sge, %add3A_1202, %ge3A_1203 : i32
          %and3A_1205 = arith.andi %lt3A_1190, %ge3A_1204 : i1
          %convert_element_type3A_1206 = arith.extui %and3A_1205 : i1 to i32
          %cond3A_1207 = arith.constant 0 : i32
          %cond3A_1208 = arith.cmpi ne, %convert_element_type3A_1206, %cond3A_1207 : i32
          scf.if %cond3A_1208 {
            %dma_wait3A = arith.constant 0 : i32
            %dma_wait3A_1508 = tpu.memref_slice %arg10[%and3A_1200, %dma_wait3A] : memref<16x64xf32, #tpu.memory_space<vmem>> -> memref<1x64xf32, #tpu.memory_space<vmem>>
            %dma_wait3A_1509 = arith.constant 0 : i32
            %dma_wait3A_1510 = arith.constant 0 : i32
            %dma_wait3A_1511 = tpu.memref_slice %arg5[%dma_wait3A_1509, %dma_wait3A_1510] : memref<16384x64xf32, #tpu.memory_space<hbm>> -> memref<1x64xf32, #tpu.memory_space<hbm>>
            %dma_wait3A_1512 = arith.constant 0 : i32
            %dma_wait3A_1513 = tpu.memref_slice %arg10[%and3A_1200, %dma_wait3A_1512] : memref<16x64xf32, #tpu.memory_space<vmem>> -> memref<1x64xf32, #tpu.memory_space<vmem>>
            %dma_wait3A_1514 = arith.constant 0 : i32
            %dma_wait3A_1515 = arith.constant 0 : i32
            %dma_wait3A_1516 = tpu.memref_slice %arg5[%dma_wait3A_1514, %dma_wait3A_1515] : memref<16384x64xf32, #tpu.memory_space<hbm>> -> memref<1x64xf32, #tpu.memory_space<hbm>>
            tpu.wait_dma2 semaphore(%arg12 : memref<!tpu.dma_semaphore, #tpu.memory_space<semaphore_mem>>) src(%dma_wait3A_1516 : memref<1x64xf32, #tpu.memory_space<hbm>>) dst(%dma_wait3A_1513 : memref<1x64xf32, #tpu.memory_space<vmem>>)
          } else {
          }
          %broadcast_in_dim3A_1209 = vector.broadcast %and3A_1196 : i32 to vector<16xi32>
          %and3A_1210 = arith.constant 1 : i32
          %and3A_1211 = arith.andi %add3A_196, %and3A_1210 : i32
          %add3A_1212 = arith.constant 0 : i32
          %add3A_1213 = vector.broadcast %add3A_1212 : i32 to vector<16xi32>
          %add3A_1214 = arith.addi %iota3A, %add3A_1213 : vector<16xi32>
          %gather3A_1215 = arith.constant 0 : i32
          %gather3A_1216 = arith.constant 0 : i32
          %gather3A_1217 = tpu.memref_slice %arg9[%and3A_1211, %gather3A_1215, %gather3A_1216] : memref<2x64x512xf32, #tpu.memory_space<vmem>> -> memref<1x64x512xf32, #tpu.memory_space<vmem>>
          %gather3A_1218 = tpu.memref_squeeze %gather3A_1217 : memref<1x64x512xf32, #tpu.memory_space<vmem>> -> memref<64x512xf32, #tpu.memory_space<vmem>>
          %gather3A_1219 = tpu.vector_load_idx %gather3A_1218[%add3A_1214, %broadcast_in_dim3A_1209] : memref<64x512xf32, #tpu.memory_space<vmem>>[vector<16xi32>, vector<16xi32>], vector<16xf32>,
          %swap3A_1220 = arith.index_cast %and3A_1200 : i32 to index
          %swap3A_1221 = arith.constant 0 : index
          %swap3A_1222 = tpu.vector_load %arg10[%swap3A_1220, %swap3A_1221] {strides = array<i32>} : memref<16x64xf32, #tpu.memory_space<vmem>>, vector<16xf32>,
          tpu.vector_store %arg10[%swap3A_1220, %swap3A_1221], %gather3A_1219 {strides = array<i32>} : memref<16x64xf32, #tpu.memory_space<vmem>>, vector<16xf32>,
          %and3A_1223 = arith.constant 1 : i32
          %and3A_1224 = arith.andi %add3A_196, %and3A_1223 : i32
          %add3A_1225 = arith.constant 16 : i32
          %add3A_1226 = vector.broadcast %add3A_1225 : i32 to vector<16xi32>
          %add3A_1227 = arith.addi %iota3A, %add3A_1226 : vector<16xi32>
          %gather3A_1228 = arith.constant 0 : i32
          %gather3A_1229 = arith.constant 0 : i32
          %gather3A_1230 = tpu.memref_slice %arg9[%and3A_1224, %gather3A_1228, %gather3A_1229] : memref<2x64x512xf32, #tpu.memory_space<vmem>> -> memref<1x64x512xf32, #tpu.memory_space<vmem>>
          %gather3A_1231 = tpu.memref_squeeze %gather3A_1230 : memref<1x64x512xf32, #tpu.memory_space<vmem>> -> memref<64x512xf32, #tpu.memory_space<vmem>>
          %gather3A_1232 = tpu.vector_load_idx %gather3A_1231[%add3A_1227, %broadcast_in_dim3A_1209] : memref<64x512xf32, #tpu.memory_space<vmem>>[vector<16xi32>, vector<16xi32>], vector<16xf32>,
          %swap3A_1233 = arith.index_cast %and3A_1200 : i32 to index
          %swap3A_1234 = arith.constant 16 : index
          %swap3A_1235 = tpu.vector_load %arg10[%swap3A_1233, %swap3A_1234] {strides = array<i32>} : memref<16x64xf32, #tpu.memory_space<vmem>>, vector<16xf32>,
          tpu.vector_store %arg10[%swap3A_1233, %swap3A_1234], %gather3A_1232 {strides = array<i32>} : memref<16x64xf32, #tpu.memory_space<vmem>>, vector<16xf32>,
          %and3A_1236 = arith.constant 1 : i32
          %and3A_1237 = arith.andi %add3A_196, %and3A_1236 : i32
          %add3A_1238 = arith.constant 32 : i32
          %add3A_1239 = vector.broadcast %add3A_1238 : i32 to vector<16xi32>
          %add3A_1240 = arith.addi %iota3A, %add3A_1239 : vector<16xi32>
          %gather3A_1241 = arith.constant 0 : i32
          %gather3A_1242 = arith.constant 0 : i32
          %gather3A_1243 = tpu.memref_slice %arg9[%and3A_1237, %gather3A_1241, %gather3A_1242] : memref<2x64x512xf32, #tpu.memory_space<vmem>> -> memref<1x64x512xf32, #tpu.memory_space<vmem>>
          %gather3A_1244 = tpu.memref_squeeze %gather3A_1243 : memref<1x64x512xf32, #tpu.memory_space<vmem>> -> memref<64x512xf32, #tpu.memory_space<vmem>>
          %gather3A_1245 = tpu.vector_load_idx %gather3A_1244[%add3A_1240, %broadcast_in_dim3A_1209] : memref<64x512xf32, #tpu.memory_space<vmem>>[vector<16xi32>, vector<16xi32>], vector<16xf32>,
          %swap3A_1246 = arith.index_cast %and3A_1200 : i32 to index
          %swap3A_1247 = arith.constant 32 : index
          %swap3A_1248 = tpu.vector_load %arg10[%swap3A_1246, %swap3A_1247] {strides = array<i32>} : memref<16x64xf32, #tpu.memory_space<vmem>>, vector<16xf32>,
          tpu.vector_store %arg10[%swap3A_1246, %swap3A_1247], %gather3A_1245 {strides = array<i32>} : memref<16x64xf32, #tpu.memory_space<vmem>>, vector<16xf32>,
          %and3A_1249 = arith.constant 1 : i32
          %and3A_1250 = arith.andi %add3A_196, %and3A_1249 : i32
          %add3A_1251 = arith.constant 48 : i32
          %add3A_1252 = vector.broadcast %add3A_1251 : i32 to vector<16xi32>
          %add3A_1253 = arith.addi %iota3A, %add3A_1252 : vector<16xi32>
          %gather3A_1254 = arith.constant 0 : i32
          %gather3A_1255 = arith.constant 0 : i32
          %gather3A_1256 = tpu.memref_slice %arg9[%and3A_1250, %gather3A_1254, %gather3A_1255] : memref<2x64x512xf32, #tpu.memory_space<vmem>> -> memref<1x64x512xf32, #tpu.memory_space<vmem>>
          %gather3A_1257 = tpu.memref_squeeze %gather3A_1256 : memref<1x64x512xf32, #tpu.memory_space<vmem>> -> memref<64x512xf32, #tpu.memory_space<vmem>>
          %gather3A_1258 = tpu.vector_load_idx %gather3A_1257[%add3A_1253, %broadcast_in_dim3A_1209] : memref<64x512xf32, #tpu.memory_space<vmem>>[vector<16xi32>, vector<16xi32>], vector<16xf32>,
          %swap3A_1259 = arith.index_cast %and3A_1200 : i32 to index
          %swap3A_1260 = arith.constant 48 : index
          %swap3A_1261 = tpu.vector_load %arg10[%swap3A_1259, %swap3A_1260] {strides = array<i32>} : memref<16x64xf32, #tpu.memory_space<vmem>>, vector<16xf32>,
          tpu.vector_store %arg10[%swap3A_1259, %swap3A_1260], %gather3A_1258 {strides = array<i32>} : memref<16x64xf32, #tpu.memory_space<vmem>>, vector<16xf32>,
          %convert_element_type3A_1262 = arith.extui %lt3A_1190 : i1 to i32
          %cond3A_1263 = arith.constant 0 : i32
          %cond3A_1264 = arith.cmpi ne, %convert_element_type3A_1262, %cond3A_1263 : i32
          scf.if %cond3A_1264 {
            %and3A_1508 = arith.constant 16383 : i32
            %and3A_1509 = arith.andi %squeeze3A_1192, %and3A_1508 : i32
            %dma_start3A = arith.constant 0 : i32
            %dma_start3A_1510 = tpu.memref_slice %arg10[%and3A_1200, %dma_start3A] : memref<16x64xf32, #tpu.memory_space<vmem>> -> memref<1x64xf32, #tpu.memory_space<vmem>>
            %dma_start3A_1511 = arith.constant 0 : i32
            %dma_start3A_1512 = tpu.memref_slice %arg5[%and3A_1509, %dma_start3A_1511] : memref<16384x64xf32, #tpu.memory_space<hbm>> -> memref<1x64xf32, #tpu.memory_space<hbm>>
            %dma_start3A_1513 = arith.constant 0 : i32
            %dma_start3A_1514 = tpu.memref_slice %arg5[%and3A_1509, %dma_start3A_1513] : memref<16384x64xf32, #tpu.memory_space<hbm>> -> memref<1x64xf32, #tpu.memory_space<hbm>>
            %dma_start3A_1515 = arith.constant 0 : i32
            %dma_start3A_1516 = tpu.memref_slice %arg10[%and3A_1200, %dma_start3A_1515] : memref<16x64xf32, #tpu.memory_space<vmem>> -> memref<1x64xf32, #tpu.memory_space<vmem>>
            tpu.enqueue_dma source(%dma_start3A_1516 : memref<1x64xf32, #tpu.memory_space<vmem>>) target(%dma_start3A_1514 : memref<1x64xf32, #tpu.memory_space<hbm>>) target_semaphore(%arg12 : memref<!tpu.dma_semaphore, #tpu.memory_space<semaphore_mem>>)
          } else {
          }
          %mul3A_1265 = arith.constant 16 : i32
          %mul3A_1266 = arith.muli %while3A_237, %mul3A_1265 : i32
          %add3A_1267 = arith.constant 13 : i32
          %add3A_1268 = arith.addi %mul3A_1266, %add3A_1267 : i32
          %lt3A_1269 = arith.cmpi slt, %add3A_1268, %while3A_215 : i32
          %slice3A_1270 = vector.extract_strided_slice %get3A_241 {offsets = [13], sizes = [1], strides = [1]} : vector<16xi32> to vector<1xi32>
          %squeeze3A_1271 = vector.extract %slice3A_1270[0] : i32 from vector<1xi32>
          %shift_right_logical3A_1272 = arith.constant 14 : i32
          %shift_right_logical3A_1273 = arith.shrui %squeeze3A_1271, %shift_right_logical3A_1272 : i32
          %and3A_1274 = arith.constant 511 : i32
          %and3A_1275 = arith.andi %shift_right_logical3A_1273, %and3A_1274 : i32
          %add3A_1276 = arith.constant 13 : i32
          %add3A_1277 = arith.addi %while3A_238, %add3A_1276 : i32
          %and3A_1278 = arith.constant 15 : i32
          %and3A_1279 = arith.andi %add3A_1277, %and3A_1278 : i32
          %add3A_1280 = arith.constant 13 : i32
          %add3A_1281 = arith.addi %while3A_238, %add3A_1280 : i32
          %ge3A_1282 = arith.constant 16 : i32
          %ge3A_1283 = arith.cmpi sge, %add3A_1281, %ge3A_1282 : i32
          %and3A_1284 = arith.andi %lt3A_1269, %ge3A_1283 : i1
          %convert_element_type3A_1285 = arith.extui %and3A_1284 : i1 to i32
          %cond3A_1286 = arith.constant 0 : i32
          %cond3A_1287 = arith.cmpi ne, %convert_element_type3A_1285, %cond3A_1286 : i32
          scf.if %cond3A_1287 {
            %dma_wait3A = arith.constant 0 : i32
            %dma_wait3A_1508 = tpu.memref_slice %arg10[%and3A_1279, %dma_wait3A] : memref<16x64xf32, #tpu.memory_space<vmem>> -> memref<1x64xf32, #tpu.memory_space<vmem>>
            %dma_wait3A_1509 = arith.constant 0 : i32
            %dma_wait3A_1510 = arith.constant 0 : i32
            %dma_wait3A_1511 = tpu.memref_slice %arg5[%dma_wait3A_1509, %dma_wait3A_1510] : memref<16384x64xf32, #tpu.memory_space<hbm>> -> memref<1x64xf32, #tpu.memory_space<hbm>>
            %dma_wait3A_1512 = arith.constant 0 : i32
            %dma_wait3A_1513 = tpu.memref_slice %arg10[%and3A_1279, %dma_wait3A_1512] : memref<16x64xf32, #tpu.memory_space<vmem>> -> memref<1x64xf32, #tpu.memory_space<vmem>>
            %dma_wait3A_1514 = arith.constant 0 : i32
            %dma_wait3A_1515 = arith.constant 0 : i32
            %dma_wait3A_1516 = tpu.memref_slice %arg5[%dma_wait3A_1514, %dma_wait3A_1515] : memref<16384x64xf32, #tpu.memory_space<hbm>> -> memref<1x64xf32, #tpu.memory_space<hbm>>
            tpu.wait_dma2 semaphore(%arg12 : memref<!tpu.dma_semaphore, #tpu.memory_space<semaphore_mem>>) src(%dma_wait3A_1516 : memref<1x64xf32, #tpu.memory_space<hbm>>) dst(%dma_wait3A_1513 : memref<1x64xf32, #tpu.memory_space<vmem>>)
          } else {
          }
          %broadcast_in_dim3A_1288 = vector.broadcast %and3A_1275 : i32 to vector<16xi32>
          %and3A_1289 = arith.constant 1 : i32
          %and3A_1290 = arith.andi %add3A_196, %and3A_1289 : i32
          %add3A_1291 = arith.constant 0 : i32
          %add3A_1292 = vector.broadcast %add3A_1291 : i32 to vector<16xi32>
          %add3A_1293 = arith.addi %iota3A, %add3A_1292 : vector<16xi32>
          %gather3A_1294 = arith.constant 0 : i32
          %gather3A_1295 = arith.constant 0 : i32
          %gather3A_1296 = tpu.memref_slice %arg9[%and3A_1290, %gather3A_1294, %gather3A_1295] : memref<2x64x512xf32, #tpu.memory_space<vmem>> -> memref<1x64x512xf32, #tpu.memory_space<vmem>>
          %gather3A_1297 = tpu.memref_squeeze %gather3A_1296 : memref<1x64x512xf32, #tpu.memory_space<vmem>> -> memref<64x512xf32, #tpu.memory_space<vmem>>
          %gather3A_1298 = tpu.vector_load_idx %gather3A_1297[%add3A_1293, %broadcast_in_dim3A_1288] : memref<64x512xf32, #tpu.memory_space<vmem>>[vector<16xi32>, vector<16xi32>], vector<16xf32>,
          %swap3A_1299 = arith.index_cast %and3A_1279 : i32 to index
          %swap3A_1300 = arith.constant 0 : index
          %swap3A_1301 = tpu.vector_load %arg10[%swap3A_1299, %swap3A_1300] {strides = array<i32>} : memref<16x64xf32, #tpu.memory_space<vmem>>, vector<16xf32>,
          tpu.vector_store %arg10[%swap3A_1299, %swap3A_1300], %gather3A_1298 {strides = array<i32>} : memref<16x64xf32, #tpu.memory_space<vmem>>, vector<16xf32>,
          %and3A_1302 = arith.constant 1 : i32
          %and3A_1303 = arith.andi %add3A_196, %and3A_1302 : i32
          %add3A_1304 = arith.constant 16 : i32
          %add3A_1305 = vector.broadcast %add3A_1304 : i32 to vector<16xi32>
          %add3A_1306 = arith.addi %iota3A, %add3A_1305 : vector<16xi32>
          %gather3A_1307 = arith.constant 0 : i32
          %gather3A_1308 = arith.constant 0 : i32
          %gather3A_1309 = tpu.memref_slice %arg9[%and3A_1303, %gather3A_1307, %gather3A_1308] : memref<2x64x512xf32, #tpu.memory_space<vmem>> -> memref<1x64x512xf32, #tpu.memory_space<vmem>>
          %gather3A_1310 = tpu.memref_squeeze %gather3A_1309 : memref<1x64x512xf32, #tpu.memory_space<vmem>> -> memref<64x512xf32, #tpu.memory_space<vmem>>
          %gather3A_1311 = tpu.vector_load_idx %gather3A_1310[%add3A_1306, %broadcast_in_dim3A_1288] : memref<64x512xf32, #tpu.memory_space<vmem>>[vector<16xi32>, vector<16xi32>], vector<16xf32>,
          %swap3A_1312 = arith.index_cast %and3A_1279 : i32 to index
          %swap3A_1313 = arith.constant 16 : index
          %swap3A_1314 = tpu.vector_load %arg10[%swap3A_1312, %swap3A_1313] {strides = array<i32>} : memref<16x64xf32, #tpu.memory_space<vmem>>, vector<16xf32>,
          tpu.vector_store %arg10[%swap3A_1312, %swap3A_1313], %gather3A_1311 {strides = array<i32>} : memref<16x64xf32, #tpu.memory_space<vmem>>, vector<16xf32>,
          %and3A_1315 = arith.constant 1 : i32
          %and3A_1316 = arith.andi %add3A_196, %and3A_1315 : i32
          %add3A_1317 = arith.constant 32 : i32
          %add3A_1318 = vector.broadcast %add3A_1317 : i32 to vector<16xi32>
          %add3A_1319 = arith.addi %iota3A, %add3A_1318 : vector<16xi32>
          %gather3A_1320 = arith.constant 0 : i32
          %gather3A_1321 = arith.constant 0 : i32
          %gather3A_1322 = tpu.memref_slice %arg9[%and3A_1316, %gather3A_1320, %gather3A_1321] : memref<2x64x512xf32, #tpu.memory_space<vmem>> -> memref<1x64x512xf32, #tpu.memory_space<vmem>>
          %gather3A_1323 = tpu.memref_squeeze %gather3A_1322 : memref<1x64x512xf32, #tpu.memory_space<vmem>> -> memref<64x512xf32, #tpu.memory_space<vmem>>
          %gather3A_1324 = tpu.vector_load_idx %gather3A_1323[%add3A_1319, %broadcast_in_dim3A_1288] : memref<64x512xf32, #tpu.memory_space<vmem>>[vector<16xi32>, vector<16xi32>], vector<16xf32>,
          %swap3A_1325 = arith.index_cast %and3A_1279 : i32 to index
          %swap3A_1326 = arith.constant 32 : index
          %swap3A_1327 = tpu.vector_load %arg10[%swap3A_1325, %swap3A_1326] {strides = array<i32>} : memref<16x64xf32, #tpu.memory_space<vmem>>, vector<16xf32>,
          tpu.vector_store %arg10[%swap3A_1325, %swap3A_1326], %gather3A_1324 {strides = array<i32>} : memref<16x64xf32, #tpu.memory_space<vmem>>, vector<16xf32>,
          %and3A_1328 = arith.constant 1 : i32
          %and3A_1329 = arith.andi %add3A_196, %and3A_1328 : i32
          %add3A_1330 = arith.constant 48 : i32
          %add3A_1331 = vector.broadcast %add3A_1330 : i32 to vector<16xi32>
          %add3A_1332 = arith.addi %iota3A, %add3A_1331 : vector<16xi32>
          %gather3A_1333 = arith.constant 0 : i32
          %gather3A_1334 = arith.constant 0 : i32
          %gather3A_1335 = tpu.memref_slice %arg9[%and3A_1329, %gather3A_1333, %gather3A_1334] : memref<2x64x512xf32, #tpu.memory_space<vmem>> -> memref<1x64x512xf32, #tpu.memory_space<vmem>>
          %gather3A_1336 = tpu.memref_squeeze %gather3A_1335 : memref<1x64x512xf32, #tpu.memory_space<vmem>> -> memref<64x512xf32, #tpu.memory_space<vmem>>
          %gather3A_1337 = tpu.vector_load_idx %gather3A_1336[%add3A_1332, %broadcast_in_dim3A_1288] : memref<64x512xf32, #tpu.memory_space<vmem>>[vector<16xi32>, vector<16xi32>], vector<16xf32>,
          %swap3A_1338 = arith.index_cast %and3A_1279 : i32 to index
          %swap3A_1339 = arith.constant 48 : index
          %swap3A_1340 = tpu.vector_load %arg10[%swap3A_1338, %swap3A_1339] {strides = array<i32>} : memref<16x64xf32, #tpu.memory_space<vmem>>, vector<16xf32>,
          tpu.vector_store %arg10[%swap3A_1338, %swap3A_1339], %gather3A_1337 {strides = array<i32>} : memref<16x64xf32, #tpu.memory_space<vmem>>, vector<16xf32>,
          %convert_element_type3A_1341 = arith.extui %lt3A_1269 : i1 to i32
          %cond3A_1342 = arith.constant 0 : i32
          %cond3A_1343 = arith.cmpi ne, %convert_element_type3A_1341, %cond3A_1342 : i32
          scf.if %cond3A_1343 {
            %and3A_1508 = arith.constant 16383 : i32
            %and3A_1509 = arith.andi %squeeze3A_1271, %and3A_1508 : i32
            %dma_start3A = arith.constant 0 : i32
            %dma_start3A_1510 = tpu.memref_slice %arg10[%and3A_1279, %dma_start3A] : memref<16x64xf32, #tpu.memory_space<vmem>> -> memref<1x64xf32, #tpu.memory_space<vmem>>
            %dma_start3A_1511 = arith.constant 0 : i32
            %dma_start3A_1512 = tpu.memref_slice %arg5[%and3A_1509, %dma_start3A_1511] : memref<16384x64xf32, #tpu.memory_space<hbm>> -> memref<1x64xf32, #tpu.memory_space<hbm>>
            %dma_start3A_1513 = arith.constant 0 : i32
            %dma_start3A_1514 = tpu.memref_slice %arg5[%and3A_1509, %dma_start3A_1513] : memref<16384x64xf32, #tpu.memory_space<hbm>> -> memref<1x64xf32, #tpu.memory_space<hbm>>
            %dma_start3A_1515 = arith.constant 0 : i32
            %dma_start3A_1516 = tpu.memref_slice %arg10[%and3A_1279, %dma_start3A_1515] : memref<16x64xf32, #tpu.memory_space<vmem>> -> memref<1x64xf32, #tpu.memory_space<vmem>>
            tpu.enqueue_dma source(%dma_start3A_1516 : memref<1x64xf32, #tpu.memory_space<vmem>>) target(%dma_start3A_1514 : memref<1x64xf32, #tpu.memory_space<hbm>>) target_semaphore(%arg12 : memref<!tpu.dma_semaphore, #tpu.memory_space<semaphore_mem>>)
          } else {
          }
          %mul3A_1344 = arith.constant 16 : i32
          %mul3A_1345 = arith.muli %while3A_237, %mul3A_1344 : i32
          %add3A_1346 = arith.constant 14 : i32
          %add3A_1347 = arith.addi %mul3A_1345, %add3A_1346 : i32
          %lt3A_1348 = arith.cmpi slt, %add3A_1347, %while3A_215 : i32
          %slice3A_1349 = vector.extract_strided_slice %get3A_241 {offsets = [14], sizes = [1], strides = [1]} : vector<16xi32> to vector<1xi32>
          %squeeze3A_1350 = vector.extract %slice3A_1349[0] : i32 from vector<1xi32>
          %shift_right_logical3A_1351 = arith.constant 14 : i32
          %shift_right_logical3A_1352 = arith.shrui %squeeze3A_1350, %shift_right_logical3A_1351 : i32
          %and3A_1353 = arith.constant 511 : i32
          %and3A_1354 = arith.andi %shift_right_logical3A_1352, %and3A_1353 : i32
          %add3A_1355 = arith.constant 14 : i32
          %add3A_1356 = arith.addi %while3A_238, %add3A_1355 : i32
          %and3A_1357 = arith.constant 15 : i32
          %and3A_1358 = arith.andi %add3A_1356, %and3A_1357 : i32
          %add3A_1359 = arith.constant 14 : i32
          %add3A_1360 = arith.addi %while3A_238, %add3A_1359 : i32
          %ge3A_1361 = arith.constant 16 : i32
          %ge3A_1362 = arith.cmpi sge, %add3A_1360, %ge3A_1361 : i32
          %and3A_1363 = arith.andi %lt3A_1348, %ge3A_1362 : i1
          %convert_element_type3A_1364 = arith.extui %and3A_1363 : i1 to i32
          %cond3A_1365 = arith.constant 0 : i32
          %cond3A_1366 = arith.cmpi ne, %convert_element_type3A_1364, %cond3A_1365 : i32
          scf.if %cond3A_1366 {
            %dma_wait3A = arith.constant 0 : i32
            %dma_wait3A_1508 = tpu.memref_slice %arg10[%and3A_1358, %dma_wait3A] : memref<16x64xf32, #tpu.memory_space<vmem>> -> memref<1x64xf32, #tpu.memory_space<vmem>>
            %dma_wait3A_1509 = arith.constant 0 : i32
            %dma_wait3A_1510 = arith.constant 0 : i32
            %dma_wait3A_1511 = tpu.memref_slice %arg5[%dma_wait3A_1509, %dma_wait3A_1510] : memref<16384x64xf32, #tpu.memory_space<hbm>> -> memref<1x64xf32, #tpu.memory_space<hbm>>
            %dma_wait3A_1512 = arith.constant 0 : i32
            %dma_wait3A_1513 = tpu.memref_slice %arg10[%and3A_1358, %dma_wait3A_1512] : memref<16x64xf32, #tpu.memory_space<vmem>> -> memref<1x64xf32, #tpu.memory_space<vmem>>
            %dma_wait3A_1514 = arith.constant 0 : i32
            %dma_wait3A_1515 = arith.constant 0 : i32
            %dma_wait3A_1516 = tpu.memref_slice %arg5[%dma_wait3A_1514, %dma_wait3A_1515] : memref<16384x64xf32, #tpu.memory_space<hbm>> -> memref<1x64xf32, #tpu.memory_space<hbm>>
            tpu.wait_dma2 semaphore(%arg12 : memref<!tpu.dma_semaphore, #tpu.memory_space<semaphore_mem>>) src(%dma_wait3A_1516 : memref<1x64xf32, #tpu.memory_space<hbm>>) dst(%dma_wait3A_1513 : memref<1x64xf32, #tpu.memory_space<vmem>>)
          } else {
          }
          %broadcast_in_dim3A_1367 = vector.broadcast %and3A_1354 : i32 to vector<16xi32>
          %and3A_1368 = arith.constant 1 : i32
          %and3A_1369 = arith.andi %add3A_196, %and3A_1368 : i32
          %add3A_1370 = arith.constant 0 : i32
          %add3A_1371 = vector.broadcast %add3A_1370 : i32 to vector<16xi32>
          %add3A_1372 = arith.addi %iota3A, %add3A_1371 : vector<16xi32>
          %gather3A_1373 = arith.constant 0 : i32
          %gather3A_1374 = arith.constant 0 : i32
          %gather3A_1375 = tpu.memref_slice %arg9[%and3A_1369, %gather3A_1373, %gather3A_1374] : memref<2x64x512xf32, #tpu.memory_space<vmem>> -> memref<1x64x512xf32, #tpu.memory_space<vmem>>
          %gather3A_1376 = tpu.memref_squeeze %gather3A_1375 : memref<1x64x512xf32, #tpu.memory_space<vmem>> -> memref<64x512xf32, #tpu.memory_space<vmem>>
          %gather3A_1377 = tpu.vector_load_idx %gather3A_1376[%add3A_1372, %broadcast_in_dim3A_1367] : memref<64x512xf32, #tpu.memory_space<vmem>>[vector<16xi32>, vector<16xi32>], vector<16xf32>,
          %swap3A_1378 = arith.index_cast %and3A_1358 : i32 to index
          %swap3A_1379 = arith.constant 0 : index
          %swap3A_1380 = tpu.vector_load %arg10[%swap3A_1378, %swap3A_1379] {strides = array<i32>} : memref<16x64xf32, #tpu.memory_space<vmem>>, vector<16xf32>,
          tpu.vector_store %arg10[%swap3A_1378, %swap3A_1379], %gather3A_1377 {strides = array<i32>} : memref<16x64xf32, #tpu.memory_space<vmem>>, vector<16xf32>,
          %and3A_1381 = arith.constant 1 : i32
          %and3A_1382 = arith.andi %add3A_196, %and3A_1381 : i32
          %add3A_1383 = arith.constant 16 : i32
          %add3A_1384 = vector.broadcast %add3A_1383 : i32 to vector<16xi32>
          %add3A_1385 = arith.addi %iota3A, %add3A_1384 : vector<16xi32>
          %gather3A_1386 = arith.constant 0 : i32
          %gather3A_1387 = arith.constant 0 : i32
          %gather3A_1388 = tpu.memref_slice %arg9[%and3A_1382, %gather3A_1386, %gather3A_1387] : memref<2x64x512xf32, #tpu.memory_space<vmem>> -> memref<1x64x512xf32, #tpu.memory_space<vmem>>
          %gather3A_1389 = tpu.memref_squeeze %gather3A_1388 : memref<1x64x512xf32, #tpu.memory_space<vmem>> -> memref<64x512xf32, #tpu.memory_space<vmem>>
          %gather3A_1390 = tpu.vector_load_idx %gather3A_1389[%add3A_1385, %broadcast_in_dim3A_1367] : memref<64x512xf32, #tpu.memory_space<vmem>>[vector<16xi32>, vector<16xi32>], vector<16xf32>,
          %swap3A_1391 = arith.index_cast %and3A_1358 : i32 to index
          %swap3A_1392 = arith.constant 16 : index
          %swap3A_1393 = tpu.vector_load %arg10[%swap3A_1391, %swap3A_1392] {strides = array<i32>} : memref<16x64xf32, #tpu.memory_space<vmem>>, vector<16xf32>,
          tpu.vector_store %arg10[%swap3A_1391, %swap3A_1392], %gather3A_1390 {strides = array<i32>} : memref<16x64xf32, #tpu.memory_space<vmem>>, vector<16xf32>,
          %and3A_1394 = arith.constant 1 : i32
          %and3A_1395 = arith.andi %add3A_196, %and3A_1394 : i32
          %add3A_1396 = arith.constant 32 : i32
          %add3A_1397 = vector.broadcast %add3A_1396 : i32 to vector<16xi32>
          %add3A_1398 = arith.addi %iota3A, %add3A_1397 : vector<16xi32>
          %gather3A_1399 = arith.constant 0 : i32
          %gather3A_1400 = arith.constant 0 : i32
          %gather3A_1401 = tpu.memref_slice %arg9[%and3A_1395, %gather3A_1399, %gather3A_1400] : memref<2x64x512xf32, #tpu.memory_space<vmem>> -> memref<1x64x512xf32, #tpu.memory_space<vmem>>
          %gather3A_1402 = tpu.memref_squeeze %gather3A_1401 : memref<1x64x512xf32, #tpu.memory_space<vmem>> -> memref<64x512xf32, #tpu.memory_space<vmem>>
          %gather3A_1403 = tpu.vector_load_idx %gather3A_1402[%add3A_1398, %broadcast_in_dim3A_1367] : memref<64x512xf32, #tpu.memory_space<vmem>>[vector<16xi32>, vector<16xi32>], vector<16xf32>,
          %swap3A_1404 = arith.index_cast %and3A_1358 : i32 to index
          %swap3A_1405 = arith.constant 32 : index
          %swap3A_1406 = tpu.vector_load %arg10[%swap3A_1404, %swap3A_1405] {strides = array<i32>} : memref<16x64xf32, #tpu.memory_space<vmem>>, vector<16xf32>,
          tpu.vector_store %arg10[%swap3A_1404, %swap3A_1405], %gather3A_1403 {strides = array<i32>} : memref<16x64xf32, #tpu.memory_space<vmem>>, vector<16xf32>,
          %and3A_1407 = arith.constant 1 : i32
          %and3A_1408 = arith.andi %add3A_196, %and3A_1407 : i32
          %add3A_1409 = arith.constant 48 : i32
          %add3A_1410 = vector.broadcast %add3A_1409 : i32 to vector<16xi32>
          %add3A_1411 = arith.addi %iota3A, %add3A_1410 : vector<16xi32>
          %gather3A_1412 = arith.constant 0 : i32
          %gather3A_1413 = arith.constant 0 : i32
          %gather3A_1414 = tpu.memref_slice %arg9[%and3A_1408, %gather3A_1412, %gather3A_1413] : memref<2x64x512xf32, #tpu.memory_space<vmem>> -> memref<1x64x512xf32, #tpu.memory_space<vmem>>
          %gather3A_1415 = tpu.memref_squeeze %gather3A_1414 : memref<1x64x512xf32, #tpu.memory_space<vmem>> -> memref<64x512xf32, #tpu.memory_space<vmem>>
          %gather3A_1416 = tpu.vector_load_idx %gather3A_1415[%add3A_1411, %broadcast_in_dim3A_1367] : memref<64x512xf32, #tpu.memory_space<vmem>>[vector<16xi32>, vector<16xi32>], vector<16xf32>,
          %swap3A_1417 = arith.index_cast %and3A_1358 : i32 to index
          %swap3A_1418 = arith.constant 48 : index
          %swap3A_1419 = tpu.vector_load %arg10[%swap3A_1417, %swap3A_1418] {strides = array<i32>} : memref<16x64xf32, #tpu.memory_space<vmem>>, vector<16xf32>,
          tpu.vector_store %arg10[%swap3A_1417, %swap3A_1418], %gather3A_1416 {strides = array<i32>} : memref<16x64xf32, #tpu.memory_space<vmem>>, vector<16xf32>,
          %convert_element_type3A_1420 = arith.extui %lt3A_1348 : i1 to i32
          %cond3A_1421 = arith.constant 0 : i32
          %cond3A_1422 = arith.cmpi ne, %convert_element_type3A_1420, %cond3A_1421 : i32
          scf.if %cond3A_1422 {
            %and3A_1508 = arith.constant 16383 : i32
            %and3A_1509 = arith.andi %squeeze3A_1350, %and3A_1508 : i32
            %dma_start3A = arith.constant 0 : i32
            %dma_start3A_1510 = tpu.memref_slice %arg10[%and3A_1358, %dma_start3A] : memref<16x64xf32, #tpu.memory_space<vmem>> -> memref<1x64xf32, #tpu.memory_space<vmem>>
            %dma_start3A_1511 = arith.constant 0 : i32
            %dma_start3A_1512 = tpu.memref_slice %arg5[%and3A_1509, %dma_start3A_1511] : memref<16384x64xf32, #tpu.memory_space<hbm>> -> memref<1x64xf32, #tpu.memory_space<hbm>>
            %dma_start3A_1513 = arith.constant 0 : i32
            %dma_start3A_1514 = tpu.memref_slice %arg5[%and3A_1509, %dma_start3A_1513] : memref<16384x64xf32, #tpu.memory_space<hbm>> -> memref<1x64xf32, #tpu.memory_space<hbm>>
            %dma_start3A_1515 = arith.constant 0 : i32
            %dma_start3A_1516 = tpu.memref_slice %arg10[%and3A_1358, %dma_start3A_1515] : memref<16x64xf32, #tpu.memory_space<vmem>> -> memref<1x64xf32, #tpu.memory_space<vmem>>
            tpu.enqueue_dma source(%dma_start3A_1516 : memref<1x64xf32, #tpu.memory_space<vmem>>) target(%dma_start3A_1514 : memref<1x64xf32, #tpu.memory_space<hbm>>) target_semaphore(%arg12 : memref<!tpu.dma_semaphore, #tpu.memory_space<semaphore_mem>>)
          } else {
          }
          %mul3A_1423 = arith.constant 16 : i32
          %mul3A_1424 = arith.muli %while3A_237, %mul3A_1423 : i32
          %add3A_1425 = arith.constant 15 : i32
          %add3A_1426 = arith.addi %mul3A_1424, %add3A_1425 : i32
          %lt3A_1427 = arith.cmpi slt, %add3A_1426, %while3A_215 : i32
          %slice3A_1428 = vector.extract_strided_slice %get3A_241 {offsets = [15], sizes = [1], strides = [1]} : vector<16xi32> to vector<1xi32>
          %squeeze3A_1429 = vector.extract %slice3A_1428[0] : i32 from vector<1xi32>
          %shift_right_logical3A_1430 = arith.constant 14 : i32
          %shift_right_logical3A_1431 = arith.shrui %squeeze3A_1429, %shift_right_logical3A_1430 : i32
          %and3A_1432 = arith.constant 511 : i32
          %and3A_1433 = arith.andi %shift_right_logical3A_1431, %and3A_1432 : i32
          %add3A_1434 = arith.constant 15 : i32
          %add3A_1435 = arith.addi %while3A_238, %add3A_1434 : i32
          %and3A_1436 = arith.constant 15 : i32
          %and3A_1437 = arith.andi %add3A_1435, %and3A_1436 : i32
          %add3A_1438 = arith.constant 15 : i32
          %add3A_1439 = arith.addi %while3A_238, %add3A_1438 : i32
          %ge3A_1440 = arith.constant 16 : i32
          %ge3A_1441 = arith.cmpi sge, %add3A_1439, %ge3A_1440 : i32
          %and3A_1442 = arith.andi %lt3A_1427, %ge3A_1441 : i1
          %convert_element_type3A_1443 = arith.extui %and3A_1442 : i1 to i32
          %cond3A_1444 = arith.constant 0 : i32
          %cond3A_1445 = arith.cmpi ne, %convert_element_type3A_1443, %cond3A_1444 : i32
          scf.if %cond3A_1445 {
            %dma_wait3A = arith.constant 0 : i32
            %dma_wait3A_1508 = tpu.memref_slice %arg10[%and3A_1437, %dma_wait3A] : memref<16x64xf32, #tpu.memory_space<vmem>> -> memref<1x64xf32, #tpu.memory_space<vmem>>
            %dma_wait3A_1509 = arith.constant 0 : i32
            %dma_wait3A_1510 = arith.constant 0 : i32
            %dma_wait3A_1511 = tpu.memref_slice %arg5[%dma_wait3A_1509, %dma_wait3A_1510] : memref<16384x64xf32, #tpu.memory_space<hbm>> -> memref<1x64xf32, #tpu.memory_space<hbm>>
            %dma_wait3A_1512 = arith.constant 0 : i32
            %dma_wait3A_1513 = tpu.memref_slice %arg10[%and3A_1437, %dma_wait3A_1512] : memref<16x64xf32, #tpu.memory_space<vmem>> -> memref<1x64xf32, #tpu.memory_space<vmem>>
            %dma_wait3A_1514 = arith.constant 0 : i32
            %dma_wait3A_1515 = arith.constant 0 : i32
            %dma_wait3A_1516 = tpu.memref_slice %arg5[%dma_wait3A_1514, %dma_wait3A_1515] : memref<16384x64xf32, #tpu.memory_space<hbm>> -> memref<1x64xf32, #tpu.memory_space<hbm>>
            tpu.wait_dma2 semaphore(%arg12 : memref<!tpu.dma_semaphore, #tpu.memory_space<semaphore_mem>>) src(%dma_wait3A_1516 : memref<1x64xf32, #tpu.memory_space<hbm>>) dst(%dma_wait3A_1513 : memref<1x64xf32, #tpu.memory_space<vmem>>)
          } else {
          }
          %broadcast_in_dim3A_1446 = vector.broadcast %and3A_1433 : i32 to vector<16xi32>
          %and3A_1447 = arith.constant 1 : i32
          %and3A_1448 = arith.andi %add3A_196, %and3A_1447 : i32
          %add3A_1449 = arith.constant 0 : i32
          %add3A_1450 = vector.broadcast %add3A_1449 : i32 to vector<16xi32>
          %add3A_1451 = arith.addi %iota3A, %add3A_1450 : vector<16xi32>
          %gather3A_1452 = arith.constant 0 : i32
          %gather3A_1453 = arith.constant 0 : i32
          %gather3A_1454 = tpu.memref_slice %arg9[%and3A_1448, %gather3A_1452, %gather3A_1453] : memref<2x64x512xf32, #tpu.memory_space<vmem>> -> memref<1x64x512xf32, #tpu.memory_space<vmem>>
          %gather3A_1455 = tpu.memref_squeeze %gather3A_1454 : memref<1x64x512xf32, #tpu.memory_space<vmem>> -> memref<64x512xf32, #tpu.memory_space<vmem>>
          %gather3A_1456 = tpu.vector_load_idx %gather3A_1455[%add3A_1451, %broadcast_in_dim3A_1446] : memref<64x512xf32, #tpu.memory_space<vmem>>[vector<16xi32>, vector<16xi32>], vector<16xf32>,
          %swap3A_1457 = arith.index_cast %and3A_1437 : i32 to index
          %swap3A_1458 = arith.constant 0 : index
          %swap3A_1459 = tpu.vector_load %arg10[%swap3A_1457, %swap3A_1458] {strides = array<i32>} : memref<16x64xf32, #tpu.memory_space<vmem>>, vector<16xf32>,
          tpu.vector_store %arg10[%swap3A_1457, %swap3A_1458], %gather3A_1456 {strides = array<i32>} : memref<16x64xf32, #tpu.memory_space<vmem>>, vector<16xf32>,
          %and3A_1460 = arith.constant 1 : i32
          %and3A_1461 = arith.andi %add3A_196, %and3A_1460 : i32
          %add3A_1462 = arith.constant 16 : i32
          %add3A_1463 = vector.broadcast %add3A_1462 : i32 to vector<16xi32>
          %add3A_1464 = arith.addi %iota3A, %add3A_1463 : vector<16xi32>
          %gather3A_1465 = arith.constant 0 : i32
          %gather3A_1466 = arith.constant 0 : i32
          %gather3A_1467 = tpu.memref_slice %arg9[%and3A_1461, %gather3A_1465, %gather3A_1466] : memref<2x64x512xf32, #tpu.memory_space<vmem>> -> memref<1x64x512xf32, #tpu.memory_space<vmem>>
          %gather3A_1468 = tpu.memref_squeeze %gather3A_1467 : memref<1x64x512xf32, #tpu.memory_space<vmem>> -> memref<64x512xf32, #tpu.memory_space<vmem>>
          %gather3A_1469 = tpu.vector_load_idx %gather3A_1468[%add3A_1464, %broadcast_in_dim3A_1446] : memref<64x512xf32, #tpu.memory_space<vmem>>[vector<16xi32>, vector<16xi32>], vector<16xf32>,
          %swap3A_1470 = arith.index_cast %and3A_1437 : i32 to index
          %swap3A_1471 = arith.constant 16 : index
          %swap3A_1472 = tpu.vector_load %arg10[%swap3A_1470, %swap3A_1471] {strides = array<i32>} : memref<16x64xf32, #tpu.memory_space<vmem>>, vector<16xf32>,
          tpu.vector_store %arg10[%swap3A_1470, %swap3A_1471], %gather3A_1469 {strides = array<i32>} : memref<16x64xf32, #tpu.memory_space<vmem>>, vector<16xf32>,
          %and3A_1473 = arith.constant 1 : i32
          %and3A_1474 = arith.andi %add3A_196, %and3A_1473 : i32
          %add3A_1475 = arith.constant 32 : i32
          %add3A_1476 = vector.broadcast %add3A_1475 : i32 to vector<16xi32>
          %add3A_1477 = arith.addi %iota3A, %add3A_1476 : vector<16xi32>
          %gather3A_1478 = arith.constant 0 : i32
          %gather3A_1479 = arith.constant 0 : i32
          %gather3A_1480 = tpu.memref_slice %arg9[%and3A_1474, %gather3A_1478, %gather3A_1479] : memref<2x64x512xf32, #tpu.memory_space<vmem>> -> memref<1x64x512xf32, #tpu.memory_space<vmem>>
          %gather3A_1481 = tpu.memref_squeeze %gather3A_1480 : memref<1x64x512xf32, #tpu.memory_space<vmem>> -> memref<64x512xf32, #tpu.memory_space<vmem>>
          %gather3A_1482 = tpu.vector_load_idx %gather3A_1481[%add3A_1477, %broadcast_in_dim3A_1446] : memref<64x512xf32, #tpu.memory_space<vmem>>[vector<16xi32>, vector<16xi32>], vector<16xf32>,
          %swap3A_1483 = arith.index_cast %and3A_1437 : i32 to index
          %swap3A_1484 = arith.constant 32 : index
          %swap3A_1485 = tpu.vector_load %arg10[%swap3A_1483, %swap3A_1484] {strides = array<i32>} : memref<16x64xf32, #tpu.memory_space<vmem>>, vector<16xf32>,
          tpu.vector_store %arg10[%swap3A_1483, %swap3A_1484], %gather3A_1482 {strides = array<i32>} : memref<16x64xf32, #tpu.memory_space<vmem>>, vector<16xf32>,
          %and3A_1486 = arith.constant 1 : i32
          %and3A_1487 = arith.andi %add3A_196, %and3A_1486 : i32
          %add3A_1488 = arith.constant 48 : i32
          %add3A_1489 = vector.broadcast %add3A_1488 : i32 to vector<16xi32>
          %add3A_1490 = arith.addi %iota3A, %add3A_1489 : vector<16xi32>
          %gather3A_1491 = arith.constant 0 : i32
          %gather3A_1492 = arith.constant 0 : i32
          %gather3A_1493 = tpu.memref_slice %arg9[%and3A_1487, %gather3A_1491, %gather3A_1492] : memref<2x64x512xf32, #tpu.memory_space<vmem>> -> memref<1x64x512xf32, #tpu.memory_space<vmem>>
          %gather3A_1494 = tpu.memref_squeeze %gather3A_1493 : memref<1x64x512xf32, #tpu.memory_space<vmem>> -> memref<64x512xf32, #tpu.memory_space<vmem>>
          %gather3A_1495 = tpu.vector_load_idx %gather3A_1494[%add3A_1490, %broadcast_in_dim3A_1446] : memref<64x512xf32, #tpu.memory_space<vmem>>[vector<16xi32>, vector<16xi32>], vector<16xf32>,
          %swap3A_1496 = arith.index_cast %and3A_1437 : i32 to index
          %swap3A_1497 = arith.constant 48 : index
          %swap3A_1498 = tpu.vector_load %arg10[%swap3A_1496, %swap3A_1497] {strides = array<i32>} : memref<16x64xf32, #tpu.memory_space<vmem>>, vector<16xf32>,
          tpu.vector_store %arg10[%swap3A_1496, %swap3A_1497], %gather3A_1495 {strides = array<i32>} : memref<16x64xf32, #tpu.memory_space<vmem>>, vector<16xf32>,
          %convert_element_type3A_1499 = arith.extui %lt3A_1427 : i1 to i32
          %cond3A_1500 = arith.constant 0 : i32
          %cond3A_1501 = arith.cmpi ne, %convert_element_type3A_1499, %cond3A_1500 : i32
          scf.if %cond3A_1501 {
            %and3A_1508 = arith.constant 16383 : i32
            %and3A_1509 = arith.andi %squeeze3A_1429, %and3A_1508 : i32
            %dma_start3A = arith.constant 0 : i32
            %dma_start3A_1510 = tpu.memref_slice %arg10[%and3A_1437, %dma_start3A] : memref<16x64xf32, #tpu.memory_space<vmem>> -> memref<1x64xf32, #tpu.memory_space<vmem>>
            %dma_start3A_1511 = arith.constant 0 : i32
            %dma_start3A_1512 = tpu.memref_slice %arg5[%and3A_1509, %dma_start3A_1511] : memref<16384x64xf32, #tpu.memory_space<hbm>> -> memref<1x64xf32, #tpu.memory_space<hbm>>
            %dma_start3A_1513 = arith.constant 0 : i32
            %dma_start3A_1514 = tpu.memref_slice %arg5[%and3A_1509, %dma_start3A_1513] : memref<16384x64xf32, #tpu.memory_space<hbm>> -> memref<1x64xf32, #tpu.memory_space<hbm>>
            %dma_start3A_1515 = arith.constant 0 : i32
            %dma_start3A_1516 = tpu.memref_slice %arg10[%and3A_1437, %dma_start3A_1515] : memref<16x64xf32, #tpu.memory_space<vmem>> -> memref<1x64xf32, #tpu.memory_space<vmem>>
            tpu.enqueue_dma source(%dma_start3A_1516 : memref<1x64xf32, #tpu.memory_space<vmem>>) target(%dma_start3A_1514 : memref<1x64xf32, #tpu.memory_space<hbm>>) target_semaphore(%arg12 : memref<!tpu.dma_semaphore, #tpu.memory_space<semaphore_mem>>)
          } else {
          }
          %mul3A_1502 = arith.constant 16 : i32
          %mul3A_1503 = arith.muli %while3A_237, %mul3A_1502 : i32
          %sub3A_1504 = arith.subi %while3A_215, %mul3A_1503 : i32
          %min3A_1505 = arith.constant 16 : i32
          %min3A_1506 = arith.minsi %sub3A_1504, %min3A_1505 : i32
          %add3A_1507 = arith.addi %while3A_238, %min3A_1506 : i32
          scf.yield %add3A_1507 : i32
        }
        %while3A_235 = arith.constant 1 : i32
        %while3A_236 = scf.for %while3A_237 = %while3A_232 to %while3A_228 step %while3A_235 iter_args(%while3A_238 = %while3A_234) -> (i32)  : i32 {
          %mul3A_239 = arith.constant 16 : i32
          %mul3A_240 = arith.muli %while3A_237, %mul3A_239 : i32
          %get3A = arith.index_cast %mul3A_240 : i32 to index
          %get3A_241 = tpu.vector_load %arg8[%get3A] {strides = array<i32>} : memref<16400xi32, #tpu.memory_space<vmem>>, vector<16xi32>,
          %mul3A_242 = arith.constant 16 : i32
          %mul3A_243 = arith.muli %while3A_237, %mul3A_242 : i32
          %add3A_244 = arith.constant 0 : i32
          %add3A_245 = arith.addi %mul3A_243, %add3A_244 : i32
          %lt3A_246 = arith.cmpi slt, %add3A_245, %while3A_215 : i32
          %slice3A = vector.extract_strided_slice %get3A_241 {offsets = [0], sizes = [1], strides = [1]} : vector<16xi32> to vector<1xi32>
          %squeeze3A = vector.extract %slice3A[0] : i32 from vector<1xi32>
          %shift_right_logical3A_247 = arith.constant 14 : i32
          %shift_right_logical3A_248 = arith.shrui %squeeze3A, %shift_right_logical3A_247 : i32
          %and3A_249 = arith.constant 511 : i32
          %and3A_250 = arith.andi %shift_right_logical3A_248, %and3A_249 : i32
          %add3A_251 = arith.constant 0 : i32
          %add3A_252 = arith.addi %while3A_238, %add3A_251 : i32
          %and3A_253 = arith.constant 15 : i32
          %and3A_254 = arith.andi %add3A_252, %and3A_253 : i32
          %add3A_255 = arith.constant 0 : i32
          %add3A_256 = arith.addi %while3A_238, %add3A_255 : i32
          %ge3A_257 = arith.constant 16 : i32
          %ge3A_258 = arith.cmpi sge, %add3A_256, %ge3A_257 : i32
          %and3A_259 = arith.andi %lt3A_246, %ge3A_258 : i1
          %convert_element_type3A_260 = arith.extui %and3A_259 : i1 to i32
          %cond3A_261 = arith.constant 0 : i32
          %cond3A_262 = arith.cmpi ne, %convert_element_type3A_260, %cond3A_261 : i32
          scf.if %cond3A_262 {
            %dma_wait3A = arith.constant 0 : i32
            %dma_wait3A_1508 = tpu.memref_slice %arg10[%and3A_254, %dma_wait3A] : memref<16x64xf32, #tpu.memory_space<vmem>> -> memref<1x64xf32, #tpu.memory_space<vmem>>
            %dma_wait3A_1509 = arith.constant 0 : i32
            %dma_wait3A_1510 = arith.constant 0 : i32
            %dma_wait3A_1511 = tpu.memref_slice %arg5[%dma_wait3A_1509, %dma_wait3A_1510] : memref<16384x64xf32, #tpu.memory_space<hbm>> -> memref<1x64xf32, #tpu.memory_space<hbm>>
            %dma_wait3A_1512 = arith.constant 0 : i32
            %dma_wait3A_1513 = tpu.memref_slice %arg10[%and3A_254, %dma_wait3A_1512] : memref<16x64xf32, #tpu.memory_space<vmem>> -> memref<1x64xf32, #tpu.memory_space<vmem>>
            %dma_wait3A_1514 = arith.constant 0 : i32
            %dma_wait3A_1515 = arith.constant 0 : i32
            %dma_wait3A_1516 = tpu.memref_slice %arg5[%dma_wait3A_1514, %dma_wait3A_1515] : memref<16384x64xf32, #tpu.memory_space<hbm>> -> memref<1x64xf32, #tpu.memory_space<hbm>>
            tpu.wait_dma2 semaphore(%arg12 : memref<!tpu.dma_semaphore, #tpu.memory_space<semaphore_mem>>) src(%dma_wait3A_1516 : memref<1x64xf32, #tpu.memory_space<hbm>>) dst(%dma_wait3A_1513 : memref<1x64xf32, #tpu.memory_space<vmem>>)
          } else {
          }
          %broadcast_in_dim3A_263 = vector.broadcast %and3A_250 : i32 to vector<16xi32>
          %and3A_264 = arith.constant 1 : i32
          %and3A_265 = arith.andi %add3A_196, %and3A_264 : i32
          %add3A_266 = arith.constant 0 : i32
          %add3A_267 = vector.broadcast %add3A_266 : i32 to vector<16xi32>
          %add3A_268 = arith.addi %iota3A, %add3A_267 : vector<16xi32>
          %gather3A = arith.constant 0 : i32
          %gather3A_269 = arith.constant 0 : i32
          %gather3A_270 = tpu.memref_slice %arg9[%and3A_265, %gather3A, %gather3A_269] : memref<2x64x512xf32, #tpu.memory_space<vmem>> -> memref<1x64x512xf32, #tpu.memory_space<vmem>>
          %gather3A_271 = tpu.memref_squeeze %gather3A_270 : memref<1x64x512xf32, #tpu.memory_space<vmem>> -> memref<64x512xf32, #tpu.memory_space<vmem>>
          %gather3A_272 = tpu.vector_load_idx %gather3A_271[%add3A_268, %broadcast_in_dim3A_263] : memref<64x512xf32, #tpu.memory_space<vmem>>[vector<16xi32>, vector<16xi32>], vector<16xf32>,
          %swap3A = arith.index_cast %and3A_254 : i32 to index
          %swap3A_273 = arith.constant 0 : index
          %swap3A_274 = tpu.vector_load %arg10[%swap3A, %swap3A_273] {strides = array<i32>} : memref<16x64xf32, #tpu.memory_space<vmem>>, vector<16xf32>,
          tpu.vector_store %arg10[%swap3A, %swap3A_273], %gather3A_272 {strides = array<i32>} : memref<16x64xf32, #tpu.memory_space<vmem>>, vector<16xf32>,
          %and3A_275 = arith.constant 1 : i32
          %and3A_276 = arith.andi %add3A_196, %and3A_275 : i32
          %add3A_277 = arith.constant 16 : i32
          %add3A_278 = vector.broadcast %add3A_277 : i32 to vector<16xi32>
          %add3A_279 = arith.addi %iota3A, %add3A_278 : vector<16xi32>
          %gather3A_280 = arith.constant 0 : i32
          %gather3A_281 = arith.constant 0 : i32
          %gather3A_282 = tpu.memref_slice %arg9[%and3A_276, %gather3A_280, %gather3A_281] : memref<2x64x512xf32, #tpu.memory_space<vmem>> -> memref<1x64x512xf32, #tpu.memory_space<vmem>>
          %gather3A_283 = tpu.memref_squeeze %gather3A_282 : memref<1x64x512xf32, #tpu.memory_space<vmem>> -> memref<64x512xf32, #tpu.memory_space<vmem>>
          %gather3A_284 = tpu.vector_load_idx %gather3A_283[%add3A_279, %broadcast_in_dim3A_263] : memref<64x512xf32, #tpu.memory_space<vmem>>[vector<16xi32>, vector<16xi32>], vector<16xf32>,
          %swap3A_285 = arith.index_cast %and3A_254 : i32 to index
          %swap3A_286 = arith.constant 16 : index
          %swap3A_287 = tpu.vector_load %arg10[%swap3A_285, %swap3A_286] {strides = array<i32>} : memref<16x64xf32, #tpu.memory_space<vmem>>, vector<16xf32>,
          tpu.vector_store %arg10[%swap3A_285, %swap3A_286], %gather3A_284 {strides = array<i32>} : memref<16x64xf32, #tpu.memory_space<vmem>>, vector<16xf32>,
          %and3A_288 = arith.constant 1 : i32
          %and3A_289 = arith.andi %add3A_196, %and3A_288 : i32
          %add3A_290 = arith.constant 32 : i32
          %add3A_291 = vector.broadcast %add3A_290 : i32 to vector<16xi32>
          %add3A_292 = arith.addi %iota3A, %add3A_291 : vector<16xi32>
          %gather3A_293 = arith.constant 0 : i32
          %gather3A_294 = arith.constant 0 : i32
          %gather3A_295 = tpu.memref_slice %arg9[%and3A_289, %gather3A_293, %gather3A_294] : memref<2x64x512xf32, #tpu.memory_space<vmem>> -> memref<1x64x512xf32, #tpu.memory_space<vmem>>
          %gather3A_296 = tpu.memref_squeeze %gather3A_295 : memref<1x64x512xf32, #tpu.memory_space<vmem>> -> memref<64x512xf32, #tpu.memory_space<vmem>>
          %gather3A_297 = tpu.vector_load_idx %gather3A_296[%add3A_292, %broadcast_in_dim3A_263] : memref<64x512xf32, #tpu.memory_space<vmem>>[vector<16xi32>, vector<16xi32>], vector<16xf32>,
          %swap3A_298 = arith.index_cast %and3A_254 : i32 to index
          %swap3A_299 = arith.constant 32 : index
          %swap3A_300 = tpu.vector_load %arg10[%swap3A_298, %swap3A_299] {strides = array<i32>} : memref<16x64xf32, #tpu.memory_space<vmem>>, vector<16xf32>,
          tpu.vector_store %arg10[%swap3A_298, %swap3A_299], %gather3A_297 {strides = array<i32>} : memref<16x64xf32, #tpu.memory_space<vmem>>, vector<16xf32>,
          %and3A_301 = arith.constant 1 : i32
          %and3A_302 = arith.andi %add3A_196, %and3A_301 : i32
          %add3A_303 = arith.constant 48 : i32
          %add3A_304 = vector.broadcast %add3A_303 : i32 to vector<16xi32>
          %add3A_305 = arith.addi %iota3A, %add3A_304 : vector<16xi32>
          %gather3A_306 = arith.constant 0 : i32
          %gather3A_307 = arith.constant 0 : i32
          %gather3A_308 = tpu.memref_slice %arg9[%and3A_302, %gather3A_306, %gather3A_307] : memref<2x64x512xf32, #tpu.memory_space<vmem>> -> memref<1x64x512xf32, #tpu.memory_space<vmem>>
          %gather3A_309 = tpu.memref_squeeze %gather3A_308 : memref<1x64x512xf32, #tpu.memory_space<vmem>> -> memref<64x512xf32, #tpu.memory_space<vmem>>
          %gather3A_310 = tpu.vector_load_idx %gather3A_309[%add3A_305, %broadcast_in_dim3A_263] : memref<64x512xf32, #tpu.memory_space<vmem>>[vector<16xi32>, vector<16xi32>], vector<16xf32>,
          %swap3A_311 = arith.index_cast %and3A_254 : i32 to index
          %swap3A_312 = arith.constant 48 : index
          %swap3A_313 = tpu.vector_load %arg10[%swap3A_311, %swap3A_312] {strides = array<i32>} : memref<16x64xf32, #tpu.memory_space<vmem>>, vector<16xf32>,
          tpu.vector_store %arg10[%swap3A_311, %swap3A_312], %gather3A_310 {strides = array<i32>} : memref<16x64xf32, #tpu.memory_space<vmem>>, vector<16xf32>,
          %convert_element_type3A_314 = arith.extui %lt3A_246 : i1 to i32
          %cond3A_315 = arith.constant 0 : i32
          %cond3A_316 = arith.cmpi ne, %convert_element_type3A_314, %cond3A_315 : i32
          scf.if %cond3A_316 {
            %and3A_1508 = arith.constant 16383 : i32
            %and3A_1509 = arith.andi %squeeze3A, %and3A_1508 : i32
            %dma_start3A = arith.constant 0 : i32
            %dma_start3A_1510 = tpu.memref_slice %arg10[%and3A_254, %dma_start3A] : memref<16x64xf32, #tpu.memory_space<vmem>> -> memref<1x64xf32, #tpu.memory_space<vmem>>
            %dma_start3A_1511 = arith.constant 0 : i32
            %dma_start3A_1512 = tpu.memref_slice %arg5[%and3A_1509, %dma_start3A_1511] : memref<16384x64xf32, #tpu.memory_space<hbm>> -> memref<1x64xf32, #tpu.memory_space<hbm>>
            %dma_start3A_1513 = arith.constant 0 : i32
            %dma_start3A_1514 = tpu.memref_slice %arg5[%and3A_1509, %dma_start3A_1513] : memref<16384x64xf32, #tpu.memory_space<hbm>> -> memref<1x64xf32, #tpu.memory_space<hbm>>
            %dma_start3A_1515 = arith.constant 0 : i32
            %dma_start3A_1516 = tpu.memref_slice %arg10[%and3A_254, %dma_start3A_1515] : memref<16x64xf32, #tpu.memory_space<vmem>> -> memref<1x64xf32, #tpu.memory_space<vmem>>
            tpu.enqueue_dma source(%dma_start3A_1516 : memref<1x64xf32, #tpu.memory_space<vmem>>) target(%dma_start3A_1514 : memref<1x64xf32, #tpu.memory_space<hbm>>) target_semaphore(%arg12 : memref<!tpu.dma_semaphore, #tpu.memory_space<semaphore_mem>>)
          } else {
          }
          %mul3A_317 = arith.constant 16 : i32
          %mul3A_318 = arith.muli %while3A_237, %mul3A_317 : i32
          %add3A_319 = arith.constant 1 : i32
          %add3A_320 = arith.addi %mul3A_318, %add3A_319 : i32
          %lt3A_321 = arith.cmpi slt, %add3A_320, %while3A_215 : i32
          %slice3A_322 = vector.extract_strided_slice %get3A_241 {offsets = [1], sizes = [1], strides = [1]} : vector<16xi32> to vector<1xi32>
          %squeeze3A_323 = vector.extract %slice3A_322[0] : i32 from vector<1xi32>
          %shift_right_logical3A_324 = arith.constant 14 : i32
          %shift_right_logical3A_325 = arith.shrui %squeeze3A_323, %shift_right_logical3A_324 : i32
          %and3A_326 = arith.constant 511 : i32
          %and3A_327 = arith.andi %shift_right_logical3A_325, %and3A_326 : i32
          %add3A_328 = arith.constant 1 : i32
          %add3A_329 = arith.addi %while3A_238, %add3A_328 : i32
          %and3A_330 = arith.constant 15 : i32
          %and3A_331 = arith.andi %add3A_329, %and3A_330 : i32
          %add3A_332 = arith.constant 1 : i32
          %add3A_333 = arith.addi %while3A_238, %add3A_332 : i32
          %ge3A_334 = arith.constant 16 : i32
          %ge3A_335 = arith.cmpi sge, %add3A_333, %ge3A_334 : i32
          %and3A_336 = arith.andi %lt3A_321, %ge3A_335 : i1
          %convert_element_type3A_337 = arith.extui %and3A_336 : i1 to i32
          %cond3A_338 = arith.constant 0 : i32
          %cond3A_339 = arith.cmpi ne, %convert_element_type3A_337, %cond3A_338 : i32
          scf.if %cond3A_339 {
            %dma_wait3A = arith.constant 0 : i32
            %dma_wait3A_1508 = tpu.memref_slice %arg10[%and3A_331, %dma_wait3A] : memref<16x64xf32, #tpu.memory_space<vmem>> -> memref<1x64xf32, #tpu.memory_space<vmem>>
            %dma_wait3A_1509 = arith.constant 0 : i32
            %dma_wait3A_1510 = arith.constant 0 : i32
            %dma_wait3A_1511 = tpu.memref_slice %arg5[%dma_wait3A_1509, %dma_wait3A_1510] : memref<16384x64xf32, #tpu.memory_space<hbm>> -> memref<1x64xf32, #tpu.memory_space<hbm>>
            %dma_wait3A_1512 = arith.constant 0 : i32
            %dma_wait3A_1513 = tpu.memref_slice %arg10[%and3A_331, %dma_wait3A_1512] : memref<16x64xf32, #tpu.memory_space<vmem>> -> memref<1x64xf32, #tpu.memory_space<vmem>>
            %dma_wait3A_1514 = arith.constant 0 : i32
            %dma_wait3A_1515 = arith.constant 0 : i32
            %dma_wait3A_1516 = tpu.memref_slice %arg5[%dma_wait3A_1514, %dma_wait3A_1515] : memref<16384x64xf32, #tpu.memory_space<hbm>> -> memref<1x64xf32, #tpu.memory_space<hbm>>
            tpu.wait_dma2 semaphore(%arg12 : memref<!tpu.dma_semaphore, #tpu.memory_space<semaphore_mem>>) src(%dma_wait3A_1516 : memref<1x64xf32, #tpu.memory_space<hbm>>) dst(%dma_wait3A_1513 : memref<1x64xf32, #tpu.memory_space<vmem>>)
          } else {
          }
          %broadcast_in_dim3A_340 = vector.broadcast %and3A_327 : i32 to vector<16xi32>
          %and3A_341 = arith.constant 1 : i32
          %and3A_342 = arith.andi %add3A_196, %and3A_341 : i32
          %add3A_343 = arith.constant 0 : i32
          %add3A_344 = vector.broadcast %add3A_343 : i32 to vector<16xi32>
          %add3A_345 = arith.addi %iota3A, %add3A_344 : vector<16xi32>
          %gather3A_346 = arith.constant 0 : i32
          %gather3A_347 = arith.constant 0 : i32
          %gather3A_348 = tpu.memref_slice %arg9[%and3A_342, %gather3A_346, %gather3A_347] : memref<2x64x512xf32, #tpu.memory_space<vmem>> -> memref<1x64x512xf32, #tpu.memory_space<vmem>>
          %gather3A_349 = tpu.memref_squeeze %gather3A_348 : memref<1x64x512xf32, #tpu.memory_space<vmem>> -> memref<64x512xf32, #tpu.memory_space<vmem>>
          %gather3A_350 = tpu.vector_load_idx %gather3A_349[%add3A_345, %broadcast_in_dim3A_340] : memref<64x512xf32, #tpu.memory_space<vmem>>[vector<16xi32>, vector<16xi32>], vector<16xf32>,
          %swap3A_351 = arith.index_cast %and3A_331 : i32 to index
          %swap3A_352 = arith.constant 0 : index
          %swap3A_353 = tpu.vector_load %arg10[%swap3A_351, %swap3A_352] {strides = array<i32>} : memref<16x64xf32, #tpu.memory_space<vmem>>, vector<16xf32>,
          tpu.vector_store %arg10[%swap3A_351, %swap3A_352], %gather3A_350 {strides = array<i32>} : memref<16x64xf32, #tpu.memory_space<vmem>>, vector<16xf32>,
          %and3A_354 = arith.constant 1 : i32
          %and3A_355 = arith.andi %add3A_196, %and3A_354 : i32
          %add3A_356 = arith.constant 16 : i32
          %add3A_357 = vector.broadcast %add3A_356 : i32 to vector<16xi32>
          %add3A_358 = arith.addi %iota3A, %add3A_357 : vector<16xi32>
          %gather3A_359 = arith.constant 0 : i32
          %gather3A_360 = arith.constant 0 : i32
          %gather3A_361 = tpu.memref_slice %arg9[%and3A_355, %gather3A_359, %gather3A_360] : memref<2x64x512xf32, #tpu.memory_space<vmem>> -> memref<1x64x512xf32, #tpu.memory_space<vmem>>
          %gather3A_362 = tpu.memref_squeeze %gather3A_361 : memref<1x64x512xf32, #tpu.memory_space<vmem>> -> memref<64x512xf32, #tpu.memory_space<vmem>>
          %gather3A_363 = tpu.vector_load_idx %gather3A_362[%add3A_358, %broadcast_in_dim3A_340] : memref<64x512xf32, #tpu.memory_space<vmem>>[vector<16xi32>, vector<16xi32>], vector<16xf32>,
          %swap3A_364 = arith.index_cast %and3A_331 : i32 to index
          %swap3A_365 = arith.constant 16 : index
          %swap3A_366 = tpu.vector_load %arg10[%swap3A_364, %swap3A_365] {strides = array<i32>} : memref<16x64xf32, #tpu.memory_space<vmem>>, vector<16xf32>,
          tpu.vector_store %arg10[%swap3A_364, %swap3A_365], %gather3A_363 {strides = array<i32>} : memref<16x64xf32, #tpu.memory_space<vmem>>, vector<16xf32>,
          %and3A_367 = arith.constant 1 : i32
          %and3A_368 = arith.andi %add3A_196, %and3A_367 : i32
          %add3A_369 = arith.constant 32 : i32
          %add3A_370 = vector.broadcast %add3A_369 : i32 to vector<16xi32>
          %add3A_371 = arith.addi %iota3A, %add3A_370 : vector<16xi32>
          %gather3A_372 = arith.constant 0 : i32
          %gather3A_373 = arith.constant 0 : i32
          %gather3A_374 = tpu.memref_slice %arg9[%and3A_368, %gather3A_372, %gather3A_373] : memref<2x64x512xf32, #tpu.memory_space<vmem>> -> memref<1x64x512xf32, #tpu.memory_space<vmem>>
          %gather3A_375 = tpu.memref_squeeze %gather3A_374 : memref<1x64x512xf32, #tpu.memory_space<vmem>> -> memref<64x512xf32, #tpu.memory_space<vmem>>
          %gather3A_376 = tpu.vector_load_idx %gather3A_375[%add3A_371, %broadcast_in_dim3A_340] : memref<64x512xf32, #tpu.memory_space<vmem>>[vector<16xi32>, vector<16xi32>], vector<16xf32>,
          %swap3A_377 = arith.index_cast %and3A_331 : i32 to index
          %swap3A_378 = arith.constant 32 : index
          %swap3A_379 = tpu.vector_load %arg10[%swap3A_377, %swap3A_378] {strides = array<i32>} : memref<16x64xf32, #tpu.memory_space<vmem>>, vector<16xf32>,
          tpu.vector_store %arg10[%swap3A_377, %swap3A_378], %gather3A_376 {strides = array<i32>} : memref<16x64xf32, #tpu.memory_space<vmem>>, vector<16xf32>,
          %and3A_380 = arith.constant 1 : i32
          %and3A_381 = arith.andi %add3A_196, %and3A_380 : i32
          %add3A_382 = arith.constant 48 : i32
          %add3A_383 = vector.broadcast %add3A_382 : i32 to vector<16xi32>
          %add3A_384 = arith.addi %iota3A, %add3A_383 : vector<16xi32>
          %gather3A_385 = arith.constant 0 : i32
          %gather3A_386 = arith.constant 0 : i32
          %gather3A_387 = tpu.memref_slice %arg9[%and3A_381, %gather3A_385, %gather3A_386] : memref<2x64x512xf32, #tpu.memory_space<vmem>> -> memref<1x64x512xf32, #tpu.memory_space<vmem>>
          %gather3A_388 = tpu.memref_squeeze %gather3A_387 : memref<1x64x512xf32, #tpu.memory_space<vmem>> -> memref<64x512xf32, #tpu.memory_space<vmem>>
          %gather3A_389 = tpu.vector_load_idx %gather3A_388[%add3A_384, %broadcast_in_dim3A_340] : memref<64x512xf32, #tpu.memory_space<vmem>>[vector<16xi32>, vector<16xi32>], vector<16xf32>,
          %swap3A_390 = arith.index_cast %and3A_331 : i32 to index
          %swap3A_391 = arith.constant 48 : index
          %swap3A_392 = tpu.vector_load %arg10[%swap3A_390, %swap3A_391] {strides = array<i32>} : memref<16x64xf32, #tpu.memory_space<vmem>>, vector<16xf32>,
          tpu.vector_store %arg10[%swap3A_390, %swap3A_391], %gather3A_389 {strides = array<i32>} : memref<16x64xf32, #tpu.memory_space<vmem>>, vector<16xf32>,
          %convert_element_type3A_393 = arith.extui %lt3A_321 : i1 to i32
          %cond3A_394 = arith.constant 0 : i32
          %cond3A_395 = arith.cmpi ne, %convert_element_type3A_393, %cond3A_394 : i32
          scf.if %cond3A_395 {
            %and3A_1508 = arith.constant 16383 : i32
            %and3A_1509 = arith.andi %squeeze3A_323, %and3A_1508 : i32
            %dma_start3A = arith.constant 0 : i32
            %dma_start3A_1510 = tpu.memref_slice %arg10[%and3A_331, %dma_start3A] : memref<16x64xf32, #tpu.memory_space<vmem>> -> memref<1x64xf32, #tpu.memory_space<vmem>>
            %dma_start3A_1511 = arith.constant 0 : i32
            %dma_start3A_1512 = tpu.memref_slice %arg5[%and3A_1509, %dma_start3A_1511] : memref<16384x64xf32, #tpu.memory_space<hbm>> -> memref<1x64xf32, #tpu.memory_space<hbm>>
            %dma_start3A_1513 = arith.constant 0 : i32
            %dma_start3A_1514 = tpu.memref_slice %arg5[%and3A_1509, %dma_start3A_1513] : memref<16384x64xf32, #tpu.memory_space<hbm>> -> memref<1x64xf32, #tpu.memory_space<hbm>>
            %dma_start3A_1515 = arith.constant 0 : i32
            %dma_start3A_1516 = tpu.memref_slice %arg10[%and3A_331, %dma_start3A_1515] : memref<16x64xf32, #tpu.memory_space<vmem>> -> memref<1x64xf32, #tpu.memory_space<vmem>>
            tpu.enqueue_dma source(%dma_start3A_1516 : memref<1x64xf32, #tpu.memory_space<vmem>>) target(%dma_start3A_1514 : memref<1x64xf32, #tpu.memory_space<hbm>>) target_semaphore(%arg12 : memref<!tpu.dma_semaphore, #tpu.memory_space<semaphore_mem>>)
          } else {
          }
          %mul3A_396 = arith.constant 16 : i32
          %mul3A_397 = arith.muli %while3A_237, %mul3A_396 : i32
          %add3A_398 = arith.constant 2 : i32
          %add3A_399 = arith.addi %mul3A_397, %add3A_398 : i32
          %lt3A_400 = arith.cmpi slt, %add3A_399, %while3A_215 : i32
          %slice3A_401 = vector.extract_strided_slice %get3A_241 {offsets = [2], sizes = [1], strides = [1]} : vector<16xi32> to vector<1xi32>
          %squeeze3A_402 = vector.extract %slice3A_401[0] : i32 from vector<1xi32>
          %shift_right_logical3A_403 = arith.constant 14 : i32
          %shift_right_logical3A_404 = arith.shrui %squeeze3A_402, %shift_right_logical3A_403 : i32
          %and3A_405 = arith.constant 511 : i32
          %and3A_406 = arith.andi %shift_right_logical3A_404, %and3A_405 : i32
          %add3A_407 = arith.constant 2 : i32
          %add3A_408 = arith.addi %while3A_238, %add3A_407 : i32
          %and3A_409 = arith.constant 15 : i32
          %and3A_410 = arith.andi %add3A_408, %and3A_409 : i32
          %add3A_411 = arith.constant 2 : i32
          %add3A_412 = arith.addi %while3A_238, %add3A_411 : i32
          %ge3A_413 = arith.constant 16 : i32
          %ge3A_414 = arith.cmpi sge, %add3A_412, %ge3A_413 : i32
          %and3A_415 = arith.andi %lt3A_400, %ge3A_414 : i1
          %convert_element_type3A_416 = arith.extui %and3A_415 : i1 to i32
          %cond3A_417 = arith.constant 0 : i32
          %cond3A_418 = arith.cmpi ne, %convert_element_type3A_416, %cond3A_417 : i32
          scf.if %cond3A_418 {
            %dma_wait3A = arith.constant 0 : i32
            %dma_wait3A_1508 = tpu.memref_slice %arg10[%and3A_410, %dma_wait3A] : memref<16x64xf32, #tpu.memory_space<vmem>> -> memref<1x64xf32, #tpu.memory_space<vmem>>
            %dma_wait3A_1509 = arith.constant 0 : i32
            %dma_wait3A_1510 = arith.constant 0 : i32
            %dma_wait3A_1511 = tpu.memref_slice %arg5[%dma_wait3A_1509, %dma_wait3A_1510] : memref<16384x64xf32, #tpu.memory_space<hbm>> -> memref<1x64xf32, #tpu.memory_space<hbm>>
            %dma_wait3A_1512 = arith.constant 0 : i32
            %dma_wait3A_1513 = tpu.memref_slice %arg10[%and3A_410, %dma_wait3A_1512] : memref<16x64xf32, #tpu.memory_space<vmem>> -> memref<1x64xf32, #tpu.memory_space<vmem>>
            %dma_wait3A_1514 = arith.constant 0 : i32
            %dma_wait3A_1515 = arith.constant 0 : i32
            %dma_wait3A_1516 = tpu.memref_slice %arg5[%dma_wait3A_1514, %dma_wait3A_1515] : memref<16384x64xf32, #tpu.memory_space<hbm>> -> memref<1x64xf32, #tpu.memory_space<hbm>>
            tpu.wait_dma2 semaphore(%arg12 : memref<!tpu.dma_semaphore, #tpu.memory_space<semaphore_mem>>) src(%dma_wait3A_1516 : memref<1x64xf32, #tpu.memory_space<hbm>>) dst(%dma_wait3A_1513 : memref<1x64xf32, #tpu.memory_space<vmem>>)
          } else {
          }
          %broadcast_in_dim3A_419 = vector.broadcast %and3A_406 : i32 to vector<16xi32>
          %and3A_420 = arith.constant 1 : i32
          %and3A_421 = arith.andi %add3A_196, %and3A_420 : i32
          %add3A_422 = arith.constant 0 : i32
          %add3A_423 = vector.broadcast %add3A_422 : i32 to vector<16xi32>
          %add3A_424 = arith.addi %iota3A, %add3A_423 : vector<16xi32>
          %gather3A_425 = arith.constant 0 : i32
          %gather3A_426 = arith.constant 0 : i32
          %gather3A_427 = tpu.memref_slice %arg9[%and3A_421, %gather3A_425, %gather3A_426] : memref<2x64x512xf32, #tpu.memory_space<vmem>> -> memref<1x64x512xf32, #tpu.memory_space<vmem>>
          %gather3A_428 = tpu.memref_squeeze %gather3A_427 : memref<1x64x512xf32, #tpu.memory_space<vmem>> -> memref<64x512xf32, #tpu.memory_space<vmem>>
          %gather3A_429 = tpu.vector_load_idx %gather3A_428[%add3A_424, %broadcast_in_dim3A_419] : memref<64x512xf32, #tpu.memory_space<vmem>>[vector<16xi32>, vector<16xi32>], vector<16xf32>,
          %swap3A_430 = arith.index_cast %and3A_410 : i32 to index
          %swap3A_431 = arith.constant 0 : index
          %swap3A_432 = tpu.vector_load %arg10[%swap3A_430, %swap3A_431] {strides = array<i32>} : memref<16x64xf32, #tpu.memory_space<vmem>>, vector<16xf32>,
          tpu.vector_store %arg10[%swap3A_430, %swap3A_431], %gather3A_429 {strides = array<i32>} : memref<16x64xf32, #tpu.memory_space<vmem>>, vector<16xf32>,
          %and3A_433 = arith.constant 1 : i32
          %and3A_434 = arith.andi %add3A_196, %and3A_433 : i32
          %add3A_435 = arith.constant 16 : i32
          %add3A_436 = vector.broadcast %add3A_435 : i32 to vector<16xi32>
          %add3A_437 = arith.addi %iota3A, %add3A_436 : vector<16xi32>
          %gather3A_438 = arith.constant 0 : i32
          %gather3A_439 = arith.constant 0 : i32
          %gather3A_440 = tpu.memref_slice %arg9[%and3A_434, %gather3A_438, %gather3A_439] : memref<2x64x512xf32, #tpu.memory_space<vmem>> -> memref<1x64x512xf32, #tpu.memory_space<vmem>>
          %gather3A_441 = tpu.memref_squeeze %gather3A_440 : memref<1x64x512xf32, #tpu.memory_space<vmem>> -> memref<64x512xf32, #tpu.memory_space<vmem>>
          %gather3A_442 = tpu.vector_load_idx %gather3A_441[%add3A_437, %broadcast_in_dim3A_419] : memref<64x512xf32, #tpu.memory_space<vmem>>[vector<16xi32>, vector<16xi32>], vector<16xf32>,
          %swap3A_443 = arith.index_cast %and3A_410 : i32 to index
          %swap3A_444 = arith.constant 16 : index
          %swap3A_445 = tpu.vector_load %arg10[%swap3A_443, %swap3A_444] {strides = array<i32>} : memref<16x64xf32, #tpu.memory_space<vmem>>, vector<16xf32>,
          tpu.vector_store %arg10[%swap3A_443, %swap3A_444], %gather3A_442 {strides = array<i32>} : memref<16x64xf32, #tpu.memory_space<vmem>>, vector<16xf32>,
          %and3A_446 = arith.constant 1 : i32
          %and3A_447 = arith.andi %add3A_196, %and3A_446 : i32
          %add3A_448 = arith.constant 32 : i32
          %add3A_449 = vector.broadcast %add3A_448 : i32 to vector<16xi32>
          %add3A_450 = arith.addi %iota3A, %add3A_449 : vector<16xi32>
          %gather3A_451 = arith.constant 0 : i32
          %gather3A_452 = arith.constant 0 : i32
          %gather3A_453 = tpu.memref_slice %arg9[%and3A_447, %gather3A_451, %gather3A_452] : memref<2x64x512xf32, #tpu.memory_space<vmem>> -> memref<1x64x512xf32, #tpu.memory_space<vmem>>
          %gather3A_454 = tpu.memref_squeeze %gather3A_453 : memref<1x64x512xf32, #tpu.memory_space<vmem>> -> memref<64x512xf32, #tpu.memory_space<vmem>>
          %gather3A_455 = tpu.vector_load_idx %gather3A_454[%add3A_450, %broadcast_in_dim3A_419] : memref<64x512xf32, #tpu.memory_space<vmem>>[vector<16xi32>, vector<16xi32>], vector<16xf32>,
          %swap3A_456 = arith.index_cast %and3A_410 : i32 to index
          %swap3A_457 = arith.constant 32 : index
          %swap3A_458 = tpu.vector_load %arg10[%swap3A_456, %swap3A_457] {strides = array<i32>} : memref<16x64xf32, #tpu.memory_space<vmem>>, vector<16xf32>,
          tpu.vector_store %arg10[%swap3A_456, %swap3A_457], %gather3A_455 {strides = array<i32>} : memref<16x64xf32, #tpu.memory_space<vmem>>, vector<16xf32>,
          %and3A_459 = arith.constant 1 : i32
          %and3A_460 = arith.andi %add3A_196, %and3A_459 : i32
          %add3A_461 = arith.constant 48 : i32
          %add3A_462 = vector.broadcast %add3A_461 : i32 to vector<16xi32>
          %add3A_463 = arith.addi %iota3A, %add3A_462 : vector<16xi32>
          %gather3A_464 = arith.constant 0 : i32
          %gather3A_465 = arith.constant 0 : i32
          %gather3A_466 = tpu.memref_slice %arg9[%and3A_460, %gather3A_464, %gather3A_465] : memref<2x64x512xf32, #tpu.memory_space<vmem>> -> memref<1x64x512xf32, #tpu.memory_space<vmem>>
          %gather3A_467 = tpu.memref_squeeze %gather3A_466 : memref<1x64x512xf32, #tpu.memory_space<vmem>> -> memref<64x512xf32, #tpu.memory_space<vmem>>
          %gather3A_468 = tpu.vector_load_idx %gather3A_467[%add3A_463, %broadcast_in_dim3A_419] : memref<64x512xf32, #tpu.memory_space<vmem>>[vector<16xi32>, vector<16xi32>], vector<16xf32>,
          %swap3A_469 = arith.index_cast %and3A_410 : i32 to index
          %swap3A_470 = arith.constant 48 : index
          %swap3A_471 = tpu.vector_load %arg10[%swap3A_469, %swap3A_470] {strides = array<i32>} : memref<16x64xf32, #tpu.memory_space<vmem>>, vector<16xf32>,
          tpu.vector_store %arg10[%swap3A_469, %swap3A_470], %gather3A_468 {strides = array<i32>} : memref<16x64xf32, #tpu.memory_space<vmem>>, vector<16xf32>,
          %convert_element_type3A_472 = arith.extui %lt3A_400 : i1 to i32
          %cond3A_473 = arith.constant 0 : i32
          %cond3A_474 = arith.cmpi ne, %convert_element_type3A_472, %cond3A_473 : i32
          scf.if %cond3A_474 {
            %and3A_1508 = arith.constant 16383 : i32
            %and3A_1509 = arith.andi %squeeze3A_402, %and3A_1508 : i32
            %dma_start3A = arith.constant 0 : i32
            %dma_start3A_1510 = tpu.memref_slice %arg10[%and3A_410, %dma_start3A] : memref<16x64xf32, #tpu.memory_space<vmem>> -> memref<1x64xf32, #tpu.memory_space<vmem>>
            %dma_start3A_1511 = arith.constant 0 : i32
            %dma_start3A_1512 = tpu.memref_slice %arg5[%and3A_1509, %dma_start3A_1511] : memref<16384x64xf32, #tpu.memory_space<hbm>> -> memref<1x64xf32, #tpu.memory_space<hbm>>
            %dma_start3A_1513 = arith.constant 0 : i32
            %dma_start3A_1514 = tpu.memref_slice %arg5[%and3A_1509, %dma_start3A_1513] : memref<16384x64xf32, #tpu.memory_space<hbm>> -> memref<1x64xf32, #tpu.memory_space<hbm>>
            %dma_start3A_1515 = arith.constant 0 : i32
            %dma_start3A_1516 = tpu.memref_slice %arg10[%and3A_410, %dma_start3A_1515] : memref<16x64xf32, #tpu.memory_space<vmem>> -> memref<1x64xf32, #tpu.memory_space<vmem>>
            tpu.enqueue_dma source(%dma_start3A_1516 : memref<1x64xf32, #tpu.memory_space<vmem>>) target(%dma_start3A_1514 : memref<1x64xf32, #tpu.memory_space<hbm>>) target_semaphore(%arg12 : memref<!tpu.dma_semaphore, #tpu.memory_space<semaphore_mem>>)
          } else {
          }
          %mul3A_475 = arith.constant 16 : i32
          %mul3A_476 = arith.muli %while3A_237, %mul3A_475 : i32
          %add3A_477 = arith.constant 3 : i32
          %add3A_478 = arith.addi %mul3A_476, %add3A_477 : i32
          %lt3A_479 = arith.cmpi slt, %add3A_478, %while3A_215 : i32
          %slice3A_480 = vector.extract_strided_slice %get3A_241 {offsets = [3], sizes = [1], strides = [1]} : vector<16xi32> to vector<1xi32>
          %squeeze3A_481 = vector.extract %slice3A_480[0] : i32 from vector<1xi32>
          %shift_right_logical3A_482 = arith.constant 14 : i32
          %shift_right_logical3A_483 = arith.shrui %squeeze3A_481, %shift_right_logical3A_482 : i32
          %and3A_484 = arith.constant 511 : i32
          %and3A_485 = arith.andi %shift_right_logical3A_483, %and3A_484 : i32
          %add3A_486 = arith.constant 3 : i32
          %add3A_487 = arith.addi %while3A_238, %add3A_486 : i32
          %and3A_488 = arith.constant 15 : i32
          %and3A_489 = arith.andi %add3A_487, %and3A_488 : i32
          %add3A_490 = arith.constant 3 : i32
          %add3A_491 = arith.addi %while3A_238, %add3A_490 : i32
          %ge3A_492 = arith.constant 16 : i32
          %ge3A_493 = arith.cmpi sge, %add3A_491, %ge3A_492 : i32
          %and3A_494 = arith.andi %lt3A_479, %ge3A_493 : i1
          %convert_element_type3A_495 = arith.extui %and3A_494 : i1 to i32
          %cond3A_496 = arith.constant 0 : i32
          %cond3A_497 = arith.cmpi ne, %convert_element_type3A_495, %cond3A_496 : i32
          scf.if %cond3A_497 {
            %dma_wait3A = arith.constant 0 : i32
            %dma_wait3A_1508 = tpu.memref_slice %arg10[%and3A_489, %dma_wait3A] : memref<16x64xf32, #tpu.memory_space<vmem>> -> memref<1x64xf32, #tpu.memory_space<vmem>>
            %dma_wait3A_1509 = arith.constant 0 : i32
            %dma_wait3A_1510 = arith.constant 0 : i32
            %dma_wait3A_1511 = tpu.memref_slice %arg5[%dma_wait3A_1509, %dma_wait3A_1510] : memref<16384x64xf32, #tpu.memory_space<hbm>> -> memref<1x64xf32, #tpu.memory_space<hbm>>
            %dma_wait3A_1512 = arith.constant 0 : i32
            %dma_wait3A_1513 = tpu.memref_slice %arg10[%and3A_489, %dma_wait3A_1512] : memref<16x64xf32, #tpu.memory_space<vmem>> -> memref<1x64xf32, #tpu.memory_space<vmem>>
            %dma_wait3A_1514 = arith.constant 0 : i32
            %dma_wait3A_1515 = arith.constant 0 : i32
            %dma_wait3A_1516 = tpu.memref_slice %arg5[%dma_wait3A_1514, %dma_wait3A_1515] : memref<16384x64xf32, #tpu.memory_space<hbm>> -> memref<1x64xf32, #tpu.memory_space<hbm>>
            tpu.wait_dma2 semaphore(%arg12 : memref<!tpu.dma_semaphore, #tpu.memory_space<semaphore_mem>>) src(%dma_wait3A_1516 : memref<1x64xf32, #tpu.memory_space<hbm>>) dst(%dma_wait3A_1513 : memref<1x64xf32, #tpu.memory_space<vmem>>)
          } else {
          }
          %broadcast_in_dim3A_498 = vector.broadcast %and3A_485 : i32 to vector<16xi32>
          %and3A_499 = arith.constant 1 : i32
          %and3A_500 = arith.andi %add3A_196, %and3A_499 : i32
          %add3A_501 = arith.constant 0 : i32
          %add3A_502 = vector.broadcast %add3A_501 : i32 to vector<16xi32>
          %add3A_503 = arith.addi %iota3A, %add3A_502 : vector<16xi32>
          %gather3A_504 = arith.constant 0 : i32
          %gather3A_505 = arith.constant 0 : i32
          %gather3A_506 = tpu.memref_slice %arg9[%and3A_500, %gather3A_504, %gather3A_505] : memref<2x64x512xf32, #tpu.memory_space<vmem>> -> memref<1x64x512xf32, #tpu.memory_space<vmem>>
          %gather3A_507 = tpu.memref_squeeze %gather3A_506 : memref<1x64x512xf32, #tpu.memory_space<vmem>> -> memref<64x512xf32, #tpu.memory_space<vmem>>
          %gather3A_508 = tpu.vector_load_idx %gather3A_507[%add3A_503, %broadcast_in_dim3A_498] : memref<64x512xf32, #tpu.memory_space<vmem>>[vector<16xi32>, vector<16xi32>], vector<16xf32>,
          %swap3A_509 = arith.index_cast %and3A_489 : i32 to index
          %swap3A_510 = arith.constant 0 : index
          %swap3A_511 = tpu.vector_load %arg10[%swap3A_509, %swap3A_510] {strides = array<i32>} : memref<16x64xf32, #tpu.memory_space<vmem>>, vector<16xf32>,
          tpu.vector_store %arg10[%swap3A_509, %swap3A_510], %gather3A_508 {strides = array<i32>} : memref<16x64xf32, #tpu.memory_space<vmem>>, vector<16xf32>,
          %and3A_512 = arith.constant 1 : i32
          %and3A_513 = arith.andi %add3A_196, %and3A_512 : i32
          %add3A_514 = arith.constant 16 : i32
          %add3A_515 = vector.broadcast %add3A_514 : i32 to vector<16xi32>
          %add3A_516 = arith.addi %iota3A, %add3A_515 : vector<16xi32>
          %gather3A_517 = arith.constant 0 : i32
          %gather3A_518 = arith.constant 0 : i32
          %gather3A_519 = tpu.memref_slice %arg9[%and3A_513, %gather3A_517, %gather3A_518] : memref<2x64x512xf32, #tpu.memory_space<vmem>> -> memref<1x64x512xf32, #tpu.memory_space<vmem>>
          %gather3A_520 = tpu.memref_squeeze %gather3A_519 : memref<1x64x512xf32, #tpu.memory_space<vmem>> -> memref<64x512xf32, #tpu.memory_space<vmem>>
          %gather3A_521 = tpu.vector_load_idx %gather3A_520[%add3A_516, %broadcast_in_dim3A_498] : memref<64x512xf32, #tpu.memory_space<vmem>>[vector<16xi32>, vector<16xi32>], vector<16xf32>,
          %swap3A_522 = arith.index_cast %and3A_489 : i32 to index
          %swap3A_523 = arith.constant 16 : index
          %swap3A_524 = tpu.vector_load %arg10[%swap3A_522, %swap3A_523] {strides = array<i32>} : memref<16x64xf32, #tpu.memory_space<vmem>>, vector<16xf32>,
          tpu.vector_store %arg10[%swap3A_522, %swap3A_523], %gather3A_521 {strides = array<i32>} : memref<16x64xf32, #tpu.memory_space<vmem>>, vector<16xf32>,
          %and3A_525 = arith.constant 1 : i32
          %and3A_526 = arith.andi %add3A_196, %and3A_525 : i32
          %add3A_527 = arith.constant 32 : i32
          %add3A_528 = vector.broadcast %add3A_527 : i32 to vector<16xi32>
          %add3A_529 = arith.addi %iota3A, %add3A_528 : vector<16xi32>
          %gather3A_530 = arith.constant 0 : i32
          %gather3A_531 = arith.constant 0 : i32
          %gather3A_532 = tpu.memref_slice %arg9[%and3A_526, %gather3A_530, %gather3A_531] : memref<2x64x512xf32, #tpu.memory_space<vmem>> -> memref<1x64x512xf32, #tpu.memory_space<vmem>>
          %gather3A_533 = tpu.memref_squeeze %gather3A_532 : memref<1x64x512xf32, #tpu.memory_space<vmem>> -> memref<64x512xf32, #tpu.memory_space<vmem>>
          %gather3A_534 = tpu.vector_load_idx %gather3A_533[%add3A_529, %broadcast_in_dim3A_498] : memref<64x512xf32, #tpu.memory_space<vmem>>[vector<16xi32>, vector<16xi32>], vector<16xf32>,
          %swap3A_535 = arith.index_cast %and3A_489 : i32 to index
          %swap3A_536 = arith.constant 32 : index
          %swap3A_537 = tpu.vector_load %arg10[%swap3A_535, %swap3A_536] {strides = array<i32>} : memref<16x64xf32, #tpu.memory_space<vmem>>, vector<16xf32>,
          tpu.vector_store %arg10[%swap3A_535, %swap3A_536], %gather3A_534 {strides = array<i32>} : memref<16x64xf32, #tpu.memory_space<vmem>>, vector<16xf32>,
          %and3A_538 = arith.constant 1 : i32
          %and3A_539 = arith.andi %add3A_196, %and3A_538 : i32
          %add3A_540 = arith.constant 48 : i32
          %add3A_541 = vector.broadcast %add3A_540 : i32 to vector<16xi32>
          %add3A_542 = arith.addi %iota3A, %add3A_541 : vector<16xi32>
          %gather3A_543 = arith.constant 0 : i32
          %gather3A_544 = arith.constant 0 : i32
          %gather3A_545 = tpu.memref_slice %arg9[%and3A_539, %gather3A_543, %gather3A_544] : memref<2x64x512xf32, #tpu.memory_space<vmem>> -> memref<1x64x512xf32, #tpu.memory_space<vmem>>
          %gather3A_546 = tpu.memref_squeeze %gather3A_545 : memref<1x64x512xf32, #tpu.memory_space<vmem>> -> memref<64x512xf32, #tpu.memory_space<vmem>>
          %gather3A_547 = tpu.vector_load_idx %gather3A_546[%add3A_542, %broadcast_in_dim3A_498] : memref<64x512xf32, #tpu.memory_space<vmem>>[vector<16xi32>, vector<16xi32>], vector<16xf32>,
          %swap3A_548 = arith.index_cast %and3A_489 : i32 to index
          %swap3A_549 = arith.constant 48 : index
          %swap3A_550 = tpu.vector_load %arg10[%swap3A_548, %swap3A_549] {strides = array<i32>} : memref<16x64xf32, #tpu.memory_space<vmem>>, vector<16xf32>,
          tpu.vector_store %arg10[%swap3A_548, %swap3A_549], %gather3A_547 {strides = array<i32>} : memref<16x64xf32, #tpu.memory_space<vmem>>, vector<16xf32>,
          %convert_element_type3A_551 = arith.extui %lt3A_479 : i1 to i32
          %cond3A_552 = arith.constant 0 : i32
          %cond3A_553 = arith.cmpi ne, %convert_element_type3A_551, %cond3A_552 : i32
          scf.if %cond3A_553 {
            %and3A_1508 = arith.constant 16383 : i32
            %and3A_1509 = arith.andi %squeeze3A_481, %and3A_1508 : i32
            %dma_start3A = arith.constant 0 : i32
            %dma_start3A_1510 = tpu.memref_slice %arg10[%and3A_489, %dma_start3A] : memref<16x64xf32, #tpu.memory_space<vmem>> -> memref<1x64xf32, #tpu.memory_space<vmem>>
            %dma_start3A_1511 = arith.constant 0 : i32
            %dma_start3A_1512 = tpu.memref_slice %arg5[%and3A_1509, %dma_start3A_1511] : memref<16384x64xf32, #tpu.memory_space<hbm>> -> memref<1x64xf32, #tpu.memory_space<hbm>>
            %dma_start3A_1513 = arith.constant 0 : i32
            %dma_start3A_1514 = tpu.memref_slice %arg5[%and3A_1509, %dma_start3A_1513] : memref<16384x64xf32, #tpu.memory_space<hbm>> -> memref<1x64xf32, #tpu.memory_space<hbm>>
            %dma_start3A_1515 = arith.constant 0 : i32
            %dma_start3A_1516 = tpu.memref_slice %arg10[%and3A_489, %dma_start3A_1515] : memref<16x64xf32, #tpu.memory_space<vmem>> -> memref<1x64xf32, #tpu.memory_space<vmem>>
            tpu.enqueue_dma source(%dma_start3A_1516 : memref<1x64xf32, #tpu.memory_space<vmem>>) target(%dma_start3A_1514 : memref<1x64xf32, #tpu.memory_space<hbm>>) target_semaphore(%arg12 : memref<!tpu.dma_semaphore, #tpu.memory_space<semaphore_mem>>)
          } else {
          }
          %mul3A_554 = arith.constant 16 : i32
          %mul3A_555 = arith.muli %while3A_237, %mul3A_554 : i32
          %add3A_556 = arith.constant 4 : i32
          %add3A_557 = arith.addi %mul3A_555, %add3A_556 : i32
          %lt3A_558 = arith.cmpi slt, %add3A_557, %while3A_215 : i32
          %slice3A_559 = vector.extract_strided_slice %get3A_241 {offsets = [4], sizes = [1], strides = [1]} : vector<16xi32> to vector<1xi32>
          %squeeze3A_560 = vector.extract %slice3A_559[0] : i32 from vector<1xi32>
          %shift_right_logical3A_561 = arith.constant 14 : i32
          %shift_right_logical3A_562 = arith.shrui %squeeze3A_560, %shift_right_logical3A_561 : i32
          %and3A_563 = arith.constant 511 : i32
          %and3A_564 = arith.andi %shift_right_logical3A_562, %and3A_563 : i32
          %add3A_565 = arith.constant 4 : i32
          %add3A_566 = arith.addi %while3A_238, %add3A_565 : i32
          %and3A_567 = arith.constant 15 : i32
          %and3A_568 = arith.andi %add3A_566, %and3A_567 : i32
          %add3A_569 = arith.constant 4 : i32
          %add3A_570 = arith.addi %while3A_238, %add3A_569 : i32
          %ge3A_571 = arith.constant 16 : i32
          %ge3A_572 = arith.cmpi sge, %add3A_570, %ge3A_571 : i32
          %and3A_573 = arith.andi %lt3A_558, %ge3A_572 : i1
          %convert_element_type3A_574 = arith.extui %and3A_573 : i1 to i32
          %cond3A_575 = arith.constant 0 : i32
          %cond3A_576 = arith.cmpi ne, %convert_element_type3A_574, %cond3A_575 : i32
          scf.if %cond3A_576 {
            %dma_wait3A = arith.constant 0 : i32
            %dma_wait3A_1508 = tpu.memref_slice %arg10[%and3A_568, %dma_wait3A] : memref<16x64xf32, #tpu.memory_space<vmem>> -> memref<1x64xf32, #tpu.memory_space<vmem>>
            %dma_wait3A_1509 = arith.constant 0 : i32
            %dma_wait3A_1510 = arith.constant 0 : i32
            %dma_wait3A_1511 = tpu.memref_slice %arg5[%dma_wait3A_1509, %dma_wait3A_1510] : memref<16384x64xf32, #tpu.memory_space<hbm>> -> memref<1x64xf32, #tpu.memory_space<hbm>>
            %dma_wait3A_1512 = arith.constant 0 : i32
            %dma_wait3A_1513 = tpu.memref_slice %arg10[%and3A_568, %dma_wait3A_1512] : memref<16x64xf32, #tpu.memory_space<vmem>> -> memref<1x64xf32, #tpu.memory_space<vmem>>
            %dma_wait3A_1514 = arith.constant 0 : i32
            %dma_wait3A_1515 = arith.constant 0 : i32
            %dma_wait3A_1516 = tpu.memref_slice %arg5[%dma_wait3A_1514, %dma_wait3A_1515] : memref<16384x64xf32, #tpu.memory_space<hbm>> -> memref<1x64xf32, #tpu.memory_space<hbm>>
            tpu.wait_dma2 semaphore(%arg12 : memref<!tpu.dma_semaphore, #tpu.memory_space<semaphore_mem>>) src(%dma_wait3A_1516 : memref<1x64xf32, #tpu.memory_space<hbm>>) dst(%dma_wait3A_1513 : memref<1x64xf32, #tpu.memory_space<vmem>>)
          } else {
          }
          %broadcast_in_dim3A_577 = vector.broadcast %and3A_564 : i32 to vector<16xi32>
          %and3A_578 = arith.constant 1 : i32
          %and3A_579 = arith.andi %add3A_196, %and3A_578 : i32
          %add3A_580 = arith.constant 0 : i32
          %add3A_581 = vector.broadcast %add3A_580 : i32 to vector<16xi32>
          %add3A_582 = arith.addi %iota3A, %add3A_581 : vector<16xi32>
          %gather3A_583 = arith.constant 0 : i32
          %gather3A_584 = arith.constant 0 : i32
          %gather3A_585 = tpu.memref_slice %arg9[%and3A_579, %gather3A_583, %gather3A_584] : memref<2x64x512xf32, #tpu.memory_space<vmem>> -> memref<1x64x512xf32, #tpu.memory_space<vmem>>
          %gather3A_586 = tpu.memref_squeeze %gather3A_585 : memref<1x64x512xf32, #tpu.memory_space<vmem>> -> memref<64x512xf32, #tpu.memory_space<vmem>>
          %gather3A_587 = tpu.vector_load_idx %gather3A_586[%add3A_582, %broadcast_in_dim3A_577] : memref<64x512xf32, #tpu.memory_space<vmem>>[vector<16xi32>, vector<16xi32>], vector<16xf32>,
          %swap3A_588 = arith.index_cast %and3A_568 : i32 to index
          %swap3A_589 = arith.constant 0 : index
          %swap3A_590 = tpu.vector_load %arg10[%swap3A_588, %swap3A_589] {strides = array<i32>} : memref<16x64xf32, #tpu.memory_space<vmem>>, vector<16xf32>,
          tpu.vector_store %arg10[%swap3A_588, %swap3A_589], %gather3A_587 {strides = array<i32>} : memref<16x64xf32, #tpu.memory_space<vmem>>, vector<16xf32>,
          %and3A_591 = arith.constant 1 : i32
          %and3A_592 = arith.andi %add3A_196, %and3A_591 : i32
          %add3A_593 = arith.constant 16 : i32
          %add3A_594 = vector.broadcast %add3A_593 : i32 to vector<16xi32>
          %add3A_595 = arith.addi %iota3A, %add3A_594 : vector<16xi32>
          %gather3A_596 = arith.constant 0 : i32
          %gather3A_597 = arith.constant 0 : i32
          %gather3A_598 = tpu.memref_slice %arg9[%and3A_592, %gather3A_596, %gather3A_597] : memref<2x64x512xf32, #tpu.memory_space<vmem>> -> memref<1x64x512xf32, #tpu.memory_space<vmem>>
          %gather3A_599 = tpu.memref_squeeze %gather3A_598 : memref<1x64x512xf32, #tpu.memory_space<vmem>> -> memref<64x512xf32, #tpu.memory_space<vmem>>
          %gather3A_600 = tpu.vector_load_idx %gather3A_599[%add3A_595, %broadcast_in_dim3A_577] : memref<64x512xf32, #tpu.memory_space<vmem>>[vector<16xi32>, vector<16xi32>], vector<16xf32>,
          %swap3A_601 = arith.index_cast %and3A_568 : i32 to index
          %swap3A_602 = arith.constant 16 : index
          %swap3A_603 = tpu.vector_load %arg10[%swap3A_601, %swap3A_602] {strides = array<i32>} : memref<16x64xf32, #tpu.memory_space<vmem>>, vector<16xf32>,
          tpu.vector_store %arg10[%swap3A_601, %swap3A_602], %gather3A_600 {strides = array<i32>} : memref<16x64xf32, #tpu.memory_space<vmem>>, vector<16xf32>,
          %and3A_604 = arith.constant 1 : i32
          %and3A_605 = arith.andi %add3A_196, %and3A_604 : i32
          %add3A_606 = arith.constant 32 : i32
          %add3A_607 = vector.broadcast %add3A_606 : i32 to vector<16xi32>
          %add3A_608 = arith.addi %iota3A, %add3A_607 : vector<16xi32>
          %gather3A_609 = arith.constant 0 : i32
          %gather3A_610 = arith.constant 0 : i32
          %gather3A_611 = tpu.memref_slice %arg9[%and3A_605, %gather3A_609, %gather3A_610] : memref<2x64x512xf32, #tpu.memory_space<vmem>> -> memref<1x64x512xf32, #tpu.memory_space<vmem>>
          %gather3A_612 = tpu.memref_squeeze %gather3A_611 : memref<1x64x512xf32, #tpu.memory_space<vmem>> -> memref<64x512xf32, #tpu.memory_space<vmem>>
          %gather3A_613 = tpu.vector_load_idx %gather3A_612[%add3A_608, %broadcast_in_dim3A_577] : memref<64x512xf32, #tpu.memory_space<vmem>>[vector<16xi32>, vector<16xi32>], vector<16xf32>,
          %swap3A_614 = arith.index_cast %and3A_568 : i32 to index
          %swap3A_615 = arith.constant 32 : index
          %swap3A_616 = tpu.vector_load %arg10[%swap3A_614, %swap3A_615] {strides = array<i32>} : memref<16x64xf32, #tpu.memory_space<vmem>>, vector<16xf32>,
          tpu.vector_store %arg10[%swap3A_614, %swap3A_615], %gather3A_613 {strides = array<i32>} : memref<16x64xf32, #tpu.memory_space<vmem>>, vector<16xf32>,
          %and3A_617 = arith.constant 1 : i32
          %and3A_618 = arith.andi %add3A_196, %and3A_617 : i32
          %add3A_619 = arith.constant 48 : i32
          %add3A_620 = vector.broadcast %add3A_619 : i32 to vector<16xi32>
          %add3A_621 = arith.addi %iota3A, %add3A_620 : vector<16xi32>
          %gather3A_622 = arith.constant 0 : i32
          %gather3A_623 = arith.constant 0 : i32
          %gather3A_624 = tpu.memref_slice %arg9[%and3A_618, %gather3A_622, %gather3A_623] : memref<2x64x512xf32, #tpu.memory_space<vmem>> -> memref<1x64x512xf32, #tpu.memory_space<vmem>>
          %gather3A_625 = tpu.memref_squeeze %gather3A_624 : memref<1x64x512xf32, #tpu.memory_space<vmem>> -> memref<64x512xf32, #tpu.memory_space<vmem>>
          %gather3A_626 = tpu.vector_load_idx %gather3A_625[%add3A_621, %broadcast_in_dim3A_577] : memref<64x512xf32, #tpu.memory_space<vmem>>[vector<16xi32>, vector<16xi32>], vector<16xf32>,
          %swap3A_627 = arith.index_cast %and3A_568 : i32 to index
          %swap3A_628 = arith.constant 48 : index
          %swap3A_629 = tpu.vector_load %arg10[%swap3A_627, %swap3A_628] {strides = array<i32>} : memref<16x64xf32, #tpu.memory_space<vmem>>, vector<16xf32>,
          tpu.vector_store %arg10[%swap3A_627, %swap3A_628], %gather3A_626 {strides = array<i32>} : memref<16x64xf32, #tpu.memory_space<vmem>>, vector<16xf32>,
          %convert_element_type3A_630 = arith.extui %lt3A_558 : i1 to i32
          %cond3A_631 = arith.constant 0 : i32
          %cond3A_632 = arith.cmpi ne, %convert_element_type3A_630, %cond3A_631 : i32
          scf.if %cond3A_632 {
            %and3A_1508 = arith.constant 16383 : i32
            %and3A_1509 = arith.andi %squeeze3A_560, %and3A_1508 : i32
            %dma_start3A = arith.constant 0 : i32
            %dma_start3A_1510 = tpu.memref_slice %arg10[%and3A_568, %dma_start3A] : memref<16x64xf32, #tpu.memory_space<vmem>> -> memref<1x64xf32, #tpu.memory_space<vmem>>
            %dma_start3A_1511 = arith.constant 0 : i32
            %dma_start3A_1512 = tpu.memref_slice %arg5[%and3A_1509, %dma_start3A_1511] : memref<16384x64xf32, #tpu.memory_space<hbm>> -> memref<1x64xf32, #tpu.memory_space<hbm>>
            %dma_start3A_1513 = arith.constant 0 : i32
            %dma_start3A_1514 = tpu.memref_slice %arg5[%and3A_1509, %dma_start3A_1513] : memref<16384x64xf32, #tpu.memory_space<hbm>> -> memref<1x64xf32, #tpu.memory_space<hbm>>
            %dma_start3A_1515 = arith.constant 0 : i32
            %dma_start3A_1516 = tpu.memref_slice %arg10[%and3A_568, %dma_start3A_1515] : memref<16x64xf32, #tpu.memory_space<vmem>> -> memref<1x64xf32, #tpu.memory_space<vmem>>
            tpu.enqueue_dma source(%dma_start3A_1516 : memref<1x64xf32, #tpu.memory_space<vmem>>) target(%dma_start3A_1514 : memref<1x64xf32, #tpu.memory_space<hbm>>) target_semaphore(%arg12 : memref<!tpu.dma_semaphore, #tpu.memory_space<semaphore_mem>>)
          } else {
          }
          %mul3A_633 = arith.constant 16 : i32
          %mul3A_634 = arith.muli %while3A_237, %mul3A_633 : i32
          %add3A_635 = arith.constant 5 : i32
          %add3A_636 = arith.addi %mul3A_634, %add3A_635 : i32
          %lt3A_637 = arith.cmpi slt, %add3A_636, %while3A_215 : i32
          %slice3A_638 = vector.extract_strided_slice %get3A_241 {offsets = [5], sizes = [1], strides = [1]} : vector<16xi32> to vector<1xi32>
          %squeeze3A_639 = vector.extract %slice3A_638[0] : i32 from vector<1xi32>
          %shift_right_logical3A_640 = arith.constant 14 : i32
          %shift_right_logical3A_641 = arith.shrui %squeeze3A_639, %shift_right_logical3A_640 : i32
          %and3A_642 = arith.constant 511 : i32
          %and3A_643 = arith.andi %shift_right_logical3A_641, %and3A_642 : i32
          %add3A_644 = arith.constant 5 : i32
          %add3A_645 = arith.addi %while3A_238, %add3A_644 : i32
          %and3A_646 = arith.constant 15 : i32
          %and3A_647 = arith.andi %add3A_645, %and3A_646 : i32
          %add3A_648 = arith.constant 5 : i32
          %add3A_649 = arith.addi %while3A_238, %add3A_648 : i32
          %ge3A_650 = arith.constant 16 : i32
          %ge3A_651 = arith.cmpi sge, %add3A_649, %ge3A_650 : i32
          %and3A_652 = arith.andi %lt3A_637, %ge3A_651 : i1
          %convert_element_type3A_653 = arith.extui %and3A_652 : i1 to i32
          %cond3A_654 = arith.constant 0 : i32
          %cond3A_655 = arith.cmpi ne, %convert_element_type3A_653, %cond3A_654 : i32
          scf.if %cond3A_655 {
            %dma_wait3A = arith.constant 0 : i32
            %dma_wait3A_1508 = tpu.memref_slice %arg10[%and3A_647, %dma_wait3A] : memref<16x64xf32, #tpu.memory_space<vmem>> -> memref<1x64xf32, #tpu.memory_space<vmem>>
            %dma_wait3A_1509 = arith.constant 0 : i32
            %dma_wait3A_1510 = arith.constant 0 : i32
            %dma_wait3A_1511 = tpu.memref_slice %arg5[%dma_wait3A_1509, %dma_wait3A_1510] : memref<16384x64xf32, #tpu.memory_space<hbm>> -> memref<1x64xf32, #tpu.memory_space<hbm>>
            %dma_wait3A_1512 = arith.constant 0 : i32
            %dma_wait3A_1513 = tpu.memref_slice %arg10[%and3A_647, %dma_wait3A_1512] : memref<16x64xf32, #tpu.memory_space<vmem>> -> memref<1x64xf32, #tpu.memory_space<vmem>>
            %dma_wait3A_1514 = arith.constant 0 : i32
            %dma_wait3A_1515 = arith.constant 0 : i32
            %dma_wait3A_1516 = tpu.memref_slice %arg5[%dma_wait3A_1514, %dma_wait3A_1515] : memref<16384x64xf32, #tpu.memory_space<hbm>> -> memref<1x64xf32, #tpu.memory_space<hbm>>
            tpu.wait_dma2 semaphore(%arg12 : memref<!tpu.dma_semaphore, #tpu.memory_space<semaphore_mem>>) src(%dma_wait3A_1516 : memref<1x64xf32, #tpu.memory_space<hbm>>) dst(%dma_wait3A_1513 : memref<1x64xf32, #tpu.memory_space<vmem>>)
          } else {
          }
          %broadcast_in_dim3A_656 = vector.broadcast %and3A_643 : i32 to vector<16xi32>
          %and3A_657 = arith.constant 1 : i32
          %and3A_658 = arith.andi %add3A_196, %and3A_657 : i32
          %add3A_659 = arith.constant 0 : i32
          %add3A_660 = vector.broadcast %add3A_659 : i32 to vector<16xi32>
          %add3A_661 = arith.addi %iota3A, %add3A_660 : vector<16xi32>
          %gather3A_662 = arith.constant 0 : i32
          %gather3A_663 = arith.constant 0 : i32
          %gather3A_664 = tpu.memref_slice %arg9[%and3A_658, %gather3A_662, %gather3A_663] : memref<2x64x512xf32, #tpu.memory_space<vmem>> -> memref<1x64x512xf32, #tpu.memory_space<vmem>>
          %gather3A_665 = tpu.memref_squeeze %gather3A_664 : memref<1x64x512xf32, #tpu.memory_space<vmem>> -> memref<64x512xf32, #tpu.memory_space<vmem>>
          %gather3A_666 = tpu.vector_load_idx %gather3A_665[%add3A_661, %broadcast_in_dim3A_656] : memref<64x512xf32, #tpu.memory_space<vmem>>[vector<16xi32>, vector<16xi32>], vector<16xf32>,
          %swap3A_667 = arith.index_cast %and3A_647 : i32 to index
          %swap3A_668 = arith.constant 0 : index
          %swap3A_669 = tpu.vector_load %arg10[%swap3A_667, %swap3A_668] {strides = array<i32>} : memref<16x64xf32, #tpu.memory_space<vmem>>, vector<16xf32>,
          tpu.vector_store %arg10[%swap3A_667, %swap3A_668], %gather3A_666 {strides = array<i32>} : memref<16x64xf32, #tpu.memory_space<vmem>>, vector<16xf32>,
          %and3A_670 = arith.constant 1 : i32
          %and3A_671 = arith.andi %add3A_196, %and3A_670 : i32
          %add3A_672 = arith.constant 16 : i32
          %add3A_673 = vector.broadcast %add3A_672 : i32 to vector<16xi32>
          %add3A_674 = arith.addi %iota3A, %add3A_673 : vector<16xi32>
          %gather3A_675 = arith.constant 0 : i32
          %gather3A_676 = arith.constant 0 : i32
          %gather3A_677 = tpu.memref_slice %arg9[%and3A_671, %gather3A_675, %gather3A_676] : memref<2x64x512xf32, #tpu.memory_space<vmem>> -> memref<1x64x512xf32, #tpu.memory_space<vmem>>
          %gather3A_678 = tpu.memref_squeeze %gather3A_677 : memref<1x64x512xf32, #tpu.memory_space<vmem>> -> memref<64x512xf32, #tpu.memory_space<vmem>>
          %gather3A_679 = tpu.vector_load_idx %gather3A_678[%add3A_674, %broadcast_in_dim3A_656] : memref<64x512xf32, #tpu.memory_space<vmem>>[vector<16xi32>, vector<16xi32>], vector<16xf32>,
          %swap3A_680 = arith.index_cast %and3A_647 : i32 to index
          %swap3A_681 = arith.constant 16 : index
          %swap3A_682 = tpu.vector_load %arg10[%swap3A_680, %swap3A_681] {strides = array<i32>} : memref<16x64xf32, #tpu.memory_space<vmem>>, vector<16xf32>,
          tpu.vector_store %arg10[%swap3A_680, %swap3A_681], %gather3A_679 {strides = array<i32>} : memref<16x64xf32, #tpu.memory_space<vmem>>, vector<16xf32>,
          %and3A_683 = arith.constant 1 : i32
          %and3A_684 = arith.andi %add3A_196, %and3A_683 : i32
          %add3A_685 = arith.constant 32 : i32
          %add3A_686 = vector.broadcast %add3A_685 : i32 to vector<16xi32>
          %add3A_687 = arith.addi %iota3A, %add3A_686 : vector<16xi32>
          %gather3A_688 = arith.constant 0 : i32
          %gather3A_689 = arith.constant 0 : i32
          %gather3A_690 = tpu.memref_slice %arg9[%and3A_684, %gather3A_688, %gather3A_689] : memref<2x64x512xf32, #tpu.memory_space<vmem>> -> memref<1x64x512xf32, #tpu.memory_space<vmem>>
          %gather3A_691 = tpu.memref_squeeze %gather3A_690 : memref<1x64x512xf32, #tpu.memory_space<vmem>> -> memref<64x512xf32, #tpu.memory_space<vmem>>
          %gather3A_692 = tpu.vector_load_idx %gather3A_691[%add3A_687, %broadcast_in_dim3A_656] : memref<64x512xf32, #tpu.memory_space<vmem>>[vector<16xi32>, vector<16xi32>], vector<16xf32>,
          %swap3A_693 = arith.index_cast %and3A_647 : i32 to index
          %swap3A_694 = arith.constant 32 : index
          %swap3A_695 = tpu.vector_load %arg10[%swap3A_693, %swap3A_694] {strides = array<i32>} : memref<16x64xf32, #tpu.memory_space<vmem>>, vector<16xf32>,
          tpu.vector_store %arg10[%swap3A_693, %swap3A_694], %gather3A_692 {strides = array<i32>} : memref<16x64xf32, #tpu.memory_space<vmem>>, vector<16xf32>,
          %and3A_696 = arith.constant 1 : i32
          %and3A_697 = arith.andi %add3A_196, %and3A_696 : i32
          %add3A_698 = arith.constant 48 : i32
          %add3A_699 = vector.broadcast %add3A_698 : i32 to vector<16xi32>
          %add3A_700 = arith.addi %iota3A, %add3A_699 : vector<16xi32>
          %gather3A_701 = arith.constant 0 : i32
          %gather3A_702 = arith.constant 0 : i32
          %gather3A_703 = tpu.memref_slice %arg9[%and3A_697, %gather3A_701, %gather3A_702] : memref<2x64x512xf32, #tpu.memory_space<vmem>> -> memref<1x64x512xf32, #tpu.memory_space<vmem>>
          %gather3A_704 = tpu.memref_squeeze %gather3A_703 : memref<1x64x512xf32, #tpu.memory_space<vmem>> -> memref<64x512xf32, #tpu.memory_space<vmem>>
          %gather3A_705 = tpu.vector_load_idx %gather3A_704[%add3A_700, %broadcast_in_dim3A_656] : memref<64x512xf32, #tpu.memory_space<vmem>>[vector<16xi32>, vector<16xi32>], vector<16xf32>,
          %swap3A_706 = arith.index_cast %and3A_647 : i32 to index
          %swap3A_707 = arith.constant 48 : index
          %swap3A_708 = tpu.vector_load %arg10[%swap3A_706, %swap3A_707] {strides = array<i32>} : memref<16x64xf32, #tpu.memory_space<vmem>>, vector<16xf32>,
          tpu.vector_store %arg10[%swap3A_706, %swap3A_707], %gather3A_705 {strides = array<i32>} : memref<16x64xf32, #tpu.memory_space<vmem>>, vector<16xf32>,
          %convert_element_type3A_709 = arith.extui %lt3A_637 : i1 to i32
          %cond3A_710 = arith.constant 0 : i32
          %cond3A_711 = arith.cmpi ne, %convert_element_type3A_709, %cond3A_710 : i32
          scf.if %cond3A_711 {
            %and3A_1508 = arith.constant 16383 : i32
            %and3A_1509 = arith.andi %squeeze3A_639, %and3A_1508 : i32
            %dma_start3A = arith.constant 0 : i32
            %dma_start3A_1510 = tpu.memref_slice %arg10[%and3A_647, %dma_start3A] : memref<16x64xf32, #tpu.memory_space<vmem>> -> memref<1x64xf32, #tpu.memory_space<vmem>>
            %dma_start3A_1511 = arith.constant 0 : i32
            %dma_start3A_1512 = tpu.memref_slice %arg5[%and3A_1509, %dma_start3A_1511] : memref<16384x64xf32, #tpu.memory_space<hbm>> -> memref<1x64xf32, #tpu.memory_space<hbm>>
            %dma_start3A_1513 = arith.constant 0 : i32
            %dma_start3A_1514 = tpu.memref_slice %arg5[%and3A_1509, %dma_start3A_1513] : memref<16384x64xf32, #tpu.memory_space<hbm>> -> memref<1x64xf32, #tpu.memory_space<hbm>>
            %dma_start3A_1515 = arith.constant 0 : i32
            %dma_start3A_1516 = tpu.memref_slice %arg10[%and3A_647, %dma_start3A_1515] : memref<16x64xf32, #tpu.memory_space<vmem>> -> memref<1x64xf32, #tpu.memory_space<vmem>>
            tpu.enqueue_dma source(%dma_start3A_1516 : memref<1x64xf32, #tpu.memory_space<vmem>>) target(%dma_start3A_1514 : memref<1x64xf32, #tpu.memory_space<hbm>>) target_semaphore(%arg12 : memref<!tpu.dma_semaphore, #tpu.memory_space<semaphore_mem>>)
          } else {
          }
          %mul3A_712 = arith.constant 16 : i32
          %mul3A_713 = arith.muli %while3A_237, %mul3A_712 : i32
          %add3A_714 = arith.constant 6 : i32
          %add3A_715 = arith.addi %mul3A_713, %add3A_714 : i32
          %lt3A_716 = arith.cmpi slt, %add3A_715, %while3A_215 : i32
          %slice3A_717 = vector.extract_strided_slice %get3A_241 {offsets = [6], sizes = [1], strides = [1]} : vector<16xi32> to vector<1xi32>
          %squeeze3A_718 = vector.extract %slice3A_717[0] : i32 from vector<1xi32>
          %shift_right_logical3A_719 = arith.constant 14 : i32
          %shift_right_logical3A_720 = arith.shrui %squeeze3A_718, %shift_right_logical3A_719 : i32
          %and3A_721 = arith.constant 511 : i32
          %and3A_722 = arith.andi %shift_right_logical3A_720, %and3A_721 : i32
          %add3A_723 = arith.constant 6 : i32
          %add3A_724 = arith.addi %while3A_238, %add3A_723 : i32
          %and3A_725 = arith.constant 15 : i32
          %and3A_726 = arith.andi %add3A_724, %and3A_725 : i32
          %add3A_727 = arith.constant 6 : i32
          %add3A_728 = arith.addi %while3A_238, %add3A_727 : i32
          %ge3A_729 = arith.constant 16 : i32
          %ge3A_730 = arith.cmpi sge, %add3A_728, %ge3A_729 : i32
          %and3A_731 = arith.andi %lt3A_716, %ge3A_730 : i1
          %convert_element_type3A_732 = arith.extui %and3A_731 : i1 to i32
          %cond3A_733 = arith.constant 0 : i32
          %cond3A_734 = arith.cmpi ne, %convert_element_type3A_732, %cond3A_733 : i32
          scf.if %cond3A_734 {
            %dma_wait3A = arith.constant 0 : i32
            %dma_wait3A_1508 = tpu.memref_slice %arg10[%and3A_726, %dma_wait3A] : memref<16x64xf32, #tpu.memory_space<vmem>> -> memref<1x64xf32, #tpu.memory_space<vmem>>
            %dma_wait3A_1509 = arith.constant 0 : i32
            %dma_wait3A_1510 = arith.constant 0 : i32
            %dma_wait3A_1511 = tpu.memref_slice %arg5[%dma_wait3A_1509, %dma_wait3A_1510] : memref<16384x64xf32, #tpu.memory_space<hbm>> -> memref<1x64xf32, #tpu.memory_space<hbm>>
            %dma_wait3A_1512 = arith.constant 0 : i32
            %dma_wait3A_1513 = tpu.memref_slice %arg10[%and3A_726, %dma_wait3A_1512] : memref<16x64xf32, #tpu.memory_space<vmem>> -> memref<1x64xf32, #tpu.memory_space<vmem>>
            %dma_wait3A_1514 = arith.constant 0 : i32
            %dma_wait3A_1515 = arith.constant 0 : i32
            %dma_wait3A_1516 = tpu.memref_slice %arg5[%dma_wait3A_1514, %dma_wait3A_1515] : memref<16384x64xf32, #tpu.memory_space<hbm>> -> memref<1x64xf32, #tpu.memory_space<hbm>>
            tpu.wait_dma2 semaphore(%arg12 : memref<!tpu.dma_semaphore, #tpu.memory_space<semaphore_mem>>) src(%dma_wait3A_1516 : memref<1x64xf32, #tpu.memory_space<hbm>>) dst(%dma_wait3A_1513 : memref<1x64xf32, #tpu.memory_space<vmem>>)
          } else {
          }
          %broadcast_in_dim3A_735 = vector.broadcast %and3A_722 : i32 to vector<16xi32>
          %and3A_736 = arith.constant 1 : i32
          %and3A_737 = arith.andi %add3A_196, %and3A_736 : i32
          %add3A_738 = arith.constant 0 : i32
          %add3A_739 = vector.broadcast %add3A_738 : i32 to vector<16xi32>
          %add3A_740 = arith.addi %iota3A, %add3A_739 : vector<16xi32>
          %gather3A_741 = arith.constant 0 : i32
          %gather3A_742 = arith.constant 0 : i32
          %gather3A_743 = tpu.memref_slice %arg9[%and3A_737, %gather3A_741, %gather3A_742] : memref<2x64x512xf32, #tpu.memory_space<vmem>> -> memref<1x64x512xf32, #tpu.memory_space<vmem>>
          %gather3A_744 = tpu.memref_squeeze %gather3A_743 : memref<1x64x512xf32, #tpu.memory_space<vmem>> -> memref<64x512xf32, #tpu.memory_space<vmem>>
          %gather3A_745 = tpu.vector_load_idx %gather3A_744[%add3A_740, %broadcast_in_dim3A_735] : memref<64x512xf32, #tpu.memory_space<vmem>>[vector<16xi32>, vector<16xi32>], vector<16xf32>,
          %swap3A_746 = arith.index_cast %and3A_726 : i32 to index
          %swap3A_747 = arith.constant 0 : index
          %swap3A_748 = tpu.vector_load %arg10[%swap3A_746, %swap3A_747] {strides = array<i32>} : memref<16x64xf32, #tpu.memory_space<vmem>>, vector<16xf32>,
          tpu.vector_store %arg10[%swap3A_746, %swap3A_747], %gather3A_745 {strides = array<i32>} : memref<16x64xf32, #tpu.memory_space<vmem>>, vector<16xf32>,
          %and3A_749 = arith.constant 1 : i32
          %and3A_750 = arith.andi %add3A_196, %and3A_749 : i32
          %add3A_751 = arith.constant 16 : i32
          %add3A_752 = vector.broadcast %add3A_751 : i32 to vector<16xi32>
          %add3A_753 = arith.addi %iota3A, %add3A_752 : vector<16xi32>
          %gather3A_754 = arith.constant 0 : i32
          %gather3A_755 = arith.constant 0 : i32
          %gather3A_756 = tpu.memref_slice %arg9[%and3A_750, %gather3A_754, %gather3A_755] : memref<2x64x512xf32, #tpu.memory_space<vmem>> -> memref<1x64x512xf32, #tpu.memory_space<vmem>>
          %gather3A_757 = tpu.memref_squeeze %gather3A_756 : memref<1x64x512xf32, #tpu.memory_space<vmem>> -> memref<64x512xf32, #tpu.memory_space<vmem>>
          %gather3A_758 = tpu.vector_load_idx %gather3A_757[%add3A_753, %broadcast_in_dim3A_735] : memref<64x512xf32, #tpu.memory_space<vmem>>[vector<16xi32>, vector<16xi32>], vector<16xf32>,
          %swap3A_759 = arith.index_cast %and3A_726 : i32 to index
          %swap3A_760 = arith.constant 16 : index
          %swap3A_761 = tpu.vector_load %arg10[%swap3A_759, %swap3A_760] {strides = array<i32>} : memref<16x64xf32, #tpu.memory_space<vmem>>, vector<16xf32>,
          tpu.vector_store %arg10[%swap3A_759, %swap3A_760], %gather3A_758 {strides = array<i32>} : memref<16x64xf32, #tpu.memory_space<vmem>>, vector<16xf32>,
          %and3A_762 = arith.constant 1 : i32
          %and3A_763 = arith.andi %add3A_196, %and3A_762 : i32
          %add3A_764 = arith.constant 32 : i32
          %add3A_765 = vector.broadcast %add3A_764 : i32 to vector<16xi32>
          %add3A_766 = arith.addi %iota3A, %add3A_765 : vector<16xi32>
          %gather3A_767 = arith.constant 0 : i32
          %gather3A_768 = arith.constant 0 : i32
          %gather3A_769 = tpu.memref_slice %arg9[%and3A_763, %gather3A_767, %gather3A_768] : memref<2x64x512xf32, #tpu.memory_space<vmem>> -> memref<1x64x512xf32, #tpu.memory_space<vmem>>
          %gather3A_770 = tpu.memref_squeeze %gather3A_769 : memref<1x64x512xf32, #tpu.memory_space<vmem>> -> memref<64x512xf32, #tpu.memory_space<vmem>>
          %gather3A_771 = tpu.vector_load_idx %gather3A_770[%add3A_766, %broadcast_in_dim3A_735] : memref<64x512xf32, #tpu.memory_space<vmem>>[vector<16xi32>, vector<16xi32>], vector<16xf32>,
          %swap3A_772 = arith.index_cast %and3A_726 : i32 to index
          %swap3A_773 = arith.constant 32 : index
          %swap3A_774 = tpu.vector_load %arg10[%swap3A_772, %swap3A_773] {strides = array<i32>} : memref<16x64xf32, #tpu.memory_space<vmem>>, vector<16xf32>,
          tpu.vector_store %arg10[%swap3A_772, %swap3A_773], %gather3A_771 {strides = array<i32>} : memref<16x64xf32, #tpu.memory_space<vmem>>, vector<16xf32>,
          %and3A_775 = arith.constant 1 : i32
          %and3A_776 = arith.andi %add3A_196, %and3A_775 : i32
          %add3A_777 = arith.constant 48 : i32
          %add3A_778 = vector.broadcast %add3A_777 : i32 to vector<16xi32>
          %add3A_779 = arith.addi %iota3A, %add3A_778 : vector<16xi32>
          %gather3A_780 = arith.constant 0 : i32
          %gather3A_781 = arith.constant 0 : i32
          %gather3A_782 = tpu.memref_slice %arg9[%and3A_776, %gather3A_780, %gather3A_781] : memref<2x64x512xf32, #tpu.memory_space<vmem>> -> memref<1x64x512xf32, #tpu.memory_space<vmem>>
          %gather3A_783 = tpu.memref_squeeze %gather3A_782 : memref<1x64x512xf32, #tpu.memory_space<vmem>> -> memref<64x512xf32, #tpu.memory_space<vmem>>
          %gather3A_784 = tpu.vector_load_idx %gather3A_783[%add3A_779, %broadcast_in_dim3A_735] : memref<64x512xf32, #tpu.memory_space<vmem>>[vector<16xi32>, vector<16xi32>], vector<16xf32>,
          %swap3A_785 = arith.index_cast %and3A_726 : i32 to index
          %swap3A_786 = arith.constant 48 : index
          %swap3A_787 = tpu.vector_load %arg10[%swap3A_785, %swap3A_786] {strides = array<i32>} : memref<16x64xf32, #tpu.memory_space<vmem>>, vector<16xf32>,
          tpu.vector_store %arg10[%swap3A_785, %swap3A_786], %gather3A_784 {strides = array<i32>} : memref<16x64xf32, #tpu.memory_space<vmem>>, vector<16xf32>,
          %convert_element_type3A_788 = arith.extui %lt3A_716 : i1 to i32
          %cond3A_789 = arith.constant 0 : i32
          %cond3A_790 = arith.cmpi ne, %convert_element_type3A_788, %cond3A_789 : i32
          scf.if %cond3A_790 {
            %and3A_1508 = arith.constant 16383 : i32
            %and3A_1509 = arith.andi %squeeze3A_718, %and3A_1508 : i32
            %dma_start3A = arith.constant 0 : i32
            %dma_start3A_1510 = tpu.memref_slice %arg10[%and3A_726, %dma_start3A] : memref<16x64xf32, #tpu.memory_space<vmem>> -> memref<1x64xf32, #tpu.memory_space<vmem>>
            %dma_start3A_1511 = arith.constant 0 : i32
            %dma_start3A_1512 = tpu.memref_slice %arg5[%and3A_1509, %dma_start3A_1511] : memref<16384x64xf32, #tpu.memory_space<hbm>> -> memref<1x64xf32, #tpu.memory_space<hbm>>
            %dma_start3A_1513 = arith.constant 0 : i32
            %dma_start3A_1514 = tpu.memref_slice %arg5[%and3A_1509, %dma_start3A_1513] : memref<16384x64xf32, #tpu.memory_space<hbm>> -> memref<1x64xf32, #tpu.memory_space<hbm>>
            %dma_start3A_1515 = arith.constant 0 : i32
            %dma_start3A_1516 = tpu.memref_slice %arg10[%and3A_726, %dma_start3A_1515] : memref<16x64xf32, #tpu.memory_space<vmem>> -> memref<1x64xf32, #tpu.memory_space<vmem>>
            tpu.enqueue_dma source(%dma_start3A_1516 : memref<1x64xf32, #tpu.memory_space<vmem>>) target(%dma_start3A_1514 : memref<1x64xf32, #tpu.memory_space<hbm>>) target_semaphore(%arg12 : memref<!tpu.dma_semaphore, #tpu.memory_space<semaphore_mem>>)
          } else {
          }
          %mul3A_791 = arith.constant 16 : i32
          %mul3A_792 = arith.muli %while3A_237, %mul3A_791 : i32
          %add3A_793 = arith.constant 7 : i32
          %add3A_794 = arith.addi %mul3A_792, %add3A_793 : i32
          %lt3A_795 = arith.cmpi slt, %add3A_794, %while3A_215 : i32
          %slice3A_796 = vector.extract_strided_slice %get3A_241 {offsets = [7], sizes = [1], strides = [1]} : vector<16xi32> to vector<1xi32>
          %squeeze3A_797 = vector.extract %slice3A_796[0] : i32 from vector<1xi32>
          %shift_right_logical3A_798 = arith.constant 14 : i32
          %shift_right_logical3A_799 = arith.shrui %squeeze3A_797, %shift_right_logical3A_798 : i32
          %and3A_800 = arith.constant 511 : i32
          %and3A_801 = arith.andi %shift_right_logical3A_799, %and3A_800 : i32
          %add3A_802 = arith.constant 7 : i32
          %add3A_803 = arith.addi %while3A_238, %add3A_802 : i32
          %and3A_804 = arith.constant 15 : i32
          %and3A_805 = arith.andi %add3A_803, %and3A_804 : i32
          %add3A_806 = arith.constant 7 : i32
          %add3A_807 = arith.addi %while3A_238, %add3A_806 : i32
          %ge3A_808 = arith.constant 16 : i32
          %ge3A_809 = arith.cmpi sge, %add3A_807, %ge3A_808 : i32
          %and3A_810 = arith.andi %lt3A_795, %ge3A_809 : i1
          %convert_element_type3A_811 = arith.extui %and3A_810 : i1 to i32
          %cond3A_812 = arith.constant 0 : i32
          %cond3A_813 = arith.cmpi ne, %convert_element_type3A_811, %cond3A_812 : i32
          scf.if %cond3A_813 {
            %dma_wait3A = arith.constant 0 : i32
            %dma_wait3A_1508 = tpu.memref_slice %arg10[%and3A_805, %dma_wait3A] : memref<16x64xf32, #tpu.memory_space<vmem>> -> memref<1x64xf32, #tpu.memory_space<vmem>>
            %dma_wait3A_1509 = arith.constant 0 : i32
            %dma_wait3A_1510 = arith.constant 0 : i32
            %dma_wait3A_1511 = tpu.memref_slice %arg5[%dma_wait3A_1509, %dma_wait3A_1510] : memref<16384x64xf32, #tpu.memory_space<hbm>> -> memref<1x64xf32, #tpu.memory_space<hbm>>
            %dma_wait3A_1512 = arith.constant 0 : i32
            %dma_wait3A_1513 = tpu.memref_slice %arg10[%and3A_805, %dma_wait3A_1512] : memref<16x64xf32, #tpu.memory_space<vmem>> -> memref<1x64xf32, #tpu.memory_space<vmem>>
            %dma_wait3A_1514 = arith.constant 0 : i32
            %dma_wait3A_1515 = arith.constant 0 : i32
            %dma_wait3A_1516 = tpu.memref_slice %arg5[%dma_wait3A_1514, %dma_wait3A_1515] : memref<16384x64xf32, #tpu.memory_space<hbm>> -> memref<1x64xf32, #tpu.memory_space<hbm>>
            tpu.wait_dma2 semaphore(%arg12 : memref<!tpu.dma_semaphore, #tpu.memory_space<semaphore_mem>>) src(%dma_wait3A_1516 : memref<1x64xf32, #tpu.memory_space<hbm>>) dst(%dma_wait3A_1513 : memref<1x64xf32, #tpu.memory_space<vmem>>)
          } else {
          }
          %broadcast_in_dim3A_814 = vector.broadcast %and3A_801 : i32 to vector<16xi32>
          %and3A_815 = arith.constant 1 : i32
          %and3A_816 = arith.andi %add3A_196, %and3A_815 : i32
          %add3A_817 = arith.constant 0 : i32
          %add3A_818 = vector.broadcast %add3A_817 : i32 to vector<16xi32>
          %add3A_819 = arith.addi %iota3A, %add3A_818 : vector<16xi32>
          %gather3A_820 = arith.constant 0 : i32
          %gather3A_821 = arith.constant 0 : i32
          %gather3A_822 = tpu.memref_slice %arg9[%and3A_816, %gather3A_820, %gather3A_821] : memref<2x64x512xf32, #tpu.memory_space<vmem>> -> memref<1x64x512xf32, #tpu.memory_space<vmem>>
          %gather3A_823 = tpu.memref_squeeze %gather3A_822 : memref<1x64x512xf32, #tpu.memory_space<vmem>> -> memref<64x512xf32, #tpu.memory_space<vmem>>
          %gather3A_824 = tpu.vector_load_idx %gather3A_823[%add3A_819, %broadcast_in_dim3A_814] : memref<64x512xf32, #tpu.memory_space<vmem>>[vector<16xi32>, vector<16xi32>], vector<16xf32>,
          %swap3A_825 = arith.index_cast %and3A_805 : i32 to index
          %swap3A_826 = arith.constant 0 : index
          %swap3A_827 = tpu.vector_load %arg10[%swap3A_825, %swap3A_826] {strides = array<i32>} : memref<16x64xf32, #tpu.memory_space<vmem>>, vector<16xf32>,
          tpu.vector_store %arg10[%swap3A_825, %swap3A_826], %gather3A_824 {strides = array<i32>} : memref<16x64xf32, #tpu.memory_space<vmem>>, vector<16xf32>,
          %and3A_828 = arith.constant 1 : i32
          %and3A_829 = arith.andi %add3A_196, %and3A_828 : i32
          %add3A_830 = arith.constant 16 : i32
          %add3A_831 = vector.broadcast %add3A_830 : i32 to vector<16xi32>
          %add3A_832 = arith.addi %iota3A, %add3A_831 : vector<16xi32>
          %gather3A_833 = arith.constant 0 : i32
          %gather3A_834 = arith.constant 0 : i32
          %gather3A_835 = tpu.memref_slice %arg9[%and3A_829, %gather3A_833, %gather3A_834] : memref<2x64x512xf32, #tpu.memory_space<vmem>> -> memref<1x64x512xf32, #tpu.memory_space<vmem>>
          %gather3A_836 = tpu.memref_squeeze %gather3A_835 : memref<1x64x512xf32, #tpu.memory_space<vmem>> -> memref<64x512xf32, #tpu.memory_space<vmem>>
          %gather3A_837 = tpu.vector_load_idx %gather3A_836[%add3A_832, %broadcast_in_dim3A_814] : memref<64x512xf32, #tpu.memory_space<vmem>>[vector<16xi32>, vector<16xi32>], vector<16xf32>,
          %swap3A_838 = arith.index_cast %and3A_805 : i32 to index
          %swap3A_839 = arith.constant 16 : index
          %swap3A_840 = tpu.vector_load %arg10[%swap3A_838, %swap3A_839] {strides = array<i32>} : memref<16x64xf32, #tpu.memory_space<vmem>>, vector<16xf32>,
          tpu.vector_store %arg10[%swap3A_838, %swap3A_839], %gather3A_837 {strides = array<i32>} : memref<16x64xf32, #tpu.memory_space<vmem>>, vector<16xf32>,
          %and3A_841 = arith.constant 1 : i32
          %and3A_842 = arith.andi %add3A_196, %and3A_841 : i32
          %add3A_843 = arith.constant 32 : i32
          %add3A_844 = vector.broadcast %add3A_843 : i32 to vector<16xi32>
          %add3A_845 = arith.addi %iota3A, %add3A_844 : vector<16xi32>
          %gather3A_846 = arith.constant 0 : i32
          %gather3A_847 = arith.constant 0 : i32
          %gather3A_848 = tpu.memref_slice %arg9[%and3A_842, %gather3A_846, %gather3A_847] : memref<2x64x512xf32, #tpu.memory_space<vmem>> -> memref<1x64x512xf32, #tpu.memory_space<vmem>>
          %gather3A_849 = tpu.memref_squeeze %gather3A_848 : memref<1x64x512xf32, #tpu.memory_space<vmem>> -> memref<64x512xf32, #tpu.memory_space<vmem>>
          %gather3A_850 = tpu.vector_load_idx %gather3A_849[%add3A_845, %broadcast_in_dim3A_814] : memref<64x512xf32, #tpu.memory_space<vmem>>[vector<16xi32>, vector<16xi32>], vector<16xf32>,
          %swap3A_851 = arith.index_cast %and3A_805 : i32 to index
          %swap3A_852 = arith.constant 32 : index
          %swap3A_853 = tpu.vector_load %arg10[%swap3A_851, %swap3A_852] {strides = array<i32>} : memref<16x64xf32, #tpu.memory_space<vmem>>, vector<16xf32>,
          tpu.vector_store %arg10[%swap3A_851, %swap3A_852], %gather3A_850 {strides = array<i32>} : memref<16x64xf32, #tpu.memory_space<vmem>>, vector<16xf32>,
          %and3A_854 = arith.constant 1 : i32
          %and3A_855 = arith.andi %add3A_196, %and3A_854 : i32
          %add3A_856 = arith.constant 48 : i32
          %add3A_857 = vector.broadcast %add3A_856 : i32 to vector<16xi32>
          %add3A_858 = arith.addi %iota3A, %add3A_857 : vector<16xi32>
          %gather3A_859 = arith.constant 0 : i32
          %gather3A_860 = arith.constant 0 : i32
          %gather3A_861 = tpu.memref_slice %arg9[%and3A_855, %gather3A_859, %gather3A_860] : memref<2x64x512xf32, #tpu.memory_space<vmem>> -> memref<1x64x512xf32, #tpu.memory_space<vmem>>
          %gather3A_862 = tpu.memref_squeeze %gather3A_861 : memref<1x64x512xf32, #tpu.memory_space<vmem>> -> memref<64x512xf32, #tpu.memory_space<vmem>>
          %gather3A_863 = tpu.vector_load_idx %gather3A_862[%add3A_858, %broadcast_in_dim3A_814] : memref<64x512xf32, #tpu.memory_space<vmem>>[vector<16xi32>, vector<16xi32>], vector<16xf32>,
          %swap3A_864 = arith.index_cast %and3A_805 : i32 to index
          %swap3A_865 = arith.constant 48 : index
          %swap3A_866 = tpu.vector_load %arg10[%swap3A_864, %swap3A_865] {strides = array<i32>} : memref<16x64xf32, #tpu.memory_space<vmem>>, vector<16xf32>,
          tpu.vector_store %arg10[%swap3A_864, %swap3A_865], %gather3A_863 {strides = array<i32>} : memref<16x64xf32, #tpu.memory_space<vmem>>, vector<16xf32>,
          %convert_element_type3A_867 = arith.extui %lt3A_795 : i1 to i32
          %cond3A_868 = arith.constant 0 : i32
          %cond3A_869 = arith.cmpi ne, %convert_element_type3A_867, %cond3A_868 : i32
          scf.if %cond3A_869 {
            %and3A_1508 = arith.constant 16383 : i32
            %and3A_1509 = arith.andi %squeeze3A_797, %and3A_1508 : i32
            %dma_start3A = arith.constant 0 : i32
            %dma_start3A_1510 = tpu.memref_slice %arg10[%and3A_805, %dma_start3A] : memref<16x64xf32, #tpu.memory_space<vmem>> -> memref<1x64xf32, #tpu.memory_space<vmem>>
            %dma_start3A_1511 = arith.constant 0 : i32
            %dma_start3A_1512 = tpu.memref_slice %arg5[%and3A_1509, %dma_start3A_1511] : memref<16384x64xf32, #tpu.memory_space<hbm>> -> memref<1x64xf32, #tpu.memory_space<hbm>>
            %dma_start3A_1513 = arith.constant 0 : i32
            %dma_start3A_1514 = tpu.memref_slice %arg5[%and3A_1509, %dma_start3A_1513] : memref<16384x64xf32, #tpu.memory_space<hbm>> -> memref<1x64xf32, #tpu.memory_space<hbm>>
            %dma_start3A_1515 = arith.constant 0 : i32
            %dma_start3A_1516 = tpu.memref_slice %arg10[%and3A_805, %dma_start3A_1515] : memref<16x64xf32, #tpu.memory_space<vmem>> -> memref<1x64xf32, #tpu.memory_space<vmem>>
            tpu.enqueue_dma source(%dma_start3A_1516 : memref<1x64xf32, #tpu.memory_space<vmem>>) target(%dma_start3A_1514 : memref<1x64xf32, #tpu.memory_space<hbm>>) target_semaphore(%arg12 : memref<!tpu.dma_semaphore, #tpu.memory_space<semaphore_mem>>)
          } else {
          }
          %mul3A_870 = arith.constant 16 : i32
          %mul3A_871 = arith.muli %while3A_237, %mul3A_870 : i32
          %add3A_872 = arith.constant 8 : i32
          %add3A_873 = arith.addi %mul3A_871, %add3A_872 : i32
          %lt3A_874 = arith.cmpi slt, %add3A_873, %while3A_215 : i32
          %slice3A_875 = vector.extract_strided_slice %get3A_241 {offsets = [8], sizes = [1], strides = [1]} : vector<16xi32> to vector<1xi32>
          %squeeze3A_876 = vector.extract %slice3A_875[0] : i32 from vector<1xi32>
          %shift_right_logical3A_877 = arith.constant 14 : i32
          %shift_right_logical3A_878 = arith.shrui %squeeze3A_876, %shift_right_logical3A_877 : i32
          %and3A_879 = arith.constant 511 : i32
          %and3A_880 = arith.andi %shift_right_logical3A_878, %and3A_879 : i32
          %add3A_881 = arith.constant 8 : i32
          %add3A_882 = arith.addi %while3A_238, %add3A_881 : i32
          %and3A_883 = arith.constant 15 : i32
          %and3A_884 = arith.andi %add3A_882, %and3A_883 : i32
          %add3A_885 = arith.constant 8 : i32
          %add3A_886 = arith.addi %while3A_238, %add3A_885 : i32
          %ge3A_887 = arith.constant 16 : i32
          %ge3A_888 = arith.cmpi sge, %add3A_886, %ge3A_887 : i32
          %and3A_889 = arith.andi %lt3A_874, %ge3A_888 : i1
          %convert_element_type3A_890 = arith.extui %and3A_889 : i1 to i32
          %cond3A_891 = arith.constant 0 : i32
          %cond3A_892 = arith.cmpi ne, %convert_element_type3A_890, %cond3A_891 : i32
          scf.if %cond3A_892 {
            %dma_wait3A = arith.constant 0 : i32
            %dma_wait3A_1508 = tpu.memref_slice %arg10[%and3A_884, %dma_wait3A] : memref<16x64xf32, #tpu.memory_space<vmem>> -> memref<1x64xf32, #tpu.memory_space<vmem>>
            %dma_wait3A_1509 = arith.constant 0 : i32
            %dma_wait3A_1510 = arith.constant 0 : i32
            %dma_wait3A_1511 = tpu.memref_slice %arg5[%dma_wait3A_1509, %dma_wait3A_1510] : memref<16384x64xf32, #tpu.memory_space<hbm>> -> memref<1x64xf32, #tpu.memory_space<hbm>>
            %dma_wait3A_1512 = arith.constant 0 : i32
            %dma_wait3A_1513 = tpu.memref_slice %arg10[%and3A_884, %dma_wait3A_1512] : memref<16x64xf32, #tpu.memory_space<vmem>> -> memref<1x64xf32, #tpu.memory_space<vmem>>
            %dma_wait3A_1514 = arith.constant 0 : i32
            %dma_wait3A_1515 = arith.constant 0 : i32
            %dma_wait3A_1516 = tpu.memref_slice %arg5[%dma_wait3A_1514, %dma_wait3A_1515] : memref<16384x64xf32, #tpu.memory_space<hbm>> -> memref<1x64xf32, #tpu.memory_space<hbm>>
            tpu.wait_dma2 semaphore(%arg12 : memref<!tpu.dma_semaphore, #tpu.memory_space<semaphore_mem>>) src(%dma_wait3A_1516 : memref<1x64xf32, #tpu.memory_space<hbm>>) dst(%dma_wait3A_1513 : memref<1x64xf32, #tpu.memory_space<vmem>>)
          } else {
          }
          %broadcast_in_dim3A_893 = vector.broadcast %and3A_880 : i32 to vector<16xi32>
          %and3A_894 = arith.constant 1 : i32
          %and3A_895 = arith.andi %add3A_196, %and3A_894 : i32
          %add3A_896 = arith.constant 0 : i32
          %add3A_897 = vector.broadcast %add3A_896 : i32 to vector<16xi32>
          %add3A_898 = arith.addi %iota3A, %add3A_897 : vector<16xi32>
          %gather3A_899 = arith.constant 0 : i32
          %gather3A_900 = arith.constant 0 : i32
          %gather3A_901 = tpu.memref_slice %arg9[%and3A_895, %gather3A_899, %gather3A_900] : memref<2x64x512xf32, #tpu.memory_space<vmem>> -> memref<1x64x512xf32, #tpu.memory_space<vmem>>
          %gather3A_902 = tpu.memref_squeeze %gather3A_901 : memref<1x64x512xf32, #tpu.memory_space<vmem>> -> memref<64x512xf32, #tpu.memory_space<vmem>>
          %gather3A_903 = tpu.vector_load_idx %gather3A_902[%add3A_898, %broadcast_in_dim3A_893] : memref<64x512xf32, #tpu.memory_space<vmem>>[vector<16xi32>, vector<16xi32>], vector<16xf32>,
          %swap3A_904 = arith.index_cast %and3A_884 : i32 to index
          %swap3A_905 = arith.constant 0 : index
          %swap3A_906 = tpu.vector_load %arg10[%swap3A_904, %swap3A_905] {strides = array<i32>} : memref<16x64xf32, #tpu.memory_space<vmem>>, vector<16xf32>,
          tpu.vector_store %arg10[%swap3A_904, %swap3A_905], %gather3A_903 {strides = array<i32>} : memref<16x64xf32, #tpu.memory_space<vmem>>, vector<16xf32>,
          %and3A_907 = arith.constant 1 : i32
          %and3A_908 = arith.andi %add3A_196, %and3A_907 : i32
          %add3A_909 = arith.constant 16 : i32
          %add3A_910 = vector.broadcast %add3A_909 : i32 to vector<16xi32>
          %add3A_911 = arith.addi %iota3A, %add3A_910 : vector<16xi32>
          %gather3A_912 = arith.constant 0 : i32
          %gather3A_913 = arith.constant 0 : i32
          %gather3A_914 = tpu.memref_slice %arg9[%and3A_908, %gather3A_912, %gather3A_913] : memref<2x64x512xf32, #tpu.memory_space<vmem>> -> memref<1x64x512xf32, #tpu.memory_space<vmem>>
          %gather3A_915 = tpu.memref_squeeze %gather3A_914 : memref<1x64x512xf32, #tpu.memory_space<vmem>> -> memref<64x512xf32, #tpu.memory_space<vmem>>
          %gather3A_916 = tpu.vector_load_idx %gather3A_915[%add3A_911, %broadcast_in_dim3A_893] : memref<64x512xf32, #tpu.memory_space<vmem>>[vector<16xi32>, vector<16xi32>], vector<16xf32>,
          %swap3A_917 = arith.index_cast %and3A_884 : i32 to index
          %swap3A_918 = arith.constant 16 : index
          %swap3A_919 = tpu.vector_load %arg10[%swap3A_917, %swap3A_918] {strides = array<i32>} : memref<16x64xf32, #tpu.memory_space<vmem>>, vector<16xf32>,
          tpu.vector_store %arg10[%swap3A_917, %swap3A_918], %gather3A_916 {strides = array<i32>} : memref<16x64xf32, #tpu.memory_space<vmem>>, vector<16xf32>,
          %and3A_920 = arith.constant 1 : i32
          %and3A_921 = arith.andi %add3A_196, %and3A_920 : i32
          %add3A_922 = arith.constant 32 : i32
          %add3A_923 = vector.broadcast %add3A_922 : i32 to vector<16xi32>
          %add3A_924 = arith.addi %iota3A, %add3A_923 : vector<16xi32>
          %gather3A_925 = arith.constant 0 : i32
          %gather3A_926 = arith.constant 0 : i32
          %gather3A_927 = tpu.memref_slice %arg9[%and3A_921, %gather3A_925, %gather3A_926] : memref<2x64x512xf32, #tpu.memory_space<vmem>> -> memref<1x64x512xf32, #tpu.memory_space<vmem>>
          %gather3A_928 = tpu.memref_squeeze %gather3A_927 : memref<1x64x512xf32, #tpu.memory_space<vmem>> -> memref<64x512xf32, #tpu.memory_space<vmem>>
          %gather3A_929 = tpu.vector_load_idx %gather3A_928[%add3A_924, %broadcast_in_dim3A_893] : memref<64x512xf32, #tpu.memory_space<vmem>>[vector<16xi32>, vector<16xi32>], vector<16xf32>,
          %swap3A_930 = arith.index_cast %and3A_884 : i32 to index
          %swap3A_931 = arith.constant 32 : index
          %swap3A_932 = tpu.vector_load %arg10[%swap3A_930, %swap3A_931] {strides = array<i32>} : memref<16x64xf32, #tpu.memory_space<vmem>>, vector<16xf32>,
          tpu.vector_store %arg10[%swap3A_930, %swap3A_931], %gather3A_929 {strides = array<i32>} : memref<16x64xf32, #tpu.memory_space<vmem>>, vector<16xf32>,
          %and3A_933 = arith.constant 1 : i32
          %and3A_934 = arith.andi %add3A_196, %and3A_933 : i32
          %add3A_935 = arith.constant 48 : i32
          %add3A_936 = vector.broadcast %add3A_935 : i32 to vector<16xi32>
          %add3A_937 = arith.addi %iota3A, %add3A_936 : vector<16xi32>
          %gather3A_938 = arith.constant 0 : i32
          %gather3A_939 = arith.constant 0 : i32
          %gather3A_940 = tpu.memref_slice %arg9[%and3A_934, %gather3A_938, %gather3A_939] : memref<2x64x512xf32, #tpu.memory_space<vmem>> -> memref<1x64x512xf32, #tpu.memory_space<vmem>>
          %gather3A_941 = tpu.memref_squeeze %gather3A_940 : memref<1x64x512xf32, #tpu.memory_space<vmem>> -> memref<64x512xf32, #tpu.memory_space<vmem>>
          %gather3A_942 = tpu.vector_load_idx %gather3A_941[%add3A_937, %broadcast_in_dim3A_893] : memref<64x512xf32, #tpu.memory_space<vmem>>[vector<16xi32>, vector<16xi32>], vector<16xf32>,
          %swap3A_943 = arith.index_cast %and3A_884 : i32 to index
          %swap3A_944 = arith.constant 48 : index
          %swap3A_945 = tpu.vector_load %arg10[%swap3A_943, %swap3A_944] {strides = array<i32>} : memref<16x64xf32, #tpu.memory_space<vmem>>, vector<16xf32>,
          tpu.vector_store %arg10[%swap3A_943, %swap3A_944], %gather3A_942 {strides = array<i32>} : memref<16x64xf32, #tpu.memory_space<vmem>>, vector<16xf32>,
          %convert_element_type3A_946 = arith.extui %lt3A_874 : i1 to i32
          %cond3A_947 = arith.constant 0 : i32
          %cond3A_948 = arith.cmpi ne, %convert_element_type3A_946, %cond3A_947 : i32
          scf.if %cond3A_948 {
            %and3A_1508 = arith.constant 16383 : i32
            %and3A_1509 = arith.andi %squeeze3A_876, %and3A_1508 : i32
            %dma_start3A = arith.constant 0 : i32
            %dma_start3A_1510 = tpu.memref_slice %arg10[%and3A_884, %dma_start3A] : memref<16x64xf32, #tpu.memory_space<vmem>> -> memref<1x64xf32, #tpu.memory_space<vmem>>
            %dma_start3A_1511 = arith.constant 0 : i32
            %dma_start3A_1512 = tpu.memref_slice %arg5[%and3A_1509, %dma_start3A_1511] : memref<16384x64xf32, #tpu.memory_space<hbm>> -> memref<1x64xf32, #tpu.memory_space<hbm>>
            %dma_start3A_1513 = arith.constant 0 : i32
            %dma_start3A_1514 = tpu.memref_slice %arg5[%and3A_1509, %dma_start3A_1513] : memref<16384x64xf32, #tpu.memory_space<hbm>> -> memref<1x64xf32, #tpu.memory_space<hbm>>
            %dma_start3A_1515 = arith.constant 0 : i32
            %dma_start3A_1516 = tpu.memref_slice %arg10[%and3A_884, %dma_start3A_1515] : memref<16x64xf32, #tpu.memory_space<vmem>> -> memref<1x64xf32, #tpu.memory_space<vmem>>
            tpu.enqueue_dma source(%dma_start3A_1516 : memref<1x64xf32, #tpu.memory_space<vmem>>) target(%dma_start3A_1514 : memref<1x64xf32, #tpu.memory_space<hbm>>) target_semaphore(%arg12 : memref<!tpu.dma_semaphore, #tpu.memory_space<semaphore_mem>>)
          } else {
          }
          %mul3A_949 = arith.constant 16 : i32
          %mul3A_950 = arith.muli %while3A_237, %mul3A_949 : i32
          %add3A_951 = arith.constant 9 : i32
          %add3A_952 = arith.addi %mul3A_950, %add3A_951 : i32
          %lt3A_953 = arith.cmpi slt, %add3A_952, %while3A_215 : i32
          %slice3A_954 = vector.extract_strided_slice %get3A_241 {offsets = [9], sizes = [1], strides = [1]} : vector<16xi32> to vector<1xi32>
          %squeeze3A_955 = vector.extract %slice3A_954[0] : i32 from vector<1xi32>
          %shift_right_logical3A_956 = arith.constant 14 : i32
          %shift_right_logical3A_957 = arith.shrui %squeeze3A_955, %shift_right_logical3A_956 : i32
          %and3A_958 = arith.constant 511 : i32
          %and3A_959 = arith.andi %shift_right_logical3A_957, %and3A_958 : i32
          %add3A_960 = arith.constant 9 : i32
          %add3A_961 = arith.addi %while3A_238, %add3A_960 : i32
          %and3A_962 = arith.constant 15 : i32
          %and3A_963 = arith.andi %add3A_961, %and3A_962 : i32
          %add3A_964 = arith.constant 9 : i32
          %add3A_965 = arith.addi %while3A_238, %add3A_964 : i32
          %ge3A_966 = arith.constant 16 : i32
          %ge3A_967 = arith.cmpi sge, %add3A_965, %ge3A_966 : i32
          %and3A_968 = arith.andi %lt3A_953, %ge3A_967 : i1
          %convert_element_type3A_969 = arith.extui %and3A_968 : i1 to i32
          %cond3A_970 = arith.constant 0 : i32
          %cond3A_971 = arith.cmpi ne, %convert_element_type3A_969, %cond3A_970 : i32
          scf.if %cond3A_971 {
            %dma_wait3A = arith.constant 0 : i32
            %dma_wait3A_1508 = tpu.memref_slice %arg10[%and3A_963, %dma_wait3A] : memref<16x64xf32, #tpu.memory_space<vmem>> -> memref<1x64xf32, #tpu.memory_space<vmem>>
            %dma_wait3A_1509 = arith.constant 0 : i32
            %dma_wait3A_1510 = arith.constant 0 : i32
            %dma_wait3A_1511 = tpu.memref_slice %arg5[%dma_wait3A_1509, %dma_wait3A_1510] : memref<16384x64xf32, #tpu.memory_space<hbm>> -> memref<1x64xf32, #tpu.memory_space<hbm>>
            %dma_wait3A_1512 = arith.constant 0 : i32
            %dma_wait3A_1513 = tpu.memref_slice %arg10[%and3A_963, %dma_wait3A_1512] : memref<16x64xf32, #tpu.memory_space<vmem>> -> memref<1x64xf32, #tpu.memory_space<vmem>>
            %dma_wait3A_1514 = arith.constant 0 : i32
            %dma_wait3A_1515 = arith.constant 0 : i32
            %dma_wait3A_1516 = tpu.memref_slice %arg5[%dma_wait3A_1514, %dma_wait3A_1515] : memref<16384x64xf32, #tpu.memory_space<hbm>> -> memref<1x64xf32, #tpu.memory_space<hbm>>
            tpu.wait_dma2 semaphore(%arg12 : memref<!tpu.dma_semaphore, #tpu.memory_space<semaphore_mem>>) src(%dma_wait3A_1516 : memref<1x64xf32, #tpu.memory_space<hbm>>) dst(%dma_wait3A_1513 : memref<1x64xf32, #tpu.memory_space<vmem>>)
          } else {
          }
          %broadcast_in_dim3A_972 = vector.broadcast %and3A_959 : i32 to vector<16xi32>
          %and3A_973 = arith.constant 1 : i32
          %and3A_974 = arith.andi %add3A_196, %and3A_973 : i32
          %add3A_975 = arith.constant 0 : i32
          %add3A_976 = vector.broadcast %add3A_975 : i32 to vector<16xi32>
          %add3A_977 = arith.addi %iota3A, %add3A_976 : vector<16xi32>
          %gather3A_978 = arith.constant 0 : i32
          %gather3A_979 = arith.constant 0 : i32
          %gather3A_980 = tpu.memref_slice %arg9[%and3A_974, %gather3A_978, %gather3A_979] : memref<2x64x512xf32, #tpu.memory_space<vmem>> -> memref<1x64x512xf32, #tpu.memory_space<vmem>>
          %gather3A_981 = tpu.memref_squeeze %gather3A_980 : memref<1x64x512xf32, #tpu.memory_space<vmem>> -> memref<64x512xf32, #tpu.memory_space<vmem>>
          %gather3A_982 = tpu.vector_load_idx %gather3A_981[%add3A_977, %broadcast_in_dim3A_972] : memref<64x512xf32, #tpu.memory_space<vmem>>[vector<16xi32>, vector<16xi32>], vector<16xf32>,
          %swap3A_983 = arith.index_cast %and3A_963 : i32 to index
          %swap3A_984 = arith.constant 0 : index
          %swap3A_985 = tpu.vector_load %arg10[%swap3A_983, %swap3A_984] {strides = array<i32>} : memref<16x64xf32, #tpu.memory_space<vmem>>, vector<16xf32>,
          tpu.vector_store %arg10[%swap3A_983, %swap3A_984], %gather3A_982 {strides = array<i32>} : memref<16x64xf32, #tpu.memory_space<vmem>>, vector<16xf32>,
          %and3A_986 = arith.constant 1 : i32
          %and3A_987 = arith.andi %add3A_196, %and3A_986 : i32
          %add3A_988 = arith.constant 16 : i32
          %add3A_989 = vector.broadcast %add3A_988 : i32 to vector<16xi32>
          %add3A_990 = arith.addi %iota3A, %add3A_989 : vector<16xi32>
          %gather3A_991 = arith.constant 0 : i32
          %gather3A_992 = arith.constant 0 : i32
          %gather3A_993 = tpu.memref_slice %arg9[%and3A_987, %gather3A_991, %gather3A_992] : memref<2x64x512xf32, #tpu.memory_space<vmem>> -> memref<1x64x512xf32, #tpu.memory_space<vmem>>
          %gather3A_994 = tpu.memref_squeeze %gather3A_993 : memref<1x64x512xf32, #tpu.memory_space<vmem>> -> memref<64x512xf32, #tpu.memory_space<vmem>>
          %gather3A_995 = tpu.vector_load_idx %gather3A_994[%add3A_990, %broadcast_in_dim3A_972] : memref<64x512xf32, #tpu.memory_space<vmem>>[vector<16xi32>, vector<16xi32>], vector<16xf32>,
          %swap3A_996 = arith.index_cast %and3A_963 : i32 to index
          %swap3A_997 = arith.constant 16 : index
          %swap3A_998 = tpu.vector_load %arg10[%swap3A_996, %swap3A_997] {strides = array<i32>} : memref<16x64xf32, #tpu.memory_space<vmem>>, vector<16xf32>,
          tpu.vector_store %arg10[%swap3A_996, %swap3A_997], %gather3A_995 {strides = array<i32>} : memref<16x64xf32, #tpu.memory_space<vmem>>, vector<16xf32>,
          %and3A_999 = arith.constant 1 : i32
          %and3A_1000 = arith.andi %add3A_196, %and3A_999 : i32
          %add3A_1001 = arith.constant 32 : i32
          %add3A_1002 = vector.broadcast %add3A_1001 : i32 to vector<16xi32>
          %add3A_1003 = arith.addi %iota3A, %add3A_1002 : vector<16xi32>
          %gather3A_1004 = arith.constant 0 : i32
          %gather3A_1005 = arith.constant 0 : i32
          %gather3A_1006 = tpu.memref_slice %arg9[%and3A_1000, %gather3A_1004, %gather3A_1005] : memref<2x64x512xf32, #tpu.memory_space<vmem>> -> memref<1x64x512xf32, #tpu.memory_space<vmem>>
          %gather3A_1007 = tpu.memref_squeeze %gather3A_1006 : memref<1x64x512xf32, #tpu.memory_space<vmem>> -> memref<64x512xf32, #tpu.memory_space<vmem>>
          %gather3A_1008 = tpu.vector_load_idx %gather3A_1007[%add3A_1003, %broadcast_in_dim3A_972] : memref<64x512xf32, #tpu.memory_space<vmem>>[vector<16xi32>, vector<16xi32>], vector<16xf32>,
          %swap3A_1009 = arith.index_cast %and3A_963 : i32 to index
          %swap3A_1010 = arith.constant 32 : index
          %swap3A_1011 = tpu.vector_load %arg10[%swap3A_1009, %swap3A_1010] {strides = array<i32>} : memref<16x64xf32, #tpu.memory_space<vmem>>, vector<16xf32>,
          tpu.vector_store %arg10[%swap3A_1009, %swap3A_1010], %gather3A_1008 {strides = array<i32>} : memref<16x64xf32, #tpu.memory_space<vmem>>, vector<16xf32>,
          %and3A_1012 = arith.constant 1 : i32
          %and3A_1013 = arith.andi %add3A_196, %and3A_1012 : i32
          %add3A_1014 = arith.constant 48 : i32
          %add3A_1015 = vector.broadcast %add3A_1014 : i32 to vector<16xi32>
          %add3A_1016 = arith.addi %iota3A, %add3A_1015 : vector<16xi32>
          %gather3A_1017 = arith.constant 0 : i32
          %gather3A_1018 = arith.constant 0 : i32
          %gather3A_1019 = tpu.memref_slice %arg9[%and3A_1013, %gather3A_1017, %gather3A_1018] : memref<2x64x512xf32, #tpu.memory_space<vmem>> -> memref<1x64x512xf32, #tpu.memory_space<vmem>>
          %gather3A_1020 = tpu.memref_squeeze %gather3A_1019 : memref<1x64x512xf32, #tpu.memory_space<vmem>> -> memref<64x512xf32, #tpu.memory_space<vmem>>
          %gather3A_1021 = tpu.vector_load_idx %gather3A_1020[%add3A_1016, %broadcast_in_dim3A_972] : memref<64x512xf32, #tpu.memory_space<vmem>>[vector<16xi32>, vector<16xi32>], vector<16xf32>,
          %swap3A_1022 = arith.index_cast %and3A_963 : i32 to index
          %swap3A_1023 = arith.constant 48 : index
          %swap3A_1024 = tpu.vector_load %arg10[%swap3A_1022, %swap3A_1023] {strides = array<i32>} : memref<16x64xf32, #tpu.memory_space<vmem>>, vector<16xf32>,
          tpu.vector_store %arg10[%swap3A_1022, %swap3A_1023], %gather3A_1021 {strides = array<i32>} : memref<16x64xf32, #tpu.memory_space<vmem>>, vector<16xf32>,
          %convert_element_type3A_1025 = arith.extui %lt3A_953 : i1 to i32
          %cond3A_1026 = arith.constant 0 : i32
          %cond3A_1027 = arith.cmpi ne, %convert_element_type3A_1025, %cond3A_1026 : i32
          scf.if %cond3A_1027 {
            %and3A_1508 = arith.constant 16383 : i32
            %and3A_1509 = arith.andi %squeeze3A_955, %and3A_1508 : i32
            %dma_start3A = arith.constant 0 : i32
            %dma_start3A_1510 = tpu.memref_slice %arg10[%and3A_963, %dma_start3A] : memref<16x64xf32, #tpu.memory_space<vmem>> -> memref<1x64xf32, #tpu.memory_space<vmem>>
            %dma_start3A_1511 = arith.constant 0 : i32
            %dma_start3A_1512 = tpu.memref_slice %arg5[%and3A_1509, %dma_start3A_1511] : memref<16384x64xf32, #tpu.memory_space<hbm>> -> memref<1x64xf32, #tpu.memory_space<hbm>>
            %dma_start3A_1513 = arith.constant 0 : i32
            %dma_start3A_1514 = tpu.memref_slice %arg5[%and3A_1509, %dma_start3A_1513] : memref<16384x64xf32, #tpu.memory_space<hbm>> -> memref<1x64xf32, #tpu.memory_space<hbm>>
            %dma_start3A_1515 = arith.constant 0 : i32
            %dma_start3A_1516 = tpu.memref_slice %arg10[%and3A_963, %dma_start3A_1515] : memref<16x64xf32, #tpu.memory_space<vmem>> -> memref<1x64xf32, #tpu.memory_space<vmem>>
            tpu.enqueue_dma source(%dma_start3A_1516 : memref<1x64xf32, #tpu.memory_space<vmem>>) target(%dma_start3A_1514 : memref<1x64xf32, #tpu.memory_space<hbm>>) target_semaphore(%arg12 : memref<!tpu.dma_semaphore, #tpu.memory_space<semaphore_mem>>)
          } else {
          }
          %mul3A_1028 = arith.constant 16 : i32
          %mul3A_1029 = arith.muli %while3A_237, %mul3A_1028 : i32
          %add3A_1030 = arith.constant 10 : i32
          %add3A_1031 = arith.addi %mul3A_1029, %add3A_1030 : i32
          %lt3A_1032 = arith.cmpi slt, %add3A_1031, %while3A_215 : i32
          %slice3A_1033 = vector.extract_strided_slice %get3A_241 {offsets = [10], sizes = [1], strides = [1]} : vector<16xi32> to vector<1xi32>
          %squeeze3A_1034 = vector.extract %slice3A_1033[0] : i32 from vector<1xi32>
          %shift_right_logical3A_1035 = arith.constant 14 : i32
          %shift_right_logical3A_1036 = arith.shrui %squeeze3A_1034, %shift_right_logical3A_1035 : i32
          %and3A_1037 = arith.constant 511 : i32
          %and3A_1038 = arith.andi %shift_right_logical3A_1036, %and3A_1037 : i32
          %add3A_1039 = arith.constant 10 : i32
          %add3A_1040 = arith.addi %while3A_238, %add3A_1039 : i32
          %and3A_1041 = arith.constant 15 : i32
          %and3A_1042 = arith.andi %add3A_1040, %and3A_1041 : i32
          %add3A_1043 = arith.constant 10 : i32
          %add3A_1044 = arith.addi %while3A_238, %add3A_1043 : i32
          %ge3A_1045 = arith.constant 16 : i32
          %ge3A_1046 = arith.cmpi sge, %add3A_1044, %ge3A_1045 : i32
          %and3A_1047 = arith.andi %lt3A_1032, %ge3A_1046 : i1
          %convert_element_type3A_1048 = arith.extui %and3A_1047 : i1 to i32
          %cond3A_1049 = arith.constant 0 : i32
          %cond3A_1050 = arith.cmpi ne, %convert_element_type3A_1048, %cond3A_1049 : i32
          scf.if %cond3A_1050 {
            %dma_wait3A = arith.constant 0 : i32
            %dma_wait3A_1508 = tpu.memref_slice %arg10[%and3A_1042, %dma_wait3A] : memref<16x64xf32, #tpu.memory_space<vmem>> -> memref<1x64xf32, #tpu.memory_space<vmem>>
            %dma_wait3A_1509 = arith.constant 0 : i32
            %dma_wait3A_1510 = arith.constant 0 : i32
            %dma_wait3A_1511 = tpu.memref_slice %arg5[%dma_wait3A_1509, %dma_wait3A_1510] : memref<16384x64xf32, #tpu.memory_space<hbm>> -> memref<1x64xf32, #tpu.memory_space<hbm>>
            %dma_wait3A_1512 = arith.constant 0 : i32
            %dma_wait3A_1513 = tpu.memref_slice %arg10[%and3A_1042, %dma_wait3A_1512] : memref<16x64xf32, #tpu.memory_space<vmem>> -> memref<1x64xf32, #tpu.memory_space<vmem>>
            %dma_wait3A_1514 = arith.constant 0 : i32
            %dma_wait3A_1515 = arith.constant 0 : i32
            %dma_wait3A_1516 = tpu.memref_slice %arg5[%dma_wait3A_1514, %dma_wait3A_1515] : memref<16384x64xf32, #tpu.memory_space<hbm>> -> memref<1x64xf32, #tpu.memory_space<hbm>>
            tpu.wait_dma2 semaphore(%arg12 : memref<!tpu.dma_semaphore, #tpu.memory_space<semaphore_mem>>) src(%dma_wait3A_1516 : memref<1x64xf32, #tpu.memory_space<hbm>>) dst(%dma_wait3A_1513 : memref<1x64xf32, #tpu.memory_space<vmem>>)
          } else {
          }
          %broadcast_in_dim3A_1051 = vector.broadcast %and3A_1038 : i32 to vector<16xi32>
          %and3A_1052 = arith.constant 1 : i32
          %and3A_1053 = arith.andi %add3A_196, %and3A_1052 : i32
          %add3A_1054 = arith.constant 0 : i32
          %add3A_1055 = vector.broadcast %add3A_1054 : i32 to vector<16xi32>
          %add3A_1056 = arith.addi %iota3A, %add3A_1055 : vector<16xi32>
          %gather3A_1057 = arith.constant 0 : i32
          %gather3A_1058 = arith.constant 0 : i32
          %gather3A_1059 = tpu.memref_slice %arg9[%and3A_1053, %gather3A_1057, %gather3A_1058] : memref<2x64x512xf32, #tpu.memory_space<vmem>> -> memref<1x64x512xf32, #tpu.memory_space<vmem>>
          %gather3A_1060 = tpu.memref_squeeze %gather3A_1059 : memref<1x64x512xf32, #tpu.memory_space<vmem>> -> memref<64x512xf32, #tpu.memory_space<vmem>>
          %gather3A_1061 = tpu.vector_load_idx %gather3A_1060[%add3A_1056, %broadcast_in_dim3A_1051] : memref<64x512xf32, #tpu.memory_space<vmem>>[vector<16xi32>, vector<16xi32>], vector<16xf32>,
          %swap3A_1062 = arith.index_cast %and3A_1042 : i32 to index
          %swap3A_1063 = arith.constant 0 : index
          %swap3A_1064 = tpu.vector_load %arg10[%swap3A_1062, %swap3A_1063] {strides = array<i32>} : memref<16x64xf32, #tpu.memory_space<vmem>>, vector<16xf32>,
          tpu.vector_store %arg10[%swap3A_1062, %swap3A_1063], %gather3A_1061 {strides = array<i32>} : memref<16x64xf32, #tpu.memory_space<vmem>>, vector<16xf32>,
          %and3A_1065 = arith.constant 1 : i32
          %and3A_1066 = arith.andi %add3A_196, %and3A_1065 : i32
          %add3A_1067 = arith.constant 16 : i32
          %add3A_1068 = vector.broadcast %add3A_1067 : i32 to vector<16xi32>
          %add3A_1069 = arith.addi %iota3A, %add3A_1068 : vector<16xi32>
          %gather3A_1070 = arith.constant 0 : i32
          %gather3A_1071 = arith.constant 0 : i32
          %gather3A_1072 = tpu.memref_slice %arg9[%and3A_1066, %gather3A_1070, %gather3A_1071] : memref<2x64x512xf32, #tpu.memory_space<vmem>> -> memref<1x64x512xf32, #tpu.memory_space<vmem>>
          %gather3A_1073 = tpu.memref_squeeze %gather3A_1072 : memref<1x64x512xf32, #tpu.memory_space<vmem>> -> memref<64x512xf32, #tpu.memory_space<vmem>>
          %gather3A_1074 = tpu.vector_load_idx %gather3A_1073[%add3A_1069, %broadcast_in_dim3A_1051] : memref<64x512xf32, #tpu.memory_space<vmem>>[vector<16xi32>, vector<16xi32>], vector<16xf32>,
          %swap3A_1075 = arith.index_cast %and3A_1042 : i32 to index
          %swap3A_1076 = arith.constant 16 : index
          %swap3A_1077 = tpu.vector_load %arg10[%swap3A_1075, %swap3A_1076] {strides = array<i32>} : memref<16x64xf32, #tpu.memory_space<vmem>>, vector<16xf32>,
          tpu.vector_store %arg10[%swap3A_1075, %swap3A_1076], %gather3A_1074 {strides = array<i32>} : memref<16x64xf32, #tpu.memory_space<vmem>>, vector<16xf32>,
          %and3A_1078 = arith.constant 1 : i32
          %and3A_1079 = arith.andi %add3A_196, %and3A_1078 : i32
          %add3A_1080 = arith.constant 32 : i32
          %add3A_1081 = vector.broadcast %add3A_1080 : i32 to vector<16xi32>
          %add3A_1082 = arith.addi %iota3A, %add3A_1081 : vector<16xi32>
          %gather3A_1083 = arith.constant 0 : i32
          %gather3A_1084 = arith.constant 0 : i32
          %gather3A_1085 = tpu.memref_slice %arg9[%and3A_1079, %gather3A_1083, %gather3A_1084] : memref<2x64x512xf32, #tpu.memory_space<vmem>> -> memref<1x64x512xf32, #tpu.memory_space<vmem>>
          %gather3A_1086 = tpu.memref_squeeze %gather3A_1085 : memref<1x64x512xf32, #tpu.memory_space<vmem>> -> memref<64x512xf32, #tpu.memory_space<vmem>>
          %gather3A_1087 = tpu.vector_load_idx %gather3A_1086[%add3A_1082, %broadcast_in_dim3A_1051] : memref<64x512xf32, #tpu.memory_space<vmem>>[vector<16xi32>, vector<16xi32>], vector<16xf32>,
          %swap3A_1088 = arith.index_cast %and3A_1042 : i32 to index
          %swap3A_1089 = arith.constant 32 : index
          %swap3A_1090 = tpu.vector_load %arg10[%swap3A_1088, %swap3A_1089] {strides = array<i32>} : memref<16x64xf32, #tpu.memory_space<vmem>>, vector<16xf32>,
          tpu.vector_store %arg10[%swap3A_1088, %swap3A_1089], %gather3A_1087 {strides = array<i32>} : memref<16x64xf32, #tpu.memory_space<vmem>>, vector<16xf32>,
          %and3A_1091 = arith.constant 1 : i32
          %and3A_1092 = arith.andi %add3A_196, %and3A_1091 : i32
          %add3A_1093 = arith.constant 48 : i32
          %add3A_1094 = vector.broadcast %add3A_1093 : i32 to vector<16xi32>
          %add3A_1095 = arith.addi %iota3A, %add3A_1094 : vector<16xi32>
          %gather3A_1096 = arith.constant 0 : i32
          %gather3A_1097 = arith.constant 0 : i32
          %gather3A_1098 = tpu.memref_slice %arg9[%and3A_1092, %gather3A_1096, %gather3A_1097] : memref<2x64x512xf32, #tpu.memory_space<vmem>> -> memref<1x64x512xf32, #tpu.memory_space<vmem>>
          %gather3A_1099 = tpu.memref_squeeze %gather3A_1098 : memref<1x64x512xf32, #tpu.memory_space<vmem>> -> memref<64x512xf32, #tpu.memory_space<vmem>>
          %gather3A_1100 = tpu.vector_load_idx %gather3A_1099[%add3A_1095, %broadcast_in_dim3A_1051] : memref<64x512xf32, #tpu.memory_space<vmem>>[vector<16xi32>, vector<16xi32>], vector<16xf32>,
          %swap3A_1101 = arith.index_cast %and3A_1042 : i32 to index
          %swap3A_1102 = arith.constant 48 : index
          %swap3A_1103 = tpu.vector_load %arg10[%swap3A_1101, %swap3A_1102] {strides = array<i32>} : memref<16x64xf32, #tpu.memory_space<vmem>>, vector<16xf32>,
          tpu.vector_store %arg10[%swap3A_1101, %swap3A_1102], %gather3A_1100 {strides = array<i32>} : memref<16x64xf32, #tpu.memory_space<vmem>>, vector<16xf32>,
          %convert_element_type3A_1104 = arith.extui %lt3A_1032 : i1 to i32
          %cond3A_1105 = arith.constant 0 : i32
          %cond3A_1106 = arith.cmpi ne, %convert_element_type3A_1104, %cond3A_1105 : i32
          scf.if %cond3A_1106 {
            %and3A_1508 = arith.constant 16383 : i32
            %and3A_1509 = arith.andi %squeeze3A_1034, %and3A_1508 : i32
            %dma_start3A = arith.constant 0 : i32
            %dma_start3A_1510 = tpu.memref_slice %arg10[%and3A_1042, %dma_start3A] : memref<16x64xf32, #tpu.memory_space<vmem>> -> memref<1x64xf32, #tpu.memory_space<vmem>>
            %dma_start3A_1511 = arith.constant 0 : i32
            %dma_start3A_1512 = tpu.memref_slice %arg5[%and3A_1509, %dma_start3A_1511] : memref<16384x64xf32, #tpu.memory_space<hbm>> -> memref<1x64xf32, #tpu.memory_space<hbm>>
            %dma_start3A_1513 = arith.constant 0 : i32
            %dma_start3A_1514 = tpu.memref_slice %arg5[%and3A_1509, %dma_start3A_1513] : memref<16384x64xf32, #tpu.memory_space<hbm>> -> memref<1x64xf32, #tpu.memory_space<hbm>>
            %dma_start3A_1515 = arith.constant 0 : i32
            %dma_start3A_1516 = tpu.memref_slice %arg10[%and3A_1042, %dma_start3A_1515] : memref<16x64xf32, #tpu.memory_space<vmem>> -> memref<1x64xf32, #tpu.memory_space<vmem>>
            tpu.enqueue_dma source(%dma_start3A_1516 : memref<1x64xf32, #tpu.memory_space<vmem>>) target(%dma_start3A_1514 : memref<1x64xf32, #tpu.memory_space<hbm>>) target_semaphore(%arg12 : memref<!tpu.dma_semaphore, #tpu.memory_space<semaphore_mem>>)
          } else {
          }
          %mul3A_1107 = arith.constant 16 : i32
          %mul3A_1108 = arith.muli %while3A_237, %mul3A_1107 : i32
          %add3A_1109 = arith.constant 11 : i32
          %add3A_1110 = arith.addi %mul3A_1108, %add3A_1109 : i32
          %lt3A_1111 = arith.cmpi slt, %add3A_1110, %while3A_215 : i32
          %slice3A_1112 = vector.extract_strided_slice %get3A_241 {offsets = [11], sizes = [1], strides = [1]} : vector<16xi32> to vector<1xi32>
          %squeeze3A_1113 = vector.extract %slice3A_1112[0] : i32 from vector<1xi32>
          %shift_right_logical3A_1114 = arith.constant 14 : i32
          %shift_right_logical3A_1115 = arith.shrui %squeeze3A_1113, %shift_right_logical3A_1114 : i32
          %and3A_1116 = arith.constant 511 : i32
          %and3A_1117 = arith.andi %shift_right_logical3A_1115, %and3A_1116 : i32
          %add3A_1118 = arith.constant 11 : i32
          %add3A_1119 = arith.addi %while3A_238, %add3A_1118 : i32
          %and3A_1120 = arith.constant 15 : i32
          %and3A_1121 = arith.andi %add3A_1119, %and3A_1120 : i32
          %add3A_1122 = arith.constant 11 : i32
          %add3A_1123 = arith.addi %while3A_238, %add3A_1122 : i32
          %ge3A_1124 = arith.constant 16 : i32
          %ge3A_1125 = arith.cmpi sge, %add3A_1123, %ge3A_1124 : i32
          %and3A_1126 = arith.andi %lt3A_1111, %ge3A_1125 : i1
          %convert_element_type3A_1127 = arith.extui %and3A_1126 : i1 to i32
          %cond3A_1128 = arith.constant 0 : i32
          %cond3A_1129 = arith.cmpi ne, %convert_element_type3A_1127, %cond3A_1128 : i32
          scf.if %cond3A_1129 {
            %dma_wait3A = arith.constant 0 : i32
            %dma_wait3A_1508 = tpu.memref_slice %arg10[%and3A_1121, %dma_wait3A] : memref<16x64xf32, #tpu.memory_space<vmem>> -> memref<1x64xf32, #tpu.memory_space<vmem>>
            %dma_wait3A_1509 = arith.constant 0 : i32
            %dma_wait3A_1510 = arith.constant 0 : i32
            %dma_wait3A_1511 = tpu.memref_slice %arg5[%dma_wait3A_1509, %dma_wait3A_1510] : memref<16384x64xf32, #tpu.memory_space<hbm>> -> memref<1x64xf32, #tpu.memory_space<hbm>>
            %dma_wait3A_1512 = arith.constant 0 : i32
            %dma_wait3A_1513 = tpu.memref_slice %arg10[%and3A_1121, %dma_wait3A_1512] : memref<16x64xf32, #tpu.memory_space<vmem>> -> memref<1x64xf32, #tpu.memory_space<vmem>>
            %dma_wait3A_1514 = arith.constant 0 : i32
            %dma_wait3A_1515 = arith.constant 0 : i32
            %dma_wait3A_1516 = tpu.memref_slice %arg5[%dma_wait3A_1514, %dma_wait3A_1515] : memref<16384x64xf32, #tpu.memory_space<hbm>> -> memref<1x64xf32, #tpu.memory_space<hbm>>
            tpu.wait_dma2 semaphore(%arg12 : memref<!tpu.dma_semaphore, #tpu.memory_space<semaphore_mem>>) src(%dma_wait3A_1516 : memref<1x64xf32, #tpu.memory_space<hbm>>) dst(%dma_wait3A_1513 : memref<1x64xf32, #tpu.memory_space<vmem>>)
          } else {
          }
          %broadcast_in_dim3A_1130 = vector.broadcast %and3A_1117 : i32 to vector<16xi32>
          %and3A_1131 = arith.constant 1 : i32
          %and3A_1132 = arith.andi %add3A_196, %and3A_1131 : i32
          %add3A_1133 = arith.constant 0 : i32
          %add3A_1134 = vector.broadcast %add3A_1133 : i32 to vector<16xi32>
          %add3A_1135 = arith.addi %iota3A, %add3A_1134 : vector<16xi32>
          %gather3A_1136 = arith.constant 0 : i32
          %gather3A_1137 = arith.constant 0 : i32
          %gather3A_1138 = tpu.memref_slice %arg9[%and3A_1132, %gather3A_1136, %gather3A_1137] : memref<2x64x512xf32, #tpu.memory_space<vmem>> -> memref<1x64x512xf32, #tpu.memory_space<vmem>>
          %gather3A_1139 = tpu.memref_squeeze %gather3A_1138 : memref<1x64x512xf32, #tpu.memory_space<vmem>> -> memref<64x512xf32, #tpu.memory_space<vmem>>
          %gather3A_1140 = tpu.vector_load_idx %gather3A_1139[%add3A_1135, %broadcast_in_dim3A_1130] : memref<64x512xf32, #tpu.memory_space<vmem>>[vector<16xi32>, vector<16xi32>], vector<16xf32>,
          %swap3A_1141 = arith.index_cast %and3A_1121 : i32 to index
          %swap3A_1142 = arith.constant 0 : index
          %swap3A_1143 = tpu.vector_load %arg10[%swap3A_1141, %swap3A_1142] {strides = array<i32>} : memref<16x64xf32, #tpu.memory_space<vmem>>, vector<16xf32>,
          tpu.vector_store %arg10[%swap3A_1141, %swap3A_1142], %gather3A_1140 {strides = array<i32>} : memref<16x64xf32, #tpu.memory_space<vmem>>, vector<16xf32>,
          %and3A_1144 = arith.constant 1 : i32
          %and3A_1145 = arith.andi %add3A_196, %and3A_1144 : i32
          %add3A_1146 = arith.constant 16 : i32
          %add3A_1147 = vector.broadcast %add3A_1146 : i32 to vector<16xi32>
          %add3A_1148 = arith.addi %iota3A, %add3A_1147 : vector<16xi32>
          %gather3A_1149 = arith.constant 0 : i32
          %gather3A_1150 = arith.constant 0 : i32
          %gather3A_1151 = tpu.memref_slice %arg9[%and3A_1145, %gather3A_1149, %gather3A_1150] : memref<2x64x512xf32, #tpu.memory_space<vmem>> -> memref<1x64x512xf32, #tpu.memory_space<vmem>>
          %gather3A_1152 = tpu.memref_squeeze %gather3A_1151 : memref<1x64x512xf32, #tpu.memory_space<vmem>> -> memref<64x512xf32, #tpu.memory_space<vmem>>
          %gather3A_1153 = tpu.vector_load_idx %gather3A_1152[%add3A_1148, %broadcast_in_dim3A_1130] : memref<64x512xf32, #tpu.memory_space<vmem>>[vector<16xi32>, vector<16xi32>], vector<16xf32>,
          %swap3A_1154 = arith.index_cast %and3A_1121 : i32 to index
          %swap3A_1155 = arith.constant 16 : index
          %swap3A_1156 = tpu.vector_load %arg10[%swap3A_1154, %swap3A_1155] {strides = array<i32>} : memref<16x64xf32, #tpu.memory_space<vmem>>, vector<16xf32>,
          tpu.vector_store %arg10[%swap3A_1154, %swap3A_1155], %gather3A_1153 {strides = array<i32>} : memref<16x64xf32, #tpu.memory_space<vmem>>, vector<16xf32>,
          %and3A_1157 = arith.constant 1 : i32
          %and3A_1158 = arith.andi %add3A_196, %and3A_1157 : i32
          %add3A_1159 = arith.constant 32 : i32
          %add3A_1160 = vector.broadcast %add3A_1159 : i32 to vector<16xi32>
          %add3A_1161 = arith.addi %iota3A, %add3A_1160 : vector<16xi32>
          %gather3A_1162 = arith.constant 0 : i32
          %gather3A_1163 = arith.constant 0 : i32
          %gather3A_1164 = tpu.memref_slice %arg9[%and3A_1158, %gather3A_1162, %gather3A_1163] : memref<2x64x512xf32, #tpu.memory_space<vmem>> -> memref<1x64x512xf32, #tpu.memory_space<vmem>>
          %gather3A_1165 = tpu.memref_squeeze %gather3A_1164 : memref<1x64x512xf32, #tpu.memory_space<vmem>> -> memref<64x512xf32, #tpu.memory_space<vmem>>
          %gather3A_1166 = tpu.vector_load_idx %gather3A_1165[%add3A_1161, %broadcast_in_dim3A_1130] : memref<64x512xf32, #tpu.memory_space<vmem>>[vector<16xi32>, vector<16xi32>], vector<16xf32>,
          %swap3A_1167 = arith.index_cast %and3A_1121 : i32 to index
          %swap3A_1168 = arith.constant 32 : index
          %swap3A_1169 = tpu.vector_load %arg10[%swap3A_1167, %swap3A_1168] {strides = array<i32>} : memref<16x64xf32, #tpu.memory_space<vmem>>, vector<16xf32>,
          tpu.vector_store %arg10[%swap3A_1167, %swap3A_1168], %gather3A_1166 {strides = array<i32>} : memref<16x64xf32, #tpu.memory_space<vmem>>, vector<16xf32>,
          %and3A_1170 = arith.constant 1 : i32
          %and3A_1171 = arith.andi %add3A_196, %and3A_1170 : i32
          %add3A_1172 = arith.constant 48 : i32
          %add3A_1173 = vector.broadcast %add3A_1172 : i32 to vector<16xi32>
          %add3A_1174 = arith.addi %iota3A, %add3A_1173 : vector<16xi32>
          %gather3A_1175 = arith.constant 0 : i32
          %gather3A_1176 = arith.constant 0 : i32
          %gather3A_1177 = tpu.memref_slice %arg9[%and3A_1171, %gather3A_1175, %gather3A_1176] : memref<2x64x512xf32, #tpu.memory_space<vmem>> -> memref<1x64x512xf32, #tpu.memory_space<vmem>>
          %gather3A_1178 = tpu.memref_squeeze %gather3A_1177 : memref<1x64x512xf32, #tpu.memory_space<vmem>> -> memref<64x512xf32, #tpu.memory_space<vmem>>
          %gather3A_1179 = tpu.vector_load_idx %gather3A_1178[%add3A_1174, %broadcast_in_dim3A_1130] : memref<64x512xf32, #tpu.memory_space<vmem>>[vector<16xi32>, vector<16xi32>], vector<16xf32>,
          %swap3A_1180 = arith.index_cast %and3A_1121 : i32 to index
          %swap3A_1181 = arith.constant 48 : index
          %swap3A_1182 = tpu.vector_load %arg10[%swap3A_1180, %swap3A_1181] {strides = array<i32>} : memref<16x64xf32, #tpu.memory_space<vmem>>, vector<16xf32>,
          tpu.vector_store %arg10[%swap3A_1180, %swap3A_1181], %gather3A_1179 {strides = array<i32>} : memref<16x64xf32, #tpu.memory_space<vmem>>, vector<16xf32>,
          %convert_element_type3A_1183 = arith.extui %lt3A_1111 : i1 to i32
          %cond3A_1184 = arith.constant 0 : i32
          %cond3A_1185 = arith.cmpi ne, %convert_element_type3A_1183, %cond3A_1184 : i32
          scf.if %cond3A_1185 {
            %and3A_1508 = arith.constant 16383 : i32
            %and3A_1509 = arith.andi %squeeze3A_1113, %and3A_1508 : i32
            %dma_start3A = arith.constant 0 : i32
            %dma_start3A_1510 = tpu.memref_slice %arg10[%and3A_1121, %dma_start3A] : memref<16x64xf32, #tpu.memory_space<vmem>> -> memref<1x64xf32, #tpu.memory_space<vmem>>
            %dma_start3A_1511 = arith.constant 0 : i32
            %dma_start3A_1512 = tpu.memref_slice %arg5[%and3A_1509, %dma_start3A_1511] : memref<16384x64xf32, #tpu.memory_space<hbm>> -> memref<1x64xf32, #tpu.memory_space<hbm>>
            %dma_start3A_1513 = arith.constant 0 : i32
            %dma_start3A_1514 = tpu.memref_slice %arg5[%and3A_1509, %dma_start3A_1513] : memref<16384x64xf32, #tpu.memory_space<hbm>> -> memref<1x64xf32, #tpu.memory_space<hbm>>
            %dma_start3A_1515 = arith.constant 0 : i32
            %dma_start3A_1516 = tpu.memref_slice %arg10[%and3A_1121, %dma_start3A_1515] : memref<16x64xf32, #tpu.memory_space<vmem>> -> memref<1x64xf32, #tpu.memory_space<vmem>>
            tpu.enqueue_dma source(%dma_start3A_1516 : memref<1x64xf32, #tpu.memory_space<vmem>>) target(%dma_start3A_1514 : memref<1x64xf32, #tpu.memory_space<hbm>>) target_semaphore(%arg12 : memref<!tpu.dma_semaphore, #tpu.memory_space<semaphore_mem>>)
          } else {
          }
          %mul3A_1186 = arith.constant 16 : i32
          %mul3A_1187 = arith.muli %while3A_237, %mul3A_1186 : i32
          %add3A_1188 = arith.constant 12 : i32
          %add3A_1189 = arith.addi %mul3A_1187, %add3A_1188 : i32
          %lt3A_1190 = arith.cmpi slt, %add3A_1189, %while3A_215 : i32
          %slice3A_1191 = vector.extract_strided_slice %get3A_241 {offsets = [12], sizes = [1], strides = [1]} : vector<16xi32> to vector<1xi32>
          %squeeze3A_1192 = vector.extract %slice3A_1191[0] : i32 from vector<1xi32>
          %shift_right_logical3A_1193 = arith.constant 14 : i32
          %shift_right_logical3A_1194 = arith.shrui %squeeze3A_1192, %shift_right_logical3A_1193 : i32
          %and3A_1195 = arith.constant 511 : i32
          %and3A_1196 = arith.andi %shift_right_logical3A_1194, %and3A_1195 : i32
          %add3A_1197 = arith.constant 12 : i32
          %add3A_1198 = arith.addi %while3A_238, %add3A_1197 : i32
          %and3A_1199 = arith.constant 15 : i32
          %and3A_1200 = arith.andi %add3A_1198, %and3A_1199 : i32
          %add3A_1201 = arith.constant 12 : i32
          %add3A_1202 = arith.addi %while3A_238, %add3A_1201 : i32
          %ge3A_1203 = arith.constant 16 : i32
          %ge3A_1204 = arith.cmpi sge, %add3A_1202, %ge3A_1203 : i32
          %and3A_1205 = arith.andi %lt3A_1190, %ge3A_1204 : i1
          %convert_element_type3A_1206 = arith.extui %and3A_1205 : i1 to i32
          %cond3A_1207 = arith.constant 0 : i32
          %cond3A_1208 = arith.cmpi ne, %convert_element_type3A_1206, %cond3A_1207 : i32
          scf.if %cond3A_1208 {
            %dma_wait3A = arith.constant 0 : i32
            %dma_wait3A_1508 = tpu.memref_slice %arg10[%and3A_1200, %dma_wait3A] : memref<16x64xf32, #tpu.memory_space<vmem>> -> memref<1x64xf32, #tpu.memory_space<vmem>>
            %dma_wait3A_1509 = arith.constant 0 : i32
            %dma_wait3A_1510 = arith.constant 0 : i32
            %dma_wait3A_1511 = tpu.memref_slice %arg5[%dma_wait3A_1509, %dma_wait3A_1510] : memref<16384x64xf32, #tpu.memory_space<hbm>> -> memref<1x64xf32, #tpu.memory_space<hbm>>
            %dma_wait3A_1512 = arith.constant 0 : i32
            %dma_wait3A_1513 = tpu.memref_slice %arg10[%and3A_1200, %dma_wait3A_1512] : memref<16x64xf32, #tpu.memory_space<vmem>> -> memref<1x64xf32, #tpu.memory_space<vmem>>
            %dma_wait3A_1514 = arith.constant 0 : i32
            %dma_wait3A_1515 = arith.constant 0 : i32
            %dma_wait3A_1516 = tpu.memref_slice %arg5[%dma_wait3A_1514, %dma_wait3A_1515] : memref<16384x64xf32, #tpu.memory_space<hbm>> -> memref<1x64xf32, #tpu.memory_space<hbm>>
            tpu.wait_dma2 semaphore(%arg12 : memref<!tpu.dma_semaphore, #tpu.memory_space<semaphore_mem>>) src(%dma_wait3A_1516 : memref<1x64xf32, #tpu.memory_space<hbm>>) dst(%dma_wait3A_1513 : memref<1x64xf32, #tpu.memory_space<vmem>>)
          } else {
          }
          %broadcast_in_dim3A_1209 = vector.broadcast %and3A_1196 : i32 to vector<16xi32>
          %and3A_1210 = arith.constant 1 : i32
          %and3A_1211 = arith.andi %add3A_196, %and3A_1210 : i32
          %add3A_1212 = arith.constant 0 : i32
          %add3A_1213 = vector.broadcast %add3A_1212 : i32 to vector<16xi32>
          %add3A_1214 = arith.addi %iota3A, %add3A_1213 : vector<16xi32>
          %gather3A_1215 = arith.constant 0 : i32
          %gather3A_1216 = arith.constant 0 : i32
          %gather3A_1217 = tpu.memref_slice %arg9[%and3A_1211, %gather3A_1215, %gather3A_1216] : memref<2x64x512xf32, #tpu.memory_space<vmem>> -> memref<1x64x512xf32, #tpu.memory_space<vmem>>
          %gather3A_1218 = tpu.memref_squeeze %gather3A_1217 : memref<1x64x512xf32, #tpu.memory_space<vmem>> -> memref<64x512xf32, #tpu.memory_space<vmem>>
          %gather3A_1219 = tpu.vector_load_idx %gather3A_1218[%add3A_1214, %broadcast_in_dim3A_1209] : memref<64x512xf32, #tpu.memory_space<vmem>>[vector<16xi32>, vector<16xi32>], vector<16xf32>,
          %swap3A_1220 = arith.index_cast %and3A_1200 : i32 to index
          %swap3A_1221 = arith.constant 0 : index
          %swap3A_1222 = tpu.vector_load %arg10[%swap3A_1220, %swap3A_1221] {strides = array<i32>} : memref<16x64xf32, #tpu.memory_space<vmem>>, vector<16xf32>,
          tpu.vector_store %arg10[%swap3A_1220, %swap3A_1221], %gather3A_1219 {strides = array<i32>} : memref<16x64xf32, #tpu.memory_space<vmem>>, vector<16xf32>,
          %and3A_1223 = arith.constant 1 : i32
          %and3A_1224 = arith.andi %add3A_196, %and3A_1223 : i32
          %add3A_1225 = arith.constant 16 : i32
          %add3A_1226 = vector.broadcast %add3A_1225 : i32 to vector<16xi32>
          %add3A_1227 = arith.addi %iota3A, %add3A_1226 : vector<16xi32>
          %gather3A_1228 = arith.constant 0 : i32
          %gather3A_1229 = arith.constant 0 : i32
          %gather3A_1230 = tpu.memref_slice %arg9[%and3A_1224, %gather3A_1228, %gather3A_1229] : memref<2x64x512xf32, #tpu.memory_space<vmem>> -> memref<1x64x512xf32, #tpu.memory_space<vmem>>
          %gather3A_1231 = tpu.memref_squeeze %gather3A_1230 : memref<1x64x512xf32, #tpu.memory_space<vmem>> -> memref<64x512xf32, #tpu.memory_space<vmem>>
          %gather3A_1232 = tpu.vector_load_idx %gather3A_1231[%add3A_1227, %broadcast_in_dim3A_1209] : memref<64x512xf32, #tpu.memory_space<vmem>>[vector<16xi32>, vector<16xi32>], vector<16xf32>,
          %swap3A_1233 = arith.index_cast %and3A_1200 : i32 to index
          %swap3A_1234 = arith.constant 16 : index
          %swap3A_1235 = tpu.vector_load %arg10[%swap3A_1233, %swap3A_1234] {strides = array<i32>} : memref<16x64xf32, #tpu.memory_space<vmem>>, vector<16xf32>,
          tpu.vector_store %arg10[%swap3A_1233, %swap3A_1234], %gather3A_1232 {strides = array<i32>} : memref<16x64xf32, #tpu.memory_space<vmem>>, vector<16xf32>,
          %and3A_1236 = arith.constant 1 : i32
          %and3A_1237 = arith.andi %add3A_196, %and3A_1236 : i32
          %add3A_1238 = arith.constant 32 : i32
          %add3A_1239 = vector.broadcast %add3A_1238 : i32 to vector<16xi32>
          %add3A_1240 = arith.addi %iota3A, %add3A_1239 : vector<16xi32>
          %gather3A_1241 = arith.constant 0 : i32
          %gather3A_1242 = arith.constant 0 : i32
          %gather3A_1243 = tpu.memref_slice %arg9[%and3A_1237, %gather3A_1241, %gather3A_1242] : memref<2x64x512xf32, #tpu.memory_space<vmem>> -> memref<1x64x512xf32, #tpu.memory_space<vmem>>
          %gather3A_1244 = tpu.memref_squeeze %gather3A_1243 : memref<1x64x512xf32, #tpu.memory_space<vmem>> -> memref<64x512xf32, #tpu.memory_space<vmem>>
          %gather3A_1245 = tpu.vector_load_idx %gather3A_1244[%add3A_1240, %broadcast_in_dim3A_1209] : memref<64x512xf32, #tpu.memory_space<vmem>>[vector<16xi32>, vector<16xi32>], vector<16xf32>,
          %swap3A_1246 = arith.index_cast %and3A_1200 : i32 to index
          %swap3A_1247 = arith.constant 32 : index
          %swap3A_1248 = tpu.vector_load %arg10[%swap3A_1246, %swap3A_1247] {strides = array<i32>} : memref<16x64xf32, #tpu.memory_space<vmem>>, vector<16xf32>,
          tpu.vector_store %arg10[%swap3A_1246, %swap3A_1247], %gather3A_1245 {strides = array<i32>} : memref<16x64xf32, #tpu.memory_space<vmem>>, vector<16xf32>,
          %and3A_1249 = arith.constant 1 : i32
          %and3A_1250 = arith.andi %add3A_196, %and3A_1249 : i32
          %add3A_1251 = arith.constant 48 : i32
          %add3A_1252 = vector.broadcast %add3A_1251 : i32 to vector<16xi32>
          %add3A_1253 = arith.addi %iota3A, %add3A_1252 : vector<16xi32>
          %gather3A_1254 = arith.constant 0 : i32
          %gather3A_1255 = arith.constant 0 : i32
          %gather3A_1256 = tpu.memref_slice %arg9[%and3A_1250, %gather3A_1254, %gather3A_1255] : memref<2x64x512xf32, #tpu.memory_space<vmem>> -> memref<1x64x512xf32, #tpu.memory_space<vmem>>
          %gather3A_1257 = tpu.memref_squeeze %gather3A_1256 : memref<1x64x512xf32, #tpu.memory_space<vmem>> -> memref<64x512xf32, #tpu.memory_space<vmem>>
          %gather3A_1258 = tpu.vector_load_idx %gather3A_1257[%add3A_1253, %broadcast_in_dim3A_1209] : memref<64x512xf32, #tpu.memory_space<vmem>>[vector<16xi32>, vector<16xi32>], vector<16xf32>,
          %swap3A_1259 = arith.index_cast %and3A_1200 : i32 to index
          %swap3A_1260 = arith.constant 48 : index
          %swap3A_1261 = tpu.vector_load %arg10[%swap3A_1259, %swap3A_1260] {strides = array<i32>} : memref<16x64xf32, #tpu.memory_space<vmem>>, vector<16xf32>,
          tpu.vector_store %arg10[%swap3A_1259, %swap3A_1260], %gather3A_1258 {strides = array<i32>} : memref<16x64xf32, #tpu.memory_space<vmem>>, vector<16xf32>,
          %convert_element_type3A_1262 = arith.extui %lt3A_1190 : i1 to i32
          %cond3A_1263 = arith.constant 0 : i32
          %cond3A_1264 = arith.cmpi ne, %convert_element_type3A_1262, %cond3A_1263 : i32
          scf.if %cond3A_1264 {
            %and3A_1508 = arith.constant 16383 : i32
            %and3A_1509 = arith.andi %squeeze3A_1192, %and3A_1508 : i32
            %dma_start3A = arith.constant 0 : i32
            %dma_start3A_1510 = tpu.memref_slice %arg10[%and3A_1200, %dma_start3A] : memref<16x64xf32, #tpu.memory_space<vmem>> -> memref<1x64xf32, #tpu.memory_space<vmem>>
            %dma_start3A_1511 = arith.constant 0 : i32
            %dma_start3A_1512 = tpu.memref_slice %arg5[%and3A_1509, %dma_start3A_1511] : memref<16384x64xf32, #tpu.memory_space<hbm>> -> memref<1x64xf32, #tpu.memory_space<hbm>>
            %dma_start3A_1513 = arith.constant 0 : i32
            %dma_start3A_1514 = tpu.memref_slice %arg5[%and3A_1509, %dma_start3A_1513] : memref<16384x64xf32, #tpu.memory_space<hbm>> -> memref<1x64xf32, #tpu.memory_space<hbm>>
            %dma_start3A_1515 = arith.constant 0 : i32
            %dma_start3A_1516 = tpu.memref_slice %arg10[%and3A_1200, %dma_start3A_1515] : memref<16x64xf32, #tpu.memory_space<vmem>> -> memref<1x64xf32, #tpu.memory_space<vmem>>
            tpu.enqueue_dma source(%dma_start3A_1516 : memref<1x64xf32, #tpu.memory_space<vmem>>) target(%dma_start3A_1514 : memref<1x64xf32, #tpu.memory_space<hbm>>) target_semaphore(%arg12 : memref<!tpu.dma_semaphore, #tpu.memory_space<semaphore_mem>>)
          } else {
          }
          %mul3A_1265 = arith.constant 16 : i32
          %mul3A_1266 = arith.muli %while3A_237, %mul3A_1265 : i32
          %add3A_1267 = arith.constant 13 : i32
          %add3A_1268 = arith.addi %mul3A_1266, %add3A_1267 : i32
          %lt3A_1269 = arith.cmpi slt, %add3A_1268, %while3A_215 : i32
          %slice3A_1270 = vector.extract_strided_slice %get3A_241 {offsets = [13], sizes = [1], strides = [1]} : vector<16xi32> to vector<1xi32>
          %squeeze3A_1271 = vector.extract %slice3A_1270[0] : i32 from vector<1xi32>
          %shift_right_logical3A_1272 = arith.constant 14 : i32
          %shift_right_logical3A_1273 = arith.shrui %squeeze3A_1271, %shift_right_logical3A_1272 : i32
          %and3A_1274 = arith.constant 511 : i32
          %and3A_1275 = arith.andi %shift_right_logical3A_1273, %and3A_1274 : i32
          %add3A_1276 = arith.constant 13 : i32
          %add3A_1277 = arith.addi %while3A_238, %add3A_1276 : i32
          %and3A_1278 = arith.constant 15 : i32
          %and3A_1279 = arith.andi %add3A_1277, %and3A_1278 : i32
          %add3A_1280 = arith.constant 13 : i32
          %add3A_1281 = arith.addi %while3A_238, %add3A_1280 : i32
          %ge3A_1282 = arith.constant 16 : i32
          %ge3A_1283 = arith.cmpi sge, %add3A_1281, %ge3A_1282 : i32
          %and3A_1284 = arith.andi %lt3A_1269, %ge3A_1283 : i1
          %convert_element_type3A_1285 = arith.extui %and3A_1284 : i1 to i32
          %cond3A_1286 = arith.constant 0 : i32
          %cond3A_1287 = arith.cmpi ne, %convert_element_type3A_1285, %cond3A_1286 : i32
          scf.if %cond3A_1287 {
            %dma_wait3A = arith.constant 0 : i32
            %dma_wait3A_1508 = tpu.memref_slice %arg10[%and3A_1279, %dma_wait3A] : memref<16x64xf32, #tpu.memory_space<vmem>> -> memref<1x64xf32, #tpu.memory_space<vmem>>
            %dma_wait3A_1509 = arith.constant 0 : i32
            %dma_wait3A_1510 = arith.constant 0 : i32
            %dma_wait3A_1511 = tpu.memref_slice %arg5[%dma_wait3A_1509, %dma_wait3A_1510] : memref<16384x64xf32, #tpu.memory_space<hbm>> -> memref<1x64xf32, #tpu.memory_space<hbm>>
            %dma_wait3A_1512 = arith.constant 0 : i32
            %dma_wait3A_1513 = tpu.memref_slice %arg10[%and3A_1279, %dma_wait3A_1512] : memref<16x64xf32, #tpu.memory_space<vmem>> -> memref<1x64xf32, #tpu.memory_space<vmem>>
            %dma_wait3A_1514 = arith.constant 0 : i32
            %dma_wait3A_1515 = arith.constant 0 : i32
            %dma_wait3A_1516 = tpu.memref_slice %arg5[%dma_wait3A_1514, %dma_wait3A_1515] : memref<16384x64xf32, #tpu.memory_space<hbm>> -> memref<1x64xf32, #tpu.memory_space<hbm>>
            tpu.wait_dma2 semaphore(%arg12 : memref<!tpu.dma_semaphore, #tpu.memory_space<semaphore_mem>>) src(%dma_wait3A_1516 : memref<1x64xf32, #tpu.memory_space<hbm>>) dst(%dma_wait3A_1513 : memref<1x64xf32, #tpu.memory_space<vmem>>)
          } else {
          }
          %broadcast_in_dim3A_1288 = vector.broadcast %and3A_1275 : i32 to vector<16xi32>
          %and3A_1289 = arith.constant 1 : i32
          %and3A_1290 = arith.andi %add3A_196, %and3A_1289 : i32
          %add3A_1291 = arith.constant 0 : i32
          %add3A_1292 = vector.broadcast %add3A_1291 : i32 to vector<16xi32>
          %add3A_1293 = arith.addi %iota3A, %add3A_1292 : vector<16xi32>
          %gather3A_1294 = arith.constant 0 : i32
          %gather3A_1295 = arith.constant 0 : i32
          %gather3A_1296 = tpu.memref_slice %arg9[%and3A_1290, %gather3A_1294, %gather3A_1295] : memref<2x64x512xf32, #tpu.memory_space<vmem>> -> memref<1x64x512xf32, #tpu.memory_space<vmem>>
          %gather3A_1297 = tpu.memref_squeeze %gather3A_1296 : memref<1x64x512xf32, #tpu.memory_space<vmem>> -> memref<64x512xf32, #tpu.memory_space<vmem>>
          %gather3A_1298 = tpu.vector_load_idx %gather3A_1297[%add3A_1293, %broadcast_in_dim3A_1288] : memref<64x512xf32, #tpu.memory_space<vmem>>[vector<16xi32>, vector<16xi32>], vector<16xf32>,
          %swap3A_1299 = arith.index_cast %and3A_1279 : i32 to index
          %swap3A_1300 = arith.constant 0 : index
          %swap3A_1301 = tpu.vector_load %arg10[%swap3A_1299, %swap3A_1300] {strides = array<i32>} : memref<16x64xf32, #tpu.memory_space<vmem>>, vector<16xf32>,
          tpu.vector_store %arg10[%swap3A_1299, %swap3A_1300], %gather3A_1298 {strides = array<i32>} : memref<16x64xf32, #tpu.memory_space<vmem>>, vector<16xf32>,
          %and3A_1302 = arith.constant 1 : i32
          %and3A_1303 = arith.andi %add3A_196, %and3A_1302 : i32
          %add3A_1304 = arith.constant 16 : i32
          %add3A_1305 = vector.broadcast %add3A_1304 : i32 to vector<16xi32>
          %add3A_1306 = arith.addi %iota3A, %add3A_1305 : vector<16xi32>
          %gather3A_1307 = arith.constant 0 : i32
          %gather3A_1308 = arith.constant 0 : i32
          %gather3A_1309 = tpu.memref_slice %arg9[%and3A_1303, %gather3A_1307, %gather3A_1308] : memref<2x64x512xf32, #tpu.memory_space<vmem>> -> memref<1x64x512xf32, #tpu.memory_space<vmem>>
          %gather3A_1310 = tpu.memref_squeeze %gather3A_1309 : memref<1x64x512xf32, #tpu.memory_space<vmem>> -> memref<64x512xf32, #tpu.memory_space<vmem>>
          %gather3A_1311 = tpu.vector_load_idx %gather3A_1310[%add3A_1306, %broadcast_in_dim3A_1288] : memref<64x512xf32, #tpu.memory_space<vmem>>[vector<16xi32>, vector<16xi32>], vector<16xf32>,
          %swap3A_1312 = arith.index_cast %and3A_1279 : i32 to index
          %swap3A_1313 = arith.constant 16 : index
          %swap3A_1314 = tpu.vector_load %arg10[%swap3A_1312, %swap3A_1313] {strides = array<i32>} : memref<16x64xf32, #tpu.memory_space<vmem>>, vector<16xf32>,
          tpu.vector_store %arg10[%swap3A_1312, %swap3A_1313], %gather3A_1311 {strides = array<i32>} : memref<16x64xf32, #tpu.memory_space<vmem>>, vector<16xf32>,
          %and3A_1315 = arith.constant 1 : i32
          %and3A_1316 = arith.andi %add3A_196, %and3A_1315 : i32
          %add3A_1317 = arith.constant 32 : i32
          %add3A_1318 = vector.broadcast %add3A_1317 : i32 to vector<16xi32>
          %add3A_1319 = arith.addi %iota3A, %add3A_1318 : vector<16xi32>
          %gather3A_1320 = arith.constant 0 : i32
          %gather3A_1321 = arith.constant 0 : i32
          %gather3A_1322 = tpu.memref_slice %arg9[%and3A_1316, %gather3A_1320, %gather3A_1321] : memref<2x64x512xf32, #tpu.memory_space<vmem>> -> memref<1x64x512xf32, #tpu.memory_space<vmem>>
          %gather3A_1323 = tpu.memref_squeeze %gather3A_1322 : memref<1x64x512xf32, #tpu.memory_space<vmem>> -> memref<64x512xf32, #tpu.memory_space<vmem>>
          %gather3A_1324 = tpu.vector_load_idx %gather3A_1323[%add3A_1319, %broadcast_in_dim3A_1288] : memref<64x512xf32, #tpu.memory_space<vmem>>[vector<16xi32>, vector<16xi32>], vector<16xf32>,
          %swap3A_1325 = arith.index_cast %and3A_1279 : i32 to index
          %swap3A_1326 = arith.constant 32 : index
          %swap3A_1327 = tpu.vector_load %arg10[%swap3A_1325, %swap3A_1326] {strides = array<i32>} : memref<16x64xf32, #tpu.memory_space<vmem>>, vector<16xf32>,
          tpu.vector_store %arg10[%swap3A_1325, %swap3A_1326], %gather3A_1324 {strides = array<i32>} : memref<16x64xf32, #tpu.memory_space<vmem>>, vector<16xf32>,
          %and3A_1328 = arith.constant 1 : i32
          %and3A_1329 = arith.andi %add3A_196, %and3A_1328 : i32
          %add3A_1330 = arith.constant 48 : i32
          %add3A_1331 = vector.broadcast %add3A_1330 : i32 to vector<16xi32>
          %add3A_1332 = arith.addi %iota3A, %add3A_1331 : vector<16xi32>
          %gather3A_1333 = arith.constant 0 : i32
          %gather3A_1334 = arith.constant 0 : i32
          %gather3A_1335 = tpu.memref_slice %arg9[%and3A_1329, %gather3A_1333, %gather3A_1334] : memref<2x64x512xf32, #tpu.memory_space<vmem>> -> memref<1x64x512xf32, #tpu.memory_space<vmem>>
          %gather3A_1336 = tpu.memref_squeeze %gather3A_1335 : memref<1x64x512xf32, #tpu.memory_space<vmem>> -> memref<64x512xf32, #tpu.memory_space<vmem>>
          %gather3A_1337 = tpu.vector_load_idx %gather3A_1336[%add3A_1332, %broadcast_in_dim3A_1288] : memref<64x512xf32, #tpu.memory_space<vmem>>[vector<16xi32>, vector<16xi32>], vector<16xf32>,
          %swap3A_1338 = arith.index_cast %and3A_1279 : i32 to index
          %swap3A_1339 = arith.constant 48 : index
          %swap3A_1340 = tpu.vector_load %arg10[%swap3A_1338, %swap3A_1339] {strides = array<i32>} : memref<16x64xf32, #tpu.memory_space<vmem>>, vector<16xf32>,
          tpu.vector_store %arg10[%swap3A_1338, %swap3A_1339], %gather3A_1337 {strides = array<i32>} : memref<16x64xf32, #tpu.memory_space<vmem>>, vector<16xf32>,
          %convert_element_type3A_1341 = arith.extui %lt3A_1269 : i1 to i32
          %cond3A_1342 = arith.constant 0 : i32
          %cond3A_1343 = arith.cmpi ne, %convert_element_type3A_1341, %cond3A_1342 : i32
          scf.if %cond3A_1343 {
            %and3A_1508 = arith.constant 16383 : i32
            %and3A_1509 = arith.andi %squeeze3A_1271, %and3A_1508 : i32
            %dma_start3A = arith.constant 0 : i32
            %dma_start3A_1510 = tpu.memref_slice %arg10[%and3A_1279, %dma_start3A] : memref<16x64xf32, #tpu.memory_space<vmem>> -> memref<1x64xf32, #tpu.memory_space<vmem>>
            %dma_start3A_1511 = arith.constant 0 : i32
            %dma_start3A_1512 = tpu.memref_slice %arg5[%and3A_1509, %dma_start3A_1511] : memref<16384x64xf32, #tpu.memory_space<hbm>> -> memref<1x64xf32, #tpu.memory_space<hbm>>
            %dma_start3A_1513 = arith.constant 0 : i32
            %dma_start3A_1514 = tpu.memref_slice %arg5[%and3A_1509, %dma_start3A_1513] : memref<16384x64xf32, #tpu.memory_space<hbm>> -> memref<1x64xf32, #tpu.memory_space<hbm>>
            %dma_start3A_1515 = arith.constant 0 : i32
            %dma_start3A_1516 = tpu.memref_slice %arg10[%and3A_1279, %dma_start3A_1515] : memref<16x64xf32, #tpu.memory_space<vmem>> -> memref<1x64xf32, #tpu.memory_space<vmem>>
            tpu.enqueue_dma source(%dma_start3A_1516 : memref<1x64xf32, #tpu.memory_space<vmem>>) target(%dma_start3A_1514 : memref<1x64xf32, #tpu.memory_space<hbm>>) target_semaphore(%arg12 : memref<!tpu.dma_semaphore, #tpu.memory_space<semaphore_mem>>)
          } else {
          }
          %mul3A_1344 = arith.constant 16 : i32
          %mul3A_1345 = arith.muli %while3A_237, %mul3A_1344 : i32
          %add3A_1346 = arith.constant 14 : i32
          %add3A_1347 = arith.addi %mul3A_1345, %add3A_1346 : i32
          %lt3A_1348 = arith.cmpi slt, %add3A_1347, %while3A_215 : i32
          %slice3A_1349 = vector.extract_strided_slice %get3A_241 {offsets = [14], sizes = [1], strides = [1]} : vector<16xi32> to vector<1xi32>
          %squeeze3A_1350 = vector.extract %slice3A_1349[0] : i32 from vector<1xi32>
          %shift_right_logical3A_1351 = arith.constant 14 : i32
          %shift_right_logical3A_1352 = arith.shrui %squeeze3A_1350, %shift_right_logical3A_1351 : i32
          %and3A_1353 = arith.constant 511 : i32
          %and3A_1354 = arith.andi %shift_right_logical3A_1352, %and3A_1353 : i32
          %add3A_1355 = arith.constant 14 : i32
          %add3A_1356 = arith.addi %while3A_238, %add3A_1355 : i32
          %and3A_1357 = arith.constant 15 : i32
          %and3A_1358 = arith.andi %add3A_1356, %and3A_1357 : i32
          %add3A_1359 = arith.constant 14 : i32
          %add3A_1360 = arith.addi %while3A_238, %add3A_1359 : i32
          %ge3A_1361 = arith.constant 16 : i32
          %ge3A_1362 = arith.cmpi sge, %add3A_1360, %ge3A_1361 : i32
          %and3A_1363 = arith.andi %lt3A_1348, %ge3A_1362 : i1
          %convert_element_type3A_1364 = arith.extui %and3A_1363 : i1 to i32
          %cond3A_1365 = arith.constant 0 : i32
          %cond3A_1366 = arith.cmpi ne, %convert_element_type3A_1364, %cond3A_1365 : i32
          scf.if %cond3A_1366 {
            %dma_wait3A = arith.constant 0 : i32
            %dma_wait3A_1508 = tpu.memref_slice %arg10[%and3A_1358, %dma_wait3A] : memref<16x64xf32, #tpu.memory_space<vmem>> -> memref<1x64xf32, #tpu.memory_space<vmem>>
            %dma_wait3A_1509 = arith.constant 0 : i32
            %dma_wait3A_1510 = arith.constant 0 : i32
            %dma_wait3A_1511 = tpu.memref_slice %arg5[%dma_wait3A_1509, %dma_wait3A_1510] : memref<16384x64xf32, #tpu.memory_space<hbm>> -> memref<1x64xf32, #tpu.memory_space<hbm>>
            %dma_wait3A_1512 = arith.constant 0 : i32
            %dma_wait3A_1513 = tpu.memref_slice %arg10[%and3A_1358, %dma_wait3A_1512] : memref<16x64xf32, #tpu.memory_space<vmem>> -> memref<1x64xf32, #tpu.memory_space<vmem>>
            %dma_wait3A_1514 = arith.constant 0 : i32
            %dma_wait3A_1515 = arith.constant 0 : i32
            %dma_wait3A_1516 = tpu.memref_slice %arg5[%dma_wait3A_1514, %dma_wait3A_1515] : memref<16384x64xf32, #tpu.memory_space<hbm>> -> memref<1x64xf32, #tpu.memory_space<hbm>>
            tpu.wait_dma2 semaphore(%arg12 : memref<!tpu.dma_semaphore, #tpu.memory_space<semaphore_mem>>) src(%dma_wait3A_1516 : memref<1x64xf32, #tpu.memory_space<hbm>>) dst(%dma_wait3A_1513 : memref<1x64xf32, #tpu.memory_space<vmem>>)
          } else {
          }
          %broadcast_in_dim3A_1367 = vector.broadcast %and3A_1354 : i32 to vector<16xi32>
          %and3A_1368 = arith.constant 1 : i32
          %and3A_1369 = arith.andi %add3A_196, %and3A_1368 : i32
          %add3A_1370 = arith.constant 0 : i32
          %add3A_1371 = vector.broadcast %add3A_1370 : i32 to vector<16xi32>
          %add3A_1372 = arith.addi %iota3A, %add3A_1371 : vector<16xi32>
          %gather3A_1373 = arith.constant 0 : i32
          %gather3A_1374 = arith.constant 0 : i32
          %gather3A_1375 = tpu.memref_slice %arg9[%and3A_1369, %gather3A_1373, %gather3A_1374] : memref<2x64x512xf32, #tpu.memory_space<vmem>> -> memref<1x64x512xf32, #tpu.memory_space<vmem>>
          %gather3A_1376 = tpu.memref_squeeze %gather3A_1375 : memref<1x64x512xf32, #tpu.memory_space<vmem>> -> memref<64x512xf32, #tpu.memory_space<vmem>>
          %gather3A_1377 = tpu.vector_load_idx %gather3A_1376[%add3A_1372, %broadcast_in_dim3A_1367] : memref<64x512xf32, #tpu.memory_space<vmem>>[vector<16xi32>, vector<16xi32>], vector<16xf32>,
          %swap3A_1378 = arith.index_cast %and3A_1358 : i32 to index
          %swap3A_1379 = arith.constant 0 : index
          %swap3A_1380 = tpu.vector_load %arg10[%swap3A_1378, %swap3A_1379] {strides = array<i32>} : memref<16x64xf32, #tpu.memory_space<vmem>>, vector<16xf32>,
          tpu.vector_store %arg10[%swap3A_1378, %swap3A_1379], %gather3A_1377 {strides = array<i32>} : memref<16x64xf32, #tpu.memory_space<vmem>>, vector<16xf32>,
          %and3A_1381 = arith.constant 1 : i32
          %and3A_1382 = arith.andi %add3A_196, %and3A_1381 : i32
          %add3A_1383 = arith.constant 16 : i32
          %add3A_1384 = vector.broadcast %add3A_1383 : i32 to vector<16xi32>
          %add3A_1385 = arith.addi %iota3A, %add3A_1384 : vector<16xi32>
          %gather3A_1386 = arith.constant 0 : i32
          %gather3A_1387 = arith.constant 0 : i32
          %gather3A_1388 = tpu.memref_slice %arg9[%and3A_1382, %gather3A_1386, %gather3A_1387] : memref<2x64x512xf32, #tpu.memory_space<vmem>> -> memref<1x64x512xf32, #tpu.memory_space<vmem>>
          %gather3A_1389 = tpu.memref_squeeze %gather3A_1388 : memref<1x64x512xf32, #tpu.memory_space<vmem>> -> memref<64x512xf32, #tpu.memory_space<vmem>>
          %gather3A_1390 = tpu.vector_load_idx %gather3A_1389[%add3A_1385, %broadcast_in_dim3A_1367] : memref<64x512xf32, #tpu.memory_space<vmem>>[vector<16xi32>, vector<16xi32>], vector<16xf32>,
          %swap3A_1391 = arith.index_cast %and3A_1358 : i32 to index
          %swap3A_1392 = arith.constant 16 : index
          %swap3A_1393 = tpu.vector_load %arg10[%swap3A_1391, %swap3A_1392] {strides = array<i32>} : memref<16x64xf32, #tpu.memory_space<vmem>>, vector<16xf32>,
          tpu.vector_store %arg10[%swap3A_1391, %swap3A_1392], %gather3A_1390 {strides = array<i32>} : memref<16x64xf32, #tpu.memory_space<vmem>>, vector<16xf32>,
          %and3A_1394 = arith.constant 1 : i32
          %and3A_1395 = arith.andi %add3A_196, %and3A_1394 : i32
          %add3A_1396 = arith.constant 32 : i32
          %add3A_1397 = vector.broadcast %add3A_1396 : i32 to vector<16xi32>
          %add3A_1398 = arith.addi %iota3A, %add3A_1397 : vector<16xi32>
          %gather3A_1399 = arith.constant 0 : i32
          %gather3A_1400 = arith.constant 0 : i32
          %gather3A_1401 = tpu.memref_slice %arg9[%and3A_1395, %gather3A_1399, %gather3A_1400] : memref<2x64x512xf32, #tpu.memory_space<vmem>> -> memref<1x64x512xf32, #tpu.memory_space<vmem>>
          %gather3A_1402 = tpu.memref_squeeze %gather3A_1401 : memref<1x64x512xf32, #tpu.memory_space<vmem>> -> memref<64x512xf32, #tpu.memory_space<vmem>>
          %gather3A_1403 = tpu.vector_load_idx %gather3A_1402[%add3A_1398, %broadcast_in_dim3A_1367] : memref<64x512xf32, #tpu.memory_space<vmem>>[vector<16xi32>, vector<16xi32>], vector<16xf32>,
          %swap3A_1404 = arith.index_cast %and3A_1358 : i32 to index
          %swap3A_1405 = arith.constant 32 : index
          %swap3A_1406 = tpu.vector_load %arg10[%swap3A_1404, %swap3A_1405] {strides = array<i32>} : memref<16x64xf32, #tpu.memory_space<vmem>>, vector<16xf32>,
          tpu.vector_store %arg10[%swap3A_1404, %swap3A_1405], %gather3A_1403 {strides = array<i32>} : memref<16x64xf32, #tpu.memory_space<vmem>>, vector<16xf32>,
          %and3A_1407 = arith.constant 1 : i32
          %and3A_1408 = arith.andi %add3A_196, %and3A_1407 : i32
          %add3A_1409 = arith.constant 48 : i32
          %add3A_1410 = vector.broadcast %add3A_1409 : i32 to vector<16xi32>
          %add3A_1411 = arith.addi %iota3A, %add3A_1410 : vector<16xi32>
          %gather3A_1412 = arith.constant 0 : i32
          %gather3A_1413 = arith.constant 0 : i32
          %gather3A_1414 = tpu.memref_slice %arg9[%and3A_1408, %gather3A_1412, %gather3A_1413] : memref<2x64x512xf32, #tpu.memory_space<vmem>> -> memref<1x64x512xf32, #tpu.memory_space<vmem>>
          %gather3A_1415 = tpu.memref_squeeze %gather3A_1414 : memref<1x64x512xf32, #tpu.memory_space<vmem>> -> memref<64x512xf32, #tpu.memory_space<vmem>>
          %gather3A_1416 = tpu.vector_load_idx %gather3A_1415[%add3A_1411, %broadcast_in_dim3A_1367] : memref<64x512xf32, #tpu.memory_space<vmem>>[vector<16xi32>, vector<16xi32>], vector<16xf32>,
          %swap3A_1417 = arith.index_cast %and3A_1358 : i32 to index
          %swap3A_1418 = arith.constant 48 : index
          %swap3A_1419 = tpu.vector_load %arg10[%swap3A_1417, %swap3A_1418] {strides = array<i32>} : memref<16x64xf32, #tpu.memory_space<vmem>>, vector<16xf32>,
          tpu.vector_store %arg10[%swap3A_1417, %swap3A_1418], %gather3A_1416 {strides = array<i32>} : memref<16x64xf32, #tpu.memory_space<vmem>>, vector<16xf32>,
          %convert_element_type3A_1420 = arith.extui %lt3A_1348 : i1 to i32
          %cond3A_1421 = arith.constant 0 : i32
          %cond3A_1422 = arith.cmpi ne, %convert_element_type3A_1420, %cond3A_1421 : i32
          scf.if %cond3A_1422 {
            %and3A_1508 = arith.constant 16383 : i32
            %and3A_1509 = arith.andi %squeeze3A_1350, %and3A_1508 : i32
            %dma_start3A = arith.constant 0 : i32
            %dma_start3A_1510 = tpu.memref_slice %arg10[%and3A_1358, %dma_start3A] : memref<16x64xf32, #tpu.memory_space<vmem>> -> memref<1x64xf32, #tpu.memory_space<vmem>>
            %dma_start3A_1511 = arith.constant 0 : i32
            %dma_start3A_1512 = tpu.memref_slice %arg5[%and3A_1509, %dma_start3A_1511] : memref<16384x64xf32, #tpu.memory_space<hbm>> -> memref<1x64xf32, #tpu.memory_space<hbm>>
            %dma_start3A_1513 = arith.constant 0 : i32
            %dma_start3A_1514 = tpu.memref_slice %arg5[%and3A_1509, %dma_start3A_1513] : memref<16384x64xf32, #tpu.memory_space<hbm>> -> memref<1x64xf32, #tpu.memory_space<hbm>>
            %dma_start3A_1515 = arith.constant 0 : i32
            %dma_start3A_1516 = tpu.memref_slice %arg10[%and3A_1358, %dma_start3A_1515] : memref<16x64xf32, #tpu.memory_space<vmem>> -> memref<1x64xf32, #tpu.memory_space<vmem>>
            tpu.enqueue_dma source(%dma_start3A_1516 : memref<1x64xf32, #tpu.memory_space<vmem>>) target(%dma_start3A_1514 : memref<1x64xf32, #tpu.memory_space<hbm>>) target_semaphore(%arg12 : memref<!tpu.dma_semaphore, #tpu.memory_space<semaphore_mem>>)
          } else {
          }
          %mul3A_1423 = arith.constant 16 : i32
          %mul3A_1424 = arith.muli %while3A_237, %mul3A_1423 : i32
          %add3A_1425 = arith.constant 15 : i32
          %add3A_1426 = arith.addi %mul3A_1424, %add3A_1425 : i32
          %lt3A_1427 = arith.cmpi slt, %add3A_1426, %while3A_215 : i32
          %slice3A_1428 = vector.extract_strided_slice %get3A_241 {offsets = [15], sizes = [1], strides = [1]} : vector<16xi32> to vector<1xi32>
          %squeeze3A_1429 = vector.extract %slice3A_1428[0] : i32 from vector<1xi32>
          %shift_right_logical3A_1430 = arith.constant 14 : i32
          %shift_right_logical3A_1431 = arith.shrui %squeeze3A_1429, %shift_right_logical3A_1430 : i32
          %and3A_1432 = arith.constant 511 : i32
          %and3A_1433 = arith.andi %shift_right_logical3A_1431, %and3A_1432 : i32
          %add3A_1434 = arith.constant 15 : i32
          %add3A_1435 = arith.addi %while3A_238, %add3A_1434 : i32
          %and3A_1436 = arith.constant 15 : i32
          %and3A_1437 = arith.andi %add3A_1435, %and3A_1436 : i32
          %add3A_1438 = arith.constant 15 : i32
          %add3A_1439 = arith.addi %while3A_238, %add3A_1438 : i32
          %ge3A_1440 = arith.constant 16 : i32
          %ge3A_1441 = arith.cmpi sge, %add3A_1439, %ge3A_1440 : i32
          %and3A_1442 = arith.andi %lt3A_1427, %ge3A_1441 : i1
          %convert_element_type3A_1443 = arith.extui %and3A_1442 : i1 to i32
          %cond3A_1444 = arith.constant 0 : i32
          %cond3A_1445 = arith.cmpi ne, %convert_element_type3A_1443, %cond3A_1444 : i32
          scf.if %cond3A_1445 {
            %dma_wait3A = arith.constant 0 : i32
            %dma_wait3A_1508 = tpu.memref_slice %arg10[%and3A_1437, %dma_wait3A] : memref<16x64xf32, #tpu.memory_space<vmem>> -> memref<1x64xf32, #tpu.memory_space<vmem>>
            %dma_wait3A_1509 = arith.constant 0 : i32
            %dma_wait3A_1510 = arith.constant 0 : i32
            %dma_wait3A_1511 = tpu.memref_slice %arg5[%dma_wait3A_1509, %dma_wait3A_1510] : memref<16384x64xf32, #tpu.memory_space<hbm>> -> memref<1x64xf32, #tpu.memory_space<hbm>>
            %dma_wait3A_1512 = arith.constant 0 : i32
            %dma_wait3A_1513 = tpu.memref_slice %arg10[%and3A_1437, %dma_wait3A_1512] : memref<16x64xf32, #tpu.memory_space<vmem>> -> memref<1x64xf32, #tpu.memory_space<vmem>>
            %dma_wait3A_1514 = arith.constant 0 : i32
            %dma_wait3A_1515 = arith.constant 0 : i32
            %dma_wait3A_1516 = tpu.memref_slice %arg5[%dma_wait3A_1514, %dma_wait3A_1515] : memref<16384x64xf32, #tpu.memory_space<hbm>> -> memref<1x64xf32, #tpu.memory_space<hbm>>
            tpu.wait_dma2 semaphore(%arg12 : memref<!tpu.dma_semaphore, #tpu.memory_space<semaphore_mem>>) src(%dma_wait3A_1516 : memref<1x64xf32, #tpu.memory_space<hbm>>) dst(%dma_wait3A_1513 : memref<1x64xf32, #tpu.memory_space<vmem>>)
          } else {
          }
          %broadcast_in_dim3A_1446 = vector.broadcast %and3A_1433 : i32 to vector<16xi32>
          %and3A_1447 = arith.constant 1 : i32
          %and3A_1448 = arith.andi %add3A_196, %and3A_1447 : i32
          %add3A_1449 = arith.constant 0 : i32
          %add3A_1450 = vector.broadcast %add3A_1449 : i32 to vector<16xi32>
          %add3A_1451 = arith.addi %iota3A, %add3A_1450 : vector<16xi32>
          %gather3A_1452 = arith.constant 0 : i32
          %gather3A_1453 = arith.constant 0 : i32
          %gather3A_1454 = tpu.memref_slice %arg9[%and3A_1448, %gather3A_1452, %gather3A_1453] : memref<2x64x512xf32, #tpu.memory_space<vmem>> -> memref<1x64x512xf32, #tpu.memory_space<vmem>>
          %gather3A_1455 = tpu.memref_squeeze %gather3A_1454 : memref<1x64x512xf32, #tpu.memory_space<vmem>> -> memref<64x512xf32, #tpu.memory_space<vmem>>
          %gather3A_1456 = tpu.vector_load_idx %gather3A_1455[%add3A_1451, %broadcast_in_dim3A_1446] : memref<64x512xf32, #tpu.memory_space<vmem>>[vector<16xi32>, vector<16xi32>], vector<16xf32>,
          %swap3A_1457 = arith.index_cast %and3A_1437 : i32 to index
          %swap3A_1458 = arith.constant 0 : index
          %swap3A_1459 = tpu.vector_load %arg10[%swap3A_1457, %swap3A_1458] {strides = array<i32>} : memref<16x64xf32, #tpu.memory_space<vmem>>, vector<16xf32>,
          tpu.vector_store %arg10[%swap3A_1457, %swap3A_1458], %gather3A_1456 {strides = array<i32>} : memref<16x64xf32, #tpu.memory_space<vmem>>, vector<16xf32>,
          %and3A_1460 = arith.constant 1 : i32
          %and3A_1461 = arith.andi %add3A_196, %and3A_1460 : i32
          %add3A_1462 = arith.constant 16 : i32
          %add3A_1463 = vector.broadcast %add3A_1462 : i32 to vector<16xi32>
          %add3A_1464 = arith.addi %iota3A, %add3A_1463 : vector<16xi32>
          %gather3A_1465 = arith.constant 0 : i32
          %gather3A_1466 = arith.constant 0 : i32
          %gather3A_1467 = tpu.memref_slice %arg9[%and3A_1461, %gather3A_1465, %gather3A_1466] : memref<2x64x512xf32, #tpu.memory_space<vmem>> -> memref<1x64x512xf32, #tpu.memory_space<vmem>>
          %gather3A_1468 = tpu.memref_squeeze %gather3A_1467 : memref<1x64x512xf32, #tpu.memory_space<vmem>> -> memref<64x512xf32, #tpu.memory_space<vmem>>
          %gather3A_1469 = tpu.vector_load_idx %gather3A_1468[%add3A_1464, %broadcast_in_dim3A_1446] : memref<64x512xf32, #tpu.memory_space<vmem>>[vector<16xi32>, vector<16xi32>], vector<16xf32>,
          %swap3A_1470 = arith.index_cast %and3A_1437 : i32 to index
          %swap3A_1471 = arith.constant 16 : index
          %swap3A_1472 = tpu.vector_load %arg10[%swap3A_1470, %swap3A_1471] {strides = array<i32>} : memref<16x64xf32, #tpu.memory_space<vmem>>, vector<16xf32>,
          tpu.vector_store %arg10[%swap3A_1470, %swap3A_1471], %gather3A_1469 {strides = array<i32>} : memref<16x64xf32, #tpu.memory_space<vmem>>, vector<16xf32>,
          %and3A_1473 = arith.constant 1 : i32
          %and3A_1474 = arith.andi %add3A_196, %and3A_1473 : i32
          %add3A_1475 = arith.constant 32 : i32
          %add3A_1476 = vector.broadcast %add3A_1475 : i32 to vector<16xi32>
          %add3A_1477 = arith.addi %iota3A, %add3A_1476 : vector<16xi32>
          %gather3A_1478 = arith.constant 0 : i32
          %gather3A_1479 = arith.constant 0 : i32
          %gather3A_1480 = tpu.memref_slice %arg9[%and3A_1474, %gather3A_1478, %gather3A_1479] : memref<2x64x512xf32, #tpu.memory_space<vmem>> -> memref<1x64x512xf32, #tpu.memory_space<vmem>>
          %gather3A_1481 = tpu.memref_squeeze %gather3A_1480 : memref<1x64x512xf32, #tpu.memory_space<vmem>> -> memref<64x512xf32, #tpu.memory_space<vmem>>
          %gather3A_1482 = tpu.vector_load_idx %gather3A_1481[%add3A_1477, %broadcast_in_dim3A_1446] : memref<64x512xf32, #tpu.memory_space<vmem>>[vector<16xi32>, vector<16xi32>], vector<16xf32>,
          %swap3A_1483 = arith.index_cast %and3A_1437 : i32 to index
          %swap3A_1484 = arith.constant 32 : index
          %swap3A_1485 = tpu.vector_load %arg10[%swap3A_1483, %swap3A_1484] {strides = array<i32>} : memref<16x64xf32, #tpu.memory_space<vmem>>, vector<16xf32>,
          tpu.vector_store %arg10[%swap3A_1483, %swap3A_1484], %gather3A_1482 {strides = array<i32>} : memref<16x64xf32, #tpu.memory_space<vmem>>, vector<16xf32>,
          %and3A_1486 = arith.constant 1 : i32
          %and3A_1487 = arith.andi %add3A_196, %and3A_1486 : i32
          %add3A_1488 = arith.constant 48 : i32
          %add3A_1489 = vector.broadcast %add3A_1488 : i32 to vector<16xi32>
          %add3A_1490 = arith.addi %iota3A, %add3A_1489 : vector<16xi32>
          %gather3A_1491 = arith.constant 0 : i32
          %gather3A_1492 = arith.constant 0 : i32
          %gather3A_1493 = tpu.memref_slice %arg9[%and3A_1487, %gather3A_1491, %gather3A_1492] : memref<2x64x512xf32, #tpu.memory_space<vmem>> -> memref<1x64x512xf32, #tpu.memory_space<vmem>>
          %gather3A_1494 = tpu.memref_squeeze %gather3A_1493 : memref<1x64x512xf32, #tpu.memory_space<vmem>> -> memref<64x512xf32, #tpu.memory_space<vmem>>
          %gather3A_1495 = tpu.vector_load_idx %gather3A_1494[%add3A_1490, %broadcast_in_dim3A_1446] : memref<64x512xf32, #tpu.memory_space<vmem>>[vector<16xi32>, vector<16xi32>], vector<16xf32>,
          %swap3A_1496 = arith.index_cast %and3A_1437 : i32 to index
          %swap3A_1497 = arith.constant 48 : index
          %swap3A_1498 = tpu.vector_load %arg10[%swap3A_1496, %swap3A_1497] {strides = array<i32>} : memref<16x64xf32, #tpu.memory_space<vmem>>, vector<16xf32>,
          tpu.vector_store %arg10[%swap3A_1496, %swap3A_1497], %gather3A_1495 {strides = array<i32>} : memref<16x64xf32, #tpu.memory_space<vmem>>, vector<16xf32>,
          %convert_element_type3A_1499 = arith.extui %lt3A_1427 : i1 to i32
          %cond3A_1500 = arith.constant 0 : i32
          %cond3A_1501 = arith.cmpi ne, %convert_element_type3A_1499, %cond3A_1500 : i32
          scf.if %cond3A_1501 {
            %and3A_1508 = arith.constant 16383 : i32
            %and3A_1509 = arith.andi %squeeze3A_1429, %and3A_1508 : i32
            %dma_start3A = arith.constant 0 : i32
            %dma_start3A_1510 = tpu.memref_slice %arg10[%and3A_1437, %dma_start3A] : memref<16x64xf32, #tpu.memory_space<vmem>> -> memref<1x64xf32, #tpu.memory_space<vmem>>
            %dma_start3A_1511 = arith.constant 0 : i32
            %dma_start3A_1512 = tpu.memref_slice %arg5[%and3A_1509, %dma_start3A_1511] : memref<16384x64xf32, #tpu.memory_space<hbm>> -> memref<1x64xf32, #tpu.memory_space<hbm>>
            %dma_start3A_1513 = arith.constant 0 : i32
            %dma_start3A_1514 = tpu.memref_slice %arg5[%and3A_1509, %dma_start3A_1513] : memref<16384x64xf32, #tpu.memory_space<hbm>> -> memref<1x64xf32, #tpu.memory_space<hbm>>
            %dma_start3A_1515 = arith.constant 0 : i32
            %dma_start3A_1516 = tpu.memref_slice %arg10[%and3A_1437, %dma_start3A_1515] : memref<16x64xf32, #tpu.memory_space<vmem>> -> memref<1x64xf32, #tpu.memory_space<vmem>>
            tpu.enqueue_dma source(%dma_start3A_1516 : memref<1x64xf32, #tpu.memory_space<vmem>>) target(%dma_start3A_1514 : memref<1x64xf32, #tpu.memory_space<hbm>>) target_semaphore(%arg12 : memref<!tpu.dma_semaphore, #tpu.memory_space<semaphore_mem>>)
          } else {
          }
          %mul3A_1502 = arith.constant 16 : i32
          %mul3A_1503 = arith.muli %while3A_237, %mul3A_1502 : i32
          %sub3A_1504 = arith.subi %while3A_215, %mul3A_1503 : i32
          %min3A_1505 = arith.constant 16 : i32
          %min3A_1506 = arith.minsi %sub3A_1504, %min3A_1505 : i32
          %add3A_1507 = arith.addi %while3A_238, %min3A_1506 : i32
          scf.yield %add3A_1507 : i32
        }
        scf.yield %while3A_236 : i32
      }
      %scan3A_191 = arith.constant 4 : i32
      scf.yield %scan3A_190 : i32
    }
    %scan3A_77 = arith.constant 16 : i32
    %ge3A_78 = arith.constant 1 : i32
    %ge3A_79 = arith.cmpi sge, %scan3A_76, %ge3A_78 : i32
    %convert_element_type3A_80 = arith.extui %ge3A_79 : i1 to i32
    %cond3A_81 = arith.constant 0 : i32
    %cond3A_82 = arith.cmpi ne, %convert_element_type3A_80, %cond3A_81 : i32
    scf.if %cond3A_82 {
      %sub3A_158 = arith.constant 1 : i32
      %sub3A_159 = arith.subi %scan3A_76, %sub3A_158 : i32
      %sub3A_160 = arith.constant 0 : i32
      %sub3A_161 = arith.subi %sub3A_159, %sub3A_160 : i32
      %and3A_162 = arith.constant 15 : i32
      %and3A_163 = arith.andi %sub3A_161, %and3A_162 : i32
      %dma_wait3A = arith.constant 0 : i32
      %dma_wait3A_164 = tpu.memref_slice %arg10[%and3A_163, %dma_wait3A] : memref<16x64xf32, #tpu.memory_space<vmem>> -> memref<1x64xf32, #tpu.memory_space<vmem>>
      %dma_wait3A_165 = arith.constant 0 : i32
      %dma_wait3A_166 = arith.constant 0 : i32
      %dma_wait3A_167 = tpu.memref_slice %arg5[%dma_wait3A_165, %dma_wait3A_166] : memref<16384x64xf32, #tpu.memory_space<hbm>> -> memref<1x64xf32, #tpu.memory_space<hbm>>
      %dma_wait3A_168 = arith.constant 0 : i32
      %dma_wait3A_169 = tpu.memref_slice %arg10[%and3A_163, %dma_wait3A_168] : memref<16x64xf32, #tpu.memory_space<vmem>> -> memref<1x64xf32, #tpu.memory_space<vmem>>
      %dma_wait3A_170 = arith.constant 0 : i32
      %dma_wait3A_171 = arith.constant 0 : i32
      %dma_wait3A_172 = tpu.memref_slice %arg5[%dma_wait3A_170, %dma_wait3A_171] : memref<16384x64xf32, #tpu.memory_space<hbm>> -> memref<1x64xf32, #tpu.memory_space<hbm>>
      tpu.wait_dma2 semaphore(%arg12 : memref<!tpu.dma_semaphore, #tpu.memory_space<semaphore_mem>>) src(%dma_wait3A_172 : memref<1x64xf32, #tpu.memory_space<hbm>>) dst(%dma_wait3A_169 : memref<1x64xf32, #tpu.memory_space<vmem>>)
    } else {
    }
    %ge3A_83 = arith.constant 2 : i32
    %ge3A_84 = arith.cmpi sge, %scan3A_76, %ge3A_83 : i32
    %convert_element_type3A_85 = arith.extui %ge3A_84 : i1 to i32
    %cond3A_86 = arith.constant 0 : i32
    %cond3A_87 = arith.cmpi ne, %convert_element_type3A_85, %cond3A_86 : i32
    scf.if %cond3A_87 {
      %sub3A_158 = arith.constant 1 : i32
      %sub3A_159 = arith.subi %scan3A_76, %sub3A_158 : i32
      %sub3A_160 = arith.constant 1 : i32
      %sub3A_161 = arith.subi %sub3A_159, %sub3A_160 : i32
      %and3A_162 = arith.constant 15 : i32
      %and3A_163 = arith.andi %sub3A_161, %and3A_162 : i32
      %dma_wait3A = arith.constant 0 : i32
      %dma_wait3A_164 = tpu.memref_slice %arg10[%and3A_163, %dma_wait3A] : memref<16x64xf32, #tpu.memory_space<vmem>> -> memref<1x64xf32, #tpu.memory_space<vmem>>
      %dma_wait3A_165 = arith.constant 0 : i32
      %dma_wait3A_166 = arith.constant 0 : i32
      %dma_wait3A_167 = tpu.memref_slice %arg5[%dma_wait3A_165, %dma_wait3A_166] : memref<16384x64xf32, #tpu.memory_space<hbm>> -> memref<1x64xf32, #tpu.memory_space<hbm>>
      %dma_wait3A_168 = arith.constant 0 : i32
      %dma_wait3A_169 = tpu.memref_slice %arg10[%and3A_163, %dma_wait3A_168] : memref<16x64xf32, #tpu.memory_space<vmem>> -> memref<1x64xf32, #tpu.memory_space<vmem>>
      %dma_wait3A_170 = arith.constant 0 : i32
      %dma_wait3A_171 = arith.constant 0 : i32
      %dma_wait3A_172 = tpu.memref_slice %arg5[%dma_wait3A_170, %dma_wait3A_171] : memref<16384x64xf32, #tpu.memory_space<hbm>> -> memref<1x64xf32, #tpu.memory_space<hbm>>
      tpu.wait_dma2 semaphore(%arg12 : memref<!tpu.dma_semaphore, #tpu.memory_space<semaphore_mem>>) src(%dma_wait3A_172 : memref<1x64xf32, #tpu.memory_space<hbm>>) dst(%dma_wait3A_169 : memref<1x64xf32, #tpu.memory_space<vmem>>)
    } else {
    }
    %ge3A_88 = arith.constant 3 : i32
    %ge3A_89 = arith.cmpi sge, %scan3A_76, %ge3A_88 : i32
    %convert_element_type3A_90 = arith.extui %ge3A_89 : i1 to i32
    %cond3A_91 = arith.constant 0 : i32
    %cond3A_92 = arith.cmpi ne, %convert_element_type3A_90, %cond3A_91 : i32
    scf.if %cond3A_92 {
      %sub3A_158 = arith.constant 1 : i32
      %sub3A_159 = arith.subi %scan3A_76, %sub3A_158 : i32
      %sub3A_160 = arith.constant 2 : i32
      %sub3A_161 = arith.subi %sub3A_159, %sub3A_160 : i32
      %and3A_162 = arith.constant 15 : i32
      %and3A_163 = arith.andi %sub3A_161, %and3A_162 : i32
      %dma_wait3A = arith.constant 0 : i32
      %dma_wait3A_164 = tpu.memref_slice %arg10[%and3A_163, %dma_wait3A] : memref<16x64xf32, #tpu.memory_space<vmem>> -> memref<1x64xf32, #tpu.memory_space<vmem>>
      %dma_wait3A_165 = arith.constant 0 : i32
      %dma_wait3A_166 = arith.constant 0 : i32
      %dma_wait3A_167 = tpu.memref_slice %arg5[%dma_wait3A_165, %dma_wait3A_166] : memref<16384x64xf32, #tpu.memory_space<hbm>> -> memref<1x64xf32, #tpu.memory_space<hbm>>
      %dma_wait3A_168 = arith.constant 0 : i32
      %dma_wait3A_169 = tpu.memref_slice %arg10[%and3A_163, %dma_wait3A_168] : memref<16x64xf32, #tpu.memory_space<vmem>> -> memref<1x64xf32, #tpu.memory_space<vmem>>
      %dma_wait3A_170 = arith.constant 0 : i32
      %dma_wait3A_171 = arith.constant 0 : i32
      %dma_wait3A_172 = tpu.memref_slice %arg5[%dma_wait3A_170, %dma_wait3A_171] : memref<16384x64xf32, #tpu.memory_space<hbm>> -> memref<1x64xf32, #tpu.memory_space<hbm>>
      tpu.wait_dma2 semaphore(%arg12 : memref<!tpu.dma_semaphore, #tpu.memory_space<semaphore_mem>>) src(%dma_wait3A_172 : memref<1x64xf32, #tpu.memory_space<hbm>>) dst(%dma_wait3A_169 : memref<1x64xf32, #tpu.memory_space<vmem>>)
    } else {
    }
    %ge3A_93 = arith.constant 4 : i32
    %ge3A_94 = arith.cmpi sge, %scan3A_76, %ge3A_93 : i32
    %convert_element_type3A_95 = arith.extui %ge3A_94 : i1 to i32
    %cond3A_96 = arith.constant 0 : i32
    %cond3A_97 = arith.cmpi ne, %convert_element_type3A_95, %cond3A_96 : i32
    scf.if %cond3A_97 {
      %sub3A_158 = arith.constant 1 : i32
      %sub3A_159 = arith.subi %scan3A_76, %sub3A_158 : i32
      %sub3A_160 = arith.constant 3 : i32
      %sub3A_161 = arith.subi %sub3A_159, %sub3A_160 : i32
      %and3A_162 = arith.constant 15 : i32
      %and3A_163 = arith.andi %sub3A_161, %and3A_162 : i32
      %dma_wait3A = arith.constant 0 : i32
      %dma_wait3A_164 = tpu.memref_slice %arg10[%and3A_163, %dma_wait3A] : memref<16x64xf32, #tpu.memory_space<vmem>> -> memref<1x64xf32, #tpu.memory_space<vmem>>
      %dma_wait3A_165 = arith.constant 0 : i32
      %dma_wait3A_166 = arith.constant 0 : i32
      %dma_wait3A_167 = tpu.memref_slice %arg5[%dma_wait3A_165, %dma_wait3A_166] : memref<16384x64xf32, #tpu.memory_space<hbm>> -> memref<1x64xf32, #tpu.memory_space<hbm>>
      %dma_wait3A_168 = arith.constant 0 : i32
      %dma_wait3A_169 = tpu.memref_slice %arg10[%and3A_163, %dma_wait3A_168] : memref<16x64xf32, #tpu.memory_space<vmem>> -> memref<1x64xf32, #tpu.memory_space<vmem>>
      %dma_wait3A_170 = arith.constant 0 : i32
      %dma_wait3A_171 = arith.constant 0 : i32
      %dma_wait3A_172 = tpu.memref_slice %arg5[%dma_wait3A_170, %dma_wait3A_171] : memref<16384x64xf32, #tpu.memory_space<hbm>> -> memref<1x64xf32, #tpu.memory_space<hbm>>
      tpu.wait_dma2 semaphore(%arg12 : memref<!tpu.dma_semaphore, #tpu.memory_space<semaphore_mem>>) src(%dma_wait3A_172 : memref<1x64xf32, #tpu.memory_space<hbm>>) dst(%dma_wait3A_169 : memref<1x64xf32, #tpu.memory_space<vmem>>)
    } else {
    }
    %ge3A_98 = arith.constant 5 : i32
    %ge3A_99 = arith.cmpi sge, %scan3A_76, %ge3A_98 : i32
    %convert_element_type3A_100 = arith.extui %ge3A_99 : i1 to i32
    %cond3A_101 = arith.constant 0 : i32
    %cond3A_102 = arith.cmpi ne, %convert_element_type3A_100, %cond3A_101 : i32
    scf.if %cond3A_102 {
      %sub3A_158 = arith.constant 1 : i32
      %sub3A_159 = arith.subi %scan3A_76, %sub3A_158 : i32
      %sub3A_160 = arith.constant 4 : i32
      %sub3A_161 = arith.subi %sub3A_159, %sub3A_160 : i32
      %and3A_162 = arith.constant 15 : i32
      %and3A_163 = arith.andi %sub3A_161, %and3A_162 : i32
      %dma_wait3A = arith.constant 0 : i32
      %dma_wait3A_164 = tpu.memref_slice %arg10[%and3A_163, %dma_wait3A] : memref<16x64xf32, #tpu.memory_space<vmem>> -> memref<1x64xf32, #tpu.memory_space<vmem>>
      %dma_wait3A_165 = arith.constant 0 : i32
      %dma_wait3A_166 = arith.constant 0 : i32
      %dma_wait3A_167 = tpu.memref_slice %arg5[%dma_wait3A_165, %dma_wait3A_166] : memref<16384x64xf32, #tpu.memory_space<hbm>> -> memref<1x64xf32, #tpu.memory_space<hbm>>
      %dma_wait3A_168 = arith.constant 0 : i32
      %dma_wait3A_169 = tpu.memref_slice %arg10[%and3A_163, %dma_wait3A_168] : memref<16x64xf32, #tpu.memory_space<vmem>> -> memref<1x64xf32, #tpu.memory_space<vmem>>
      %dma_wait3A_170 = arith.constant 0 : i32
      %dma_wait3A_171 = arith.constant 0 : i32
      %dma_wait3A_172 = tpu.memref_slice %arg5[%dma_wait3A_170, %dma_wait3A_171] : memref<16384x64xf32, #tpu.memory_space<hbm>> -> memref<1x64xf32, #tpu.memory_space<hbm>>
      tpu.wait_dma2 semaphore(%arg12 : memref<!tpu.dma_semaphore, #tpu.memory_space<semaphore_mem>>) src(%dma_wait3A_172 : memref<1x64xf32, #tpu.memory_space<hbm>>) dst(%dma_wait3A_169 : memref<1x64xf32, #tpu.memory_space<vmem>>)
    } else {
    }
    %ge3A_103 = arith.constant 6 : i32
    %ge3A_104 = arith.cmpi sge, %scan3A_76, %ge3A_103 : i32
    %convert_element_type3A_105 = arith.extui %ge3A_104 : i1 to i32
    %cond3A_106 = arith.constant 0 : i32
    %cond3A_107 = arith.cmpi ne, %convert_element_type3A_105, %cond3A_106 : i32
    scf.if %cond3A_107 {
      %sub3A_158 = arith.constant 1 : i32
      %sub3A_159 = arith.subi %scan3A_76, %sub3A_158 : i32
      %sub3A_160 = arith.constant 5 : i32
      %sub3A_161 = arith.subi %sub3A_159, %sub3A_160 : i32
      %and3A_162 = arith.constant 15 : i32
      %and3A_163 = arith.andi %sub3A_161, %and3A_162 : i32
      %dma_wait3A = arith.constant 0 : i32
      %dma_wait3A_164 = tpu.memref_slice %arg10[%and3A_163, %dma_wait3A] : memref<16x64xf32, #tpu.memory_space<vmem>> -> memref<1x64xf32, #tpu.memory_space<vmem>>
      %dma_wait3A_165 = arith.constant 0 : i32
      %dma_wait3A_166 = arith.constant 0 : i32
      %dma_wait3A_167 = tpu.memref_slice %arg5[%dma_wait3A_165, %dma_wait3A_166] : memref<16384x64xf32, #tpu.memory_space<hbm>> -> memref<1x64xf32, #tpu.memory_space<hbm>>
      %dma_wait3A_168 = arith.constant 0 : i32
      %dma_wait3A_169 = tpu.memref_slice %arg10[%and3A_163, %dma_wait3A_168] : memref<16x64xf32, #tpu.memory_space<vmem>> -> memref<1x64xf32, #tpu.memory_space<vmem>>
      %dma_wait3A_170 = arith.constant 0 : i32
      %dma_wait3A_171 = arith.constant 0 : i32
      %dma_wait3A_172 = tpu.memref_slice %arg5[%dma_wait3A_170, %dma_wait3A_171] : memref<16384x64xf32, #tpu.memory_space<hbm>> -> memref<1x64xf32, #tpu.memory_space<hbm>>
      tpu.wait_dma2 semaphore(%arg12 : memref<!tpu.dma_semaphore, #tpu.memory_space<semaphore_mem>>) src(%dma_wait3A_172 : memref<1x64xf32, #tpu.memory_space<hbm>>) dst(%dma_wait3A_169 : memref<1x64xf32, #tpu.memory_space<vmem>>)
    } else {
    }
    %ge3A_108 = arith.constant 7 : i32
    %ge3A_109 = arith.cmpi sge, %scan3A_76, %ge3A_108 : i32
    %convert_element_type3A_110 = arith.extui %ge3A_109 : i1 to i32
    %cond3A_111 = arith.constant 0 : i32
    %cond3A_112 = arith.cmpi ne, %convert_element_type3A_110, %cond3A_111 : i32
    scf.if %cond3A_112 {
      %sub3A_158 = arith.constant 1 : i32
      %sub3A_159 = arith.subi %scan3A_76, %sub3A_158 : i32
      %sub3A_160 = arith.constant 6 : i32
      %sub3A_161 = arith.subi %sub3A_159, %sub3A_160 : i32
      %and3A_162 = arith.constant 15 : i32
      %and3A_163 = arith.andi %sub3A_161, %and3A_162 : i32
      %dma_wait3A = arith.constant 0 : i32
      %dma_wait3A_164 = tpu.memref_slice %arg10[%and3A_163, %dma_wait3A] : memref<16x64xf32, #tpu.memory_space<vmem>> -> memref<1x64xf32, #tpu.memory_space<vmem>>
      %dma_wait3A_165 = arith.constant 0 : i32
      %dma_wait3A_166 = arith.constant 0 : i32
      %dma_wait3A_167 = tpu.memref_slice %arg5[%dma_wait3A_165, %dma_wait3A_166] : memref<16384x64xf32, #tpu.memory_space<hbm>> -> memref<1x64xf32, #tpu.memory_space<hbm>>
      %dma_wait3A_168 = arith.constant 0 : i32
      %dma_wait3A_169 = tpu.memref_slice %arg10[%and3A_163, %dma_wait3A_168] : memref<16x64xf32, #tpu.memory_space<vmem>> -> memref<1x64xf32, #tpu.memory_space<vmem>>
      %dma_wait3A_170 = arith.constant 0 : i32
      %dma_wait3A_171 = arith.constant 0 : i32
      %dma_wait3A_172 = tpu.memref_slice %arg5[%dma_wait3A_170, %dma_wait3A_171] : memref<16384x64xf32, #tpu.memory_space<hbm>> -> memref<1x64xf32, #tpu.memory_space<hbm>>
      tpu.wait_dma2 semaphore(%arg12 : memref<!tpu.dma_semaphore, #tpu.memory_space<semaphore_mem>>) src(%dma_wait3A_172 : memref<1x64xf32, #tpu.memory_space<hbm>>) dst(%dma_wait3A_169 : memref<1x64xf32, #tpu.memory_space<vmem>>)
    } else {
    }
    %ge3A_113 = arith.constant 8 : i32
    %ge3A_114 = arith.cmpi sge, %scan3A_76, %ge3A_113 : i32
    %convert_element_type3A_115 = arith.extui %ge3A_114 : i1 to i32
    %cond3A_116 = arith.constant 0 : i32
    %cond3A_117 = arith.cmpi ne, %convert_element_type3A_115, %cond3A_116 : i32
    scf.if %cond3A_117 {
      %sub3A_158 = arith.constant 1 : i32
      %sub3A_159 = arith.subi %scan3A_76, %sub3A_158 : i32
      %sub3A_160 = arith.constant 7 : i32
      %sub3A_161 = arith.subi %sub3A_159, %sub3A_160 : i32
      %and3A_162 = arith.constant 15 : i32
      %and3A_163 = arith.andi %sub3A_161, %and3A_162 : i32
      %dma_wait3A = arith.constant 0 : i32
      %dma_wait3A_164 = tpu.memref_slice %arg10[%and3A_163, %dma_wait3A] : memref<16x64xf32, #tpu.memory_space<vmem>> -> memref<1x64xf32, #tpu.memory_space<vmem>>
      %dma_wait3A_165 = arith.constant 0 : i32
      %dma_wait3A_166 = arith.constant 0 : i32
      %dma_wait3A_167 = tpu.memref_slice %arg5[%dma_wait3A_165, %dma_wait3A_166] : memref<16384x64xf32, #tpu.memory_space<hbm>> -> memref<1x64xf32, #tpu.memory_space<hbm>>
      %dma_wait3A_168 = arith.constant 0 : i32
      %dma_wait3A_169 = tpu.memref_slice %arg10[%and3A_163, %dma_wait3A_168] : memref<16x64xf32, #tpu.memory_space<vmem>> -> memref<1x64xf32, #tpu.memory_space<vmem>>
      %dma_wait3A_170 = arith.constant 0 : i32
      %dma_wait3A_171 = arith.constant 0 : i32
      %dma_wait3A_172 = tpu.memref_slice %arg5[%dma_wait3A_170, %dma_wait3A_171] : memref<16384x64xf32, #tpu.memory_space<hbm>> -> memref<1x64xf32, #tpu.memory_space<hbm>>
      tpu.wait_dma2 semaphore(%arg12 : memref<!tpu.dma_semaphore, #tpu.memory_space<semaphore_mem>>) src(%dma_wait3A_172 : memref<1x64xf32, #tpu.memory_space<hbm>>) dst(%dma_wait3A_169 : memref<1x64xf32, #tpu.memory_space<vmem>>)
    } else {
    }
    %ge3A_118 = arith.constant 9 : i32
    %ge3A_119 = arith.cmpi sge, %scan3A_76, %ge3A_118 : i32
    %convert_element_type3A_120 = arith.extui %ge3A_119 : i1 to i32
    %cond3A_121 = arith.constant 0 : i32
    %cond3A_122 = arith.cmpi ne, %convert_element_type3A_120, %cond3A_121 : i32
    scf.if %cond3A_122 {
      %sub3A_158 = arith.constant 1 : i32
      %sub3A_159 = arith.subi %scan3A_76, %sub3A_158 : i32
      %sub3A_160 = arith.constant 8 : i32
      %sub3A_161 = arith.subi %sub3A_159, %sub3A_160 : i32
      %and3A_162 = arith.constant 15 : i32
      %and3A_163 = arith.andi %sub3A_161, %and3A_162 : i32
      %dma_wait3A = arith.constant 0 : i32
      %dma_wait3A_164 = tpu.memref_slice %arg10[%and3A_163, %dma_wait3A] : memref<16x64xf32, #tpu.memory_space<vmem>> -> memref<1x64xf32, #tpu.memory_space<vmem>>
      %dma_wait3A_165 = arith.constant 0 : i32
      %dma_wait3A_166 = arith.constant 0 : i32
      %dma_wait3A_167 = tpu.memref_slice %arg5[%dma_wait3A_165, %dma_wait3A_166] : memref<16384x64xf32, #tpu.memory_space<hbm>> -> memref<1x64xf32, #tpu.memory_space<hbm>>
      %dma_wait3A_168 = arith.constant 0 : i32
      %dma_wait3A_169 = tpu.memref_slice %arg10[%and3A_163, %dma_wait3A_168] : memref<16x64xf32, #tpu.memory_space<vmem>> -> memref<1x64xf32, #tpu.memory_space<vmem>>
      %dma_wait3A_170 = arith.constant 0 : i32
      %dma_wait3A_171 = arith.constant 0 : i32
      %dma_wait3A_172 = tpu.memref_slice %arg5[%dma_wait3A_170, %dma_wait3A_171] : memref<16384x64xf32, #tpu.memory_space<hbm>> -> memref<1x64xf32, #tpu.memory_space<hbm>>
      tpu.wait_dma2 semaphore(%arg12 : memref<!tpu.dma_semaphore, #tpu.memory_space<semaphore_mem>>) src(%dma_wait3A_172 : memref<1x64xf32, #tpu.memory_space<hbm>>) dst(%dma_wait3A_169 : memref<1x64xf32, #tpu.memory_space<vmem>>)
    } else {
    }
    %ge3A_123 = arith.constant 10 : i32
    %ge3A_124 = arith.cmpi sge, %scan3A_76, %ge3A_123 : i32
    %convert_element_type3A_125 = arith.extui %ge3A_124 : i1 to i32
    %cond3A_126 = arith.constant 0 : i32
    %cond3A_127 = arith.cmpi ne, %convert_element_type3A_125, %cond3A_126 : i32
    scf.if %cond3A_127 {
      %sub3A_158 = arith.constant 1 : i32
      %sub3A_159 = arith.subi %scan3A_76, %sub3A_158 : i32
      %sub3A_160 = arith.constant 9 : i32
      %sub3A_161 = arith.subi %sub3A_159, %sub3A_160 : i32
      %and3A_162 = arith.constant 15 : i32
      %and3A_163 = arith.andi %sub3A_161, %and3A_162 : i32
      %dma_wait3A = arith.constant 0 : i32
      %dma_wait3A_164 = tpu.memref_slice %arg10[%and3A_163, %dma_wait3A] : memref<16x64xf32, #tpu.memory_space<vmem>> -> memref<1x64xf32, #tpu.memory_space<vmem>>
      %dma_wait3A_165 = arith.constant 0 : i32
      %dma_wait3A_166 = arith.constant 0 : i32
      %dma_wait3A_167 = tpu.memref_slice %arg5[%dma_wait3A_165, %dma_wait3A_166] : memref<16384x64xf32, #tpu.memory_space<hbm>> -> memref<1x64xf32, #tpu.memory_space<hbm>>
      %dma_wait3A_168 = arith.constant 0 : i32
      %dma_wait3A_169 = tpu.memref_slice %arg10[%and3A_163, %dma_wait3A_168] : memref<16x64xf32, #tpu.memory_space<vmem>> -> memref<1x64xf32, #tpu.memory_space<vmem>>
      %dma_wait3A_170 = arith.constant 0 : i32
      %dma_wait3A_171 = arith.constant 0 : i32
      %dma_wait3A_172 = tpu.memref_slice %arg5[%dma_wait3A_170, %dma_wait3A_171] : memref<16384x64xf32, #tpu.memory_space<hbm>> -> memref<1x64xf32, #tpu.memory_space<hbm>>
      tpu.wait_dma2 semaphore(%arg12 : memref<!tpu.dma_semaphore, #tpu.memory_space<semaphore_mem>>) src(%dma_wait3A_172 : memref<1x64xf32, #tpu.memory_space<hbm>>) dst(%dma_wait3A_169 : memref<1x64xf32, #tpu.memory_space<vmem>>)
    } else {
    }
    %ge3A_128 = arith.constant 11 : i32
    %ge3A_129 = arith.cmpi sge, %scan3A_76, %ge3A_128 : i32
    %convert_element_type3A_130 = arith.extui %ge3A_129 : i1 to i32
    %cond3A_131 = arith.constant 0 : i32
    %cond3A_132 = arith.cmpi ne, %convert_element_type3A_130, %cond3A_131 : i32
    scf.if %cond3A_132 {
      %sub3A_158 = arith.constant 1 : i32
      %sub3A_159 = arith.subi %scan3A_76, %sub3A_158 : i32
      %sub3A_160 = arith.constant 10 : i32
      %sub3A_161 = arith.subi %sub3A_159, %sub3A_160 : i32
      %and3A_162 = arith.constant 15 : i32
      %and3A_163 = arith.andi %sub3A_161, %and3A_162 : i32
      %dma_wait3A = arith.constant 0 : i32
      %dma_wait3A_164 = tpu.memref_slice %arg10[%and3A_163, %dma_wait3A] : memref<16x64xf32, #tpu.memory_space<vmem>> -> memref<1x64xf32, #tpu.memory_space<vmem>>
      %dma_wait3A_165 = arith.constant 0 : i32
      %dma_wait3A_166 = arith.constant 0 : i32
      %dma_wait3A_167 = tpu.memref_slice %arg5[%dma_wait3A_165, %dma_wait3A_166] : memref<16384x64xf32, #tpu.memory_space<hbm>> -> memref<1x64xf32, #tpu.memory_space<hbm>>
      %dma_wait3A_168 = arith.constant 0 : i32
      %dma_wait3A_169 = tpu.memref_slice %arg10[%and3A_163, %dma_wait3A_168] : memref<16x64xf32, #tpu.memory_space<vmem>> -> memref<1x64xf32, #tpu.memory_space<vmem>>
      %dma_wait3A_170 = arith.constant 0 : i32
      %dma_wait3A_171 = arith.constant 0 : i32
      %dma_wait3A_172 = tpu.memref_slice %arg5[%dma_wait3A_170, %dma_wait3A_171] : memref<16384x64xf32, #tpu.memory_space<hbm>> -> memref<1x64xf32, #tpu.memory_space<hbm>>
      tpu.wait_dma2 semaphore(%arg12 : memref<!tpu.dma_semaphore, #tpu.memory_space<semaphore_mem>>) src(%dma_wait3A_172 : memref<1x64xf32, #tpu.memory_space<hbm>>) dst(%dma_wait3A_169 : memref<1x64xf32, #tpu.memory_space<vmem>>)
    } else {
    }
    %ge3A_133 = arith.constant 12 : i32
    %ge3A_134 = arith.cmpi sge, %scan3A_76, %ge3A_133 : i32
    %convert_element_type3A_135 = arith.extui %ge3A_134 : i1 to i32
    %cond3A_136 = arith.constant 0 : i32
    %cond3A_137 = arith.cmpi ne, %convert_element_type3A_135, %cond3A_136 : i32
    scf.if %cond3A_137 {
      %sub3A_158 = arith.constant 1 : i32
      %sub3A_159 = arith.subi %scan3A_76, %sub3A_158 : i32
      %sub3A_160 = arith.constant 11 : i32
      %sub3A_161 = arith.subi %sub3A_159, %sub3A_160 : i32
      %and3A_162 = arith.constant 15 : i32
      %and3A_163 = arith.andi %sub3A_161, %and3A_162 : i32
      %dma_wait3A = arith.constant 0 : i32
      %dma_wait3A_164 = tpu.memref_slice %arg10[%and3A_163, %dma_wait3A] : memref<16x64xf32, #tpu.memory_space<vmem>> -> memref<1x64xf32, #tpu.memory_space<vmem>>
      %dma_wait3A_165 = arith.constant 0 : i32
      %dma_wait3A_166 = arith.constant 0 : i32
      %dma_wait3A_167 = tpu.memref_slice %arg5[%dma_wait3A_165, %dma_wait3A_166] : memref<16384x64xf32, #tpu.memory_space<hbm>> -> memref<1x64xf32, #tpu.memory_space<hbm>>
      %dma_wait3A_168 = arith.constant 0 : i32
      %dma_wait3A_169 = tpu.memref_slice %arg10[%and3A_163, %dma_wait3A_168] : memref<16x64xf32, #tpu.memory_space<vmem>> -> memref<1x64xf32, #tpu.memory_space<vmem>>
      %dma_wait3A_170 = arith.constant 0 : i32
      %dma_wait3A_171 = arith.constant 0 : i32
      %dma_wait3A_172 = tpu.memref_slice %arg5[%dma_wait3A_170, %dma_wait3A_171] : memref<16384x64xf32, #tpu.memory_space<hbm>> -> memref<1x64xf32, #tpu.memory_space<hbm>>
      tpu.wait_dma2 semaphore(%arg12 : memref<!tpu.dma_semaphore, #tpu.memory_space<semaphore_mem>>) src(%dma_wait3A_172 : memref<1x64xf32, #tpu.memory_space<hbm>>) dst(%dma_wait3A_169 : memref<1x64xf32, #tpu.memory_space<vmem>>)
    } else {
    }
    %ge3A_138 = arith.constant 13 : i32
    %ge3A_139 = arith.cmpi sge, %scan3A_76, %ge3A_138 : i32
    %convert_element_type3A_140 = arith.extui %ge3A_139 : i1 to i32
    %cond3A_141 = arith.constant 0 : i32
    %cond3A_142 = arith.cmpi ne, %convert_element_type3A_140, %cond3A_141 : i32
    scf.if %cond3A_142 {
      %sub3A_158 = arith.constant 1 : i32
      %sub3A_159 = arith.subi %scan3A_76, %sub3A_158 : i32
      %sub3A_160 = arith.constant 12 : i32
      %sub3A_161 = arith.subi %sub3A_159, %sub3A_160 : i32
      %and3A_162 = arith.constant 15 : i32
      %and3A_163 = arith.andi %sub3A_161, %and3A_162 : i32
      %dma_wait3A = arith.constant 0 : i32
      %dma_wait3A_164 = tpu.memref_slice %arg10[%and3A_163, %dma_wait3A] : memref<16x64xf32, #tpu.memory_space<vmem>> -> memref<1x64xf32, #tpu.memory_space<vmem>>
      %dma_wait3A_165 = arith.constant 0 : i32
      %dma_wait3A_166 = arith.constant 0 : i32
      %dma_wait3A_167 = tpu.memref_slice %arg5[%dma_wait3A_165, %dma_wait3A_166] : memref<16384x64xf32, #tpu.memory_space<hbm>> -> memref<1x64xf32, #tpu.memory_space<hbm>>
      %dma_wait3A_168 = arith.constant 0 : i32
      %dma_wait3A_169 = tpu.memref_slice %arg10[%and3A_163, %dma_wait3A_168] : memref<16x64xf32, #tpu.memory_space<vmem>> -> memref<1x64xf32, #tpu.memory_space<vmem>>
      %dma_wait3A_170 = arith.constant 0 : i32
      %dma_wait3A_171 = arith.constant 0 : i32
      %dma_wait3A_172 = tpu.memref_slice %arg5[%dma_wait3A_170, %dma_wait3A_171] : memref<16384x64xf32, #tpu.memory_space<hbm>> -> memref<1x64xf32, #tpu.memory_space<hbm>>
      tpu.wait_dma2 semaphore(%arg12 : memref<!tpu.dma_semaphore, #tpu.memory_space<semaphore_mem>>) src(%dma_wait3A_172 : memref<1x64xf32, #tpu.memory_space<hbm>>) dst(%dma_wait3A_169 : memref<1x64xf32, #tpu.memory_space<vmem>>)
    } else {
    }
    %ge3A_143 = arith.constant 14 : i32
    %ge3A_144 = arith.cmpi sge, %scan3A_76, %ge3A_143 : i32
    %convert_element_type3A_145 = arith.extui %ge3A_144 : i1 to i32
    %cond3A_146 = arith.constant 0 : i32
    %cond3A_147 = arith.cmpi ne, %convert_element_type3A_145, %cond3A_146 : i32
    scf.if %cond3A_147 {
      %sub3A_158 = arith.constant 1 : i32
      %sub3A_159 = arith.subi %scan3A_76, %sub3A_158 : i32
      %sub3A_160 = arith.constant 13 : i32
      %sub3A_161 = arith.subi %sub3A_159, %sub3A_160 : i32
      %and3A_162 = arith.constant 15 : i32
      %and3A_163 = arith.andi %sub3A_161, %and3A_162 : i32
      %dma_wait3A = arith.constant 0 : i32
      %dma_wait3A_164 = tpu.memref_slice %arg10[%and3A_163, %dma_wait3A] : memref<16x64xf32, #tpu.memory_space<vmem>> -> memref<1x64xf32, #tpu.memory_space<vmem>>
      %dma_wait3A_165 = arith.constant 0 : i32
      %dma_wait3A_166 = arith.constant 0 : i32
      %dma_wait3A_167 = tpu.memref_slice %arg5[%dma_wait3A_165, %dma_wait3A_166] : memref<16384x64xf32, #tpu.memory_space<hbm>> -> memref<1x64xf32, #tpu.memory_space<hbm>>
      %dma_wait3A_168 = arith.constant 0 : i32
      %dma_wait3A_169 = tpu.memref_slice %arg10[%and3A_163, %dma_wait3A_168] : memref<16x64xf32, #tpu.memory_space<vmem>> -> memref<1x64xf32, #tpu.memory_space<vmem>>
      %dma_wait3A_170 = arith.constant 0 : i32
      %dma_wait3A_171 = arith.constant 0 : i32
      %dma_wait3A_172 = tpu.memref_slice %arg5[%dma_wait3A_170, %dma_wait3A_171] : memref<16384x64xf32, #tpu.memory_space<hbm>> -> memref<1x64xf32, #tpu.memory_space<hbm>>
      tpu.wait_dma2 semaphore(%arg12 : memref<!tpu.dma_semaphore, #tpu.memory_space<semaphore_mem>>) src(%dma_wait3A_172 : memref<1x64xf32, #tpu.memory_space<hbm>>) dst(%dma_wait3A_169 : memref<1x64xf32, #tpu.memory_space<vmem>>)
    } else {
    }
    %ge3A_148 = arith.constant 15 : i32
    %ge3A_149 = arith.cmpi sge, %scan3A_76, %ge3A_148 : i32
    %convert_element_type3A_150 = arith.extui %ge3A_149 : i1 to i32
    %cond3A_151 = arith.constant 0 : i32
    %cond3A_152 = arith.cmpi ne, %convert_element_type3A_150, %cond3A_151 : i32
    scf.if %cond3A_152 {
      %sub3A_158 = arith.constant 1 : i32
      %sub3A_159 = arith.subi %scan3A_76, %sub3A_158 : i32
      %sub3A_160 = arith.constant 14 : i32
      %sub3A_161 = arith.subi %sub3A_159, %sub3A_160 : i32
      %and3A_162 = arith.constant 15 : i32
      %and3A_163 = arith.andi %sub3A_161, %and3A_162 : i32
      %dma_wait3A = arith.constant 0 : i32
      %dma_wait3A_164 = tpu.memref_slice %arg10[%and3A_163, %dma_wait3A] : memref<16x64xf32, #tpu.memory_space<vmem>> -> memref<1x64xf32, #tpu.memory_space<vmem>>
      %dma_wait3A_165 = arith.constant 0 : i32
      %dma_wait3A_166 = arith.constant 0 : i32
      %dma_wait3A_167 = tpu.memref_slice %arg5[%dma_wait3A_165, %dma_wait3A_166] : memref<16384x64xf32, #tpu.memory_space<hbm>> -> memref<1x64xf32, #tpu.memory_space<hbm>>
      %dma_wait3A_168 = arith.constant 0 : i32
      %dma_wait3A_169 = tpu.memref_slice %arg10[%and3A_163, %dma_wait3A_168] : memref<16x64xf32, #tpu.memory_space<vmem>> -> memref<1x64xf32, #tpu.memory_space<vmem>>
      %dma_wait3A_170 = arith.constant 0 : i32
      %dma_wait3A_171 = arith.constant 0 : i32
      %dma_wait3A_172 = tpu.memref_slice %arg5[%dma_wait3A_170, %dma_wait3A_171] : memref<16384x64xf32, #tpu.memory_space<hbm>> -> memref<1x64xf32, #tpu.memory_space<hbm>>
      tpu.wait_dma2 semaphore(%arg12 : memref<!tpu.dma_semaphore, #tpu.memory_space<semaphore_mem>>) src(%dma_wait3A_172 : memref<1x64xf32, #tpu.memory_space<hbm>>) dst(%dma_wait3A_169 : memref<1x64xf32, #tpu.memory_space<vmem>>)
    } else {
    }
    %ge3A_153 = arith.constant 16 : i32
    %ge3A_154 = arith.cmpi sge, %scan3A_76, %ge3A_153 : i32
    %convert_element_type3A_155 = arith.extui %ge3A_154 : i1 to i32
    %cond3A_156 = arith.constant 0 : i32
    %cond3A_157 = arith.cmpi ne, %convert_element_type3A_155, %cond3A_156 : i32
    scf.if %cond3A_157 {
      %sub3A_158 = arith.constant 1 : i32
      %sub3A_159 = arith.subi %scan3A_76, %sub3A_158 : i32
      %sub3A_160 = arith.constant 15 : i32
      %sub3A_161 = arith.subi %sub3A_159, %sub3A_160 : i32
      %and3A_162 = arith.constant 15 : i32
      %and3A_163 = arith.andi %sub3A_161, %and3A_162 : i32
      %dma_wait3A = arith.constant 0 : i32
      %dma_wait3A_164 = tpu.memref_slice %arg10[%and3A_163, %dma_wait3A] : memref<16x64xf32, #tpu.memory_space<vmem>> -> memref<1x64xf32, #tpu.memory_space<vmem>>
      %dma_wait3A_165 = arith.constant 0 : i32
      %dma_wait3A_166 = arith.constant 0 : i32
      %dma_wait3A_167 = tpu.memref_slice %arg5[%dma_wait3A_165, %dma_wait3A_166] : memref<16384x64xf32, #tpu.memory_space<hbm>> -> memref<1x64xf32, #tpu.memory_space<hbm>>
      %dma_wait3A_168 = arith.constant 0 : i32
      %dma_wait3A_169 = tpu.memref_slice %arg10[%and3A_163, %dma_wait3A_168] : memref<16x64xf32, #tpu.memory_space<vmem>> -> memref<1x64xf32, #tpu.memory_space<vmem>>
      %dma_wait3A_170 = arith.constant 0 : i32
      %dma_wait3A_171 = arith.constant 0 : i32
      %dma_wait3A_172 = tpu.memref_slice %arg5[%dma_wait3A_170, %dma_wait3A_171] : memref<16384x64xf32, #tpu.memory_space<hbm>> -> memref<1x64xf32, #tpu.memory_space<hbm>>
      tpu.wait_dma2 semaphore(%arg12 : memref<!tpu.dma_semaphore, #tpu.memory_space<semaphore_mem>>) src(%dma_wait3A_172 : memref<1x64xf32, #tpu.memory_space<hbm>>) dst(%dma_wait3A_169 : memref<1x64xf32, #tpu.memory_space<vmem>>)
    } else {
    }
    return
  }
}

</mosaic_0001>

<sc_bundles>
// kernel: kernel.3.cloned.1.call-start
scs
__scs_entry_jumppad:
0x0: {  	(pc) =	sbr.rel $0x88, $3  }
0x1: {  	(tag) =	ssettag $0x0;
	lr =	simm.s32 $0x1  }
0x2: {  	[smem:$0x3F9F] =	sst lr;
	_ =	strace $0xD0000000  }
0x3: {  	_ = 	snop  }
0x4: {  	_ = 	snop  }
0x5: {  	_ = 	snop  }
0x6: {  	_ = 	snop  }
0x7: {  	_ = 	snop  }
__scs_overlays_trampoline_lowered:
0x8: {  	[smem:$0x3FAE] =	sst s0  }
0x9: {  	[smem:$0x3FAF] =	sst s1  }
0xa: {  	[smem:$0x3FB0] =	sst s2  }
0xb: {  	[smem:$0x3FB1] =	sst s3  }
0xc: {  	[smem:$0x3FB2] =	sst s4  }
0xd: {  	[smem:$0x3FB3] =	sst s5  }
0xe: {  	[smem:$0x3FB4] =	sst s6  }
0xf: {  	[smem:$0x3FB5] =	sst s7  }
0x10: {  	[smem:$0x3FB6] =	sst s8  }
0x11: {  	[smem:$0x3FB7] =	sst s9;
	s0 =	simm.s32 @!p0 $0x0  }
0x12: {  	s1 =	sld [smem:$0x3F9D];
	s0 =	simm.s32 @p0 $0x1  }
0x13: {  	[smem:$0x3FB8] =	sst s0;
	s0 =	simm.s32 @!p1 $0x0  }
0x14: {  	s2 =	sld [smem:$0x3F9C];
	s0 =	simm.s32 @p1 $0x1  }
0x15: {  	[smem:$0x3FB9] =	sst s0;
	s0 =	simm.s32 @!p2 $0x0  }
0x16: {  	s3 =	sld [smem:$0x3FDB];
	s0 =	simm.s32 @p2 $0x1  }
0x17: {  	s4 =	simm.s32 $0x1BF5;
	[smem:$0x3FBB] =	sst s0  }
0x18: {  	s0 =	sld [smem:$0x3F9E];
	_ =	swait.ge [sflag:s4], $0x0  }
0x19: {  	s7 =	sld [smem:$0x3F9F]  }
0x1a: {  	s8 =	sadd.s32 $0xFFFFE003, lr  }
0x1b: {  	s9 =	sadd.s32 $0xFFFFFEF7, lr;
	s5 =	simm.s32 $0xFFFFFFFF;
	p2 =	slt.u32 s8, $0xFFFFF086  }
0x1c: {  	p1 =	slt.u32 s9, $0xF7A;
	s5 =	simm.s32 @!p2 $0x0  }
0x1d: {  	s5 =	simm.s32 @p1 $0x1;
	p0 =	seq.s32 s7, s2  }
0x1e: {  	s7 =	smul.u32 @!p0 $0xF7A, s2;
	p2 =	seq.s32 @!p0 s5, $0x0  }
0x1f: {  	s9 =	smul.u32 $0xF7A, s1;
	s8 =	simm.s32 @!p0 $0x1BF5;
	p2 =	por !p2, p0  }
0x20: {  	[sflag:s8] =	ssyncset.s32 @!p0 $0xFFFFF086;
	s6 =	sadd.s32 @!p0 s3, s7;
	s7 =	simm.s32 @!p0 $0x108  }
0x21: {  	s3 =	sadd.s32 s3, s9;
	s6 =	sadd.s32 @!p0 $0x88, s6;
	s7 =	simm.s32 @p2 $0x1082  }
0x22: {  	[simem:s7], [sflag:s8] =	dma.local @!p0 [hbm:s6], $0xF7A  }
0x23: {  	s9 =	sor.u32 $0xD0000000, s2;
	s6 =	simm.s32 $0x108;
	_ =	swait.ge @!p0 [sflag:s8], $0x0  }
0x24: {  	s3 =	sadd.s32 $0x88, s3;
	s6 =	simm.s32 @!p1 $0x1082;
	[sflag:s4] =	ssyncset.s32 $0xFFFFF086  }
0x25: {  	[simem:s6], [sflag:s4] =	dma.local [hbm:s3], $0xF7A  }
0x26: {  	[smem:$0x3F9F] =	sst s1;
	(tag) =	ssettag s2;
	_ =	strace s9  }
0x27: {  	s1 =	sld [smem:$0x3FAF]  }
0x28: {  	s2 =	sld [smem:$0x3FB0]  }
0x29: {  	s4 =	sld [smem:$0x3FB2]  }
0x2a: {  	p0 =	seq.s32 s5, $0x0;
	s5 =	sld [smem:$0x3FB3]  }
0x2b: {  	s6 =	sld [smem:$0x3FB4]  }
0x2c: {  	s7 =	sld [smem:$0x3FB5]  }
0x2d: {  	s3 =	simm.s32 $0x108;
	s8 =	sld [smem:$0x3FB6]  }
0x2e: {  	s3 =	simm.s32 @!p0 $0x1082;
	s9 =	sld [smem:$0x3FB7]  }
0x2f: {  	lr =	sadd.s32 s0, s3;
	s0 =	sld [smem:$0x3FAE]  }
0x30: {  	s3 =	sld [smem:$0x3FB1]  }
0x31: {  	[smem:$0x3FBA] =	sst s10  }
0x32: {  	s10 =	sld [smem:$0x3FB8];
	_ =	sdelay $0x3  }
0x33: {  	p0 =	seq.s32 s10, $0x1;
	s10 =	sld [smem:$0x3FBA];
	_ =	sdelay $0x3  }
0x34: {  	[smem:$0x3FBA] =	sst s10  }
0x35: {  	s10 =	sld [smem:$0x3FB9];
	_ =	sdelay $0x3  }
0x36: {  	p1 =	seq.s32 s10, $0x1;
	s10 =	sld [smem:$0x3FBA];
	_ =	sdelay $0x3  }
0x37: {  	[smem:$0x3FBA] =	sst s10  }
0x38: {  	s10 =	sld [smem:$0x3FBB]  }
0x39: {  	_ = 	snop;
	(pc) =	sbr.ind lr, $3  }
0x3a: {  	_ = 	snop  }
0x3b: {  	_ = 	snop  }
0x3c: {  	p2 =	seq.s32 s10, $0x1;
	s10 =	sld [smem:$0x3FBA]  }
0x3d: {  	_ =	shalt  }
0x3e: {  	_ =	shalt  }
0x3f: {  	_ =	shalt  }
0x40: {  	_ =	shalt  }
0x41: {  	_ =	shalt  }
0x42: {  	_ =	shalt  }
0x43: {  	_ =	shalt  }
0x44: {  	_ =	shalt  }
0x45: {  	_ =	shalt  }
0x46: {  	_ =	shalt  }
0x47: {  	_ =	shalt  }
0x48: {  	_ =	shalt  }
0x49: {  	_ =	shalt  }
0x4a: {  	_ =	shalt  }
0x4b: {  	_ =	shalt  }
0x4c: {  	_ =	shalt  }
0x4d: {  	_ =	shalt  }
0x4e: {  	_ =	shalt  }
0x4f: {  	_ =	shalt  }
0x50: {  	_ =	shalt  }
0x51: {  	_ =	shalt  }
0x52: {  	_ =	shalt  }
0x53: {  	_ =	shalt  }
0x54: {  	_ =	shalt  }
0x55: {  	_ =	shalt  }
0x56: {  	_ =	shalt  }
0x57: {  	_ =	shalt  }
0x58: {  	_ =	shalt  }
0x59: {  	_ =	shalt  }
0x5a: {  	_ =	shalt  }
0x5b: {  	_ =	shalt  }
0x5c: {  	_ =	shalt  }
0x5d: {  	_ =	shalt  }
0x5e: {  	_ =	shalt  }
0x5f: {  	_ =	shalt  }
0x60: {  	_ =	shalt  }
0x61: {  	_ =	shalt  }
0x62: {  	_ =	shalt  }
0x63: {  	_ =	shalt  }
0x64: {  	_ =	shalt  }
0x65: {  	_ =	shalt  }
0x66: {  	_ =	shalt  }
0x67: {  	_ =	shalt  }
0x68: {  	_ =	shalt  }
0x69: {  	_ =	shalt  }
0x6a: {  	_ =	shalt  }
0x6b: {  	_ =	shalt  }
0x6c: {  	_ =	shalt  }
0x6d: {  	_ =	shalt  }
0x6e: {  	_ =	shalt  }
0x6f: {  	_ =	shalt  }
0x70: {  	_ =	shalt  }
0x71: {  	_ =	shalt  }
0x72: {  	_ =	shalt  }
0x73: {  	_ =	shalt  }
0x74: {  	_ =	shalt  }
0x75: {  	_ =	shalt  }
0x76: {  	_ =	shalt  }
0x77: {  	_ =	shalt  }
0x78: {  	_ =	shalt  }
0x79: {  	_ =	shalt  }
0x7a: {  	_ =	shalt  }
0x7b: {  	_ =	shalt  }
0x7c: {  	_ =	shalt  }
0x7d: {  	_ =	shalt  }
0x7e: {  	_ =	shalt  }
0x7f: {  	_ =	shalt  }
0x80: {  	_ =	shalt  }
0x81: {  	_ =	shalt  }
0x82: {  	_ =	shalt  }
0x83: {  	_ =	shalt  }
0x84: {  	_ =	shalt  }
0x85: {  	_ =	shalt  }
0x86: {  	_ =	shalt  }
0x87: {  	_ =	shalt  }
.Lfunc_end0:
.L_simem_size_0:
called_computation_lowered:
.L_overlay_start_0:
0x88: {  	s2 =	sld [smem:$0x3FD9]  }
0x89: {  	s3 =	sld [smem:$0x3FFE];
	_ =	sdelay $0x1  }
0x8a: {  	s1 =	srdreg.scid  }
0x8b: {  	s0 =	sand.u32 $0x1, s1  }
0x8c: {  	s17 =	sshll.u32 s0, $0xA;
	s2 =	sadd.s32 s3, s2  }
0x8d: {  	s2 =	sadd.s32 s2, s17  }
0x8e: {  	[smem:$0x3FC6] =	sst s2  }
0x8f: {  	_ = 	snop  }
0x90: {  	s2 =	sld [smem:$0x3FC9]  }
0x91: {  	s18 =	sld [smem:$0x3FC8]  }
0x92: {  	s4 =	sld [smem:$0x3FD0];
	(tm) =	ssettm $0x1  }
0x93: {  	s5 =	sld [smem:$0x3FFB];
	_ =	sdelay $0x3  }
0x94: {  	_ =	strace s5  }
0x95: {  	s5 =	sld [smem:$0x3FFC];
	_ =	sdelay $0x3  }
0x96: {  	_ =	strace s5  }
0x97: {  	s5 =	sld [smem:$0x3FFD];
	_ =	sdelay $0x3  }
0x98: {  	_ =	strace s5  }
0x99: {  	_ =	strace $0x8FFFFFFF  }
0x9a: {  	s19 =	sld [smem:$0x3FDB];
	_ =	sdelay $0x1  }
0x9b: {  	s6 =	simm.s32 $_scs_section_size  }
0x9c: {  	s7 =	simm.s32 $_size__tile_overlayer_lowered;
	s8 =	simm.s32 $_tile_overlayer_lowered  }
0x9d: {  	s22 =	simm.s32 $0x1BFF;
	s21 =	sshll.u32 s8, $0x1;
	s5 =	sadd.s32 s6, s19  }
0x9e: {  	s9 =	simm.s32 $0x0;
	s20 =	sshll.u32 s7, $0x1;
	s7 =	sadd.s32 s21, s5  }
0x9f: {  	[timem:s9], [sflag:s22] =	dma.local [hbm:s7], s20  }
0xa0: {  	_ =	swait.ge [sflag:s22], s20  }
0xa1: {  	s6 =	ssub.s32 $0x0, s20;
	[sflag:s22] =	ssyncset.done $0x0  }
0xa2: {  	[sflag:s22] =	ssyncadd.s32 s6;
	_ =	sdelay $0x1  }
0xa3: {  	s23 =	simm.s32 $0x1B8B  }
0xa4: {  	_ =	swait.ge [sflag:s23], $0x1  }
0xa5: {  	[sflag:s23] =	ssyncset.done $0x0  }
0xa6: {  	s25 =	simm.s32 $0x1B8E;
	s24 =	sld [smem:$0x3FFE];
	[sflag:s23] =	ssyncadd.s32 $0xFFFFFFFF  }
0xa7: {  	s26 =	simm.s32 $execute0_lowered;
	[smem:$0x3FD2] =	sst s25  }
0xa8: {  	s7 =	sshll.u32 s26, $0x1;
	_ =	strace $0x80000046;
	[dreg:$0x1] =	wrdreg $0xFFFFFFFF  }
0xa9: {  	s28 =	simm.s32 $_size_execute0_lowered;
	s5 =	sadd.s32 s5, s7;
	[dreg:$0x0] =	wrdreg $0x0  }
0xaa: {  	s7 =	sshll.u32 s28, $0x1;
	[dreg:$0x2] =	wrdreg s5  }
0xab: {  	[dreg:$0x3] =	wrdreg s7  }
0xac: {  	[dreg:$0x4] =	wrdreg $0xC0  }
0xad: {  	_ =	task [dreg:s9], $0x5FFFF  }
0xae: {  	[dreg:$0x1] =	wrdreg $0xFFFFFFFF  }
0xaf: {  	[dreg:$0x0] =	wrdreg $0x60  }
0xb0: {  	[dreg:$0x2] =	wrdreg s2  }
0xb1: {  	[dreg:$0x3] =	wrdreg s18  }
0xb2: {  	[dreg:$0x4] =	wrdreg s4  }
0xb3: {  	[dreg:$0x5] =	wrdreg s24  }
0xb4: {  	[dreg:$0x6] =	wrdreg $0x9  }
0xb5: {  	_ =	task.clear_ibuf [dreg:s9], $0x7FFFF;
	_ =	strace $0x90000046  }
0xb6: {  	s29 =	simm.s32 $0x9;
	_ =	strace $0x80000048  }
0xb7: {  	_ =	swait.ge [sflag:s29], $0x1  }
0xb8: {  	[sflag:s29] =	ssyncadd.s32 $0xFFFFFFFF  }
0xb9: {  	_ =	strace $0x90000048  }
0xba: {  	_ =	sfence  }
0xbb: {  	s30 =	sld [smem:$0x0];
	_ =	sdelay $0x2  }
0xbc: {  	s31 =	sshll.u32 s1, $0xD;
	s1 =	sshrl.u32 s1, $0x2  }
0xbd: {  	s3 =	sand.u32 $0x4000, s31;
	s1 =	sadd.s32 s1, s30  }
0xbe: {  	s0 =	sor.u32 s3, s0;
	s1 =	sshll.u32 s1, $0x11  }
0xbf: {  	s0 =	sor.u32 s1, s0  }
0xc0: {  	s0 =	sadd.s32 $0x8F2B, s0  }
0xc1: {  	[sflag:s0] =	ssyncadd.remote.s32 $0x1  }
0xc2: {  	_ =	sfence.sel $0xFFFF  }
0xc3: {  	[dreg:$0x0] =	wrdreg $0xFFFFFFFF;
	(pc) =	sbr.abs _section_cstart, $3  }
0xc4: {  	[dreg:$0x1] =	wrdreg $0xFFFFFFFF  }
0xc5: {  	_ =	task.clear_ibuf [dreg:s9], $0x2FFFF;
	_ =	strace $0x9FFFFFFF  }
0xc6: {  	(tm) =	ssettm $0x7FFFFFFF  }
0xc7: {  	_ =	shalt  }
tec
execute0_lowered:
.L_overlay_start_1:
0x0: {  	(tag) =	ssettag $0x1  }
0x1: {  	v0 =	vimm.s32 $0x1380;
	vm14 =	vcmask $0x300;
	vm13 =	vcmask $0x704  }
0x2: {  	vm12 =	vcmask $0xB08;
	vm11 =	vcmask $0xF0C;
	vm10 =	vcmask $0x1310  }
0x3: {  	vm9 =	vcmask $0x1714;
	vm8 =	vcmask $0x1B18;
	vm7 =	vcmask $0x1F1C  }
0x4: {  	vm6 =	vcmask $0x2320;
	vm5 =	vcmask $0x2724;
	vm4 =	vcmask $0x2B28  }
0x5: {  	vm3 =	vcmask $0x2F2C;
	vm2 =	vcmask $0x3330;
	vm1 =	vcmask $0x3734  }
0x6: {  	vm0 =	vcmask $0x3B38;
	v4 =	vimm.s32 $0x7FFFFFFF;
	v6 =	vimm.s32 $0x3380  }
0x7: {  	v7 =	vimm.s32 $0x5380;
	v8 =	vimm.s32 $0x7380;
	v0 =	vsel vm14, $0x0, v0  }
0x8: {  	v6 =	vsel vm14, $0x2000, v6;
	v7 =	vsel vm14, $0x4000, v7;
	v8 =	vsel vm14, $0x6000, v8  }
0x9: {  	v0 =	vsel vm13, $0x80, v0;
	v6 =	vsel vm13, $0x2080, v6;
	v7 =	vsel vm13, $0x4080, v7  }
0xa: {  	v8 =	vsel vm13, $0x6080, v8;
	v0 =	vsel vm12, $0x100, v0;
	v6 =	vsel vm12, $0x2100, v6  }
0xb: {  	v7 =	vsel vm12, $0x4100, v7;
	v8 =	vsel vm12, $0x6100, v8;
	v0 =	vsel vm11, $0x180, v0  }
0xc: {  	v6 =	vsel vm11, $0x2180, v6;
	v7 =	vsel vm11, $0x4180, v7;
	v8 =	vsel vm11, $0x6180, v8  }
0xd: {  	v0 =	vsel vm10, $0x200, v0;
	v6 =	vsel vm10, $0x2200, v6;
	v7 =	vsel vm10, $0x4200, v7  }
0xe: {  	s1 =	srdreg.scid;
	v8 =	vsel vm10, $0x6200, v8;
	v0 =	vsel vm9, $0x280, v0;
	v6 =	vsel vm9, $0x2280, v6  }
0xf: {  	s0 =	stileid.u32;
	s3 =	rddreg [dreg:$0x2];
	s7 =	sand.u32 $0x1, s1;
	v7 =	vsel vm9, $0x4280, v7;
	v8 =	vsel vm9, $0x6280, v8;
	v0 =	vsel vm8, $0x300, v0  }
0x10: {  	s6 =	rddreg [dreg:$0x3];
	s28 =	sshll.u32 s0, $0x9;
	s2 =	sshll.u32 s7, $0x8;
	v6 =	vsel vm8, $0x2300, v6;
	v7 =	vsel vm8, $0x4300, v7;
	v8 =	vsel vm8, $0x6300, v8  }
0x11: {  	s5 =	simm.s32 $0x0;
	s13 =	simm.s32 $0x2;
	s12 =	sor.u32 s2, s28;
	v0 =	vsel vm7, $0x380, v0;
	v6 =	vsel vm7, $0x2380, v6;
	v7 =	vsel vm7, $0x4380, v7  }
0x12: {  	s14 =	simm.s32 $0x8100;
	s15 =	simm.s32 $0x0;
	s9 =	smin.u32 s12, $0x1D85;
	v8 =	vsel vm7, $0x6380, v8;
	v0 =	vsel vm6, $0x1000, v0;
	v6 =	vsel vm6, $0x3000, v6  }
0x13: {  	s1 =	rddreg [dreg:$0x0];
	s8 =	smin.u32 s12, $0x1E85;
	s30 =	sadd.s32 $0x103, s9;
	v7 =	vsel vm6, $0x5000, v7;
	v8 =	vsel vm6, $0x7000, v8;
	v0 =	vsel vm5, $0x1080, v0  }
0x14: {  	s10 =	ssub.s32 $0x2, s7;
	s7 =	sshrl.u32 s8, $0x2;
	v6 =	vsel vm5, $0x3080, v6;
	v1 =	vsel vm4, $0x1100, v0;
	v0 =	vmov s8;
	s8 =	sshrl.u32 s30, $0x2  }
0x15: {  	[smem:$0x7FF] =	sst s5;
	s6 =	sadd.s32 $0x400, s6;
	v7 =	vsel vm5, $0x5080, v7;
	v8 =	vsel vm5, $0x7080, v8;
	v6 =	vsel vm4, $0x3100, v6;
	p1 =	sge.u32 s7, s8  }
0x16: {  	s2 =	rddreg [dreg:$0x1];
	s29 =	sadd.s32 $0x100, s9;
	v7 =	vsel vm4, $0x5100, v7;
	v8 =	vsel vm4, $0x7100, v8;
	v2 =	vsel vm3, $0x1180, v1;
	p0 =	sgt.u32 @!p1 s12, $0x1E83  }
0x17: {  	_ =	strace $0x80000047;
	s11 =	sshrl.u32 s10, $0x1;
	v1 =	vmov s29;
	v6 =	vsel vm3, $0x3180, v6;
	v7 =	vsel vm3, $0x5180, v7;
	p0 =	por p0, p1  }
.Ltmp0:
0x18: {  	v8 =	vsel vm3, $0x7180, v8;
	v3 =	vsel vm2, $0x1200, v2;
	v2 =	vimm.s32 $0x0;
	p2 =	sne.s32 @!p1 s7, $0x7A1;
	s0 =	simm.s32 @!p0 $0x0;
	(pc) =	sbr.rel .LBB2_1-.Ltmp0, $4  }
0x19: {  	s10 =	ssub.s32 s10, s11;
	v6 =	vsel vm2, $0x3200, v6;
	v7 =	vsel vm2, $0x5200, v7;
	v8 =	vsel vm2, $0x7200, v8;
	s0 =	simm.s32 @p0 $0x1;
	p0 =	por p2, p1  }
0x1a: {  	s11 =	simm.s32 $0x3;
	v5 =	vsel vm1, $0x1280, v3;
	v3 =	vlaneseq.u32;
	v6 =	vsel vm1, $0x3280, v6;
	[smem:$0x7FC] =	sst s0;
	s0 =	simm.s32 @!p0 $0x0  }
0x1b: {  	s10 =	smax.u32 s10, $0x1;
	s31 =	sshll.u32 s7, $0x9;
	v7 =	vsel vm1, $0x5280, v7;
	v8 =	vsel vm1, $0x7280, v8;
	v5 =	vsel vm0, $0x1300, v5;
	s0 =	simm.s32 @p0 $0x1  }
0x1c: {  	s9 =	sadd.s32 s2, s31;
	s12 =	simm.s32 $0x4080;
	v6 =	vsel vm0, $0x3300, v6;
	v7 =	vsel vm0, $0x5300, v7;
	v8 =	vsel vm0, $0x7300, v8;
	[smem:$0x7FD] =	sst s0  }
.LBB2_26:
0x1d: {  	s15 =	sadd.s32 $0x1, s15  }
0x1e: {  	p0 =	sne.s32 s15, s10  }
.Ltmp1:
0x1f: {  	_ = 	snop;
	(pc) =	sbr.rel @!p0 .LBB2_27-.Ltmp1, $1  }
0x20: {  	_ =	sdelay $0x3  }
.LBB2_1:
0x21: {  	[tilespmem:s14], [sflag:$0x3] =	stream.linear.gather [hbm4b:s1+s5], $0x4000, $0x38;
	[tilespmem:$0x1C980] =	vst v63  }
0x22: {  	_ =	swait.ge [sflag:s11], $0x4000  }
0x23: {  	[sflag:s11] =	ssyncset.done $0x0  }
0x24: {  	[sflag:s11] =	ssyncadd.s32 $0xFFFFC000  }
0x25: {  	v9 =	vld [tilespmem:s14+$0x0];
	_ =	sdelay $0x4  }
0x26: {  	v10 =	vshrl.u32 v9, $0x7  }
0x27: {  	vm0 =	vge.u32 v10, v0;
	vm1 =	vlt.u32 v10, v1  }
0x28: {  	vm0 =	vmand vm0, vm1  }
0x29: {  	v11 =	vsel vm0, $0x1, v2  }
0x2a: {  	(xrf0) =	vadd.scan.msk.s32 $0xffff, v11  }
0x2b: {  	s16 =	simm.s32 $0x10;
	s20 =	simm.s32 $0x20  }
0x2c: {  	s17 =	simm.s32 $0x0;
	s19 =	simm.s32 $0x0;
	s18 =	simm.s32 $0x8100  }
.LBB2_2:
0x2d: {  	p2 =	sne.s32 s20, $0x3FF0;
	_ =	sdelay $0x1  }
0x2e: {  	v11 =	vsel vm0, $0xFFFFFFFF, v2  }
0x2f: {  	v11 =	vadd.s32 s17, v11;
	v12, _, _ =	vpop (xrf0)  }
0x30: {  	v10 =	vsub.s32 v10, v0;
	v9 =	vshll.u32 v9, $0xE;
	v11 =	vadd.s32 v12, v11  }
0x31: {  	v10 =	vshll.u32 v10, $0x15;
	v9 =	vand.u32 $0x1FC000, v9;
	(v2sf) =	vpush v12, $0xF  }
0x32: {  	v9 =	vor.u32 v9, v10  }
0x33: {  	v9 =	vadd.s32 s19, v9;
	s19 =	smov.u32 s16;
	s16 =	smov.u32 s20  }
0x34: {  	v9 =	vadd.s32 v3, v9  }
0x35: {  	s18 =	sadd.s32 $0x10, s18;
	[tilespmem:v11+s5+$0x0] =	vst.idx.msk vm0, v9  }
0x36: {  	v9 =	vld [tilespmem:s18+$0x0];
	_ =	sdelay $0x4  }
0x37: {  	v10 =	vshrl.u32 v9, $0x7  }
0x38: {  	vm0 =	vge.u32 v10, v0;
	vm1 =	vlt.u32 v10, v1  }
.Ltmp2:
0x39: {  	vm0 =	vmand vm0, vm1;
	(pc) =	sbr.rel @p2 .LBB2_2-.Ltmp2, $4  }
0x3a: {  	v11 =	vsel vm0, $0x1, v2  }
0x3b: {  	(xrf0) =	vadd.scan.msk.s32 $0xffff, v11  }
0x3c: {  	s21 =	spop (v2sf)  }
0x3d: {  	s20 =	sadd.s32 $0x10, s20;
	s17 =	sadd.s32 s17, s21  }
0x3e: {  	_ =	sdelay $0x1  }
0x3f: {  	v11 =	vsel vm0, $0xFFFFFFFF, v2  }
0x40: {  	v11 =	vadd.s32 s17, v11;
	v12, _, _ =	vpop (xrf0)  }
0x41: {  	v10 =	vsub.s32 v10, v0;
	v9 =	vshll.u32 v9, $0xE;
	v11 =	vadd.s32 v12, v11  }
0x42: {  	v10 =	vshll.u32 v10, $0x15;
	v9 =	vand.u32 $0x1FC000, v9  }
0x43: {  	v9 =	vor.u32 v9, v10  }
0x44: {  	v9 =	vadd.s32 s19, v9  }
0x45: {  	v9 =	vadd.s32 v3, v9  }
0x46: {  	s18 =	sadd.s32 $0x10, s18;
	[tilespmem:v11+s5+$0x0] =	vst.idx.msk vm0, v9  }
0x47: {  	v9 =	vld [tilespmem:s18+$0x0];
	_ =	sdelay $0x4  }
0x48: {  	v10 =	vshrl.u32 v9, $0x7  }
0x49: {  	vm15 =	vge.u32 v10, v0;
	vm1 =	vlt.u32 v10, v1  }
0x4a: {  	vm0 =	vmand vm15, vm1  }
0x4b: {  	v11 =	vsel vm0, $0x1, v2  }
0x4c: {  	(xrf0) =	vadd.scan.msk.s32 $0xffff, v11;
	_ =	sdelay $0x4  }
0x4d: {  	(v2sf) =	vpush v12, $0xF  }
0x4e: {  	v11, _, _ =	vpop (xrf0)  }
0x4f: {  	(v2sf) =	vpush v11, $0xF;
	_ =	sdelay $0xc  }
0x50: {  	s26 =	spop (v2sf)  }
0x51: {  	v62 =	vsel vm0, $0xFFFFFFFF, v2;
	s28 =	sadd.s32 s17, s26  }
0x52: {  	v12 =	vadd.s32 s28, v62;
	s29 =	spop (v2sf)  }
0x53: {  	v9 =	vshll.u32 v9, $0xE;
	v10 =	vsub.s32 v10, v0;
	v11 =	vadd.s32 v11, v12;
	s17 =	sadd.s32 s28, s29  }
0x54: {  	v9 =	vand.u32 $0x1FC000, v9;
	v10 =	vshll.u32 v10, $0x15;
	v63 =	vadd.s32 s17, v3  }
0x55: {  	s0 =	sld [smem:$0x7FC];
	v9 =	vor.u32 v9, v10  }
0x56: {  	v9 =	vadd.s32 s16, v9  }
0x57: {  	v9 =	vadd.s32 v3, v9  }
0x58: {  	s31 =	sld [smem:$0x7FD];
	p0 =	seq.s32 s0, $0x1;
	[tilespmem:v11+s5+$0x0] =	vst.idx.msk vm0, v9  }
0x59: {  	s19 =	simm.s32 @!p0 $0xC180;
	s18 =	simm.s32 @!p0 $0x7A1400;
	s16 =	simm.s32 @!p0 $0x1000;
	[tilespmem:v63+s5+$0x0] =	vst.idx.msk $0xffff, v4  }
0x5a: {  	[tilespmem:s19], [sflag:$0x1] =	stream.strided.gather @!p0 [hbm4b:s9+s16], $0x8000, s18, s16, $0x38;
	[tilespmem:$0x1C980] =	vst v63  }
.Ltmp3:
0x5b: {  	p0 =	seq.s32 s31, $0x1;
	(pc) =	sbr.rel .LBB2_4-.Ltmp3, $4  }
0x5c: {  	s30 =	sadd.s32 $0xF, s17;
	s17 =	simm.s32 @!p0 $0x0;
	s18 =	simm.s32 @!p0 $0xC180  }
0x5d: {  	[tilespmem:s18], [sflag:$0x1] =	stream.linear.gather @!p0 [hbm4b:s3+s17], $0x8000, $0x38;
	[tilespmem:$0x1C980] =	vst v63  }
0x5e: {  	s17 =	sshrl.u32 s30, $0x4  }
0x5f: {  	s16 =	simm.s32 $0x0;
	s18 =	simm.s32 $0x0;
	p2 =	seq.s32 s17, $0x0  }
.LBB2_23:
0x60: {  	s18 =	sadd.s32 $0x1, s18  }
0x61: {  	p3 =	sne.s32 s18, $0x10  }
.Ltmp4:
0x62: {  	_ = 	snop;
	(pc) =	sbr.rel @!p3 .LBB2_24-.Ltmp4, $1  }
0x63: {  	_ =	sdelay $0x3  }
.LBB2_4:
.Ltmp5:
0x64: {  	(pc) =	sbr.rel @p2 .LBB2_11-.Ltmp5, $2  }
0x65: {  	_ =	sdelay $0x2  }
0x66: {  	s19 =	simm.s32 $0x0  }
0x67: {  	p4 =	sne.s32 s17, $0x1  }
.Ltmp6:
0x68: {  	_ = 	snop;
	(pc) =	sbr.rel @!p4 .LBB2_6-.Ltmp6, $4  }
0x69: {  	_ = 	snop  }
0x6a: {  	s20 =	sshll.u32 s18, $0x4  }
0x6b: {  	s19 =	simm.s32 $0x0;
	s21 =	sadd.s32 $0x10, s20  }
0x6c: {  	p3 =	por $0x0, $0x0;
	v10 =	vmov s20;
	v9 =	vld [tilespmem:s19+$0x0];
	s20 =	sadd.s32 $0xFFFFFFFF, s17;
	v11 =	vmov s21  }
0x6d: {  	_ =	sdelay $0x3  }
0x6e: {  	v12 =	vshrl.u32 v9, $0x15  }
0x6f: {  	vm0 =	vge.u32 v12, v10;
	vm1 =	vlt.u32 v12, v11  }
0x70: {  	vm0 =	vmand vm0, vm1  }
0x71: {  	v62 =	vsel vm0, $0x1, v2  }
0x72: {  	(xrf0) =	vadd.scan.msk.s32 $0xffff, v62;
	_ =	sdelay $0x4  }
0x73: {  	v63 =	vsel vm0, $0xFFFFFFFF, v2  }
0x74: {  	v12 =	vadd.s32 s19, v63;
	v13, _, _ =	vpop (xrf0)  }
0x75: {  	v12 =	vadd.s32 v13, v12;
	(v2sf) =	vpush v13, $0xF  }
0x76: {  	p4 =	sne.s32 s20, $0x1  }
.Ltmp7:
0x77: {  	_ = 	snop;
	(pc) =	sbr.rel @!p4 .LBB2_8-.Ltmp7, $3  }
0x78: {  	_ =	sdelay $0x1  }
0x79: {  	s21 =	simm.s32 $0x10;
	[tilespmem:v12+s12+$0x0] =	vst.idx.msk vm0, v9  }
0x7a: {  	s22 =	sadd.s32 $0xFFFFFFFF, s20;
	p3 =	por $0x1, $0x1;
	s20 =	simm.s32 $0x0;
	v9 =	vld [tilespmem:s21+$0x0]  }
.LBB2_9:
0x7b: {  	p4 =	sne.s32 s22, $0x1;
	_ =	sdelay $0x3  }
0x7c: {  	v12 =	vshrl.u32 v9, $0x15  }
0x7d: {  	vm0 =	vge.u32 v12, v10;
	vm1 =	vlt.u32 v12, v11  }
0x7e: {  	vm0 =	vmand vm0, vm1  }
0x7f: {  	v12 =	vsel vm0, $0xFFFFFFFF, v2;
	v13 =	vsel vm0, $0x1, v2  }
0x80: {  	(xrf0) =	vadd.scan.msk.s32 $0xffff, v13;
	s23 =	spop (v2sf)  }
0x81: {  	s20 =	sadd.s32 s20, s23  }
0x82: {  	v12 =	vadd.s32 s20, v12;
	_ =	sdelay $0x3  }
0x83: {  	v13, _, _ =	vpop (xrf0)  }
0x84: {  	v12 =	vadd.s32 v13, v12;
	(v2sf) =	vpush v13, $0xF;
	_ =	sdelay $0x1  }
.Ltmp8:
0x85: {  	(pc) =	sbr.rel @p4 .LBB2_9-.Ltmp8, $3  }
0x86: {  	_ =	sdelay $0x1  }
0x87: {  	s21 =	sadd.s32 $0x10, s21;
	[tilespmem:v12+s12+$0x0] =	vst.idx.msk vm0, v9  }
0x88: {  	s22 =	sadd.s32 $0xFFFFFFFF, s22;
	v9 =	vld [tilespmem:s21+$0x0]  }
.LBB2_10:
0x89: {  	_ =	sdelay $0x3  }
0x8a: {  	v12 =	vshrl.u32 v9, $0x15  }
0x8b: {  	vm0 =	vge.u32 v12, v10;
	vm1 =	vlt.u32 v12, v11  }
0x8c: {  	vm0 =	vmand vm0, vm1  }
0x8d: {  	v10 =	vsel vm0, $0x1, v2  }
0x8e: {  	(xrf0) =	vadd.scan.msk.s32 $0xffff, v10;
	_ =	sdelay $0x5  }
0x8f: {  	v10, _, _ =	vpop (xrf0)  }
0x90: {  	(v2sf) =	vpush v10, $0xF;
	_ =	sdelay $0x6  }
0x91: {  	s21 =	spop @p3 (v2sf)  }
0x92: {  	s20 =	sadd.s32 @p3 s20, s21  }
0x93: {  	v11 =	vsel vm0, $0xFFFFFFFF, v2;
	s19 =	smov.u32 @p3 s20  }
0x94: {  	v11 =	vadd.s32 s19, v11  }
0x95: {  	v10 =	vadd.s32 v10, v11;
	_ =	sdelay $0x3  }
0x96: {  	s31 =	spop (v2sf)  }
0x97: {  	[tilespmem:v10+s12+$0x0] =	vst.idx.msk vm0, v9;
	s19 =	sadd.s32 s19, s31  }
.LBB2_11:
0x98: {  	v9 =	vadd.s32 s19, v3  }
.Ltmp9:
0x99: {  	_ = 	snop;
	(pc) =	sbr.rel .LBB2_12-.Ltmp9, $4  }
0x9a: {  	_ = 	snop  }
0x9b: {  	s31 =	sadd.s32 $0xF, s19  }
0x9c: {  	s19 =	sshrl.u32 s31, $0x4  }
0x9d: {  	s20 =	sshll.u32 s18, $0x2;
	s21 =	simm.s32 $0x0;
	p3 =	seq.s32 s19, $0x0;
	[tilespmem:v9+s12+$0x0] =	vst.idx.msk $0xffff, v4  }
.LBB2_22:
0x9e: {  	s21 =	sadd.s32 $0x1, s21  }
0x9f: {  	p4 =	sne.s32 s21, $0x4  }
.Ltmp10:
0xa0: {  	_ = 	snop;
	(pc) =	sbr.rel @!p4 .LBB2_23-.Ltmp10, $1  }
0xa1: {  	_ =	sdelay $0x3  }
.LBB2_12:
0xa2: {  	s24 =	sadd.s32 s20, s21  }
0xa3: {  	s23 =	sadd.s32 s7, s24  }
0xa4: {  	s22 =	sadd.s32 $0x1, s23  }
0xa5: {  	p4 =	sge.u32 s22, s8  }
0xa6: {  	p5 =	sgt.u32 @!p4 s23, $0x79F  }
0xa7: {  	p6 =	por !p5, p4  }
0xa8: {  	p6 =	sne.s32 @!p6 s22, $0x7A1  }
0xa9: {  	p6 =	por @!p4 p6, !p5  }
0xaa: {  	s25 =	sadd.s32 @!p4 $0x1, s24;
	p6 =	por p6, p4;
	p4 =	por p5, p4  }
0xab: {  	s26 =	sshll.u32 @!p6 s25, $0xF;
	s28 =	simm.s32 @!p6 $0x0;
	s25 =	sshll.u32 @!p4 s25, $0xF  }
0xac: {  	s22 =	sshll.u32 @!p4 s22, $0x9;
	s26 =	sand.u32 @!p6 $0x8000, s26;
	s25 =	sand.u32 @!p4 $0x8000, s25  }
.Ltmp11:
0xad: {  	s22 =	sadd.s32 @!p4 s2, s22;
	s26 =	sadd.s32 @!p6 $0xC180, s26;
	(pc) =	sbr.rel @p3 .LBB2_19-.Ltmp11, $4  }
0xae: {  	[tilespmem:s26], [sflag:$0x1] =	stream.linear.gather @!p6 [hbm4b:s3+s28], $0x8000, $0x38;
	[tilespmem:$0x1C980] =	vst v63  }
0xaf: {  	s25 =	sadd.s32 @!p4 $0xC180, s25;
	s26 =	simm.s32 @!p4 $0x1000;
	s28 =	simm.s32 @!p4 $0x7A1400  }
0xb0: {  	[tilespmem:s25], [sflag:$0x1] =	stream.strided.gather @!p4 [hbm4b:s22+s26], $0x8000, s28, s26, $0x38;
	[tilespmem:$0x1C980] =	vst v63  }
0xb1: {  	s22 =	simm.s32 $0x0  }
0xb2: {  	p5 =	sne.s32 s19, $0x1  }
.Ltmp12:
0xb3: {  	_ = 	snop;
	(pc) =	sbr.rel @!p5 .LBB2_14-.Ltmp12, $3  }
0xb4: {  	_ =	sdelay $0x1  }
0xb5: {  	s25 =	simm.s32 $0x4080  }
0xb6: {  	v10 =	vmov s24;
	s22 =	simm.s32 $0x0;
	s24 =	sadd.s32 $0xFFFFFFFF, s19;
	p4 =	por $0x0, $0x0;
	v9 =	vld [tilespmem:s25+$0x0]  }
0xb7: {  	_ =	sdelay $0x3  }
0xb8: {  	v11 =	vshrl.u32 v9, $0x17  }
0xb9: {  	vm0 =	veq.s32 v11, v10  }
0xba: {  	v11 =	vsel vm0, $0x1, v2  }
0xbb: {  	(xrf0) =	vadd.scan.msk.s32 $0xffff, v11;
	_ =	sdelay $0x4  }
0xbc: {  	v11 =	vsel vm0, $0xFFFFFFFF, v2  }
0xbd: {  	v11 =	vadd.s32 s22, v11;
	v12, _, _ =	vpop (xrf0)  }
0xbe: {  	v11 =	vadd.s32 v12, v11;
	(v2sf) =	vpush v12, $0xF  }
0xbf: {  	p5 =	sne.s32 s24, $0x1  }
.Ltmp13:
0xc0: {  	_ = 	snop;
	(pc) =	sbr.rel @!p5 .LBB2_16-.Ltmp13, $3  }
0xc1: {  	_ =	sdelay $0x1  }
0xc2: {  	s25 =	simm.s32 $0x4090;
	[tilespmem:v11+s14+$0x0] =	vst.idx.msk vm0, v9  }
0xc3: {  	s26 =	sadd.s32 $0xFFFFFFFF, s24;
	p4 =	por $0x1, $0x1;
	s24 =	simm.s32 $0x0;
	v9 =	vld [tilespmem:s25+$0x0]  }
.LBB2_17:
0xc4: {  	p5 =	sne.s32 s26, $0x1;
	_ =	sdelay $0x3  }
0xc5: {  	v11 =	vshrl.u32 v9, $0x17  }
0xc6: {  	vm0 =	veq.s32 v11, v10  }
0xc7: {  	v11 =	vsel vm0, $0xFFFFFFFF, v2;
	v12 =	vsel vm0, $0x1, v2  }
0xc8: {  	(xrf0) =	vadd.scan.msk.s32 $0xffff, v12  }
0xc9: {  	s28 =	spop (v2sf)  }
0xca: {  	s24 =	sadd.s32 s24, s28  }
0xcb: {  	v11 =	vadd.s32 s24, v11;
	_ =	sdelay $0x2  }
0xcc: {  	v12, _, _ =	vpop (xrf0)  }
0xcd: {  	v11 =	vadd.s32 v12, v11;
	(v2sf) =	vpush v12, $0xF;
	_ =	sdelay $0x1  }
.Ltmp14:
0xce: {  	(pc) =	sbr.rel @p5 .LBB2_17-.Ltmp14, $3  }
0xcf: {  	_ =	sdelay $0x1  }
0xd0: {  	s25 =	sadd.s32 $0x10, s25;
	[tilespmem:v11+s14+$0x0] =	vst.idx.msk vm0, v9  }
0xd1: {  	s26 =	sadd.s32 $0xFFFFFFFF, s26;
	v9 =	vld [tilespmem:s25+$0x0]  }
.LBB2_18:
0xd2: {  	_ =	sdelay $0x3  }
0xd3: {  	v11 =	vshrl.u32 v9, $0x17  }
0xd4: {  	vm0 =	veq.s32 v11, v10  }
0xd5: {  	v10 =	vsel vm0, $0x1, v2  }
0xd6: {  	(xrf0) =	vadd.scan.msk.s32 $0xffff, v10;
	_ =	sdelay $0x5  }
0xd7: {  	v10, _, _ =	vpop (xrf0)  }
0xd8: {  	(v2sf) =	vpush v10, $0xF;
	_ =	sdelay $0x6  }
0xd9: {  	s25 =	spop @p4 (v2sf)  }
0xda: {  	s24 =	sadd.s32 @p4 s24, s25  }
0xdb: {  	v11 =	vsel vm0, $0xFFFFFFFF, v2;
	s22 =	smov.u32 @p4 s24  }
0xdc: {  	v11 =	vadd.s32 s22, v11  }
0xdd: {  	v10 =	vadd.s32 v10, v11;
	_ =	sdelay $0x3  }
0xde: {  	s31 =	spop (v2sf)  }
0xdf: {  	[tilespmem:v10+s14+$0x0] =	vst.idx.msk vm0, v9;
	s22 =	sadd.s32 s22, s31  }
.LBB2_19:
0xe0: {  	s31 =	sadd.s32 $0xF, s22  }
0xe1: {  	p4 =	sge.u32 s23, s8;
	s23 =	sshrl.u32 s31, $0x4  }
0xe2: {  	p5 =	seq.s32 s23, $0x0  }
.Ltmp15:
0xe3: {  	_ = 	snop;
	(pc) =	sbr.rel @p5 .LBB2_22-.Ltmp15, $4  }
0xe4: {  	s24 =	simm.s32 @!p4 $0x1  }
0xe5: {  	_ =	swait.ge @!p4 [sflag:s24], $0x8000  }
0xe6: {  	[sflag:s24] =	ssyncset.done @!p4 $0x0  }
0xe7: {  	[sflag:s24] =	ssyncadd.s32 @!p4 $0xFFFF8000  }
0xe8: {  	s24 =	sshll.u32 s21, $0xF  }
0xe9: {  	s25 =	simm.s32 $0xF;
	s24 =	sand.u32 $0x8000, s24  }
0xea: {  	s26 =	simm.s32 $0x8100;
	s28 =	smov.u32 s22;
	s24 =	sadd.s32 $0xC180, s24  }
.LBB2_21:
0xeb: {  	v9 =	vld [tilespmem:s26+$0x0];
	_ =	sdelay $0x4  }
0xec: {  	(v2sf) =	vpush v9, $0x0;
	_ =	sdelay $0xe  }
0xed: {  	s29 =	spop (v2sf)  }
0xee: {  	s30 =	sshrl.u32 s29, $0xE  }
0xef: {  	s30 =	sand.u32 $0x1FF, s30  }
0xf0: {  	v10 =	vmov s30  }
0xf1: {  	s0 =	sadd.s32 $0xFFFFFFF1, s25;
	v11 =	vshll.u32 v10, $0x3  }
0xf2: {  	p4 =	sge.s32 s0, s22;
	v10 =	vand.u32 $0x7F, v10;
	v11 =	vand.u32 $0xC00, v11  }
0xf3: {  	p5 =	slt.s32 @!p4 s16, $0x10;
	v10 =	vor.u32 v10, v11  }
0xf4: {  	p5 =	por p5, p4;
	v11 =	vor.u32 v5, v10  }
0xf5: {  	s30 =	simm.s32 @!p5 $0x2  }
0xf6: {  	_ =	swait.ge @!p5 [sflag:s30], $0x80  }
0xf7: {  	[sflag:s30] =	ssyncset.done @!p5 $0x0  }
0xf8: {  	[sflag:s30] =	ssyncadd.s32 @!p5 $0xFFFFFF80  }
0xf9: {  	v11 =	vld.idx.msk [tilespmem:v11+s24+$0x0], $0xffff  }
0xfa: {  	v12 =	vor.u32 v6, v10;
	_ =	sdelay $0x1  }
0xfb: {  	s4 =	sshll.u32 s16, $0x7  }
0xfc: {  	s30 =	sand.u32 $0x780, s4  }
0xfd: {  	[tilespmem:s30+$0x1C180] =	vst v11  }
0xfe: {  	(v2sf) =	vpush v9, $0x1;
	v11 =	vld.idx.msk [tilespmem:v12+s24+$0x0], $0xffff  }
0xff: {  	v36 =	vor.u32 v7, v10;
	_ =	sdelay $0x3  }
0x100: {  	[tilespmem:s30+$0x1C190] =	vst v11  }
0x101: {  	v11 =	vld.idx.msk [tilespmem:v36+s24+$0x0], $0xffff  }
0x102: {  	v10 =	vor.u32 v8, v10;
	_ =	sdelay $0x3  }
0x103: {  	[tilespmem:s30+$0x1C1A0] =	vst v11  }
0x104: {  	v10 =	vld.idx.msk [tilespmem:v10+s24+$0x0], $0xffff;
	_ =	sdelay $0x1  }
0x105: {  	s29 =	sshll.u32 @!p4 s29, $0x4  }
0x106: {  	s29 =	sand.u32 @!p4 $0x3FFF0, s29;
	s31 =	spop (v2sf)  }
0x107: {  	s29 =	sadd.s32 @!p4 s6, s29;
	s0 =	sshrl.u32 s31, $0xE  }
0x108: {  	s4 =	sadd.s32 $0x1C180, s30;
	s0 =	sand.u32 $0x1FF, s0;
	[tilespmem:s30+$0x1C1B0] =	vst v10;
	s30 =	simm.s32 @!p4 $0x0  }
0x109: {  	v10 =	vmov s0;
	[hbm4b:s29+s30] =	stream.linear.scatter @!p4 [tilespmem:s4], [sflag:$0x2], $0x80, $0x38;
	[tilespmem:$0x1C980] =	vst v63  }
0x10a: {  	s29 =	sadd.s32 $0xFFFFFFF2, s25;
	v11 =	vshll.u32 v10, $0x3  }
0x10b: {  	s0 =	sadd.s32 $0x1, s16;
	v10 =	vand.u32 $0x7F, v10;
	p4 =	sge.s32 s29, s22;
	v11 =	vand.u32 $0xC00, v11  }
0x10c: {  	p5 =	slt.s32 @!p4 s0, $0x10;
	v10 =	vor.u32 v10, v11  }
0x10d: {  	p5 =	por p5, p4;
	v11 =	vor.u32 v5, v10  }
0x10e: {  	s4 =	simm.s32 @!p5 $0x2  }
0x10f: {  	_ =	swait.ge @!p5 [sflag:s4], $0x80  }
0x110: {  	[sflag:s4] =	ssyncset.done @!p5 $0x0  }
0x111: {  	[sflag:s4] =	ssyncadd.s32 @!p5 $0xFFFFFF80  }
0x112: {  	v11 =	vld.idx.msk [tilespmem:v11+s24+$0x0], $0xffff  }
0x113: {  	v37 =	vor.u32 v6, v10;
	_ =	sdelay $0x1  }
0x114: {  	s0 =	sshll.u32 s0, $0x7  }
0x115: {  	s0 =	sand.u32 $0x780, s0  }
0x116: {  	[tilespmem:s0+$0x1C180] =	vst v11  }
0x117: {  	(v2sf) =	vpush v9, $0x2;
	v11 =	vld.idx.msk [tilespmem:v37+s24+$0x0], $0xffff  }
0x118: {  	v38 =	vor.u32 v7, v10;
	_ =	sdelay $0x3  }
0x119: {  	[tilespmem:s0+$0x1C190] =	vst v11  }
0x11a: {  	v11 =	vld.idx.msk [tilespmem:v38+s24+$0x0], $0xffff  }
0x11b: {  	v10 =	vor.u32 v8, v10;
	_ =	sdelay $0x3  }
0x11c: {  	[tilespmem:s0+$0x1C1A0] =	vst v11  }
0x11d: {  	v10 =	vld.idx.msk [tilespmem:v10+s24+$0x0], $0xffff;
	_ =	sdelay $0x2  }
0x11e: {  	s4 =	sshll.u32 @!p4 s31, $0x4;
	s29 =	spop (v2sf)  }
0x11f: {  	s30 =	sadd.s32 $0x1C180, s0;
	s4 =	sand.u32 @!p4 $0x3FFF0, s4;
	s31 =	sshrl.u32 s29, $0xE  }
0x120: {  	s31 =	sand.u32 $0x1FF, s31;
	[tilespmem:s0+$0x1C1B0] =	vst v10;
	s0 =	sadd.s32 @!p4 s6, s4;
	s4 =	simm.s32 @!p4 $0x0  }
0x121: {  	v10 =	vmov s31;
	[hbm4b:s0+s4] =	stream.linear.scatter @!p4 [tilespmem:s30], [sflag:$0x2], $0x80, $0x38;
	[tilespmem:$0x1C980] =	vst v63  }
0x122: {  	s30 =	sadd.s32 $0xFFFFFFF3, s25;
	v11 =	vshll.u32 v10, $0x3  }
0x123: {  	s0 =	sadd.s32 $0x2, s16;
	v10 =	vand.u32 $0x7F, v10;
	p4 =	sge.s32 s30, s22;
	v11 =	vand.u32 $0xC00, v11  }
0x124: {  	p5 =	slt.s32 @!p4 s0, $0x10;
	v10 =	vor.u32 v10, v11  }
0x125: {  	p5 =	por p5, p4;
	v11 =	vor.u32 v5, v10  }
0x126: {  	s4 =	simm.s32 @!p5 $0x2  }
0x127: {  	_ =	swait.ge @!p5 [sflag:s4], $0x80  }
0x128: {  	[sflag:s4] =	ssyncset.done @!p5 $0x0  }
0x129: {  	[sflag:s4] =	ssyncadd.s32 @!p5 $0xFFFFFF80  }
0x12a: {  	v11 =	vld.idx.msk [tilespmem:v11+s24+$0x0], $0xffff  }
0x12b: {  	v39 =	vor.u32 v6, v10;
	_ =	sdelay $0x1  }
0x12c: {  	s0 =	sshll.u32 s0, $0x7  }
0x12d: {  	s0 =	sand.u32 $0x780, s0  }
0x12e: {  	(v2sf) =	vpush v9, $0x3;
	[tilespmem:s0+$0x1C180] =	vst v11  }
0x12f: {  	v11 =	vld.idx.msk [tilespmem:v39+s24+$0x0], $0xffff  }
0x130: {  	v40 =	vor.u32 v7, v10;
	_ =	sdelay $0x3  }
0x131: {  	[tilespmem:s0+$0x1C190] =	vst v11  }
0x132: {  	v11 =	vld.idx.msk [tilespmem:v40+s24+$0x0], $0xffff  }
0x133: {  	v10 =	vor.u32 v8, v10;
	_ =	sdelay $0x3  }
0x134: {  	[tilespmem:s0+$0x1C1A0] =	vst v11  }
0x135: {  	v10 =	vld.idx.msk [tilespmem:v10+s24+$0x0], $0xffff;
	_ =	sdelay $0x1  }
0x136: {  	s4 =	sshll.u32 @!p4 s29, $0x4;
	s29 =	spop (v2sf)  }
0x137: {  	s31 =	sshrl.u32 s29, $0xE  }
0x138: {  	s30 =	sadd.s32 $0x1C180, s0;
	s4 =	sand.u32 @!p4 $0x3FFF0, s4;
	s31 =	sand.u32 $0x1FF, s31  }
0x139: {  	[tilespmem:s0+$0x1C1B0] =	vst v10;
	s0 =	sadd.s32 @!p4 s6, s4;
	s4 =	simm.s32 @!p4 $0x0;
	v10 =	vmov s31;
	s31 =	sadd.s32 $0xFFFFFFF4, s25  }
0x13a: {  	[hbm4b:s0+s4] =	stream.linear.scatter @!p4 [tilespmem:s30], [sflag:$0x2], $0x80, $0x38;
	v11 =	vshll.u32 v10, $0x3;
	[tilespmem:$0x1C980] =	vst v63  }
0x13b: {  	p4 =	sge.s32 s31, s22;
	s0 =	sadd.s32 $0x3, s16;
	v10 =	vand.u32 $0x7F, v10;
	v11 =	vand.u32 $0xC00, v11  }
0x13c: {  	p5 =	slt.s32 @!p4 s0, $0x10;
	v10 =	vor.u32 v10, v11  }
0x13d: {  	p5 =	por p5, p4;
	v11 =	vor.u32 v5, v10  }
0x13e: {  	s4 =	simm.s32 @!p5 $0x2  }
0x13f: {  	_ =	swait.ge @!p5 [sflag:s4], $0x80  }
0x140: {  	[sflag:s4] =	ssyncset.done @!p5 $0x0  }
0x141: {  	[sflag:s4] =	ssyncadd.s32 @!p5 $0xFFFFFF80  }
0x142: {  	v11 =	vld.idx.msk [tilespmem:v11+s24+$0x0], $0xffff  }
0x143: {  	v41 =	vor.u32 v6, v10;
	_ =	sdelay $0x1  }
0x144: {  	s0 =	sshll.u32 s0, $0x7  }
0x145: {  	s0 =	sand.u32 $0x780, s0  }
0x146: {  	[tilespmem:s0+$0x1C180] =	vst v11  }
0x147: {  	(v2sf) =	vpush v9, $0x4;
	v11 =	vld.idx.msk [tilespmem:v41+s24+$0x0], $0xffff  }
0x148: {  	v42 =	vor.u32 v7, v10;
	_ =	sdelay $0x3  }
0x149: {  	[tilespmem:s0+$0x1C190] =	vst v11  }
0x14a: {  	v11 =	vld.idx.msk [tilespmem:v42+s24+$0x0], $0xffff  }
0x14b: {  	v10 =	vor.u32 v8, v10;
	_ =	sdelay $0x3  }
0x14c: {  	[tilespmem:s0+$0x1C1A0] =	vst v11  }
0x14d: {  	v10 =	vld.idx.msk [tilespmem:v10+s24+$0x0], $0xffff;
	_ =	sdelay $0x2  }
0x14e: {  	s4 =	sshll.u32 @!p4 s29, $0x4;
	s29 =	spop (v2sf)  }
0x14f: {  	s30 =	sadd.s32 $0x1C180, s0;
	s4 =	sand.u32 @!p4 $0x3FFF0, s4;
	s31 =	sshrl.u32 s29, $0xE  }
0x150: {  	s31 =	sand.u32 $0x1FF, s31;
	[tilespmem:s0+$0x1C1B0] =	vst v10;
	s0 =	sadd.s32 @!p4 s6, s4;
	s4 =	simm.s32 @!p4 $0x0  }
0x151: {  	v10 =	vmov s31;
	[hbm4b:s0+s4] =	stream.linear.scatter @!p4 [tilespmem:s30], [sflag:$0x2], $0x80, $0x38;
	[tilespmem:$0x1C980] =	vst v63  }
0x152: {  	s4 =	sadd.s32 $0xFFFFFFF5, s25;
	v11 =	vshll.u32 v10, $0x3  }
0x153: {  	s0 =	sadd.s32 $0x4, s16;
	v10 =	vand.u32 $0x7F, v10;
	p4 =	sge.s32 s4, s22;
	v11 =	vand.u32 $0xC00, v11  }
0x154: {  	p5 =	slt.s32 @!p4 s0, $0x10;
	v10 =	vor.u32 v10, v11  }
0x155: {  	p5 =	por p5, p4;
	v11 =	vor.u32 v5, v10  }
0x156: {  	s4 =	simm.s32 @!p5 $0x2  }
0x157: {  	_ =	swait.ge @!p5 [sflag:s4], $0x80  }
0x158: {  	[sflag:s4] =	ssyncset.done @!p5 $0x0  }
0x159: {  	[sflag:s4] =	ssyncadd.s32 @!p5 $0xFFFFFF80  }
0x15a: {  	v11 =	vld.idx.msk [tilespmem:v11+s24+$0x0], $0xffff  }
0x15b: {  	v43 =	vor.u32 v6, v10;
	_ =	sdelay $0x1  }
0x15c: {  	s0 =	sshll.u32 s0, $0x7  }
0x15d: {  	s0 =	sand.u32 $0x780, s0  }
0x15e: {  	[tilespmem:s0+$0x1C180] =	vst v11  }
0x15f: {  	(v2sf) =	vpush v9, $0x5;
	v11 =	vld.idx.msk [tilespmem:v43+s24+$0x0], $0xffff  }
0x160: {  	v44 =	vor.u32 v7, v10;
	_ =	sdelay $0x3  }
0x161: {  	[tilespmem:s0+$0x1C190] =	vst v11  }
0x162: {  	v11 =	vld.idx.msk [tilespmem:v44+s24+$0x0], $0xffff  }
0x163: {  	v10 =	vor.u32 v8, v10;
	_ =	sdelay $0x3  }
0x164: {  	[tilespmem:s0+$0x1C1A0] =	vst v11  }
0x165: {  	v10 =	vld.idx.msk [tilespmem:v10+s24+$0x0], $0xffff;
	_ =	sdelay $0x2  }
0x166: {  	s4 =	sshll.u32 @!p4 s29, $0x4;
	s29 =	spop (v2sf)  }
0x167: {  	s30 =	sadd.s32 $0x1C180, s0;
	s4 =	sand.u32 @!p4 $0x3FFF0, s4;
	s31 =	sshrl.u32 s29, $0xE  }
0x168: {  	s31 =	sand.u32 $0x1FF, s31;
	[tilespmem:s0+$0x1C1B0] =	vst v10;
	s0 =	sadd.s32 @!p4 s6, s4;
	s4 =	simm.s32 @!p4 $0x0  }
0x169: {  	v10 =	vmov s31;
	[hbm4b:s0+s4] =	stream.linear.scatter @!p4 [tilespmem:s30], [sflag:$0x2], $0x80, $0x38;
	[tilespmem:$0x1C980] =	vst v63  }
0x16a: {  	s30 =	sadd.s32 $0xFFFFFFF6, s25;
	v11 =	vshll.u32 v10, $0x3  }
0x16b: {  	s0 =	sadd.s32 $0x5, s16;
	v10 =	vand.u32 $0x7F, v10;
	p4 =	sge.s32 s30, s22;
	v11 =	vand.u32 $0xC00, v11  }
0x16c: {  	p5 =	slt.s32 @!p4 s0, $0x10;
	v10 =	vor.u32 v10, v11  }
0x16d: {  	p5 =	por p5, p4;
	v11 =	vor.u32 v5, v10  }
0x16e: {  	s4 =	simm.s32 @!p5 $0x2  }
0x16f: {  	_ =	swait.ge @!p5 [sflag:s4], $0x80  }
0x170: {  	[sflag:s4] =	ssyncset.done @!p5 $0x0  }
0x171: {  	[sflag:s4] =	ssyncadd.s32 @!p5 $0xFFFFFF80  }
0x172: {  	v11 =	vld.idx.msk [tilespmem:v11+s24+$0x0], $0xffff  }
0x173: {  	v45 =	vor.u32 v6, v10;
	_ =	sdelay $0x1  }
0x174: {  	s0 =	sshll.u32 s0, $0x7  }
0x175: {  	s0 =	sand.u32 $0x780, s0  }
0x176: {  	(v2sf) =	vpush v9, $0x6;
	[tilespmem:s0+$0x1C180] =	vst v11  }
0x177: {  	v11 =	vld.idx.msk [tilespmem:v45+s24+$0x0], $0xffff  }
0x178: {  	v46 =	vor.u32 v7, v10;
	_ =	sdelay $0x3  }
0x179: {  	[tilespmem:s0+$0x1C190] =	vst v11  }
0x17a: {  	v11 =	vld.idx.msk [tilespmem:v46+s24+$0x0], $0xffff  }
0x17b: {  	v10 =	vor.u32 v8, v10;
	_ =	sdelay $0x3  }
0x17c: {  	[tilespmem:s0+$0x1C1A0] =	vst v11  }
0x17d: {  	v10 =	vld.idx.msk [tilespmem:v10+s24+$0x0], $0xffff;
	_ =	sdelay $0x1  }
0x17e: {  	s4 =	sshll.u32 @!p4 s29, $0x4;
	s29 =	spop (v2sf)  }
0x17f: {  	s31 =	sshrl.u32 s29, $0xE  }
0x180: {  	s30 =	sadd.s32 $0x1C180, s0;
	s4 =	sand.u32 @!p4 $0x3FFF0, s4;
	s31 =	sand.u32 $0x1FF, s31  }
0x181: {  	[tilespmem:s0+$0x1C1B0] =	vst v10;
	s0 =	sadd.s32 @!p4 s6, s4;
	s4 =	simm.s32 @!p4 $0x0;
	v10 =	vmov s31;
	s31 =	sadd.s32 $0xFFFFFFF7, s25  }
0x182: {  	[hbm4b:s0+s4] =	stream.linear.scatter @!p4 [tilespmem:s30], [sflag:$0x2], $0x80, $0x38;
	v11 =	vshll.u32 v10, $0x3;
	[tilespmem:$0x1C980] =	vst v63  }
0x183: {  	p4 =	sge.s32 s31, s22;
	s0 =	sadd.s32 $0x6, s16;
	v10 =	vand.u32 $0x7F, v10;
	v11 =	vand.u32 $0xC00, v11  }
0x184: {  	p5 =	slt.s32 @!p4 s0, $0x10;
	v10 =	vor.u32 v10, v11  }
0x185: {  	p5 =	por p5, p4;
	v11 =	vor.u32 v5, v10  }
0x186: {  	s4 =	simm.s32 @!p5 $0x2  }
0x187: {  	_ =	swait.ge @!p5 [sflag:s4], $0x80  }
0x188: {  	[sflag:s4] =	ssyncset.done @!p5 $0x0  }
0x189: {  	[sflag:s4] =	ssyncadd.s32 @!p5 $0xFFFFFF80  }
0x18a: {  	v11 =	vld.idx.msk [tilespmem:v11+s24+$0x0], $0xffff  }
0x18b: {  	v47 =	vor.u32 v6, v10;
	_ =	sdelay $0x1  }
0x18c: {  	s0 =	sshll.u32 s0, $0x7  }
0x18d: {  	s0 =	sand.u32 $0x780, s0  }
0x18e: {  	[tilespmem:s0+$0x1C180] =	vst v11  }
0x18f: {  	(v2sf) =	vpush v9, $0x7;
	v11 =	vld.idx.msk [tilespmem:v47+s24+$0x0], $0xffff  }
0x190: {  	v48 =	vor.u32 v7, v10;
	_ =	sdelay $0x3  }
0x191: {  	[tilespmem:s0+$0x1C190] =	vst v11  }
0x192: {  	v11 =	vld.idx.msk [tilespmem:v48+s24+$0x0], $0xffff  }
0x193: {  	v10 =	vor.u32 v8, v10;
	_ =	sdelay $0x3  }
0x194: {  	[tilespmem:s0+$0x1C1A0] =	vst v11  }
0x195: {  	v10 =	vld.idx.msk [tilespmem:v10+s24+$0x0], $0xffff;
	_ =	sdelay $0x2  }
0x196: {  	s4 =	sshll.u32 @!p4 s29, $0x4;
	s29 =	spop (v2sf)  }
0x197: {  	s30 =	sadd.s32 $0x1C180, s0;
	s4 =	sand.u32 @!p4 $0x3FFF0, s4;
	s31 =	sshrl.u32 s29, $0xE  }
0x198: {  	s31 =	sand.u32 $0x1FF, s31;
	[tilespmem:s0+$0x1C1B0] =	vst v10;
	s0 =	sadd.s32 @!p4 s6, s4;
	s4 =	simm.s32 @!p4 $0x0  }
0x199: {  	v10 =	vmov s31;
	[hbm4b:s0+s4] =	stream.linear.scatter @!p4 [tilespmem:s30], [sflag:$0x2], $0x80, $0x38;
	[tilespmem:$0x1C980] =	vst v63  }
0x19a: {  	s4 =	sadd.s32 $0xFFFFFFF8, s25;
	v11 =	vshll.u32 v10, $0x3  }
0x19b: {  	s0 =	sadd.s32 $0x7, s16;
	v10 =	vand.u32 $0x7F, v10;
	p4 =	sge.s32 s4, s22;
	v11 =	vand.u32 $0xC00, v11  }
0x19c: {  	p5 =	slt.s32 @!p4 s0, $0x10;
	v10 =	vor.u32 v10, v11  }
0x19d: {  	p5 =	por p5, p4;
	v11 =	vor.u32 v5, v10  }
0x19e: {  	s4 =	simm.s32 @!p5 $0x2  }
0x19f: {  	_ =	swait.ge @!p5 [sflag:s4], $0x80  }
0x1a0: {  	[sflag:s4] =	ssyncset.done @!p5 $0x0  }
0x1a1: {  	[sflag:s4] =	ssyncadd.s32 @!p5 $0xFFFFFF80  }
0x1a2: {  	v11 =	vld.idx.msk [tilespmem:v11+s24+$0x0], $0xffff  }
0x1a3: {  	v49 =	vor.u32 v6, v10;
	_ =	sdelay $0x1  }
0x1a4: {  	s0 =	sshll.u32 s0, $0x7  }
0x1a5: {  	s0 =	sand.u32 $0x780, s0  }
0x1a6: {  	[tilespmem:s0+$0x1C180] =	vst v11  }
0x1a7: {  	(v2sf) =	vpush v9, $0x8;
	v11 =	vld.idx.msk [tilespmem:v49+s24+$0x0], $0xffff  }
0x1a8: {  	v50 =	vor.u32 v7, v10;
	_ =	sdelay $0x3  }
0x1a9: {  	[tilespmem:s0+$0x1C190] =	vst v11  }
0x1aa: {  	v11 =	vld.idx.msk [tilespmem:v50+s24+$0x0], $0xffff  }
0x1ab: {  	v10 =	vor.u32 v8, v10;
	_ =	sdelay $0x3  }
0x1ac: {  	[tilespmem:s0+$0x1C1A0] =	vst v11  }
0x1ad: {  	v10 =	vld.idx.msk [tilespmem:v10+s24+$0x0], $0xffff;
	_ =	sdelay $0x2  }
0x1ae: {  	s4 =	sshll.u32 @!p4 s29, $0x4;
	s29 =	spop (v2sf)  }
0x1af: {  	s30 =	sadd.s32 $0x1C180, s0;
	s4 =	sand.u32 @!p4 $0x3FFF0, s4;
	s31 =	sshrl.u32 s29, $0xE  }
0x1b0: {  	s31 =	sand.u32 $0x1FF, s31;
	[tilespmem:s0+$0x1C1B0] =	vst v10;
	s0 =	sadd.s32 @!p4 s6, s4;
	s4 =	simm.s32 @!p4 $0x0  }
0x1b1: {  	v10 =	vmov s31;
	[hbm4b:s0+s4] =	stream.linear.scatter @!p4 [tilespmem:s30], [sflag:$0x2], $0x80, $0x38;
	[tilespmem:$0x1C980] =	vst v63  }
0x1b2: {  	s30 =	sadd.s32 $0xFFFFFFF9, s25;
	v11 =	vshll.u32 v10, $0x3  }
0x1b3: {  	s0 =	sadd.s32 $0x8, s16;
	v10 =	vand.u32 $0x7F, v10;
	p4 =	sge.s32 s30, s22;
	v11 =	vand.u32 $0xC00, v11  }
0x1b4: {  	p5 =	slt.s32 @!p4 s0, $0x10;
	v10 =	vor.u32 v10, v11  }
0x1b5: {  	p5 =	por p5, p4;
	v11 =	vor.u32 v5, v10  }
0x1b6: {  	s4 =	simm.s32 @!p5 $0x2  }
0x1b7: {  	_ =	swait.ge @!p5 [sflag:s4], $0x80  }
0x1b8: {  	[sflag:s4] =	ssyncset.done @!p5 $0x0  }
0x1b9: {  	[sflag:s4] =	ssyncadd.s32 @!p5 $0xFFFFFF80  }
0x1ba: {  	v11 =	vld.idx.msk [tilespmem:v11+s24+$0x0], $0xffff  }
0x1bb: {  	v51 =	vor.u32 v6, v10;
	_ =	sdelay $0x1  }
0x1bc: {  	s0 =	sshll.u32 s0, $0x7  }
0x1bd: {  	s0 =	sand.u32 $0x780, s0  }
0x1be: {  	(v2sf) =	vpush v9, $0x9;
	[tilespmem:s0+$0x1C180] =	vst v11  }
0x1bf: {  	v11 =	vld.idx.msk [tilespmem:v51+s24+$0x0], $0xffff  }
0x1c0: {  	v52 =	vor.u32 v7, v10;
	_ =	sdelay $0x3  }
0x1c1: {  	[tilespmem:s0+$0x1C190] =	vst v11  }
0x1c2: {  	v11 =	vld.idx.msk [tilespmem:v52+s24+$0x0], $0xffff  }
0x1c3: {  	v10 =	vor.u32 v8, v10;
	_ =	sdelay $0x3  }
0x1c4: {  	[tilespmem:s0+$0x1C1A0] =	vst v11  }
0x1c5: {  	v10 =	vld.idx.msk [tilespmem:v10+s24+$0x0], $0xffff;
	_ =	sdelay $0x1  }
0x1c6: {  	s4 =	sshll.u32 @!p4 s29, $0x4;
	s29 =	spop (v2sf)  }
0x1c7: {  	s31 =	sshrl.u32 s29, $0xE  }
0x1c8: {  	s30 =	sadd.s32 $0x1C180, s0;
	s4 =	sand.u32 @!p4 $0x3FFF0, s4;
	s31 =	sand.u32 $0x1FF, s31  }
0x1c9: {  	[tilespmem:s0+$0x1C1B0] =	vst v10;
	s0 =	sadd.s32 @!p4 s6, s4;
	s4 =	simm.s32 @!p4 $0x0;
	v10 =	vmov s31;
	s31 =	sadd.s32 $0xFFFFFFFA, s25  }
0x1ca: {  	[hbm4b:s0+s4] =	stream.linear.scatter @!p4 [tilespmem:s30], [sflag:$0x2], $0x80, $0x38;
	v11 =	vshll.u32 v10, $0x3;
	[tilespmem:$0x1C980] =	vst v63  }
0x1cb: {  	p4 =	sge.s32 s31, s22;
	s0 =	sadd.s32 $0x9, s16;
	v10 =	vand.u32 $0x7F, v10;
	v11 =	vand.u32 $0xC00, v11  }
0x1cc: {  	p5 =	slt.s32 @!p4 s0, $0x10;
	v10 =	vor.u32 v10, v11  }
0x1cd: {  	p5 =	por p5, p4;
	v11 =	vor.u32 v5, v10  }
0x1ce: {  	s4 =	simm.s32 @!p5 $0x2  }
0x1cf: {  	_ =	swait.ge @!p5 [sflag:s4], $0x80  }
0x1d0: {  	[sflag:s4] =	ssyncset.done @!p5 $0x0  }
0x1d1: {  	[sflag:s4] =	ssyncadd.s32 @!p5 $0xFFFFFF80  }
0x1d2: {  	v11 =	vld.idx.msk [tilespmem:v11+s24+$0x0], $0xffff  }
0x1d3: {  	v53 =	vor.u32 v6, v10;
	_ =	sdelay $0x1  }
0x1d4: {  	s0 =	sshll.u32 s0, $0x7  }
0x1d5: {  	s0 =	sand.u32 $0x780, s0  }
0x1d6: {  	[tilespmem:s0+$0x1C180] =	vst v11  }
0x1d7: {  	(v2sf) =	vpush v9, $0xA;
	v11 =	vld.idx.msk [tilespmem:v53+s24+$0x0], $0xffff  }
0x1d8: {  	v54 =	vor.u32 v7, v10;
	_ =	sdelay $0x3  }
0x1d9: {  	[tilespmem:s0+$0x1C190] =	vst v11  }
0x1da: {  	v11 =	vld.idx.msk [tilespmem:v54+s24+$0x0], $0xffff  }
0x1db: {  	v10 =	vor.u32 v8, v10;
	_ =	sdelay $0x3  }
0x1dc: {  	[tilespmem:s0+$0x1C1A0] =	vst v11  }
0x1dd: {  	v10 =	vld.idx.msk [tilespmem:v10+s24+$0x0], $0xffff;
	_ =	sdelay $0x2  }
0x1de: {  	s4 =	sshll.u32 @!p4 s29, $0x4;
	s29 =	spop (v2sf)  }
0x1df: {  	s30 =	sadd.s32 $0x1C180, s0;
	s4 =	sand.u32 @!p4 $0x3FFF0, s4;
	s31 =	sshrl.u32 s29, $0xE  }
0x1e0: {  	s31 =	sand.u32 $0x1FF, s31;
	[tilespmem:s0+$0x1C1B0] =	vst v10;
	s0 =	sadd.s32 @!p4 s6, s4;
	s4 =	simm.s32 @!p4 $0x0  }
0x1e1: {  	v10 =	vmov s31;
	[hbm4b:s0+s4] =	stream.linear.scatter @!p4 [tilespmem:s30], [sflag:$0x2], $0x80, $0x38;
	[tilespmem:$0x1C980] =	vst v63  }
0x1e2: {  	s4 =	sadd.s32 $0xFFFFFFFB, s25;
	v11 =	vshll.u32 v10, $0x3  }
0x1e3: {  	s0 =	sadd.s32 $0xA, s16;
	v10 =	vand.u32 $0x7F, v10;
	p4 =	sge.s32 s4, s22;
	v11 =	vand.u32 $0xC00, v11  }
0x1e4: {  	p5 =	slt.s32 @!p4 s0, $0x10;
	v10 =	vor.u32 v10, v11  }
0x1e5: {  	p5 =	por p5, p4;
	v11 =	vor.u32 v5, v10  }
0x1e6: {  	s4 =	simm.s32 @!p5 $0x2  }
0x1e7: {  	_ =	swait.ge @!p5 [sflag:s4], $0x80  }
0x1e8: {  	[sflag:s4] =	ssyncset.done @!p5 $0x0  }
0x1e9: {  	[sflag:s4] =	ssyncadd.s32 @!p5 $0xFFFFFF80  }
0x1ea: {  	v11 =	vld.idx.msk [tilespmem:v11+s24+$0x0], $0xffff  }
0x1eb: {  	v55 =	vor.u32 v6, v10;
	_ =	sdelay $0x1  }
0x1ec: {  	s0 =	sshll.u32 s0, $0x7  }
0x1ed: {  	s0 =	sand.u32 $0x780, s0  }
0x1ee: {  	[tilespmem:s0+$0x1C180] =	vst v11  }
0x1ef: {  	(v2sf) =	vpush v9, $0xB;
	v11 =	vld.idx.msk [tilespmem:v55+s24+$0x0], $0xffff  }
0x1f0: {  	v56 =	vor.u32 v7, v10;
	_ =	sdelay $0x3  }
0x1f1: {  	[tilespmem:s0+$0x1C190] =	vst v11  }
0x1f2: {  	v11 =	vld.idx.msk [tilespmem:v56+s24+$0x0], $0xffff  }
0x1f3: {  	v10 =	vor.u32 v8, v10;
	_ =	sdelay $0x3  }
0x1f4: {  	[tilespmem:s0+$0x1C1A0] =	vst v11  }
0x1f5: {  	v10 =	vld.idx.msk [tilespmem:v10+s24+$0x0], $0xffff;
	_ =	sdelay $0x2  }
0x1f6: {  	s4 =	sshll.u32 @!p4 s29, $0x4;
	s29 =	spop (v2sf)  }
0x1f7: {  	s30 =	sadd.s32 $0x1C180, s0;
	s4 =	sand.u32 @!p4 $0x3FFF0, s4;
	s31 =	sshrl.u32 s29, $0xE  }
0x1f8: {  	s31 =	sand.u32 $0x1FF, s31;
	[tilespmem:s0+$0x1C1B0] =	vst v10;
	s0 =	sadd.s32 @!p4 s6, s4;
	s4 =	simm.s32 @!p4 $0x0  }
0x1f9: {  	v10 =	vmov s31;
	[hbm4b:s0+s4] =	stream.linear.scatter @!p4 [tilespmem:s30], [sflag:$0x2], $0x80, $0x38;
	[tilespmem:$0x1C980] =	vst v63  }
0x1fa: {  	s30 =	sadd.s32 $0xFFFFFFFC, s25;
	v11 =	vshll.u32 v10, $0x3  }
0x1fb: {  	s0 =	sadd.s32 $0xB, s16;
	v10 =	vand.u32 $0x7F, v10;
	p4 =	sge.s32 s30, s22;
	v11 =	vand.u32 $0xC00, v11  }
0x1fc: {  	p5 =	slt.s32 @!p4 s0, $0x10;
	v10 =	vor.u32 v10, v11  }
0x1fd: {  	p5 =	por p5, p4;
	v11 =	vor.u32 v5, v10  }
0x1fe: {  	s4 =	simm.s32 @!p5 $0x2  }
0x1ff: {  	_ =	swait.ge @!p5 [sflag:s4], $0x80  }
0x200: {  	[sflag:s4] =	ssyncset.done @!p5 $0x0  }
0x201: {  	[sflag:s4] =	ssyncadd.s32 @!p5 $0xFFFFFF80  }
0x202: {  	v11 =	vld.idx.msk [tilespmem:v11+s24+$0x0], $0xffff  }
0x203: {  	v57 =	vor.u32 v6, v10;
	_ =	sdelay $0x1  }
0x204: {  	s0 =	sshll.u32 s0, $0x7  }
0x205: {  	s0 =	sand.u32 $0x780, s0  }
0x206: {  	(v2sf) =	vpush v9, $0xC;
	[tilespmem:s0+$0x1C180] =	vst v11  }
0x207: {  	v11 =	vld.idx.msk [tilespmem:v57+s24+$0x0], $0xffff  }
0x208: {  	v58 =	vor.u32 v7, v10;
	_ =	sdelay $0x3  }
0x209: {  	[tilespmem:s0+$0x1C190] =	vst v11  }
0x20a: {  	v11 =	vld.idx.msk [tilespmem:v58+s24+$0x0], $0xffff  }
0x20b: {  	v10 =	vor.u32 v8, v10;
	_ =	sdelay $0x3  }
0x20c: {  	[tilespmem:s0+$0x1C1A0] =	vst v11  }
0x20d: {  	v10 =	vld.idx.msk [tilespmem:v10+s24+$0x0], $0xffff;
	_ =	sdelay $0x1  }
0x20e: {  	s4 =	sshll.u32 @!p4 s29, $0x4;
	s29 =	spop (v2sf)  }
0x20f: {  	s31 =	sshrl.u32 s29, $0xE  }
0x210: {  	s30 =	sadd.s32 $0x1C180, s0;
	s4 =	sand.u32 @!p4 $0x3FFF0, s4;
	s31 =	sand.u32 $0x1FF, s31  }
0x211: {  	[tilespmem:s0+$0x1C1B0] =	vst v10;
	s0 =	sadd.s32 @!p4 s6, s4;
	s4 =	simm.s32 @!p4 $0x0;
	v10 =	vmov s31;
	s31 =	sadd.s32 $0xFFFFFFFD, s25  }
0x212: {  	[hbm4b:s0+s4] =	stream.linear.scatter @!p4 [tilespmem:s30], [sflag:$0x2], $0x80, $0x38;
	v11 =	vshll.u32 v10, $0x3;
	[tilespmem:$0x1C980] =	vst v63  }
0x213: {  	p4 =	sge.s32 s31, s22;
	s0 =	sadd.s32 $0xC, s16;
	v10 =	vand.u32 $0x7F, v10;
	v11 =	vand.u32 $0xC00, v11  }
0x214: {  	p5 =	slt.s32 @!p4 s0, $0x10;
	v10 =	vor.u32 v10, v11  }
0x215: {  	p5 =	por p5, p4;
	v11 =	vor.u32 v5, v10  }
0x216: {  	s4 =	simm.s32 @!p5 $0x2  }
0x217: {  	_ =	swait.ge @!p5 [sflag:s4], $0x80  }
0x218: {  	[sflag:s4] =	ssyncset.done @!p5 $0x0  }
0x219: {  	[sflag:s4] =	ssyncadd.s32 @!p5 $0xFFFFFF80  }
0x21a: {  	v11 =	vld.idx.msk [tilespmem:v11+s24+$0x0], $0xffff  }
0x21b: {  	v59 =	vor.u32 v6, v10;
	_ =	sdelay $0x1  }
0x21c: {  	s0 =	sshll.u32 s0, $0x7  }
0x21d: {  	s0 =	sand.u32 $0x780, s0  }
0x21e: {  	[tilespmem:s0+$0x1C180] =	vst v11  }
0x21f: {  	(v2sf) =	vpush v9, $0xD;
	v11 =	vld.idx.msk [tilespmem:v59+s24+$0x0], $0xffff  }
0x220: {  	v60 =	vor.u32 v7, v10;
	_ =	sdelay $0x3  }
0x221: {  	[tilespmem:s0+$0x1C190] =	vst v11  }
0x222: {  	v11 =	vld.idx.msk [tilespmem:v60+s24+$0x0], $0xffff  }
0x223: {  	v10 =	vor.u32 v8, v10;
	_ =	sdelay $0x3  }
0x224: {  	[tilespmem:s0+$0x1C1A0] =	vst v11  }
0x225: {  	v10 =	vld.idx.msk [tilespmem:v10+s24+$0x0], $0xffff;
	_ =	sdelay $0x2  }
0x226: {  	s4 =	sshll.u32 @!p4 s29, $0x4;
	s29 =	spop (v2sf)  }
0x227: {  	s30 =	sadd.s32 $0x1C180, s0;
	s4 =	sand.u32 @!p4 $0x3FFF0, s4;
	s31 =	sshrl.u32 s29, $0xE  }
0x228: {  	s31 =	sand.u32 $0x1FF, s31;
	[tilespmem:s0+$0x1C1B0] =	vst v10;
	s0 =	sadd.s32 @!p4 s6, s4;
	s4 =	simm.s32 @!p4 $0x0  }
0x229: {  	v10 =	vmov s31;
	[hbm4b:s0+s4] =	stream.linear.scatter @!p4 [tilespmem:s30], [sflag:$0x2], $0x80, $0x38;
	[tilespmem:$0x1C980] =	vst v63  }
0x22a: {  	s4 =	sadd.s32 $0xFFFFFFFE, s25;
	v11 =	vshll.u32 v10, $0x3  }
0x22b: {  	s0 =	sadd.s32 $0xD, s16;
	v10 =	vand.u32 $0x7F, v10;
	p4 =	sge.s32 s4, s22;
	v11 =	vand.u32 $0xC00, v11  }
0x22c: {  	p5 =	slt.s32 @!p4 s0, $0x10;
	v10 =	vor.u32 v10, v11  }
0x22d: {  	p5 =	por p5, p4;
	v11 =	vor.u32 v5, v10  }
0x22e: {  	s4 =	simm.s32 @!p5 $0x2  }
0x22f: {  	_ =	swait.ge @!p5 [sflag:s4], $0x80  }
0x230: {  	[sflag:s4] =	ssyncset.done @!p5 $0x0  }
0x231: {  	[sflag:s4] =	ssyncadd.s32 @!p5 $0xFFFFFF80  }
0x232: {  	v11 =	vld.idx.msk [tilespmem:v11+s24+$0x0], $0xffff  }
0x233: {  	v61 =	vor.u32 v6, v10;
	_ =	sdelay $0x1  }
0x234: {  	s0 =	sshll.u32 s0, $0x7  }
0x235: {  	s0 =	sand.u32 $0x780, s0  }
0x236: {  	[tilespmem:s0+$0x1C180] =	vst v11  }
0x237: {  	(v2sf) =	vpush v9, $0xE;
	v11 =	vld.idx.msk [tilespmem:v61+s24+$0x0], $0xffff  }
0x238: {  	v62 =	vor.u32 v7, v10;
	_ =	sdelay $0x3  }
0x239: {  	[tilespmem:s0+$0x1C190] =	vst v11  }
0x23a: {  	v11 =	vld.idx.msk [tilespmem:v62+s24+$0x0], $0xffff  }
0x23b: {  	v10 =	vor.u32 v8, v10;
	_ =	sdelay $0x3  }
0x23c: {  	[tilespmem:s0+$0x1C1A0] =	vst v11  }
0x23d: {  	v10 =	vld.idx.msk [tilespmem:v10+s24+$0x0], $0xffff;
	_ =	sdelay $0x2  }
0x23e: {  	s4 =	sshll.u32 @!p4 s29, $0x4;
	s29 =	spop (v2sf)  }
0x23f: {  	s30 =	sadd.s32 $0x1C180, s0;
	s4 =	sand.u32 @!p4 $0x3FFF0, s4;
	s31 =	sshrl.u32 s29, $0xE  }
0x240: {  	s31 =	sand.u32 $0x1FF, s31;
	[tilespmem:s0+$0x1C1B0] =	vst v10;
	s0 =	sadd.s32 @!p4 s6, s4;
	s4 =	simm.s32 @!p4 $0x0  }
0x241: {  	v10 =	vmov s31;
	[hbm4b:s0+s4] =	stream.linear.scatter @!p4 [tilespmem:s30], [sflag:$0x2], $0x80, $0x38;
	[tilespmem:$0x1C980] =	vst v63  }
0x242: {  	s30 =	sadd.s32 $0xFFFFFFFF, s25;
	v11 =	vshll.u32 v10, $0x3  }
0x243: {  	s0 =	sadd.s32 $0xE, s16;
	v10 =	vand.u32 $0x7F, v10;
	p4 =	sge.s32 s30, s22;
	v11 =	vand.u32 $0xC00, v11  }
0x244: {  	p5 =	slt.s32 @!p4 s0, $0x10;
	v10 =	vor.u32 v10, v11  }
0x245: {  	p5 =	por p5, p4;
	v11 =	vor.u32 v5, v10  }
0x246: {  	s4 =	simm.s32 @!p5 $0x2  }
0x247: {  	_ =	swait.ge @!p5 [sflag:s4], $0x80  }
0x248: {  	[sflag:s4] =	ssyncset.done @!p5 $0x0  }
0x249: {  	[sflag:s4] =	ssyncadd.s32 @!p5 $0xFFFFFF80  }
0x24a: {  	v11 =	vld.idx.msk [tilespmem:v11+s24+$0x0], $0xffff  }
0x24b: {  	v63 =	vor.u32 v6, v10;
	_ =	sdelay $0x1  }
0x24c: {  	s0 =	sshll.u32 s0, $0x7  }
0x24d: {  	s0 =	sand.u32 $0x780, s0  }
0x24e: {  	(v2sf) =	vpush v9, $0xF;
	[tilespmem:s0+$0x1C180] =	vst v11  }
0x24f: {  	v9 =	vld.idx.msk [tilespmem:v63+s24+$0x0], $0xffff  }
0x250: {  	v11 =	vor.u32 v7, v10;
	_ =	sdelay $0x3  }
0x251: {  	[tilespmem:s0+$0x1C190] =	vst v9  }
0x252: {  	v9 =	vld.idx.msk [tilespmem:v11+s24+$0x0], $0xffff  }
0x253: {  	v10 =	vor.u32 v8, v10;
	_ =	sdelay $0x3  }
0x254: {  	[tilespmem:s0+$0x1C1A0] =	vst v9  }
0x255: {  	v9 =	vld.idx.msk [tilespmem:v10+s24+$0x0], $0xffff;
	_ =	sdelay $0x1  }
0x256: {  	s4 =	spop (v2sf)  }
0x257: {  	s29 =	sshll.u32 @!p4 s29, $0x4;
	s31 =	sshrl.u32 s4, $0xE  }
0x258: {  	s29 =	sand.u32 @!p4 $0x3FFF0, s29;
	s30 =	sand.u32 $0x1FF, s31  }
0x259: {  	s29 =	sadd.s32 @!p4 s6, s29;
	[tilespmem:s0+$0x1C1B0] =	vst v9;
	s0 =	sadd.s32 $0x1C180, s0;
	v9 =	vmov s30;
	s30 =	simm.s32 @!p4 $0x0  }
0x25a: {  	[hbm4b:s29+s30] =	stream.linear.scatter @!p4 [tilespmem:s0], [sflag:$0x2], $0x80, $0x38;
	v10 =	vshll.u32 v9, $0x3;
	[tilespmem:$0x1C980] =	vst v63  }
0x25b: {  	p4 =	sge.s32 s25, s22;
	s0 =	sadd.s32 $0xF, s16;
	v9 =	vand.u32 $0x7F, v9;
	v10 =	vand.u32 $0xC00, v10  }
0x25c: {  	p5 =	slt.s32 @!p4 s0, $0x10;
	v9 =	vor.u32 v9, v10  }
0x25d: {  	p5 =	por p5, p4;
	v10 =	vor.u32 v5, v9  }
0x25e: {  	s29 =	simm.s32 @!p5 $0x2  }
0x25f: {  	_ =	swait.ge @!p5 [sflag:s29], $0x80  }
0x260: {  	[sflag:s29] =	ssyncset.done @!p5 $0x0  }
0x261: {  	[sflag:s29] =	ssyncadd.s32 @!p5 $0xFFFFFF80  }
0x262: {  	v10 =	vld.idx.msk [tilespmem:v10+s24+$0x0], $0xffff  }
0x263: {  	v11 =	vor.u32 v6, v9;
	_ =	sdelay $0x1  }
0x264: {  	s0 =	sshll.u32 s0, $0x7  }
0x265: {  	s0 =	sand.u32 $0x780, s0  }
0x266: {  	[tilespmem:s0+$0x1C180] =	vst v10  }
0x267: {  	v10 =	vld.idx.msk [tilespmem:v11+s24+$0x0], $0xffff  }
0x268: {  	v11 =	vor.u32 v7, v9;
	_ =	sdelay $0x3  }
0x269: {  	[tilespmem:s0+$0x1C190] =	vst v10  }
0x26a: {  	v10 =	vld.idx.msk [tilespmem:v11+s24+$0x0], $0xffff  }
0x26b: {  	v9 =	vor.u32 v8, v9;
	_ =	sdelay $0x3  }
0x26c: {  	[tilespmem:s0+$0x1C1A0] =	vst v10  }
0x26d: {  	v9 =	vld.idx.msk [tilespmem:v9+s24+$0x0], $0xffff;
	_ =	sdelay $0x2  }
0x26e: {  	s4 =	sshll.u32 @!p4 s4, $0x4  }
0x26f: {  	s4 =	sand.u32 @!p4 $0x3FFF0, s4  }
0x270: {  	s29 =	sadd.s32 $0x1C180, s0;
	[tilespmem:s0+$0x1C1B0] =	vst v9;
	s0 =	sadd.s32 @!p4 s6, s4;
	s4 =	simm.s32 @!p4 $0x0  }
0x271: {  	[hbm4b:s0+s4] =	stream.linear.scatter @!p4 [tilespmem:s29], [sflag:$0x2], $0x80, $0x38;
	[tilespmem:$0x1C980] =	vst v63  }
0x272: {  	s23 =	sadd.s32 $0xFFFFFFFF, s23;
	p4 =	slt.s32 s28, $0x10  }
0x273: {  	s31 =	sadd.s32 $0xFFFFFFF0, s28;
	s28 =	simm.s32 @!p4 $0x10;
	p4 =	sne.s32 s23, $0x0  }
.Ltmp16:
0x274: {  	_ = 	snop;
	(pc) =	sbr.rel @p4 .LBB2_21-.Ltmp16, $3  }
0x275: {  	_ =	sdelay $0x1  }
0x276: {  	s26 =	sadd.s32 $0x10, s26  }
0x277: {  	s25 =	sadd.s32 $0x10, s25;
	s16 =	sadd.s32 s16, s28;
	s28 =	smov.u32 s31  }
.Ltmp17:
0x278: {  	_ = 	snop;
	(pc) =	sbr.rel .LBB2_22-.Ltmp17, $1  }
0x279: {  	_ =	sdelay $0x3  }
.LBB2_14:
.Ltmp18:
0x27a: {  	(pc) =	sbr.rel .LBB2_18-.Ltmp18, $2  }
0x27b: {  	_ =	sdelay $0x2  }
0x27c: {  	s24 =	simm.s32 $0x0  }
.LBB2_16:
.Ltmp19:
0x27d: {  	(pc) =	sbr.rel .LBB2_18-.Ltmp19, $2  }
0x27e: {  	_ =	sdelay $0x2  }
0x27f: {  	s24 =	simm.s32 $0x0  }
.LBB2_6:
.Ltmp20:
0x280: {  	(pc) =	sbr.rel .LBB2_10-.Ltmp20, $2  }
0x281: {  	_ =	sdelay $0x2  }
0x282: {  	s20 =	simm.s32 $0x0  }
.LBB2_8:
.Ltmp21:
0x283: {  	(pc) =	sbr.rel .LBB2_10-.Ltmp21, $2  }
0x284: {  	_ =	sdelay $0x2  }
0x285: {  	s20 =	simm.s32 $0x0  }
.LBB2_24:
0x286: {  	p2 =	slt.s32 s16, $0x1  }
0x287: {  	s0 =	simm.s32 @!p2 $0x2  }
0x288: {  	p3 =	seq.s32 @!p2 s16, $0x1;
	_ =	swait.ge @!p2 [sflag:s0], $0x80  }
0x289: {  	p3 =	por p2, p3;
	[sflag:s0] =	ssyncset.done @!p2 $0x0  }
0x28a: {  	[sflag:s0] =	ssyncadd.s32 @!p2 $0xFFFFFF80;
	s0 =	simm.s32 @!p3 $0x2  }
0x28b: {  	p2 =	slt.u32 @!p3 s16, $0x3;
	_ =	swait.ge @!p3 [sflag:s0], $0x80  }
0x28c: {  	p2 =	por p3, p2;
	[sflag:s0] =	ssyncset.done @!p3 $0x0  }
0x28d: {  	[sflag:s0] =	ssyncadd.s32 @!p3 $0xFFFFFF80;
	s0 =	simm.s32 @!p2 $0x2  }
0x28e: {  	p3 =	seq.s32 @!p2 s16, $0x3;
	_ =	swait.ge @!p2 [sflag:s0], $0x80  }
0x28f: {  	p3 =	por p2, p3;
	[sflag:s0] =	ssyncset.done @!p2 $0x0  }
0x290: {  	[sflag:s0] =	ssyncadd.s32 @!p2 $0xFFFFFF80;
	s0 =	simm.s32 @!p3 $0x2  }
0x291: {  	p2 =	slt.u32 @!p3 s16, $0x5;
	_ =	swait.ge @!p3 [sflag:s0], $0x80  }
0x292: {  	p2 =	por p3, p2;
	[sflag:s0] =	ssyncset.done @!p3 $0x0  }
0x293: {  	[sflag:s0] =	ssyncadd.s32 @!p3 $0xFFFFFF80;
	s0 =	simm.s32 @!p2 $0x2  }
0x294: {  	p3 =	seq.s32 @!p2 s16, $0x5;
	_ =	swait.ge @!p2 [sflag:s0], $0x80  }
0x295: {  	p3 =	por p2, p3;
	[sflag:s0] =	ssyncset.done @!p2 $0x0  }
0x296: {  	[sflag:s0] =	ssyncadd.s32 @!p2 $0xFFFFFF80;
	s0 =	simm.s32 @!p3 $0x2  }
0x297: {  	p2 =	slt.u32 @!p3 s16, $0x7;
	_ =	swait.ge @!p3 [sflag:s0], $0x80  }
0x298: {  	p2 =	por p3, p2;
	[sflag:s0] =	ssyncset.done @!p3 $0x0  }
0x299: {  	[sflag:s0] =	ssyncadd.s32 @!p3 $0xFFFFFF80;
	s0 =	simm.s32 @!p2 $0x2  }
0x29a: {  	p3 =	seq.s32 @!p2 s16, $0x7;
	_ =	swait.ge @!p2 [sflag:s0], $0x80  }
0x29b: {  	p3 =	por p2, p3;
	[sflag:s0] =	ssyncset.done @!p2 $0x0  }
0x29c: {  	[sflag:s0] =	ssyncadd.s32 @!p2 $0xFFFFFF80;
	s0 =	simm.s32 @!p3 $0x2  }
0x29d: {  	p2 =	slt.u32 @!p3 s16, $0x9;
	_ =	swait.ge @!p3 [sflag:s0], $0x80  }
0x29e: {  	p2 =	por p3, p2;
	[sflag:s0] =	ssyncset.done @!p3 $0x0  }
0x29f: {  	[sflag:s0] =	ssyncadd.s32 @!p3 $0xFFFFFF80;
	s0 =	simm.s32 @!p2 $0x2  }
0x2a0: {  	p3 =	seq.s32 @!p2 s16, $0x9;
	_ =	swait.ge @!p2 [sflag:s0], $0x80  }
0x2a1: {  	p3 =	por p2, p3;
	[sflag:s0] =	ssyncset.done @!p2 $0x0  }
0x2a2: {  	[sflag:s0] =	ssyncadd.s32 @!p2 $0xFFFFFF80;
	p2 =	slt.u32 @!p3 s16, $0xB  }
0x2a3: {  	p2 =	por p3, p2  }
.Ltmp22:
0x2a4: {  	_ = 	snop;
	(pc) =	sbr.rel @p2 .LBB2_26-.Ltmp22, $4  }
0x2a5: {  	s0 =	simm.s32 @!p3 $0x2  }
0x2a6: {  	_ =	swait.ge @!p3 [sflag:s0], $0x80  }
0x2a7: {  	[sflag:s0] =	ssyncset.done @!p3 $0x0  }
0x2a8: {  	[sflag:s0] =	ssyncadd.s32 @!p3 $0xFFFFFF80  }
0x2a9: {  	p2 =	seq.s32 s16, $0xB  }
0x2aa: {  	p3 =	slt.u32 @!p2 s16, $0xD  }
0x2ab: {  	p4 =	por p3, p2  }
0x2ac: {  	_ =	swait.ge [sflag:s13], $0x80;
	p1 =	seq.s32 @!p4 s16, $0xD  }
0x2ad: {  	[sflag:s13] =	ssyncset.done $0x0;
	s4 =	simm.s32 @!p1 $0x0;
	p6 =	por @!p2 p1, p3  }
0x2ae: {  	s0 =	simm.s32 @!p2 $0x2;
	s4 =	simm.s32 @p1 $0x1;
	p6 =	por p6, p2  }
0x2af: {  	[sflag:s13] =	ssyncadd.s32 $0xFFFFFF80;
	[smem:$0x7FB] =	sst s4;
	p0 =	slt.u32 @!p6 s16, $0xF  }
0x2b0: {  	_ =	swait.ge @!p2 [sflag:s0], $0x80;
	s4 =	simm.s32 @!p0 $0x0  }
0x2b1: {  	[sflag:s0] =	ssyncset.done @!p2 $0x0;
	s4 =	simm.s32 @p0 $0x1  }
0x2b2: {  	[sflag:s0] =	ssyncadd.s32 @!p2 $0xFFFFFF80;
	s0 =	simm.s32 @!p4 $0x2;
	[smem:$0x7FA] =	sst s4  }
0x2b3: {  	_ =	swait.ge @!p4 [sflag:s0], $0x80  }
0x2b4: {  	[sflag:s0] =	ssyncset.done @!p4 $0x0  }
0x2b5: {  	[sflag:s0] =	ssyncadd.s32 @!p4 $0xFFFFFF80;
	s0 =	simm.s32 @!p6 $0x2  }
0x2b6: {  	_ =	swait.ge @!p6 [sflag:s0], $0x80  }
0x2b7: {  	p0 =	por @!p4 p0, p1;
	s30 =	sld [smem:$0x7FA]  }
0x2b8: {  	p0 =	por @!p2 p0, p3;
	s31 =	sld [smem:$0x7FB]  }
0x2b9: {  	p0 =	por p0, p2  }
0x2ba: {  	p1 =	seq.s32 @!p0 s16, $0xF;
	p5 =	seq.s32 s30, $0x1  }
0x2bb: {  	[sflag:s0] =	ssyncset.done @!p6 $0x0;
	p1 =	por @!p6 p1, p5;
	p5 =	seq.s32 s31, $0x1  }
0x2bc: {  	[sflag:s0] =	ssyncadd.s32 @!p6 $0xFFFFFF80;
	s0 =	simm.s32 @!p0 $0x2;
	p1 =	por @!p4 p1, p5  }
0x2bd: {  	_ =	swait.ge @!p0 [sflag:s0], $0x80;
	p1 =	por @!p2 p1, p3  }
.Ltmp23:
0x2be: {  	[sflag:s0] =	ssyncset.done @!p0 $0x0;
	p1 =	por p1, p2;
	(pc) =	sbr.rel .LBB2_26-.Ltmp23, $4  }
0x2bf: {  	[sflag:s0] =	ssyncadd.s32 @!p0 $0xFFFFFF80;
	s0 =	simm.s32 @!p1 $0x2  }
0x2c0: {  	_ =	swait.ge @!p1 [sflag:s0], $0x80  }
0x2c1: {  	[sflag:s0] =	ssyncset.done @!p1 $0x0  }
0x2c2: {  	[sflag:s0] =	ssyncadd.s32 @!p1 $0xFFFFFF80  }
.LBB2_27:
0x2c3: {  	_ =	sfence.sel $0x180000  }
0x2c4: {  	[bflag:$0x0] =	sbarrier.arrive $0xFFFF  }
0x2c5: {  	_ =	strace $0x90000047  }
0x2c6: {  	s0 =	stileid.u32;
	[bflag:$0x2] =	sbarrier.arrive $0xFFFF  }
0x2c7: {  	p0 =	sne.s32 s0, $0x0;
	s0 =	rddreg [dreg:$0x4]  }
0x2c8: {  	s0 =	sadd.s32 @!p0 $0x100000, s0  }
0x2c9: {  	[sflag:s0] =	ssyncadd.tile.s32 @!p0 $0x1;
	_ =	shalt  }
.Lfunc_end2:
_tile_overlayer_lowered:
.L_overlay_start_2:
0x2ca: {  	(tag) =	ssettag $0x2  }
0x2cb: {  	s0 =	rddreg [dreg:$0x0];
	s2 =	stileid.u32  }
0x2cc: {  	s1 =	rddreg [dreg:$0x1];
	p0 =	sne.s32 s2, $0x0  }
0x2cd: {  	s3 =	rddreg [dreg:$0x2];
	[bflag:$0x3] =	sbarrier.arrive $0xFFFF;
	s2 =	simm.s32 @!p0 $0x1C03  }
0x2ce: {  	[timem:s3], [sflag:s2] =	dma.local @!p0 [hbm:s0], s1  }
0x2cf: {  	s0 =	simm.s32 @!p0 $0x3  }
0x2d0: {  	_ =	swait.ge @!p0 [sflag:s0], s1  }
0x2d1: {  	s1 =	ssub.s32 @!p0 $0x0, s1;
	[sflag:s0] =	ssyncset.done @!p0 $0x0  }
0x2d2: {  	[sflag:s0] =	ssyncadd.s32 @!p0 s1  }
0x2d3: {  	[bflag:$0x3] =	sbarrier.arrive $0xFFFF  }
0x2d4: {  	_ =	shalt  }

</sc_bundles>
